<compile_context>
chip_gen: v7x
topology: tpu7x:2x2x1
jax: 0.10.2.dev20260603
libtpu: 0.0.44.dev20260713+nightly
codegen_flags: <defaults>
</compile_context>

<pallas_src>
import jax
import jax.numpy as jnp
from jax import lax
from jax.experimental import pallas as pl
from jax.experimental.pallas import tpu as pltpu
from jax.experimental.pallas import tpu_sc as plsc

NUM_ROWS = 100000
DIM = 64
BATCH = 4096
HIST = 200

_info = plsc.get_sparse_core_info()
NC, NS = _info.num_cores, _info.num_subcores
NW = NC * NS
BTILE = BATCH // NW
DT = DIM // 8
PITCH = 129


def _add_t_body(a_ref, b_ref, o_ref):
    o_ref[...] = (a_ref[...] + b_ref[...]).T


def _summed_table(emb_t, sin_t):
    rows_blk = 4096
    grid = pl.cdiv(NUM_ROWS, rows_blk)
    in_spec = pl.BlockSpec((DIM, rows_blk), lambda i: (0, i))
    out_spec = pl.BlockSpec((rows_blk, DIM), lambda i: (i, 0))
    return pl.pallas_call(
        _add_t_body,
        grid=(grid,),
        in_specs=[in_spec, in_spec],
        out_specs=out_spec,
        out_shape=jax.ShapeDtypeStruct((NUM_ROWS, DIM), jnp.float32),
    )(emb_t, sin_t)


def _gather_body(table_hbm, idx_hbm, y_hbm, idx_v, grows_v, tbuf_v,
                 g0, g1, w0, w1):
    wid = lax.axis_index("s") * NC + lax.axis_index("c")
    gsem = (g0, g1)
    wsem = (w0, w1)
    pltpu.sync_copy(idx_hbm.at[:, wid], idx_v)

    lanes = lax.iota(jnp.int32, 16)
    dtv = [(lanes + k * 16) >> 3 for k in range(4)]
    drv = [(lanes + k * 16) & 7 for k in range(4)]

    def fire_gather(t, b):
        pltpu.async_copy(
            table_hbm.at[idx_v.at[t // 8, t % 8]], grows_v.at[b], gsem[b]
        )

    def wait_gather(b):
        pltpu.make_async_copy(
            table_hbm.at[pl.ds(0, BTILE)], grows_v.at[b], gsem[b]
        ).wait()

    def transpose(gb, b):
        src = grows_v.at[gb]
        dst = tbuf_v.at[b]

        def j_step(j8, _):
            for jr in range(4):
                j = j8 * 4 + jr
                jcol = jnp.full((16,), j, jnp.int32)
                for k in range(4):
                    v = src[j, pl.ds(k * 16, 16)]
                    plsc.store_scatter(dst, [dtv[k], drv[k], jcol], v)
            return 0

        lax.fori_loop(0, BTILE // 4, j_step, 0)

    def fire_wb(t, b):
        pltpu.async_copy(
            tbuf_v.at[b].at[:, :, pl.ds(0, 128)],
            y_hbm.at[t].at[:, wid],
            wsem[b],
        )

    def wait_wb(b):
        pltpu.make_async_copy(
            table_hbm.at[pl.ds(0, BTILE)], grows_v.at[b], wsem[b]
        ).wait()

    fire_gather(0, 0)
    for t in (0, 1):
        fire_gather(t + 1, (t + 1) % 2)
        wait_gather(t % 2)
        transpose(t % 2, t % 2)
        fire_wb(t, t % 2)

    def loop(t2, _):
        for k in range(2):
            t = 2 + 2 * t2 + k
            fire_gather(t + 1, 1 - k)
            wait_gather(k)
            wait_wb(k)
            transpose(k, k)
            fire_wb(t, k)
        return 0

    lax.fori_loop(0, (HIST - 4) // 2, loop, 0)

    for t in (HIST - 2, HIST - 1):
        if t == HIST - 2:
            fire_gather(t + 1, (t + 1) % 2)
        wait_gather(t % 2)
        wait_wb(t % 2)
        transpose(t % 2, t % 2)
        fire_wb(t, t % 2)
    wait_wb(0)
    wait_wb(1)


_gather = pl.kernel(
    _gather_body,
    out_type=jax.ShapeDtypeStruct((HIST, DT, NW, 8, 128), jnp.float32),
    mesh=plsc.VectorSubcoreMesh(core_axis_name="c", subcore_axis_name="s"),
    scratch_types=[
        pltpu.VMEM((HIST // 8, 8, BTILE), jnp.int32),
        pltpu.VMEM((2, BTILE, DIM), jnp.float32),
        pltpu.VMEM((2, DT, 8, PITCH), jnp.float32),
        pltpu.SemaphoreType.DMA,
        pltpu.SemaphoreType.DMA,
        pltpu.SemaphoreType.DMA,
        pltpu.SemaphoreType.DMA,
    ],
    compiler_params=pltpu.CompilerParams(
        use_tc_tiling_on_sc=False, needs_layout_passes=False
    ),
)


def kernel(index_tensor, embedding_matrix, sinusoid_table):
    table = _summed_table(embedding_matrix.T, sinusoid_table.T)
    idx = (
        index_tensor.astype(jnp.int32)
        .T.reshape(HIST // 8, 8, NW, BTILE)
        .transpose(0, 2, 1, 3)
    )
    y = _gather(table, idx)
    return y.transpose(2, 4, 0, 1, 3).reshape(BATCH, HIST, DIM)

# --- scband reference (transcript-rebuilt; emitter-appended) ---
"""Pipeline reference for scband-position-embedding-46935402611132 (READ-ONLY COPY).

The authoritative reference and input builder live on the scoring server;
editing this copy changes nothing except your own understanding.
"""

import jax, jax.numpy as jnp
import numpy as np

NUM_EMBEDDINGS = 100000
EMBEDDING_DIM = 64
BATCH = 4096
HIST_LEN = 200


def make_sinusoid_table(num_embeddings, d_hid):
    # positions 1..num_embeddings (matches torch: range(1, num_embeddings + 1))
    pos = np.arange(1, num_embeddings + 1, dtype=np.float64)[:, None]
    j = np.arange(d_hid, dtype=np.float64)[None, :]
    angle = pos / np.power(10000.0, 2.0 * np.floor(j / 2.0) / d_hid)
    table = angle.copy()
    table[:, 0::2] = np.sin(table[:, 0::2])
    table[:, 1::2] = np.cos(table[:, 1::2])
    return jnp.asarray(table, dtype=jnp.float32)


def setup_inputs(seed: int = 0) -> dict:
    key = jax.random.key(seed)
    k_idx, k_w = jax.random.split(key)
    index_tensor = jax.random.randint(k_idx, (BATCH, HIST_LEN), 0, NUM_EMBEDDINGS, dtype=jnp.int64 if jax.config.jax_enable_x64 else jnp.int32)
    # xavier_normal_: std = sqrt(2 / (fan_in + fan_out))
    std = float(np.sqrt(2.0 / (NUM_EMBEDDINGS + EMBEDDING_DIM)))
    embedding_matrix = jax.random.normal(k_w, (NUM_EMBEDDINGS, EMBEDDING_DIM), dtype=jnp.float32) * std
    sinusoid_table = make_sinusoid_table(NUM_EMBEDDINGS, EMBEDDING_DIM)
    return {"index_tensor": index_tensor, "embedding_matrix": embedding_matrix, "sinusoid_table": sinusoid_table}


def reference(index_tensor, embedding_matrix, sinusoid_table):
    position_embedding = embedding_matrix + sinusoid_table
    return jnp.take(position_embedding, index_tensor, axis=0)

if __name__ == "__main__":
    import jax
    _d = setup_inputs()
    print(jax.jit(kernel)(*tuple(_d.values())))

</pallas_src>

<mosaic_0001>
#map = affine_map<(d0, d1) -> (0, 0)>
#map1 = affine_map<(d0, d1) -> (0, 0, 0, 0)>
#map2 = affine_map<(d0, d1) -> (0, 0, 0, 0, 0)>
module attributes {stable_mosaic.version = 14 : i64} {
  func.func @_gather_body(%arg0: i32, %arg1: i32, %arg2: memref<100000x64xf32, #tpu.memory_space<hbm>>, %arg3: memref<25x32x8x128xi32, #tpu.memory_space<hbm>>, %arg4: memref<200x8x32x8x128xf32, #tpu.memory_space<hbm>>, %arg5: memref<25x8x128xi32, #tpu.memory_space<vmem>>, %arg6: memref<2x128x64xf32, #tpu.memory_space<vmem>>, %arg7: memref<2x8x8x129xf32, #tpu.memory_space<vmem>>, %arg8: memref<!tpu.dma_semaphore, #tpu.memory_space<semaphore_mem>>, %arg9: memref<!tpu.dma_semaphore, #tpu.memory_space<semaphore_mem>>, %arg10: memref<!tpu.dma_semaphore, #tpu.memory_space<semaphore_mem>>, %arg11: memref<!tpu.dma_semaphore, #tpu.memory_space<semaphore_mem>>) attributes {dimension_semantics = [#tpu.dimension_semantics<core_parallel>, #tpu.dimension_semantics<subcore_parallel>], iteration_bounds = array<i64: 2, 16>, scalar_prefetch = 0 : i64, scratch_operands = 7 : i64, tpu.core_type = #tpu.core_type<sc_vector_subcore>, window_params = [{transform_indices = #map}, {transform_indices = #map1}, {transform_indices = #map2}]} {
    %mul3A = arith.constant 2 : i32
    %mul3A_0 = arith.muli %arg1, %mul3A : i32
    %add3A = arith.addi %mul3A_0, %arg0 : i32
    "tpu.region"() ({
      %run_scoped3A = tpu.sem_alloc : memref<!tpu.dma_semaphore, #tpu.memory_space<semaphore_mem>>
      %dma_start3A_427 = arith.constant 0 : i32
      %dma_start3A_428 = arith.constant 0 : i32
      %dma_start3A_429 = arith.constant 0 : i32
      %dma_start3A_430 = tpu.memref_slice %arg3[%dma_start3A_427, %add3A, %dma_start3A_428, %dma_start3A_429] : memref<25x32x8x128xi32, #tpu.memory_space<hbm>> -> memref<25x1x8x128xi32, #tpu.memory_space<hbm>>
      %dma_start3A_431 = tpu.memref_squeeze %dma_start3A_430 : memref<25x1x8x128xi32, #tpu.memory_space<hbm>> -> memref<25x8x128xi32, #tpu.memory_space<hbm>>
      %dma_start3A_432 = arith.constant 0 : i32
      %dma_start3A_433 = arith.constant 0 : i32
      %dma_start3A_434 = arith.constant 0 : i32
      %dma_start3A_435 = tpu.memref_slice %arg3[%dma_start3A_432, %add3A, %dma_start3A_433, %dma_start3A_434] : memref<25x32x8x128xi32, #tpu.memory_space<hbm>> -> memref<25x1x8x128xi32, #tpu.memory_space<hbm>>
      %dma_start3A_436 = tpu.memref_squeeze %dma_start3A_435 : memref<25x1x8x128xi32, #tpu.memory_space<hbm>> -> memref<25x8x128xi32, #tpu.memory_space<hbm>>
      tpu.enqueue_dma source(%dma_start3A_436 : memref<25x8x128xi32, #tpu.memory_space<hbm>>) target(%arg5 : memref<25x8x128xi32, #tpu.memory_space<vmem>>) target_semaphore(%run_scoped3A : memref<!tpu.dma_semaphore, #tpu.memory_space<semaphore_mem>>)
      %dma_wait3A_437 = arith.constant 0 : i32
      %dma_wait3A_438 = arith.constant 0 : i32
      %dma_wait3A_439 = arith.constant 0 : i32
      %dma_wait3A_440 = tpu.memref_slice %arg3[%dma_wait3A_437, %add3A, %dma_wait3A_438, %dma_wait3A_439] : memref<25x32x8x128xi32, #tpu.memory_space<hbm>> -> memref<25x1x8x128xi32, #tpu.memory_space<hbm>>
      %dma_wait3A_441 = tpu.memref_squeeze %dma_wait3A_440 : memref<25x1x8x128xi32, #tpu.memory_space<hbm>> -> memref<25x8x128xi32, #tpu.memory_space<hbm>>
      %dma_wait3A_442 = arith.constant 0 : i32
      %dma_wait3A_443 = arith.constant 0 : i32
      %dma_wait3A_444 = arith.constant 0 : i32
      %dma_wait3A_445 = tpu.memref_slice %arg3[%dma_wait3A_442, %add3A, %dma_wait3A_443, %dma_wait3A_444] : memref<25x32x8x128xi32, #tpu.memory_space<hbm>> -> memref<25x1x8x128xi32, #tpu.memory_space<hbm>>
      %dma_wait3A_446 = tpu.memref_squeeze %dma_wait3A_445 : memref<25x1x8x128xi32, #tpu.memory_space<hbm>> -> memref<25x8x128xi32, #tpu.memory_space<hbm>>
      tpu.wait_dma2 semaphore(%run_scoped3A : memref<!tpu.dma_semaphore, #tpu.memory_space<semaphore_mem>>) src(%dma_wait3A_446 : memref<25x8x128xi32, #tpu.memory_space<hbm>>) dst(%arg5 : memref<25x8x128xi32, #tpu.memory_space<vmem>>)
      tpu.yield
    }) : () -> ()
    %iota3A = tpu.iota {dimensions = array<i32: 0>} : vector<16xi32>
    %add3A_1 = arith.constant 0 : i32
    %add3A_2 = vector.broadcast %add3A_1 : i32 to vector<16xi32>
    %add3A_3 = arith.addi %iota3A, %add3A_2 : vector<16xi32>
    %shift_right_arithmetic3A = arith.constant 3 : i32
    %shift_right_arithmetic3A_4 = vector.broadcast %shift_right_arithmetic3A : i32 to vector<16xi32>
    %shift_right_arithmetic3A_5 = arith.shrsi %add3A_3, %shift_right_arithmetic3A_4 : vector<16xi32>
    %add3A_6 = arith.constant 16 : i32
    %add3A_7 = vector.broadcast %add3A_6 : i32 to vector<16xi32>
    %add3A_8 = arith.addi %iota3A, %add3A_7 : vector<16xi32>
    %shift_right_arithmetic3A_9 = arith.constant 3 : i32
    %shift_right_arithmetic3A_10 = vector.broadcast %shift_right_arithmetic3A_9 : i32 to vector<16xi32>
    %shift_right_arithmetic3A_11 = arith.shrsi %add3A_8, %shift_right_arithmetic3A_10 : vector<16xi32>
    %add3A_12 = arith.constant 32 : i32
    %add3A_13 = vector.broadcast %add3A_12 : i32 to vector<16xi32>
    %add3A_14 = arith.addi %iota3A, %add3A_13 : vector<16xi32>
    %shift_right_arithmetic3A_15 = arith.constant 3 : i32
    %shift_right_arithmetic3A_16 = vector.broadcast %shift_right_arithmetic3A_15 : i32 to vector<16xi32>
    %shift_right_arithmetic3A_17 = arith.shrsi %add3A_14, %shift_right_arithmetic3A_16 : vector<16xi32>
    %add3A_18 = arith.constant 48 : i32
    %add3A_19 = vector.broadcast %add3A_18 : i32 to vector<16xi32>
    %add3A_20 = arith.addi %iota3A, %add3A_19 : vector<16xi32>
    %shift_right_arithmetic3A_21 = arith.constant 3 : i32
    %shift_right_arithmetic3A_22 = vector.broadcast %shift_right_arithmetic3A_21 : i32 to vector<16xi32>
    %shift_right_arithmetic3A_23 = arith.shrsi %add3A_20, %shift_right_arithmetic3A_22 : vector<16xi32>
    %add3A_24 = arith.constant 0 : i32
    %add3A_25 = vector.broadcast %add3A_24 : i32 to vector<16xi32>
    %add3A_26 = arith.addi %iota3A, %add3A_25 : vector<16xi32>
    %and3A = arith.constant 7 : i32
    %and3A_27 = vector.broadcast %and3A : i32 to vector<16xi32>
    %and3A_28 = arith.andi %add3A_26, %and3A_27 : vector<16xi32>
    %add3A_29 = arith.constant 16 : i32
    %add3A_30 = vector.broadcast %add3A_29 : i32 to vector<16xi32>
    %add3A_31 = arith.addi %iota3A, %add3A_30 : vector<16xi32>
    %and3A_32 = arith.constant 7 : i32
    %and3A_33 = vector.broadcast %and3A_32 : i32 to vector<16xi32>
    %and3A_34 = arith.andi %add3A_31, %and3A_33 : vector<16xi32>
    %add3A_35 = arith.constant 32 : i32
    %add3A_36 = vector.broadcast %add3A_35 : i32 to vector<16xi32>
    %add3A_37 = arith.addi %iota3A, %add3A_36 : vector<16xi32>
    %and3A_38 = arith.constant 7 : i32
    %and3A_39 = vector.broadcast %and3A_38 : i32 to vector<16xi32>
    %and3A_40 = arith.andi %add3A_37, %and3A_39 : vector<16xi32>
    %add3A_41 = arith.constant 48 : i32
    %add3A_42 = vector.broadcast %add3A_41 : i32 to vector<16xi32>
    %add3A_43 = arith.addi %iota3A, %add3A_42 : vector<16xi32>
    %and3A_44 = arith.constant 7 : i32
    %and3A_45 = vector.broadcast %and3A_44 : i32 to vector<16xi32>
    %and3A_46 = arith.andi %add3A_43, %and3A_45 : vector<16xi32>
    %dma_start3A = arith.constant 0 : i32
    %dma_start3A_47 = arith.constant 0 : i32
    %dma_start3A_48 = arith.constant 0 : i32
    %dma_start3A_49 = arith.constant 0 : i32
    %dma_start3A_50 = arith.constant 0 : i32
    %dma_start3A_51 = tpu.memref_slice %arg6[%dma_start3A_48, %dma_start3A_49, %dma_start3A_50] : memref<2x128x64xf32, #tpu.memory_space<vmem>> -> memref<1x128x64xf32, #tpu.memory_space<vmem>>
    %dma_start3A_52 = tpu.memref_squeeze %dma_start3A_51 : memref<1x128x64xf32, #tpu.memory_space<vmem>> -> memref<128x64xf32, #tpu.memory_space<vmem>>
    %dma_start3A_53 = arith.constant 0 : i32
    %dma_start3A_54 = tpu.memref_slice %arg5[%dma_start3A, %dma_start3A_47, %dma_start3A_53] : memref<25x8x128xi32, #tpu.memory_space<vmem>> -> memref<1x1x128xi32, #tpu.memory_space<vmem>>
    %dma_start3A_55 = tpu.memref_squeeze %dma_start3A_54 : memref<1x1x128xi32, #tpu.memory_space<vmem>> -> memref<128xi32, #tpu.memory_space<vmem>>
    %dma_start3A_56 = arith.constant 0 : i32
    %dma_start3A_57 = arith.constant 0 : i32
    %dma_start3A_58 = tpu.memref_slice %arg2[%dma_start3A_56, %dma_start3A_57] : memref<100000x64xf32, #tpu.memory_space<hbm>> -> memref<100000x64xf32, #tpu.memory_space<hbm>>
    tpu.enqueue_indirect_dma source(%dma_start3A_58 : memref<100000x64xf32, #tpu.memory_space<hbm>>) target(%dma_start3A_52 : memref<128x64xf32, #tpu.memory_space<vmem>>) offsets(%dma_start3A_55 : memref<128xi32, #tpu.memory_space<vmem>>) semaphore(%arg8 : memref<!tpu.dma_semaphore, #tpu.memory_space<semaphore_mem>>)
    %dma_start3A_59 = arith.constant 0 : i32
    %dma_start3A_60 = arith.constant 1 : i32
    %dma_start3A_61 = arith.constant 1 : i32
    %dma_start3A_62 = arith.constant 0 : i32
    %dma_start3A_63 = arith.constant 0 : i32
    %dma_start3A_64 = tpu.memref_slice %arg6[%dma_start3A_61, %dma_start3A_62, %dma_start3A_63] : memref<2x128x64xf32, #tpu.memory_space<vmem>> -> memref<1x128x64xf32, #tpu.memory_space<vmem>>
    %dma_start3A_65 = tpu.memref_squeeze %dma_start3A_64 : memref<1x128x64xf32, #tpu.memory_space<vmem>> -> memref<128x64xf32, #tpu.memory_space<vmem>>
    %dma_start3A_66 = arith.constant 0 : i32
    %dma_start3A_67 = tpu.memref_slice %arg5[%dma_start3A_59, %dma_start3A_60, %dma_start3A_66] : memref<25x8x128xi32, #tpu.memory_space<vmem>> -> memref<1x1x128xi32, #tpu.memory_space<vmem>>
    %dma_start3A_68 = tpu.memref_squeeze %dma_start3A_67 : memref<1x1x128xi32, #tpu.memory_space<vmem>> -> memref<128xi32, #tpu.memory_space<vmem>>
    %dma_start3A_69 = arith.constant 0 : i32
    %dma_start3A_70 = arith.constant 0 : i32
    %dma_start3A_71 = tpu.memref_slice %arg2[%dma_start3A_69, %dma_start3A_70] : memref<100000x64xf32, #tpu.memory_space<hbm>> -> memref<100000x64xf32, #tpu.memory_space<hbm>>
    tpu.enqueue_indirect_dma source(%dma_start3A_71 : memref<100000x64xf32, #tpu.memory_space<hbm>>) target(%dma_start3A_65 : memref<128x64xf32, #tpu.memory_space<vmem>>) offsets(%dma_start3A_68 : memref<128xi32, #tpu.memory_space<vmem>>) semaphore(%arg9 : memref<!tpu.dma_semaphore, #tpu.memory_space<semaphore_mem>>)
    %dma_wait3A = arith.constant 0 : i32
    %dma_wait3A_72 = arith.constant 0 : i32
    %dma_wait3A_73 = arith.constant 0 : i32
    %dma_wait3A_74 = tpu.memref_slice %arg6[%dma_wait3A, %dma_wait3A_72, %dma_wait3A_73] : memref<2x128x64xf32, #tpu.memory_space<vmem>> -> memref<1x128x64xf32, #tpu.memory_space<vmem>>
    %dma_wait3A_75 = tpu.memref_squeeze %dma_wait3A_74 : memref<1x128x64xf32, #tpu.memory_space<vmem>> -> memref<128x64xf32, #tpu.memory_space<vmem>>
    %dma_wait3A_76 = arith.constant 0 : i32
    %dma_wait3A_77 = arith.constant 0 : i32
    %dma_wait3A_78 = tpu.memref_slice %arg2[%dma_wait3A_76, %dma_wait3A_77] : memref<100000x64xf32, #tpu.memory_space<hbm>> -> memref<128x64xf32, #tpu.memory_space<hbm>>
    %dma_wait3A_79 = arith.constant 0 : i32
    %dma_wait3A_80 = arith.constant 0 : i32
    %dma_wait3A_81 = tpu.memref_slice %arg6[%dma_wait3A, %dma_wait3A_79, %dma_wait3A_80] : memref<2x128x64xf32, #tpu.memory_space<vmem>> -> memref<1x128x64xf32, #tpu.memory_space<vmem>>
    %dma_wait3A_82 = tpu.memref_squeeze %dma_wait3A_81 : memref<1x128x64xf32, #tpu.memory_space<vmem>> -> memref<128x64xf32, #tpu.memory_space<vmem>>
    %dma_wait3A_83 = arith.constant 0 : i32
    %dma_wait3A_84 = arith.constant 0 : i32
    %dma_wait3A_85 = tpu.memref_slice %arg2[%dma_wait3A_83, %dma_wait3A_84] : memref<100000x64xf32, #tpu.memory_space<hbm>> -> memref<128x64xf32, #tpu.memory_space<hbm>>
    tpu.wait_dma2 semaphore(%arg8 : memref<!tpu.dma_semaphore, #tpu.memory_space<semaphore_mem>>) src(%dma_wait3A_85 : memref<128x64xf32, #tpu.memory_space<hbm>>) dst(%dma_wait3A_82 : memref<128x64xf32, #tpu.memory_space<vmem>>)
    %scan3A = arith.constant 0 : i32
    %scan3A_86 = arith.constant 0 : i32
    %scan3A_87 = arith.constant 0 : i32
    %scan3A_88 = arith.constant 0 : i32
    %scan3A_89 = arith.constant 32 : i32
    %scan3A_90 = arith.addi %scan3A_88, %scan3A_89 : i32
    %scan3A_91 = arith.constant 1 : i32
    %scan3A_92 = scf.for %scan3A_427 = %scan3A_88 to %scan3A_90 step %scan3A_91 iter_args(%scan3A_428 = %scan3A_87) -> (i32)  : i32 {
      %mul3A_429 = arith.constant 4 : i32
      %mul3A_430 = arith.muli %scan3A_427, %mul3A_429 : i32
      %add3A_431 = arith.constant 0 : i32
      %add3A_432 = arith.addi %mul3A_430, %add3A_431 : i32
      %broadcast_in_dim3A = vector.broadcast %add3A_432 : i32 to vector<16xi32>
      %get3A = arith.constant 0 : i32
      %get3A_433 = arith.constant 0 : i32
      %get3A_434 = tpu.memref_slice %arg6[%scan3A, %get3A, %get3A_433] : memref<2x128x64xf32, #tpu.memory_space<vmem>> -> memref<1x128x64xf32, #tpu.memory_space<vmem>>
      %get3A_435 = tpu.memref_squeeze %get3A_434 : memref<1x128x64xf32, #tpu.memory_space<vmem>> -> memref<128x64xf32, #tpu.memory_space<vmem>>
      %get3A_436 = arith.index_cast %add3A_432 : i32 to index
      %get3A_437 = arith.constant 0 : index
      %get3A_438 = tpu.vector_load %get3A_435[%get3A_436, %get3A_437] {strides = array<i32>} : memref<128x64xf32, #tpu.memory_space<vmem>>, vector<16xf32>,
      %scatter3A = arith.constant 0 : i32
      %scatter3A_439 = arith.constant 0 : i32
      %scatter3A_440 = arith.constant 0 : i32
      %scatter3A_441 = tpu.memref_slice %arg7[%scan3A_86, %scatter3A, %scatter3A_439, %scatter3A_440] : memref<2x8x8x129xf32, #tpu.memory_space<vmem>> -> memref<1x8x8x129xf32, #tpu.memory_space<vmem>>
      %scatter3A_442 = tpu.memref_squeeze %scatter3A_441 : memref<1x8x8x129xf32, #tpu.memory_space<vmem>> -> memref<8x8x129xf32, #tpu.memory_space<vmem>>
      tpu.vector_store_idx %scatter3A_442[%shift_right_arithmetic3A_5, %and3A_28, %broadcast_in_dim3A], %get3A_438 : memref<8x8x129xf32, #tpu.memory_space<vmem>>[vector<16xi32>, vector<16xi32>, vector<16xi32>], vector<16xf32>,
      %get3A_443 = arith.constant 0 : i32
      %get3A_444 = arith.constant 0 : i32
      %get3A_445 = tpu.memref_slice %arg6[%scan3A, %get3A_443, %get3A_444] : memref<2x128x64xf32, #tpu.memory_space<vmem>> -> memref<1x128x64xf32, #tpu.memory_space<vmem>>
      %get3A_446 = tpu.memref_squeeze %get3A_445 : memref<1x128x64xf32, #tpu.memory_space<vmem>> -> memref<128x64xf32, #tpu.memory_space<vmem>>
      %get3A_447 = arith.index_cast %add3A_432 : i32 to index
      %get3A_448 = arith.constant 16 : index
      %get3A_449 = tpu.vector_load %get3A_446[%get3A_447, %get3A_448] {strides = array<i32>} : memref<128x64xf32, #tpu.memory_space<vmem>>, vector<16xf32>,
      %scatter3A_450 = arith.constant 0 : i32
      %scatter3A_451 = arith.constant 0 : i32
      %scatter3A_452 = arith.constant 0 : i32
      %scatter3A_453 = tpu.memref_slice %arg7[%scan3A_86, %scatter3A_450, %scatter3A_451, %scatter3A_452] : memref<2x8x8x129xf32, #tpu.memory_space<vmem>> -> memref<1x8x8x129xf32, #tpu.memory_space<vmem>>
      %scatter3A_454 = tpu.memref_squeeze %scatter3A_453 : memref<1x8x8x129xf32, #tpu.memory_space<vmem>> -> memref<8x8x129xf32, #tpu.memory_space<vmem>>
      tpu.vector_store_idx %scatter3A_454[%shift_right_arithmetic3A_11, %and3A_34, %broadcast_in_dim3A], %get3A_449 : memref<8x8x129xf32, #tpu.memory_space<vmem>>[vector<16xi32>, vector<16xi32>, vector<16xi32>], vector<16xf32>,
      %get3A_455 = arith.constant 0 : i32
      %get3A_456 = arith.constant 0 : i32
      %get3A_457 = tpu.memref_slice %arg6[%scan3A, %get3A_455, %get3A_456] : memref<2x128x64xf32, #tpu.memory_space<vmem>> -> memref<1x128x64xf32, #tpu.memory_space<vmem>>
      %get3A_458 = tpu.memref_squeeze %get3A_457 : memref<1x128x64xf32, #tpu.memory_space<vmem>> -> memref<128x64xf32, #tpu.memory_space<vmem>>
      %get3A_459 = arith.index_cast %add3A_432 : i32 to index
      %get3A_460 = arith.constant 32 : index
      %get3A_461 = tpu.vector_load %get3A_458[%get3A_459, %get3A_460] {strides = array<i32>} : memref<128x64xf32, #tpu.memory_space<vmem>>, vector<16xf32>,
      %scatter3A_462 = arith.constant 0 : i32
      %scatter3A_463 = arith.constant 0 : i32
      %scatter3A_464 = arith.constant 0 : i32
      %scatter3A_465 = tpu.memref_slice %arg7[%scan3A_86, %scatter3A_462, %scatter3A_463, %scatter3A_464] : memref<2x8x8x129xf32, #tpu.memory_space<vmem>> -> memref<1x8x8x129xf32, #tpu.memory_space<vmem>>
      %scatter3A_466 = tpu.memref_squeeze %scatter3A_465 : memref<1x8x8x129xf32, #tpu.memory_space<vmem>> -> memref<8x8x129xf32, #tpu.memory_space<vmem>>
      tpu.vector_store_idx %scatter3A_466[%shift_right_arithmetic3A_17, %and3A_40, %broadcast_in_dim3A], %get3A_461 : memref<8x8x129xf32, #tpu.memory_space<vmem>>[vector<16xi32>, vector<16xi32>, vector<16xi32>], vector<16xf32>,
      %get3A_467 = arith.constant 0 : i32
      %get3A_468 = arith.constant 0 : i32
      %get3A_469 = tpu.memref_slice %arg6[%scan3A, %get3A_467, %get3A_468] : memref<2x128x64xf32, #tpu.memory_space<vmem>> -> memref<1x128x64xf32, #tpu.memory_space<vmem>>
      %get3A_470 = tpu.memref_squeeze %get3A_469 : memref<1x128x64xf32, #tpu.memory_space<vmem>> -> memref<128x64xf32, #tpu.memory_space<vmem>>
      %get3A_471 = arith.index_cast %add3A_432 : i32 to index
      %get3A_472 = arith.constant 48 : index
      %get3A_473 = tpu.vector_load %get3A_470[%get3A_471, %get3A_472] {strides = array<i32>} : memref<128x64xf32, #tpu.memory_space<vmem>>, vector<16xf32>,
      %scatter3A_474 = arith.constant 0 : i32
      %scatter3A_475 = arith.constant 0 : i32
      %scatter3A_476 = arith.constant 0 : i32
      %scatter3A_477 = tpu.memref_slice %arg7[%scan3A_86, %scatter3A_474, %scatter3A_475, %scatter3A_476] : memref<2x8x8x129xf32, #tpu.memory_space<vmem>> -> memref<1x8x8x129xf32, #tpu.memory_space<vmem>>
      %scatter3A_478 = tpu.memref_squeeze %scatter3A_477 : memref<1x8x8x129xf32, #tpu.memory_space<vmem>> -> memref<8x8x129xf32, #tpu.memory_space<vmem>>
      tpu.vector_store_idx %scatter3A_478[%shift_right_arithmetic3A_23, %and3A_46, %broadcast_in_dim3A], %get3A_473 : memref<8x8x129xf32, #tpu.memory_space<vmem>>[vector<16xi32>, vector<16xi32>, vector<16xi32>], vector<16xf32>,
      %mul3A_479 = arith.constant 4 : i32
      %mul3A_480 = arith.muli %scan3A_427, %mul3A_479 : i32
      %add3A_481 = arith.constant 1 : i32
      %add3A_482 = arith.addi %mul3A_480, %add3A_481 : i32
      %broadcast_in_dim3A_483 = vector.broadcast %add3A_482 : i32 to vector<16xi32>
      %get3A_484 = arith.constant 0 : i32
      %get3A_485 = arith.constant 0 : i32
      %get3A_486 = tpu.memref_slice %arg6[%scan3A, %get3A_484, %get3A_485] : memref<2x128x64xf32, #tpu.memory_space<vmem>> -> memref<1x128x64xf32, #tpu.memory_space<vmem>>
      %get3A_487 = tpu.memref_squeeze %get3A_486 : memref<1x128x64xf32, #tpu.memory_space<vmem>> -> memref<128x64xf32, #tpu.memory_space<vmem>>
      %get3A_488 = arith.index_cast %add3A_482 : i32 to index
      %get3A_489 = arith.constant 0 : index
      %get3A_490 = tpu.vector_load %get3A_487[%get3A_488, %get3A_489] {strides = array<i32>} : memref<128x64xf32, #tpu.memory_space<vmem>>, vector<16xf32>,
      %scatter3A_491 = arith.constant 0 : i32
      %scatter3A_492 = arith.constant 0 : i32
      %scatter3A_493 = arith.constant 0 : i32
      %scatter3A_494 = tpu.memref_slice %arg7[%scan3A_86, %scatter3A_491, %scatter3A_492, %scatter3A_493] : memref<2x8x8x129xf32, #tpu.memory_space<vmem>> -> memref<1x8x8x129xf32, #tpu.memory_space<vmem>>
      %scatter3A_495 = tpu.memref_squeeze %scatter3A_494 : memref<1x8x8x129xf32, #tpu.memory_space<vmem>> -> memref<8x8x129xf32, #tpu.memory_space<vmem>>
      tpu.vector_store_idx %scatter3A_495[%shift_right_arithmetic3A_5, %and3A_28, %broadcast_in_dim3A_483], %get3A_490 : memref<8x8x129xf32, #tpu.memory_space<vmem>>[vector<16xi32>, vector<16xi32>, vector<16xi32>], vector<16xf32>,
      %get3A_496 = arith.constant 0 : i32
      %get3A_497 = arith.constant 0 : i32
      %get3A_498 = tpu.memref_slice %arg6[%scan3A, %get3A_496, %get3A_497] : memref<2x128x64xf32, #tpu.memory_space<vmem>> -> memref<1x128x64xf32, #tpu.memory_space<vmem>>
      %get3A_499 = tpu.memref_squeeze %get3A_498 : memref<1x128x64xf32, #tpu.memory_space<vmem>> -> memref<128x64xf32, #tpu.memory_space<vmem>>
      %get3A_500 = arith.index_cast %add3A_482 : i32 to index
      %get3A_501 = arith.constant 16 : index
      %get3A_502 = tpu.vector_load %get3A_499[%get3A_500, %get3A_501] {strides = array<i32>} : memref<128x64xf32, #tpu.memory_space<vmem>>, vector<16xf32>,
      %scatter3A_503 = arith.constant 0 : i32
      %scatter3A_504 = arith.constant 0 : i32
      %scatter3A_505 = arith.constant 0 : i32
      %scatter3A_506 = tpu.memref_slice %arg7[%scan3A_86, %scatter3A_503, %scatter3A_504, %scatter3A_505] : memref<2x8x8x129xf32, #tpu.memory_space<vmem>> -> memref<1x8x8x129xf32, #tpu.memory_space<vmem>>
      %scatter3A_507 = tpu.memref_squeeze %scatter3A_506 : memref<1x8x8x129xf32, #tpu.memory_space<vmem>> -> memref<8x8x129xf32, #tpu.memory_space<vmem>>
      tpu.vector_store_idx %scatter3A_507[%shift_right_arithmetic3A_11, %and3A_34, %broadcast_in_dim3A_483], %get3A_502 : memref<8x8x129xf32, #tpu.memory_space<vmem>>[vector<16xi32>, vector<16xi32>, vector<16xi32>], vector<16xf32>,
      %get3A_508 = arith.constant 0 : i32
      %get3A_509 = arith.constant 0 : i32
      %get3A_510 = tpu.memref_slice %arg6[%scan3A, %get3A_508, %get3A_509] : memref<2x128x64xf32, #tpu.memory_space<vmem>> -> memref<1x128x64xf32, #tpu.memory_space<vmem>>
      %get3A_511 = tpu.memref_squeeze %get3A_510 : memref<1x128x64xf32, #tpu.memory_space<vmem>> -> memref<128x64xf32, #tpu.memory_space<vmem>>
      %get3A_512 = arith.index_cast %add3A_482 : i32 to index
      %get3A_513 = arith.constant 32 : index
      %get3A_514 = tpu.vector_load %get3A_511[%get3A_512, %get3A_513] {strides = array<i32>} : memref<128x64xf32, #tpu.memory_space<vmem>>, vector<16xf32>,
      %scatter3A_515 = arith.constant 0 : i32
      %scatter3A_516 = arith.constant 0 : i32
      %scatter3A_517 = arith.constant 0 : i32
      %scatter3A_518 = tpu.memref_slice %arg7[%scan3A_86, %scatter3A_515, %scatter3A_516, %scatter3A_517] : memref<2x8x8x129xf32, #tpu.memory_space<vmem>> -> memref<1x8x8x129xf32, #tpu.memory_space<vmem>>
      %scatter3A_519 = tpu.memref_squeeze %scatter3A_518 : memref<1x8x8x129xf32, #tpu.memory_space<vmem>> -> memref<8x8x129xf32, #tpu.memory_space<vmem>>
      tpu.vector_store_idx %scatter3A_519[%shift_right_arithmetic3A_17, %and3A_40, %broadcast_in_dim3A_483], %get3A_514 : memref<8x8x129xf32, #tpu.memory_space<vmem>>[vector<16xi32>, vector<16xi32>, vector<16xi32>], vector<16xf32>,
      %get3A_520 = arith.constant 0 : i32
      %get3A_521 = arith.constant 0 : i32
      %get3A_522 = tpu.memref_slice %arg6[%scan3A, %get3A_520, %get3A_521] : memref<2x128x64xf32, #tpu.memory_space<vmem>> -> memref<1x128x64xf32, #tpu.memory_space<vmem>>
      %get3A_523 = tpu.memref_squeeze %get3A_522 : memref<1x128x64xf32, #tpu.memory_space<vmem>> -> memref<128x64xf32, #tpu.memory_space<vmem>>
      %get3A_524 = arith.index_cast %add3A_482 : i32 to index
      %get3A_525 = arith.constant 48 : index
      %get3A_526 = tpu.vector_load %get3A_523[%get3A_524, %get3A_525] {strides = array<i32>} : memref<128x64xf32, #tpu.memory_space<vmem>>, vector<16xf32>,
      %scatter3A_527 = arith.constant 0 : i32
      %scatter3A_528 = arith.constant 0 : i32
      %scatter3A_529 = arith.constant 0 : i32
      %scatter3A_530 = tpu.memref_slice %arg7[%scan3A_86, %scatter3A_527, %scatter3A_528, %scatter3A_529] : memref<2x8x8x129xf32, #tpu.memory_space<vmem>> -> memref<1x8x8x129xf32, #tpu.memory_space<vmem>>
      %scatter3A_531 = tpu.memref_squeeze %scatter3A_530 : memref<1x8x8x129xf32, #tpu.memory_space<vmem>> -> memref<8x8x129xf32, #tpu.memory_space<vmem>>
      tpu.vector_store_idx %scatter3A_531[%shift_right_arithmetic3A_23, %and3A_46, %broadcast_in_dim3A_483], %get3A_526 : memref<8x8x129xf32, #tpu.memory_space<vmem>>[vector<16xi32>, vector<16xi32>, vector<16xi32>], vector<16xf32>,
      %mul3A_532 = arith.constant 4 : i32
      %mul3A_533 = arith.muli %scan3A_427, %mul3A_532 : i32
      %add3A_534 = arith.constant 2 : i32
      %add3A_535 = arith.addi %mul3A_533, %add3A_534 : i32
      %broadcast_in_dim3A_536 = vector.broadcast %add3A_535 : i32 to vector<16xi32>
      %get3A_537 = arith.constant 0 : i32
      %get3A_538 = arith.constant 0 : i32
      %get3A_539 = tpu.memref_slice %arg6[%scan3A, %get3A_537, %get3A_538] : memref<2x128x64xf32, #tpu.memory_space<vmem>> -> memref<1x128x64xf32, #tpu.memory_space<vmem>>
      %get3A_540 = tpu.memref_squeeze %get3A_539 : memref<1x128x64xf32, #tpu.memory_space<vmem>> -> memref<128x64xf32, #tpu.memory_space<vmem>>
      %get3A_541 = arith.index_cast %add3A_535 : i32 to index
      %get3A_542 = arith.constant 0 : index
      %get3A_543 = tpu.vector_load %get3A_540[%get3A_541, %get3A_542] {strides = array<i32>} : memref<128x64xf32, #tpu.memory_space<vmem>>, vector<16xf32>,
      %scatter3A_544 = arith.constant 0 : i32
      %scatter3A_545 = arith.constant 0 : i32
      %scatter3A_546 = arith.constant 0 : i32
      %scatter3A_547 = tpu.memref_slice %arg7[%scan3A_86, %scatter3A_544, %scatter3A_545, %scatter3A_546] : memref<2x8x8x129xf32, #tpu.memory_space<vmem>> -> memref<1x8x8x129xf32, #tpu.memory_space<vmem>>
      %scatter3A_548 = tpu.memref_squeeze %scatter3A_547 : memref<1x8x8x129xf32, #tpu.memory_space<vmem>> -> memref<8x8x129xf32, #tpu.memory_space<vmem>>
      tpu.vector_store_idx %scatter3A_548[%shift_right_arithmetic3A_5, %and3A_28, %broadcast_in_dim3A_536], %get3A_543 : memref<8x8x129xf32, #tpu.memory_space<vmem>>[vector<16xi32>, vector<16xi32>, vector<16xi32>], vector<16xf32>,
      %get3A_549 = arith.constant 0 : i32
      %get3A_550 = arith.constant 0 : i32
      %get3A_551 = tpu.memref_slice %arg6[%scan3A, %get3A_549, %get3A_550] : memref<2x128x64xf32, #tpu.memory_space<vmem>> -> memref<1x128x64xf32, #tpu.memory_space<vmem>>
      %get3A_552 = tpu.memref_squeeze %get3A_551 : memref<1x128x64xf32, #tpu.memory_space<vmem>> -> memref<128x64xf32, #tpu.memory_space<vmem>>
      %get3A_553 = arith.index_cast %add3A_535 : i32 to index
      %get3A_554 = arith.constant 16 : index
      %get3A_555 = tpu.vector_load %get3A_552[%get3A_553, %get3A_554] {strides = array<i32>} : memref<128x64xf32, #tpu.memory_space<vmem>>, vector<16xf32>,
      %scatter3A_556 = arith.constant 0 : i32
      %scatter3A_557 = arith.constant 0 : i32
      %scatter3A_558 = arith.constant 0 : i32
      %scatter3A_559 = tpu.memref_slice %arg7[%scan3A_86, %scatter3A_556, %scatter3A_557, %scatter3A_558] : memref<2x8x8x129xf32, #tpu.memory_space<vmem>> -> memref<1x8x8x129xf32, #tpu.memory_space<vmem>>
      %scatter3A_560 = tpu.memref_squeeze %scatter3A_559 : memref<1x8x8x129xf32, #tpu.memory_space<vmem>> -> memref<8x8x129xf32, #tpu.memory_space<vmem>>
      tpu.vector_store_idx %scatter3A_560[%shift_right_arithmetic3A_11, %and3A_34, %broadcast_in_dim3A_536], %get3A_555 : memref<8x8x129xf32, #tpu.memory_space<vmem>>[vector<16xi32>, vector<16xi32>, vector<16xi32>], vector<16xf32>,
      %get3A_561 = arith.constant 0 : i32
      %get3A_562 = arith.constant 0 : i32
      %get3A_563 = tpu.memref_slice %arg6[%scan3A, %get3A_561, %get3A_562] : memref<2x128x64xf32, #tpu.memory_space<vmem>> -> memref<1x128x64xf32, #tpu.memory_space<vmem>>
      %get3A_564 = tpu.memref_squeeze %get3A_563 : memref<1x128x64xf32, #tpu.memory_space<vmem>> -> memref<128x64xf32, #tpu.memory_space<vmem>>
      %get3A_565 = arith.index_cast %add3A_535 : i32 to index
      %get3A_566 = arith.constant 32 : index
      %get3A_567 = tpu.vector_load %get3A_564[%get3A_565, %get3A_566] {strides = array<i32>} : memref<128x64xf32, #tpu.memory_space<vmem>>, vector<16xf32>,
      %scatter3A_568 = arith.constant 0 : i32
      %scatter3A_569 = arith.constant 0 : i32
      %scatter3A_570 = arith.constant 0 : i32
      %scatter3A_571 = tpu.memref_slice %arg7[%scan3A_86, %scatter3A_568, %scatter3A_569, %scatter3A_570] : memref<2x8x8x129xf32, #tpu.memory_space<vmem>> -> memref<1x8x8x129xf32, #tpu.memory_space<vmem>>
      %scatter3A_572 = tpu.memref_squeeze %scatter3A_571 : memref<1x8x8x129xf32, #tpu.memory_space<vmem>> -> memref<8x8x129xf32, #tpu.memory_space<vmem>>
      tpu.vector_store_idx %scatter3A_572[%shift_right_arithmetic3A_17, %and3A_40, %broadcast_in_dim3A_536], %get3A_567 : memref<8x8x129xf32, #tpu.memory_space<vmem>>[vector<16xi32>, vector<16xi32>, vector<16xi32>], vector<16xf32>,
      %get3A_573 = arith.constant 0 : i32
      %get3A_574 = arith.constant 0 : i32
      %get3A_575 = tpu.memref_slice %arg6[%scan3A, %get3A_573, %get3A_574] : memref<2x128x64xf32, #tpu.memory_space<vmem>> -> memref<1x128x64xf32, #tpu.memory_space<vmem>>
      %get3A_576 = tpu.memref_squeeze %get3A_575 : memref<1x128x64xf32, #tpu.memory_space<vmem>> -> memref<128x64xf32, #tpu.memory_space<vmem>>
      %get3A_577 = arith.index_cast %add3A_535 : i32 to index
      %get3A_578 = arith.constant 48 : index
      %get3A_579 = tpu.vector_load %get3A_576[%get3A_577, %get3A_578] {strides = array<i32>} : memref<128x64xf32, #tpu.memory_space<vmem>>, vector<16xf32>,
      %scatter3A_580 = arith.constant 0 : i32
      %scatter3A_581 = arith.constant 0 : i32
      %scatter3A_582 = arith.constant 0 : i32
      %scatter3A_583 = tpu.memref_slice %arg7[%scan3A_86, %scatter3A_580, %scatter3A_581, %scatter3A_582] : memref<2x8x8x129xf32, #tpu.memory_space<vmem>> -> memref<1x8x8x129xf32, #tpu.memory_space<vmem>>
      %scatter3A_584 = tpu.memref_squeeze %scatter3A_583 : memref<1x8x8x129xf32, #tpu.memory_space<vmem>> -> memref<8x8x129xf32, #tpu.memory_space<vmem>>
      tpu.vector_store_idx %scatter3A_584[%shift_right_arithmetic3A_23, %and3A_46, %broadcast_in_dim3A_536], %get3A_579 : memref<8x8x129xf32, #tpu.memory_space<vmem>>[vector<16xi32>, vector<16xi32>, vector<16xi32>], vector<16xf32>,
      %mul3A_585 = arith.constant 4 : i32
      %mul3A_586 = arith.muli %scan3A_427, %mul3A_585 : i32
      %add3A_587 = arith.constant 3 : i32
      %add3A_588 = arith.addi %mul3A_586, %add3A_587 : i32
      %broadcast_in_dim3A_589 = vector.broadcast %add3A_588 : i32 to vector<16xi32>
      %get3A_590 = arith.constant 0 : i32
      %get3A_591 = arith.constant 0 : i32
      %get3A_592 = tpu.memref_slice %arg6[%scan3A, %get3A_590, %get3A_591] : memref<2x128x64xf32, #tpu.memory_space<vmem>> -> memref<1x128x64xf32, #tpu.memory_space<vmem>>
      %get3A_593 = tpu.memref_squeeze %get3A_592 : memref<1x128x64xf32, #tpu.memory_space<vmem>> -> memref<128x64xf32, #tpu.memory_space<vmem>>
      %get3A_594 = arith.index_cast %add3A_588 : i32 to index
      %get3A_595 = arith.constant 0 : index
      %get3A_596 = tpu.vector_load %get3A_593[%get3A_594, %get3A_595] {strides = array<i32>} : memref<128x64xf32, #tpu.memory_space<vmem>>, vector<16xf32>,
      %scatter3A_597 = arith.constant 0 : i32
      %scatter3A_598 = arith.constant 0 : i32
      %scatter3A_599 = arith.constant 0 : i32
      %scatter3A_600 = tpu.memref_slice %arg7[%scan3A_86, %scatter3A_597, %scatter3A_598, %scatter3A_599] : memref<2x8x8x129xf32, #tpu.memory_space<vmem>> -> memref<1x8x8x129xf32, #tpu.memory_space<vmem>>
      %scatter3A_601 = tpu.memref_squeeze %scatter3A_600 : memref<1x8x8x129xf32, #tpu.memory_space<vmem>> -> memref<8x8x129xf32, #tpu.memory_space<vmem>>
      tpu.vector_store_idx %scatter3A_601[%shift_right_arithmetic3A_5, %and3A_28, %broadcast_in_dim3A_589], %get3A_596 : memref<8x8x129xf32, #tpu.memory_space<vmem>>[vector<16xi32>, vector<16xi32>, vector<16xi32>], vector<16xf32>,
      %get3A_602 = arith.constant 0 : i32
      %get3A_603 = arith.constant 0 : i32
      %get3A_604 = tpu.memref_slice %arg6[%scan3A, %get3A_602, %get3A_603] : memref<2x128x64xf32, #tpu.memory_space<vmem>> -> memref<1x128x64xf32, #tpu.memory_space<vmem>>
      %get3A_605 = tpu.memref_squeeze %get3A_604 : memref<1x128x64xf32, #tpu.memory_space<vmem>> -> memref<128x64xf32, #tpu.memory_space<vmem>>
      %get3A_606 = arith.index_cast %add3A_588 : i32 to index
      %get3A_607 = arith.constant 16 : index
      %get3A_608 = tpu.vector_load %get3A_605[%get3A_606, %get3A_607] {strides = array<i32>} : memref<128x64xf32, #tpu.memory_space<vmem>>, vector<16xf32>,
      %scatter3A_609 = arith.constant 0 : i32
      %scatter3A_610 = arith.constant 0 : i32
      %scatter3A_611 = arith.constant 0 : i32
      %scatter3A_612 = tpu.memref_slice %arg7[%scan3A_86, %scatter3A_609, %scatter3A_610, %scatter3A_611] : memref<2x8x8x129xf32, #tpu.memory_space<vmem>> -> memref<1x8x8x129xf32, #tpu.memory_space<vmem>>
      %scatter3A_613 = tpu.memref_squeeze %scatter3A_612 : memref<1x8x8x129xf32, #tpu.memory_space<vmem>> -> memref<8x8x129xf32, #tpu.memory_space<vmem>>
      tpu.vector_store_idx %scatter3A_613[%shift_right_arithmetic3A_11, %and3A_34, %broadcast_in_dim3A_589], %get3A_608 : memref<8x8x129xf32, #tpu.memory_space<vmem>>[vector<16xi32>, vector<16xi32>, vector<16xi32>], vector<16xf32>,
      %get3A_614 = arith.constant 0 : i32
      %get3A_615 = arith.constant 0 : i32
      %get3A_616 = tpu.memref_slice %arg6[%scan3A, %get3A_614, %get3A_615] : memref<2x128x64xf32, #tpu.memory_space<vmem>> -> memref<1x128x64xf32, #tpu.memory_space<vmem>>
      %get3A_617 = tpu.memref_squeeze %get3A_616 : memref<1x128x64xf32, #tpu.memory_space<vmem>> -> memref<128x64xf32, #tpu.memory_space<vmem>>
      %get3A_618 = arith.index_cast %add3A_588 : i32 to index
      %get3A_619 = arith.constant 32 : index
      %get3A_620 = tpu.vector_load %get3A_617[%get3A_618, %get3A_619] {strides = array<i32>} : memref<128x64xf32, #tpu.memory_space<vmem>>, vector<16xf32>,
      %scatter3A_621 = arith.constant 0 : i32
      %scatter3A_622 = arith.constant 0 : i32
      %scatter3A_623 = arith.constant 0 : i32
      %scatter3A_624 = tpu.memref_slice %arg7[%scan3A_86, %scatter3A_621, %scatter3A_622, %scatter3A_623] : memref<2x8x8x129xf32, #tpu.memory_space<vmem>> -> memref<1x8x8x129xf32, #tpu.memory_space<vmem>>
      %scatter3A_625 = tpu.memref_squeeze %scatter3A_624 : memref<1x8x8x129xf32, #tpu.memory_space<vmem>> -> memref<8x8x129xf32, #tpu.memory_space<vmem>>
      tpu.vector_store_idx %scatter3A_625[%shift_right_arithmetic3A_17, %and3A_40, %broadcast_in_dim3A_589], %get3A_620 : memref<8x8x129xf32, #tpu.memory_space<vmem>>[vector<16xi32>, vector<16xi32>, vector<16xi32>], vector<16xf32>,
      %get3A_626 = arith.constant 0 : i32
      %get3A_627 = arith.constant 0 : i32
      %get3A_628 = tpu.memref_slice %arg6[%scan3A, %get3A_626, %get3A_627] : memref<2x128x64xf32, #tpu.memory_space<vmem>> -> memref<1x128x64xf32, #tpu.memory_space<vmem>>
      %get3A_629 = tpu.memref_squeeze %get3A_628 : memref<1x128x64xf32, #tpu.memory_space<vmem>> -> memref<128x64xf32, #tpu.memory_space<vmem>>
      %get3A_630 = arith.index_cast %add3A_588 : i32 to index
      %get3A_631 = arith.constant 48 : index
      %get3A_632 = tpu.vector_load %get3A_629[%get3A_630, %get3A_631] {strides = array<i32>} : memref<128x64xf32, #tpu.memory_space<vmem>>, vector<16xf32>,
      %scatter3A_633 = arith.constant 0 : i32
      %scatter3A_634 = arith.constant 0 : i32
      %scatter3A_635 = arith.constant 0 : i32
      %scatter3A_636 = tpu.memref_slice %arg7[%scan3A_86, %scatter3A_633, %scatter3A_634, %scatter3A_635] : memref<2x8x8x129xf32, #tpu.memory_space<vmem>> -> memref<1x8x8x129xf32, #tpu.memory_space<vmem>>
      %scatter3A_637 = tpu.memref_squeeze %scatter3A_636 : memref<1x8x8x129xf32, #tpu.memory_space<vmem>> -> memref<8x8x129xf32, #tpu.memory_space<vmem>>
      tpu.vector_store_idx %scatter3A_637[%shift_right_arithmetic3A_23, %and3A_46, %broadcast_in_dim3A_589], %get3A_632 : memref<8x8x129xf32, #tpu.memory_space<vmem>>[vector<16xi32>, vector<16xi32>, vector<16xi32>], vector<16xf32>,
      %scan3A_638 = arith.constant 0 : i32
      scf.yield %scan3A_638 : i32
    }
    %scan3A_93 = arith.constant 32 : i32
    %dma_start3A_94 = arith.constant 0 : i32
    %dma_start3A_95 = arith.constant 0 : i32
    %dma_start3A_96 = arith.constant 0 : i32
    %dma_start3A_97 = arith.constant 0 : i32
    %dma_start3A_98 = arith.constant 0 : i32
    %dma_start3A_99 = tpu.memref_slice %arg7[%dma_start3A_94, %dma_start3A_96, %dma_start3A_97, %dma_start3A_98] : memref<2x8x8x129xf32, #tpu.memory_space<vmem>> -> memref<1x8x8x129xf32, #tpu.memory_space<vmem>>
    %dma_start3A_100 = tpu.memref_squeeze %dma_start3A_99 : memref<1x8x8x129xf32, #tpu.memory_space<vmem>> -> memref<8x8x129xf32, #tpu.memory_space<vmem>>
    %dma_start3A_101 = arith.constant 0 : i32
    %dma_start3A_102 = arith.constant 0 : i32
    %dma_start3A_103 = arith.constant 0 : i32
    %dma_start3A_104 = tpu.memref_slice %dma_start3A_100[%dma_start3A_101, %dma_start3A_102, %dma_start3A_103] : memref<8x8x129xf32, #tpu.memory_space<vmem>> -> memref<8x8x128xf32, #tpu.memory_space<vmem>>
    %dma_start3A_105 = arith.constant 0 : i32
    %dma_start3A_106 = arith.constant 0 : i32
    %dma_start3A_107 = arith.constant 0 : i32
    %dma_start3A_108 = arith.constant 0 : i32
    %dma_start3A_109 = tpu.memref_slice %arg4[%dma_start3A_95, %dma_start3A_105, %dma_start3A_106, %dma_start3A_107, %dma_start3A_108] : memref<200x8x32x8x128xf32, #tpu.memory_space<hbm>> -> memref<1x8x32x8x128xf32, #tpu.memory_space<hbm>>
    %dma_start3A_110 = tpu.memref_squeeze %dma_start3A_109 : memref<1x8x32x8x128xf32, #tpu.memory_space<hbm>> -> memref<8x32x8x128xf32, #tpu.memory_space<hbm>>
    %dma_start3A_111 = arith.constant 0 : i32
    %dma_start3A_112 = arith.constant 0 : i32
    %dma_start3A_113 = arith.constant 0 : i32
    %dma_start3A_114 = tpu.memref_slice %dma_start3A_110[%dma_start3A_111, %add3A, %dma_start3A_112, %dma_start3A_113] : memref<8x32x8x128xf32, #tpu.memory_space<hbm>> -> memref<8x1x8x128xf32, #tpu.memory_space<hbm>>
    %dma_start3A_115 = tpu.memref_squeeze %dma_start3A_114 : memref<8x1x8x128xf32, #tpu.memory_space<hbm>> -> memref<8x8x128xf32, #tpu.memory_space<hbm>>
    %dma_start3A_116 = arith.constant 0 : i32
    %dma_start3A_117 = arith.constant 0 : i32
    %dma_start3A_118 = arith.constant 0 : i32
    %dma_start3A_119 = arith.constant 0 : i32
    %dma_start3A_120 = tpu.memref_slice %arg4[%dma_start3A_95, %dma_start3A_116, %dma_start3A_117, %dma_start3A_118, %dma_start3A_119] : memref<200x8x32x8x128xf32, #tpu.memory_space<hbm>> -> memref<1x8x32x8x128xf32, #tpu.memory_space<hbm>>
    %dma_start3A_121 = tpu.memref_squeeze %dma_start3A_120 : memref<1x8x32x8x128xf32, #tpu.memory_space<hbm>> -> memref<8x32x8x128xf32, #tpu.memory_space<hbm>>
    %dma_start3A_122 = arith.constant 0 : i32
    %dma_start3A_123 = arith.constant 0 : i32
    %dma_start3A_124 = arith.constant 0 : i32
    %dma_start3A_125 = tpu.memref_slice %dma_start3A_121[%dma_start3A_122, %add3A, %dma_start3A_123, %dma_start3A_124] : memref<8x32x8x128xf32, #tpu.memory_space<hbm>> -> memref<8x1x8x128xf32, #tpu.memory_space<hbm>>
    %dma_start3A_126 = tpu.memref_squeeze %dma_start3A_125 : memref<8x1x8x128xf32, #tpu.memory_space<hbm>> -> memref<8x8x128xf32, #tpu.memory_space<hbm>>
    %dma_start3A_127 = arith.constant 0 : i32
    %dma_start3A_128 = arith.constant 0 : i32
    %dma_start3A_129 = arith.constant 0 : i32
    %dma_start3A_130 = tpu.memref_slice %arg7[%dma_start3A_94, %dma_start3A_127, %dma_start3A_128, %dma_start3A_129] : memref<2x8x8x129xf32, #tpu.memory_space<vmem>> -> memref<1x8x8x129xf32, #tpu.memory_space<vmem>>
    %dma_start3A_131 = tpu.memref_squeeze %dma_start3A_130 : memref<1x8x8x129xf32, #tpu.memory_space<vmem>> -> memref<8x8x129xf32, #tpu.memory_space<vmem>>
    %dma_start3A_132 = arith.constant 0 : i32
    %dma_start3A_133 = arith.constant 0 : i32
    %dma_start3A_134 = arith.constant 0 : i32
    %dma_start3A_135 = tpu.memref_slice %dma_start3A_131[%dma_start3A_132, %dma_start3A_133, %dma_start3A_134] : memref<8x8x129xf32, #tpu.memory_space<vmem>> -> memref<8x8x128xf32, #tpu.memory_space<vmem>>
    tpu.enqueue_dma source(%dma_start3A_135 : memref<8x8x128xf32, #tpu.memory_space<vmem>>) target(%dma_start3A_126 : memref<8x8x128xf32, #tpu.memory_space<hbm>>) target_semaphore(%arg10 : memref<!tpu.dma_semaphore, #tpu.memory_space<semaphore_mem>>)
    %dma_start3A_136 = arith.constant 0 : i32
    %dma_start3A_137 = arith.constant 2 : i32
    %dma_start3A_138 = arith.constant 0 : i32
    %dma_start3A_139 = arith.constant 0 : i32
    %dma_start3A_140 = arith.constant 0 : i32
    %dma_start3A_141 = tpu.memref_slice %arg6[%dma_start3A_138, %dma_start3A_139, %dma_start3A_140] : memref<2x128x64xf32, #tpu.memory_space<vmem>> -> memref<1x128x64xf32, #tpu.memory_space<vmem>>
    %dma_start3A_142 = tpu.memref_squeeze %dma_start3A_141 : memref<1x128x64xf32, #tpu.memory_space<vmem>> -> memref<128x64xf32, #tpu.memory_space<vmem>>
    %dma_start3A_143 = arith.constant 0 : i32
    %dma_start3A_144 = tpu.memref_slice %arg5[%dma_start3A_136, %dma_start3A_137, %dma_start3A_143] : memref<25x8x128xi32, #tpu.memory_space<vmem>> -> memref<1x1x128xi32, #tpu.memory_space<vmem>>
    %dma_start3A_145 = tpu.memref_squeeze %dma_start3A_144 : memref<1x1x128xi32, #tpu.memory_space<vmem>> -> memref<128xi32, #tpu.memory_space<vmem>>
    %dma_start3A_146 = arith.constant 0 : i32
    %dma_start3A_147 = arith.constant 0 : i32
    %dma_start3A_148 = tpu.memref_slice %arg2[%dma_start3A_146, %dma_start3A_147] : memref<100000x64xf32, #tpu.memory_space<hbm>> -> memref<100000x64xf32, #tpu.memory_space<hbm>>
    tpu.enqueue_indirect_dma source(%dma_start3A_148 : memref<100000x64xf32, #tpu.memory_space<hbm>>) target(%dma_start3A_142 : memref<128x64xf32, #tpu.memory_space<vmem>>) offsets(%dma_start3A_145 : memref<128xi32, #tpu.memory_space<vmem>>) semaphore(%arg8 : memref<!tpu.dma_semaphore, #tpu.memory_space<semaphore_mem>>)
    %dma_wait3A_149 = arith.constant 1 : i32
    %dma_wait3A_150 = arith.constant 0 : i32
    %dma_wait3A_151 = arith.constant 0 : i32
    %dma_wait3A_152 = tpu.memref_slice %arg6[%dma_wait3A_149, %dma_wait3A_150, %dma_wait3A_151] : memref<2x128x64xf32, #tpu.memory_space<vmem>> -> memref<1x128x64xf32, #tpu.memory_space<vmem>>
    %dma_wait3A_153 = tpu.memref_squeeze %dma_wait3A_152 : memref<1x128x64xf32, #tpu.memory_space<vmem>> -> memref<128x64xf32, #tpu.memory_space<vmem>>
    %dma_wait3A_154 = arith.constant 0 : i32
    %dma_wait3A_155 = arith.constant 0 : i32
    %dma_wait3A_156 = tpu.memref_slice %arg2[%dma_wait3A_154, %dma_wait3A_155] : memref<100000x64xf32, #tpu.memory_space<hbm>> -> memref<128x64xf32, #tpu.memory_space<hbm>>
    %dma_wait3A_157 = arith.constant 0 : i32
    %dma_wait3A_158 = arith.constant 0 : i32
    %dma_wait3A_159 = tpu.memref_slice %arg6[%dma_wait3A_149, %dma_wait3A_157, %dma_wait3A_158] : memref<2x128x64xf32, #tpu.memory_space<vmem>> -> memref<1x128x64xf32, #tpu.memory_space<vmem>>
    %dma_wait3A_160 = tpu.memref_squeeze %dma_wait3A_159 : memref<1x128x64xf32, #tpu.memory_space<vmem>> -> memref<128x64xf32, #tpu.memory_space<vmem>>
    %dma_wait3A_161 = arith.constant 0 : i32
    %dma_wait3A_162 = arith.constant 0 : i32
    %dma_wait3A_163 = tpu.memref_slice %arg2[%dma_wait3A_161, %dma_wait3A_162] : memref<100000x64xf32, #tpu.memory_space<hbm>> -> memref<128x64xf32, #tpu.memory_space<hbm>>
    tpu.wait_dma2 semaphore(%arg9 : memref<!tpu.dma_semaphore, #tpu.memory_space<semaphore_mem>>) src(%dma_wait3A_163 : memref<128x64xf32, #tpu.memory_space<hbm>>) dst(%dma_wait3A_160 : memref<128x64xf32, #tpu.memory_space<vmem>>)
    %scan3A_164 = arith.constant 1 : i32
    %scan3A_165 = arith.constant 1 : i32
    %scan3A_166 = arith.constant 0 : i32
    %scan3A_167 = arith.constant 0 : i32
    %scan3A_168 = arith.constant 32 : i32
    %scan3A_169 = arith.addi %scan3A_167, %scan3A_168 : i32
    %scan3A_170 = arith.constant 1 : i32
    %scan3A_171 = scf.for %scan3A_427 = %scan3A_167 to %scan3A_169 step %scan3A_170 iter_args(%scan3A_428 = %scan3A_166) -> (i32)  : i32 {
      %mul3A_429 = arith.constant 4 : i32
      %mul3A_430 = arith.muli %scan3A_427, %mul3A_429 : i32
      %add3A_431 = arith.constant 0 : i32
      %add3A_432 = arith.addi %mul3A_430, %add3A_431 : i32
      %broadcast_in_dim3A = vector.broadcast %add3A_432 : i32 to vector<16xi32>
      %get3A = arith.constant 0 : i32
      %get3A_433 = arith.constant 0 : i32
      %get3A_434 = tpu.memref_slice %arg6[%scan3A_164, %get3A, %get3A_433] : memref<2x128x64xf32, #tpu.memory_space<vmem>> -> memref<1x128x64xf32, #tpu.memory_space<vmem>>
      %get3A_435 = tpu.memref_squeeze %get3A_434 : memref<1x128x64xf32, #tpu.memory_space<vmem>> -> memref<128x64xf32, #tpu.memory_space<vmem>>
      %get3A_436 = arith.index_cast %add3A_432 : i32 to index
      %get3A_437 = arith.constant 0 : index
      %get3A_438 = tpu.vector_load %get3A_435[%get3A_436, %get3A_437] {strides = array<i32>} : memref<128x64xf32, #tpu.memory_space<vmem>>, vector<16xf32>,
      %scatter3A = arith.constant 0 : i32
      %scatter3A_439 = arith.constant 0 : i32
      %scatter3A_440 = arith.constant 0 : i32
      %scatter3A_441 = tpu.memref_slice %arg7[%scan3A_165, %scatter3A, %scatter3A_439, %scatter3A_440] : memref<2x8x8x129xf32, #tpu.memory_space<vmem>> -> memref<1x8x8x129xf32, #tpu.memory_space<vmem>>
      %scatter3A_442 = tpu.memref_squeeze %scatter3A_441 : memref<1x8x8x129xf32, #tpu.memory_space<vmem>> -> memref<8x8x129xf32, #tpu.memory_space<vmem>>
      tpu.vector_store_idx %scatter3A_442[%shift_right_arithmetic3A_5, %and3A_28, %broadcast_in_dim3A], %get3A_438 : memref<8x8x129xf32, #tpu.memory_space<vmem>>[vector<16xi32>, vector<16xi32>, vector<16xi32>], vector<16xf32>,
      %get3A_443 = arith.constant 0 : i32
      %get3A_444 = arith.constant 0 : i32
      %get3A_445 = tpu.memref_slice %arg6[%scan3A_164, %get3A_443, %get3A_444] : memref<2x128x64xf32, #tpu.memory_space<vmem>> -> memref<1x128x64xf32, #tpu.memory_space<vmem>>
      %get3A_446 = tpu.memref_squeeze %get3A_445 : memref<1x128x64xf32, #tpu.memory_space<vmem>> -> memref<128x64xf32, #tpu.memory_space<vmem>>
      %get3A_447 = arith.index_cast %add3A_432 : i32 to index
      %get3A_448 = arith.constant 16 : index
      %get3A_449 = tpu.vector_load %get3A_446[%get3A_447, %get3A_448] {strides = array<i32>} : memref<128x64xf32, #tpu.memory_space<vmem>>, vector<16xf32>,
      %scatter3A_450 = arith.constant 0 : i32
      %scatter3A_451 = arith.constant 0 : i32
      %scatter3A_452 = arith.constant 0 : i32
      %scatter3A_453 = tpu.memref_slice %arg7[%scan3A_165, %scatter3A_450, %scatter3A_451, %scatter3A_452] : memref<2x8x8x129xf32, #tpu.memory_space<vmem>> -> memref<1x8x8x129xf32, #tpu.memory_space<vmem>>
      %scatter3A_454 = tpu.memref_squeeze %scatter3A_453 : memref<1x8x8x129xf32, #tpu.memory_space<vmem>> -> memref<8x8x129xf32, #tpu.memory_space<vmem>>
      tpu.vector_store_idx %scatter3A_454[%shift_right_arithmetic3A_11, %and3A_34, %broadcast_in_dim3A], %get3A_449 : memref<8x8x129xf32, #tpu.memory_space<vmem>>[vector<16xi32>, vector<16xi32>, vector<16xi32>], vector<16xf32>,
      %get3A_455 = arith.constant 0 : i32
      %get3A_456 = arith.constant 0 : i32
      %get3A_457 = tpu.memref_slice %arg6[%scan3A_164, %get3A_455, %get3A_456] : memref<2x128x64xf32, #tpu.memory_space<vmem>> -> memref<1x128x64xf32, #tpu.memory_space<vmem>>
      %get3A_458 = tpu.memref_squeeze %get3A_457 : memref<1x128x64xf32, #tpu.memory_space<vmem>> -> memref<128x64xf32, #tpu.memory_space<vmem>>
      %get3A_459 = arith.index_cast %add3A_432 : i32 to index
      %get3A_460 = arith.constant 32 : index
      %get3A_461 = tpu.vector_load %get3A_458[%get3A_459, %get3A_460] {strides = array<i32>} : memref<128x64xf32, #tpu.memory_space<vmem>>, vector<16xf32>,
      %scatter3A_462 = arith.constant 0 : i32
      %scatter3A_463 = arith.constant 0 : i32
      %scatter3A_464 = arith.constant 0 : i32
      %scatter3A_465 = tpu.memref_slice %arg7[%scan3A_165, %scatter3A_462, %scatter3A_463, %scatter3A_464] : memref<2x8x8x129xf32, #tpu.memory_space<vmem>> -> memref<1x8x8x129xf32, #tpu.memory_space<vmem>>
      %scatter3A_466 = tpu.memref_squeeze %scatter3A_465 : memref<1x8x8x129xf32, #tpu.memory_space<vmem>> -> memref<8x8x129xf32, #tpu.memory_space<vmem>>
      tpu.vector_store_idx %scatter3A_466[%shift_right_arithmetic3A_17, %and3A_40, %broadcast_in_dim3A], %get3A_461 : memref<8x8x129xf32, #tpu.memory_space<vmem>>[vector<16xi32>, vector<16xi32>, vector<16xi32>], vector<16xf32>,
      %get3A_467 = arith.constant 0 : i32
      %get3A_468 = arith.constant 0 : i32
      %get3A_469 = tpu.memref_slice %arg6[%scan3A_164, %get3A_467, %get3A_468] : memref<2x128x64xf32, #tpu.memory_space<vmem>> -> memref<1x128x64xf32, #tpu.memory_space<vmem>>
      %get3A_470 = tpu.memref_squeeze %get3A_469 : memref<1x128x64xf32, #tpu.memory_space<vmem>> -> memref<128x64xf32, #tpu.memory_space<vmem>>
      %get3A_471 = arith.index_cast %add3A_432 : i32 to index
      %get3A_472 = arith.constant 48 : index
      %get3A_473 = tpu.vector_load %get3A_470[%get3A_471, %get3A_472] {strides = array<i32>} : memref<128x64xf32, #tpu.memory_space<vmem>>, vector<16xf32>,
      %scatter3A_474 = arith.constant 0 : i32
      %scatter3A_475 = arith.constant 0 : i32
      %scatter3A_476 = arith.constant 0 : i32
      %scatter3A_477 = tpu.memref_slice %arg7[%scan3A_165, %scatter3A_474, %scatter3A_475, %scatter3A_476] : memref<2x8x8x129xf32, #tpu.memory_space<vmem>> -> memref<1x8x8x129xf32, #tpu.memory_space<vmem>>
      %scatter3A_478 = tpu.memref_squeeze %scatter3A_477 : memref<1x8x8x129xf32, #tpu.memory_space<vmem>> -> memref<8x8x129xf32, #tpu.memory_space<vmem>>
      tpu.vector_store_idx %scatter3A_478[%shift_right_arithmetic3A_23, %and3A_46, %broadcast_in_dim3A], %get3A_473 : memref<8x8x129xf32, #tpu.memory_space<vmem>>[vector<16xi32>, vector<16xi32>, vector<16xi32>], vector<16xf32>,
      %mul3A_479 = arith.constant 4 : i32
      %mul3A_480 = arith.muli %scan3A_427, %mul3A_479 : i32
      %add3A_481 = arith.constant 1 : i32
      %add3A_482 = arith.addi %mul3A_480, %add3A_481 : i32
      %broadcast_in_dim3A_483 = vector.broadcast %add3A_482 : i32 to vector<16xi32>
      %get3A_484 = arith.constant 0 : i32
      %get3A_485 = arith.constant 0 : i32
      %get3A_486 = tpu.memref_slice %arg6[%scan3A_164, %get3A_484, %get3A_485] : memref<2x128x64xf32, #tpu.memory_space<vmem>> -> memref<1x128x64xf32, #tpu.memory_space<vmem>>
      %get3A_487 = tpu.memref_squeeze %get3A_486 : memref<1x128x64xf32, #tpu.memory_space<vmem>> -> memref<128x64xf32, #tpu.memory_space<vmem>>
      %get3A_488 = arith.index_cast %add3A_482 : i32 to index
      %get3A_489 = arith.constant 0 : index
      %get3A_490 = tpu.vector_load %get3A_487[%get3A_488, %get3A_489] {strides = array<i32>} : memref<128x64xf32, #tpu.memory_space<vmem>>, vector<16xf32>,
      %scatter3A_491 = arith.constant 0 : i32
      %scatter3A_492 = arith.constant 0 : i32
      %scatter3A_493 = arith.constant 0 : i32
      %scatter3A_494 = tpu.memref_slice %arg7[%scan3A_165, %scatter3A_491, %scatter3A_492, %scatter3A_493] : memref<2x8x8x129xf32, #tpu.memory_space<vmem>> -> memref<1x8x8x129xf32, #tpu.memory_space<vmem>>
      %scatter3A_495 = tpu.memref_squeeze %scatter3A_494 : memref<1x8x8x129xf32, #tpu.memory_space<vmem>> -> memref<8x8x129xf32, #tpu.memory_space<vmem>>
      tpu.vector_store_idx %scatter3A_495[%shift_right_arithmetic3A_5, %and3A_28, %broadcast_in_dim3A_483], %get3A_490 : memref<8x8x129xf32, #tpu.memory_space<vmem>>[vector<16xi32>, vector<16xi32>, vector<16xi32>], vector<16xf32>,
      %get3A_496 = arith.constant 0 : i32
      %get3A_497 = arith.constant 0 : i32
      %get3A_498 = tpu.memref_slice %arg6[%scan3A_164, %get3A_496, %get3A_497] : memref<2x128x64xf32, #tpu.memory_space<vmem>> -> memref<1x128x64xf32, #tpu.memory_space<vmem>>
      %get3A_499 = tpu.memref_squeeze %get3A_498 : memref<1x128x64xf32, #tpu.memory_space<vmem>> -> memref<128x64xf32, #tpu.memory_space<vmem>>
      %get3A_500 = arith.index_cast %add3A_482 : i32 to index
      %get3A_501 = arith.constant 16 : index
      %get3A_502 = tpu.vector_load %get3A_499[%get3A_500, %get3A_501] {strides = array<i32>} : memref<128x64xf32, #tpu.memory_space<vmem>>, vector<16xf32>,
      %scatter3A_503 = arith.constant 0 : i32
      %scatter3A_504 = arith.constant 0 : i32
      %scatter3A_505 = arith.constant 0 : i32
      %scatter3A_506 = tpu.memref_slice %arg7[%scan3A_165, %scatter3A_503, %scatter3A_504, %scatter3A_505] : memref<2x8x8x129xf32, #tpu.memory_space<vmem>> -> memref<1x8x8x129xf32, #tpu.memory_space<vmem>>
      %scatter3A_507 = tpu.memref_squeeze %scatter3A_506 : memref<1x8x8x129xf32, #tpu.memory_space<vmem>> -> memref<8x8x129xf32, #tpu.memory_space<vmem>>
      tpu.vector_store_idx %scatter3A_507[%shift_right_arithmetic3A_11, %and3A_34, %broadcast_in_dim3A_483], %get3A_502 : memref<8x8x129xf32, #tpu.memory_space<vmem>>[vector<16xi32>, vector<16xi32>, vector<16xi32>], vector<16xf32>,
      %get3A_508 = arith.constant 0 : i32
      %get3A_509 = arith.constant 0 : i32
      %get3A_510 = tpu.memref_slice %arg6[%scan3A_164, %get3A_508, %get3A_509] : memref<2x128x64xf32, #tpu.memory_space<vmem>> -> memref<1x128x64xf32, #tpu.memory_space<vmem>>
      %get3A_511 = tpu.memref_squeeze %get3A_510 : memref<1x128x64xf32, #tpu.memory_space<vmem>> -> memref<128x64xf32, #tpu.memory_space<vmem>>
      %get3A_512 = arith.index_cast %add3A_482 : i32 to index
      %get3A_513 = arith.constant 32 : index
      %get3A_514 = tpu.vector_load %get3A_511[%get3A_512, %get3A_513] {strides = array<i32>} : memref<128x64xf32, #tpu.memory_space<vmem>>, vector<16xf32>,
      %scatter3A_515 = arith.constant 0 : i32
      %scatter3A_516 = arith.constant 0 : i32
      %scatter3A_517 = arith.constant 0 : i32
      %scatter3A_518 = tpu.memref_slice %arg7[%scan3A_165, %scatter3A_515, %scatter3A_516, %scatter3A_517] : memref<2x8x8x129xf32, #tpu.memory_space<vmem>> -> memref<1x8x8x129xf32, #tpu.memory_space<vmem>>
      %scatter3A_519 = tpu.memref_squeeze %scatter3A_518 : memref<1x8x8x129xf32, #tpu.memory_space<vmem>> -> memref<8x8x129xf32, #tpu.memory_space<vmem>>
      tpu.vector_store_idx %scatter3A_519[%shift_right_arithmetic3A_17, %and3A_40, %broadcast_in_dim3A_483], %get3A_514 : memref<8x8x129xf32, #tpu.memory_space<vmem>>[vector<16xi32>, vector<16xi32>, vector<16xi32>], vector<16xf32>,
      %get3A_520 = arith.constant 0 : i32
      %get3A_521 = arith.constant 0 : i32
      %get3A_522 = tpu.memref_slice %arg6[%scan3A_164, %get3A_520, %get3A_521] : memref<2x128x64xf32, #tpu.memory_space<vmem>> -> memref<1x128x64xf32, #tpu.memory_space<vmem>>
      %get3A_523 = tpu.memref_squeeze %get3A_522 : memref<1x128x64xf32, #tpu.memory_space<vmem>> -> memref<128x64xf32, #tpu.memory_space<vmem>>
      %get3A_524 = arith.index_cast %add3A_482 : i32 to index
      %get3A_525 = arith.constant 48 : index
      %get3A_526 = tpu.vector_load %get3A_523[%get3A_524, %get3A_525] {strides = array<i32>} : memref<128x64xf32, #tpu.memory_space<vmem>>, vector<16xf32>,
      %scatter3A_527 = arith.constant 0 : i32
      %scatter3A_528 = arith.constant 0 : i32
      %scatter3A_529 = arith.constant 0 : i32
      %scatter3A_530 = tpu.memref_slice %arg7[%scan3A_165, %scatter3A_527, %scatter3A_528, %scatter3A_529] : memref<2x8x8x129xf32, #tpu.memory_space<vmem>> -> memref<1x8x8x129xf32, #tpu.memory_space<vmem>>
      %scatter3A_531 = tpu.memref_squeeze %scatter3A_530 : memref<1x8x8x129xf32, #tpu.memory_space<vmem>> -> memref<8x8x129xf32, #tpu.memory_space<vmem>>
      tpu.vector_store_idx %scatter3A_531[%shift_right_arithmetic3A_23, %and3A_46, %broadcast_in_dim3A_483], %get3A_526 : memref<8x8x129xf32, #tpu.memory_space<vmem>>[vector<16xi32>, vector<16xi32>, vector<16xi32>], vector<16xf32>,
      %mul3A_532 = arith.constant 4 : i32
      %mul3A_533 = arith.muli %scan3A_427, %mul3A_532 : i32
      %add3A_534 = arith.constant 2 : i32
      %add3A_535 = arith.addi %mul3A_533, %add3A_534 : i32
      %broadcast_in_dim3A_536 = vector.broadcast %add3A_535 : i32 to vector<16xi32>
      %get3A_537 = arith.constant 0 : i32
      %get3A_538 = arith.constant 0 : i32
      %get3A_539 = tpu.memref_slice %arg6[%scan3A_164, %get3A_537, %get3A_538] : memref<2x128x64xf32, #tpu.memory_space<vmem>> -> memref<1x128x64xf32, #tpu.memory_space<vmem>>
      %get3A_540 = tpu.memref_squeeze %get3A_539 : memref<1x128x64xf32, #tpu.memory_space<vmem>> -> memref<128x64xf32, #tpu.memory_space<vmem>>
      %get3A_541 = arith.index_cast %add3A_535 : i32 to index
      %get3A_542 = arith.constant 0 : index
      %get3A_543 = tpu.vector_load %get3A_540[%get3A_541, %get3A_542] {strides = array<i32>} : memref<128x64xf32, #tpu.memory_space<vmem>>, vector<16xf32>,
      %scatter3A_544 = arith.constant 0 : i32
      %scatter3A_545 = arith.constant 0 : i32
      %scatter3A_546 = arith.constant 0 : i32
      %scatter3A_547 = tpu.memref_slice %arg7[%scan3A_165, %scatter3A_544, %scatter3A_545, %scatter3A_546] : memref<2x8x8x129xf32, #tpu.memory_space<vmem>> -> memref<1x8x8x129xf32, #tpu.memory_space<vmem>>
      %scatter3A_548 = tpu.memref_squeeze %scatter3A_547 : memref<1x8x8x129xf32, #tpu.memory_space<vmem>> -> memref<8x8x129xf32, #tpu.memory_space<vmem>>
      tpu.vector_store_idx %scatter3A_548[%shift_right_arithmetic3A_5, %and3A_28, %broadcast_in_dim3A_536], %get3A_543 : memref<8x8x129xf32, #tpu.memory_space<vmem>>[vector<16xi32>, vector<16xi32>, vector<16xi32>], vector<16xf32>,
      %get3A_549 = arith.constant 0 : i32
      %get3A_550 = arith.constant 0 : i32
      %get3A_551 = tpu.memref_slice %arg6[%scan3A_164, %get3A_549, %get3A_550] : memref<2x128x64xf32, #tpu.memory_space<vmem>> -> memref<1x128x64xf32, #tpu.memory_space<vmem>>
      %get3A_552 = tpu.memref_squeeze %get3A_551 : memref<1x128x64xf32, #tpu.memory_space<vmem>> -> memref<128x64xf32, #tpu.memory_space<vmem>>
      %get3A_553 = arith.index_cast %add3A_535 : i32 to index
      %get3A_554 = arith.constant 16 : index
      %get3A_555 = tpu.vector_load %get3A_552[%get3A_553, %get3A_554] {strides = array<i32>} : memref<128x64xf32, #tpu.memory_space<vmem>>, vector<16xf32>,
      %scatter3A_556 = arith.constant 0 : i32
      %scatter3A_557 = arith.constant 0 : i32
      %scatter3A_558 = arith.constant 0 : i32
      %scatter3A_559 = tpu.memref_slice %arg7[%scan3A_165, %scatter3A_556, %scatter3A_557, %scatter3A_558] : memref<2x8x8x129xf32, #tpu.memory_space<vmem>> -> memref<1x8x8x129xf32, #tpu.memory_space<vmem>>
      %scatter3A_560 = tpu.memref_squeeze %scatter3A_559 : memref<1x8x8x129xf32, #tpu.memory_space<vmem>> -> memref<8x8x129xf32, #tpu.memory_space<vmem>>
      tpu.vector_store_idx %scatter3A_560[%shift_right_arithmetic3A_11, %and3A_34, %broadcast_in_dim3A_536], %get3A_555 : memref<8x8x129xf32, #tpu.memory_space<vmem>>[vector<16xi32>, vector<16xi32>, vector<16xi32>], vector<16xf32>,
      %get3A_561 = arith.constant 0 : i32
      %get3A_562 = arith.constant 0 : i32
      %get3A_563 = tpu.memref_slice %arg6[%scan3A_164, %get3A_561, %get3A_562] : memref<2x128x64xf32, #tpu.memory_space<vmem>> -> memref<1x128x64xf32, #tpu.memory_space<vmem>>
      %get3A_564 = tpu.memref_squeeze %get3A_563 : memref<1x128x64xf32, #tpu.memory_space<vmem>> -> memref<128x64xf32, #tpu.memory_space<vmem>>
      %get3A_565 = arith.index_cast %add3A_535 : i32 to index
      %get3A_566 = arith.constant 32 : index
      %get3A_567 = tpu.vector_load %get3A_564[%get3A_565, %get3A_566] {strides = array<i32>} : memref<128x64xf32, #tpu.memory_space<vmem>>, vector<16xf32>,
      %scatter3A_568 = arith.constant 0 : i32
      %scatter3A_569 = arith.constant 0 : i32
      %scatter3A_570 = arith.constant 0 : i32
      %scatter3A_571 = tpu.memref_slice %arg7[%scan3A_165, %scatter3A_568, %scatter3A_569, %scatter3A_570] : memref<2x8x8x129xf32, #tpu.memory_space<vmem>> -> memref<1x8x8x129xf32, #tpu.memory_space<vmem>>
      %scatter3A_572 = tpu.memref_squeeze %scatter3A_571 : memref<1x8x8x129xf32, #tpu.memory_space<vmem>> -> memref<8x8x129xf32, #tpu.memory_space<vmem>>
      tpu.vector_store_idx %scatter3A_572[%shift_right_arithmetic3A_17, %and3A_40, %broadcast_in_dim3A_536], %get3A_567 : memref<8x8x129xf32, #tpu.memory_space<vmem>>[vector<16xi32>, vector<16xi32>, vector<16xi32>], vector<16xf32>,
      %get3A_573 = arith.constant 0 : i32
      %get3A_574 = arith.constant 0 : i32
      %get3A_575 = tpu.memref_slice %arg6[%scan3A_164, %get3A_573, %get3A_574] : memref<2x128x64xf32, #tpu.memory_space<vmem>> -> memref<1x128x64xf32, #tpu.memory_space<vmem>>
      %get3A_576 = tpu.memref_squeeze %get3A_575 : memref<1x128x64xf32, #tpu.memory_space<vmem>> -> memref<128x64xf32, #tpu.memory_space<vmem>>
      %get3A_577 = arith.index_cast %add3A_535 : i32 to index
      %get3A_578 = arith.constant 48 : index
      %get3A_579 = tpu.vector_load %get3A_576[%get3A_577, %get3A_578] {strides = array<i32>} : memref<128x64xf32, #tpu.memory_space<vmem>>, vector<16xf32>,
      %scatter3A_580 = arith.constant 0 : i32
      %scatter3A_581 = arith.constant 0 : i32
      %scatter3A_582 = arith.constant 0 : i32
      %scatter3A_583 = tpu.memref_slice %arg7[%scan3A_165, %scatter3A_580, %scatter3A_581, %scatter3A_582] : memref<2x8x8x129xf32, #tpu.memory_space<vmem>> -> memref<1x8x8x129xf32, #tpu.memory_space<vmem>>
      %scatter3A_584 = tpu.memref_squeeze %scatter3A_583 : memref<1x8x8x129xf32, #tpu.memory_space<vmem>> -> memref<8x8x129xf32, #tpu.memory_space<vmem>>
      tpu.vector_store_idx %scatter3A_584[%shift_right_arithmetic3A_23, %and3A_46, %broadcast_in_dim3A_536], %get3A_579 : memref<8x8x129xf32, #tpu.memory_space<vmem>>[vector<16xi32>, vector<16xi32>, vector<16xi32>], vector<16xf32>,
      %mul3A_585 = arith.constant 4 : i32
      %mul3A_586 = arith.muli %scan3A_427, %mul3A_585 : i32
      %add3A_587 = arith.constant 3 : i32
      %add3A_588 = arith.addi %mul3A_586, %add3A_587 : i32
      %broadcast_in_dim3A_589 = vector.broadcast %add3A_588 : i32 to vector<16xi32>
      %get3A_590 = arith.constant 0 : i32
      %get3A_591 = arith.constant 0 : i32
      %get3A_592 = tpu.memref_slice %arg6[%scan3A_164, %get3A_590, %get3A_591] : memref<2x128x64xf32, #tpu.memory_space<vmem>> -> memref<1x128x64xf32, #tpu.memory_space<vmem>>
      %get3A_593 = tpu.memref_squeeze %get3A_592 : memref<1x128x64xf32, #tpu.memory_space<vmem>> -> memref<128x64xf32, #tpu.memory_space<vmem>>
      %get3A_594 = arith.index_cast %add3A_588 : i32 to index
      %get3A_595 = arith.constant 0 : index
      %get3A_596 = tpu.vector_load %get3A_593[%get3A_594, %get3A_595] {strides = array<i32>} : memref<128x64xf32, #tpu.memory_space<vmem>>, vector<16xf32>,
      %scatter3A_597 = arith.constant 0 : i32
      %scatter3A_598 = arith.constant 0 : i32
      %scatter3A_599 = arith.constant 0 : i32
      %scatter3A_600 = tpu.memref_slice %arg7[%scan3A_165, %scatter3A_597, %scatter3A_598, %scatter3A_599] : memref<2x8x8x129xf32, #tpu.memory_space<vmem>> -> memref<1x8x8x129xf32, #tpu.memory_space<vmem>>
      %scatter3A_601 = tpu.memref_squeeze %scatter3A_600 : memref<1x8x8x129xf32, #tpu.memory_space<vmem>> -> memref<8x8x129xf32, #tpu.memory_space<vmem>>
      tpu.vector_store_idx %scatter3A_601[%shift_right_arithmetic3A_5, %and3A_28, %broadcast_in_dim3A_589], %get3A_596 : memref<8x8x129xf32, #tpu.memory_space<vmem>>[vector<16xi32>, vector<16xi32>, vector<16xi32>], vector<16xf32>,
      %get3A_602 = arith.constant 0 : i32
      %get3A_603 = arith.constant 0 : i32
      %get3A_604 = tpu.memref_slice %arg6[%scan3A_164, %get3A_602, %get3A_603] : memref<2x128x64xf32, #tpu.memory_space<vmem>> -> memref<1x128x64xf32, #tpu.memory_space<vmem>>
      %get3A_605 = tpu.memref_squeeze %get3A_604 : memref<1x128x64xf32, #tpu.memory_space<vmem>> -> memref<128x64xf32, #tpu.memory_space<vmem>>
      %get3A_606 = arith.index_cast %add3A_588 : i32 to index
      %get3A_607 = arith.constant 16 : index
      %get3A_608 = tpu.vector_load %get3A_605[%get3A_606, %get3A_607] {strides = array<i32>} : memref<128x64xf32, #tpu.memory_space<vmem>>, vector<16xf32>,
      %scatter3A_609 = arith.constant 0 : i32
      %scatter3A_610 = arith.constant 0 : i32
      %scatter3A_611 = arith.constant 0 : i32
      %scatter3A_612 = tpu.memref_slice %arg7[%scan3A_165, %scatter3A_609, %scatter3A_610, %scatter3A_611] : memref<2x8x8x129xf32, #tpu.memory_space<vmem>> -> memref<1x8x8x129xf32, #tpu.memory_space<vmem>>
      %scatter3A_613 = tpu.memref_squeeze %scatter3A_612 : memref<1x8x8x129xf32, #tpu.memory_space<vmem>> -> memref<8x8x129xf32, #tpu.memory_space<vmem>>
      tpu.vector_store_idx %scatter3A_613[%shift_right_arithmetic3A_11, %and3A_34, %broadcast_in_dim3A_589], %get3A_608 : memref<8x8x129xf32, #tpu.memory_space<vmem>>[vector<16xi32>, vector<16xi32>, vector<16xi32>], vector<16xf32>,
      %get3A_614 = arith.constant 0 : i32
      %get3A_615 = arith.constant 0 : i32
      %get3A_616 = tpu.memref_slice %arg6[%scan3A_164, %get3A_614, %get3A_615] : memref<2x128x64xf32, #tpu.memory_space<vmem>> -> memref<1x128x64xf32, #tpu.memory_space<vmem>>
      %get3A_617 = tpu.memref_squeeze %get3A_616 : memref<1x128x64xf32, #tpu.memory_space<vmem>> -> memref<128x64xf32, #tpu.memory_space<vmem>>
      %get3A_618 = arith.index_cast %add3A_588 : i32 to index
      %get3A_619 = arith.constant 32 : index
      %get3A_620 = tpu.vector_load %get3A_617[%get3A_618, %get3A_619] {strides = array<i32>} : memref<128x64xf32, #tpu.memory_space<vmem>>, vector<16xf32>,
      %scatter3A_621 = arith.constant 0 : i32
      %scatter3A_622 = arith.constant 0 : i32
      %scatter3A_623 = arith.constant 0 : i32
      %scatter3A_624 = tpu.memref_slice %arg7[%scan3A_165, %scatter3A_621, %scatter3A_622, %scatter3A_623] : memref<2x8x8x129xf32, #tpu.memory_space<vmem>> -> memref<1x8x8x129xf32, #tpu.memory_space<vmem>>
      %scatter3A_625 = tpu.memref_squeeze %scatter3A_624 : memref<1x8x8x129xf32, #tpu.memory_space<vmem>> -> memref<8x8x129xf32, #tpu.memory_space<vmem>>
      tpu.vector_store_idx %scatter3A_625[%shift_right_arithmetic3A_17, %and3A_40, %broadcast_in_dim3A_589], %get3A_620 : memref<8x8x129xf32, #tpu.memory_space<vmem>>[vector<16xi32>, vector<16xi32>, vector<16xi32>], vector<16xf32>,
      %get3A_626 = arith.constant 0 : i32
      %get3A_627 = arith.constant 0 : i32
      %get3A_628 = tpu.memref_slice %arg6[%scan3A_164, %get3A_626, %get3A_627] : memref<2x128x64xf32, #tpu.memory_space<vmem>> -> memref<1x128x64xf32, #tpu.memory_space<vmem>>
      %get3A_629 = tpu.memref_squeeze %get3A_628 : memref<1x128x64xf32, #tpu.memory_space<vmem>> -> memref<128x64xf32, #tpu.memory_space<vmem>>
      %get3A_630 = arith.index_cast %add3A_588 : i32 to index
      %get3A_631 = arith.constant 48 : index
      %get3A_632 = tpu.vector_load %get3A_629[%get3A_630, %get3A_631] {strides = array<i32>} : memref<128x64xf32, #tpu.memory_space<vmem>>, vector<16xf32>,
      %scatter3A_633 = arith.constant 0 : i32
      %scatter3A_634 = arith.constant 0 : i32
      %scatter3A_635 = arith.constant 0 : i32
      %scatter3A_636 = tpu.memref_slice %arg7[%scan3A_165, %scatter3A_633, %scatter3A_634, %scatter3A_635] : memref<2x8x8x129xf32, #tpu.memory_space<vmem>> -> memref<1x8x8x129xf32, #tpu.memory_space<vmem>>
      %scatter3A_637 = tpu.memref_squeeze %scatter3A_636 : memref<1x8x8x129xf32, #tpu.memory_space<vmem>> -> memref<8x8x129xf32, #tpu.memory_space<vmem>>
      tpu.vector_store_idx %scatter3A_637[%shift_right_arithmetic3A_23, %and3A_46, %broadcast_in_dim3A_589], %get3A_632 : memref<8x8x129xf32, #tpu.memory_space<vmem>>[vector<16xi32>, vector<16xi32>, vector<16xi32>], vector<16xf32>,
      %scan3A_638 = arith.constant 0 : i32
      scf.yield %scan3A_638 : i32
    }
    %scan3A_172 = arith.constant 32 : i32
    %dma_start3A_173 = arith.constant 1 : i32
    %dma_start3A_174 = arith.constant 1 : i32
    %dma_start3A_175 = arith.constant 0 : i32
    %dma_start3A_176 = arith.constant 0 : i32
    %dma_start3A_177 = arith.constant 0 : i32
    %dma_start3A_178 = tpu.memref_slice %arg7[%dma_start3A_173, %dma_start3A_175, %dma_start3A_176, %dma_start3A_177] : memref<2x8x8x129xf32, #tpu.memory_space<vmem>> -> memref<1x8x8x129xf32, #tpu.memory_space<vmem>>
    %dma_start3A_179 = tpu.memref_squeeze %dma_start3A_178 : memref<1x8x8x129xf32, #tpu.memory_space<vmem>> -> memref<8x8x129xf32, #tpu.memory_space<vmem>>
    %dma_start3A_180 = arith.constant 0 : i32
    %dma_start3A_181 = arith.constant 0 : i32
    %dma_start3A_182 = arith.constant 0 : i32
    %dma_start3A_183 = tpu.memref_slice %dma_start3A_179[%dma_start3A_180, %dma_start3A_181, %dma_start3A_182] : memref<8x8x129xf32, #tpu.memory_space<vmem>> -> memref<8x8x128xf32, #tpu.memory_space<vmem>>
    %dma_start3A_184 = arith.constant 0 : i32
    %dma_start3A_185 = arith.constant 0 : i32
    %dma_start3A_186 = arith.constant 0 : i32
    %dma_start3A_187 = arith.constant 0 : i32
    %dma_start3A_188 = tpu.memref_slice %arg4[%dma_start3A_174, %dma_start3A_184, %dma_start3A_185, %dma_start3A_186, %dma_start3A_187] : memref<200x8x32x8x128xf32, #tpu.memory_space<hbm>> -> memref<1x8x32x8x128xf32, #tpu.memory_space<hbm>>
    %dma_start3A_189 = tpu.memref_squeeze %dma_start3A_188 : memref<1x8x32x8x128xf32, #tpu.memory_space<hbm>> -> memref<8x32x8x128xf32, #tpu.memory_space<hbm>>
    %dma_start3A_190 = arith.constant 0 : i32
    %dma_start3A_191 = arith.constant 0 : i32
    %dma_start3A_192 = arith.constant 0 : i32
    %dma_start3A_193 = tpu.memref_slice %dma_start3A_189[%dma_start3A_190, %add3A, %dma_start3A_191, %dma_start3A_192] : memref<8x32x8x128xf32, #tpu.memory_space<hbm>> -> memref<8x1x8x128xf32, #tpu.memory_space<hbm>>
    %dma_start3A_194 = tpu.memref_squeeze %dma_start3A_193 : memref<8x1x8x128xf32, #tpu.memory_space<hbm>> -> memref<8x8x128xf32, #tpu.memory_space<hbm>>
    %dma_start3A_195 = arith.constant 0 : i32
    %dma_start3A_196 = arith.constant 0 : i32
    %dma_start3A_197 = arith.constant 0 : i32
    %dma_start3A_198 = arith.constant 0 : i32
    %dma_start3A_199 = tpu.memref_slice %arg4[%dma_start3A_174, %dma_start3A_195, %dma_start3A_196, %dma_start3A_197, %dma_start3A_198] : memref<200x8x32x8x128xf32, #tpu.memory_space<hbm>> -> memref<1x8x32x8x128xf32, #tpu.memory_space<hbm>>
    %dma_start3A_200 = tpu.memref_squeeze %dma_start3A_199 : memref<1x8x32x8x128xf32, #tpu.memory_space<hbm>> -> memref<8x32x8x128xf32, #tpu.memory_space<hbm>>
    %dma_start3A_201 = arith.constant 0 : i32
    %dma_start3A_202 = arith.constant 0 : i32
    %dma_start3A_203 = arith.constant 0 : i32
    %dma_start3A_204 = tpu.memref_slice %dma_start3A_200[%dma_start3A_201, %add3A, %dma_start3A_202, %dma_start3A_203] : memref<8x32x8x128xf32, #tpu.memory_space<hbm>> -> memref<8x1x8x128xf32, #tpu.memory_space<hbm>>
    %dma_start3A_205 = tpu.memref_squeeze %dma_start3A_204 : memref<8x1x8x128xf32, #tpu.memory_space<hbm>> -> memref<8x8x128xf32, #tpu.memory_space<hbm>>
    %dma_start3A_206 = arith.constant 0 : i32
    %dma_start3A_207 = arith.constant 0 : i32
    %dma_start3A_208 = arith.constant 0 : i32
    %dma_start3A_209 = tpu.memref_slice %arg7[%dma_start3A_173, %dma_start3A_206, %dma_start3A_207, %dma_start3A_208] : memref<2x8x8x129xf32, #tpu.memory_space<vmem>> -> memref<1x8x8x129xf32, #tpu.memory_space<vmem>>
    %dma_start3A_210 = tpu.memref_squeeze %dma_start3A_209 : memref<1x8x8x129xf32, #tpu.memory_space<vmem>> -> memref<8x8x129xf32, #tpu.memory_space<vmem>>
    %dma_start3A_211 = arith.constant 0 : i32
    %dma_start3A_212 = arith.constant 0 : i32
    %dma_start3A_213 = arith.constant 0 : i32
    %dma_start3A_214 = tpu.memref_slice %dma_start3A_210[%dma_start3A_211, %dma_start3A_212, %dma_start3A_213] : memref<8x8x129xf32, #tpu.memory_space<vmem>> -> memref<8x8x128xf32, #tpu.memory_space<vmem>>
    tpu.enqueue_dma source(%dma_start3A_214 : memref<8x8x128xf32, #tpu.memory_space<vmem>>) target(%dma_start3A_205 : memref<8x8x128xf32, #tpu.memory_space<hbm>>) target_semaphore(%arg11 : memref<!tpu.dma_semaphore, #tpu.memory_space<semaphore_mem>>)
    %scan3A_215 = arith.constant 0 : i32
    %scan3A_216 = arith.constant 0 : i32
    %scan3A_217 = arith.constant 98 : i32
    %scan3A_218 = arith.addi %scan3A_216, %scan3A_217 : i32
    %scan3A_219 = arith.constant 1 : i32
    %scan3A_220 = scf.for %scan3A_427 = %scan3A_216 to %scan3A_218 step %scan3A_219 iter_args(%scan3A_428 = %scan3A_215) -> (i32)  : i32 {
      %mul3A_429 = arith.constant 2 : i32
      %mul3A_430 = arith.muli %mul3A_429, %scan3A_427 : i32
      %add3A_431 = arith.constant 2 : i32
      %add3A_432 = arith.addi %add3A_431, %mul3A_430 : i32
      %add3A_433 = arith.constant 0 : i32
      %add3A_434 = arith.addi %add3A_432, %add3A_433 : i32
      %add3A_435 = arith.constant 1 : i32
      %add3A_436 = arith.addi %add3A_434, %add3A_435 : i32
      %jit3A = arith.constant 8 : i32
      %div3A = arith.divsi %add3A_436, %jit3A : i32
      %sign3A = arith.constant 0 : i32
      %sign3A_437 = arith.cmpi sgt, %add3A_436, %sign3A : i32
      %sign3A_438 = arith.extui %sign3A_437 : i1 to i32
      %sign3A_439 = arith.constant 0 : i32
      %sign3A_440 = arith.cmpi slt, %add3A_436, %sign3A_439 : i32
      %sign3A_441 = arith.extui %sign3A_440 : i1 to i32
      %sign3A_442 = arith.subi %sign3A_438, %sign3A_441 : i32
      %sign3A_443 = arith.constant 0 : i32
      %sign3A_444 = arith.cmpi sgt, %jit3A, %sign3A_443 : i32
      %sign3A_445 = arith.extui %sign3A_444 : i1 to i32
      %sign3A_446 = arith.constant 0 : i32
      %sign3A_447 = arith.cmpi slt, %jit3A, %sign3A_446 : i32
      %sign3A_448 = arith.extui %sign3A_447 : i1 to i32
      %sign3A_449 = arith.subi %sign3A_445, %sign3A_448 : i32
      %ne3A = arith.cmpi ne, %sign3A_442, %sign3A_449 : i32
      %rem3A = arith.remsi %add3A_436, %jit3A : i32
      %ne3A_450 = arith.constant 0 : i32
      %ne3A_451 = arith.cmpi ne, %rem3A, %ne3A_450 : i32
      %and3A_452 = arith.andi %ne3A, %ne3A_451 : i1
      %sub3A = arith.constant 1 : i32
      %sub3A_453 = arith.subi %div3A, %sub3A : i32
      %select_n3A = arith.select %and3A_452, %sub3A_453, %div3A : i32
      %jit3A_454 = arith.constant 8 : i32
      %eq3A = arith.constant 0 : i32
      %eq3A_455 = arith.cmpi eq, %jit3A_454, %eq3A : i32
      %jit3A_456 = arith.constant 1 : i32
      %select_n3A_457 = arith.select %eq3A_455, %jit3A_456, %jit3A_454 : i32
      %rem3A_458 = arith.remsi %add3A_436, %select_n3A_457 : i32
      %ne3A_459 = arith.constant 0 : i32
      %ne3A_460 = arith.cmpi ne, %rem3A_458, %ne3A_459 : i32
      %lt3A = arith.constant 0 : i32
      %lt3A_461 = arith.cmpi slt, %rem3A_458, %lt3A : i32
      %lt3A_462 = arith.constant 0 : i32
      %lt3A_463 = arith.cmpi slt, %select_n3A_457, %lt3A_462 : i32
      %ne3A_464 = arith.xori %lt3A_461, %lt3A_463 : i1
      %and3A_465 = arith.andi %ne3A_464, %ne3A_460 : i1
      %add3A_466 = arith.addi %rem3A_458, %select_n3A_457 : i32
      %select_n3A_467 = arith.select %and3A_465, %add3A_466, %rem3A_458 : i32
      %dma_start3A_468 = arith.constant 1 : i32
      %dma_start3A_469 = arith.constant 0 : i32
      %dma_start3A_470 = arith.constant 0 : i32
      %dma_start3A_471 = tpu.memref_slice %arg6[%dma_start3A_468, %dma_start3A_469, %dma_start3A_470] : memref<2x128x64xf32, #tpu.memory_space<vmem>> -> memref<1x128x64xf32, #tpu.memory_space<vmem>>
      %dma_start3A_472 = tpu.memref_squeeze %dma_start3A_471 : memref<1x128x64xf32, #tpu.memory_space<vmem>> -> memref<128x64xf32, #tpu.memory_space<vmem>>
      %dma_start3A_473 = arith.constant 0 : i32
      %dma_start3A_474 = tpu.memref_slice %arg5[%select_n3A, %select_n3A_467, %dma_start3A_473] : memref<25x8x128xi32, #tpu.memory_space<vmem>> -> memref<1x1x128xi32, #tpu.memory_space<vmem>>
      %dma_start3A_475 = tpu.memref_squeeze %dma_start3A_474 : memref<1x1x128xi32, #tpu.memory_space<vmem>> -> memref<128xi32, #tpu.memory_space<vmem>>
      %dma_start3A_476 = arith.constant 0 : i32
      %dma_start3A_477 = arith.constant 0 : i32
      %dma_start3A_478 = tpu.memref_slice %arg2[%dma_start3A_476, %dma_start3A_477] : memref<100000x64xf32, #tpu.memory_space<hbm>> -> memref<100000x64xf32, #tpu.memory_space<hbm>>
      tpu.enqueue_indirect_dma source(%dma_start3A_478 : memref<100000x64xf32, #tpu.memory_space<hbm>>) target(%dma_start3A_472 : memref<128x64xf32, #tpu.memory_space<vmem>>) offsets(%dma_start3A_475 : memref<128xi32, #tpu.memory_space<vmem>>) semaphore(%arg9 : memref<!tpu.dma_semaphore, #tpu.memory_space<semaphore_mem>>)
      %dma_wait3A_479 = arith.constant 0 : i32
      %dma_wait3A_480 = arith.constant 0 : i32
      %dma_wait3A_481 = arith.constant 0 : i32
      %dma_wait3A_482 = tpu.memref_slice %arg6[%dma_wait3A_479, %dma_wait3A_480, %dma_wait3A_481] : memref<2x128x64xf32, #tpu.memory_space<vmem>> -> memref<1x128x64xf32, #tpu.memory_space<vmem>>
      %dma_wait3A_483 = tpu.memref_squeeze %dma_wait3A_482 : memref<1x128x64xf32, #tpu.memory_space<vmem>> -> memref<128x64xf32, #tpu.memory_space<vmem>>
      %dma_wait3A_484 = arith.constant 0 : i32
      %dma_wait3A_485 = arith.constant 0 : i32
      %dma_wait3A_486 = tpu.memref_slice %arg2[%dma_wait3A_484, %dma_wait3A_485] : memref<100000x64xf32, #tpu.memory_space<hbm>> -> memref<128x64xf32, #tpu.memory_space<hbm>>
      %dma_wait3A_487 = arith.constant 0 : i32
      %dma_wait3A_488 = arith.constant 0 : i32
      %dma_wait3A_489 = tpu.memref_slice %arg6[%dma_wait3A_479, %dma_wait3A_487, %dma_wait3A_488] : memref<2x128x64xf32, #tpu.memory_space<vmem>> -> memref<1x128x64xf32, #tpu.memory_space<vmem>>
      %dma_wait3A_490 = tpu.memref_squeeze %dma_wait3A_489 : memref<1x128x64xf32, #tpu.memory_space<vmem>> -> memref<128x64xf32, #tpu.memory_space<vmem>>
      %dma_wait3A_491 = arith.constant 0 : i32
      %dma_wait3A_492 = arith.constant 0 : i32
      %dma_wait3A_493 = tpu.memref_slice %arg2[%dma_wait3A_491, %dma_wait3A_492] : memref<100000x64xf32, #tpu.memory_space<hbm>> -> memref<128x64xf32, #tpu.memory_space<hbm>>
      tpu.wait_dma2 semaphore(%arg8 : memref<!tpu.dma_semaphore, #tpu.memory_space<semaphore_mem>>) src(%dma_wait3A_493 : memref<128x64xf32, #tpu.memory_space<hbm>>) dst(%dma_wait3A_490 : memref<128x64xf32, #tpu.memory_space<vmem>>)
      %dma_wait3A_494 = arith.constant 0 : i32
      %dma_wait3A_495 = arith.constant 0 : i32
      %dma_wait3A_496 = arith.constant 0 : i32
      %dma_wait3A_497 = tpu.memref_slice %arg6[%dma_wait3A_494, %dma_wait3A_495, %dma_wait3A_496] : memref<2x128x64xf32, #tpu.memory_space<vmem>> -> memref<1x128x64xf32, #tpu.memory_space<vmem>>
      %dma_wait3A_498 = tpu.memref_squeeze %dma_wait3A_497 : memref<1x128x64xf32, #tpu.memory_space<vmem>> -> memref<128x64xf32, #tpu.memory_space<vmem>>
      %dma_wait3A_499 = arith.constant 0 : i32
      %dma_wait3A_500 = arith.constant 0 : i32
      %dma_wait3A_501 = tpu.memref_slice %arg2[%dma_wait3A_499, %dma_wait3A_500] : memref<100000x64xf32, #tpu.memory_space<hbm>> -> memref<128x64xf32, #tpu.memory_space<hbm>>
      %dma_wait3A_502 = arith.constant 0 : i32
      %dma_wait3A_503 = arith.constant 0 : i32
      %dma_wait3A_504 = tpu.memref_slice %arg6[%dma_wait3A_494, %dma_wait3A_502, %dma_wait3A_503] : memref<2x128x64xf32, #tpu.memory_space<vmem>> -> memref<1x128x64xf32, #tpu.memory_space<vmem>>
      %dma_wait3A_505 = tpu.memref_squeeze %dma_wait3A_504 : memref<1x128x64xf32, #tpu.memory_space<vmem>> -> memref<128x64xf32, #tpu.memory_space<vmem>>
      %dma_wait3A_506 = arith.constant 0 : i32
      %dma_wait3A_507 = arith.constant 0 : i32
      %dma_wait3A_508 = tpu.memref_slice %arg2[%dma_wait3A_506, %dma_wait3A_507] : memref<100000x64xf32, #tpu.memory_space<hbm>> -> memref<128x64xf32, #tpu.memory_space<hbm>>
      tpu.wait_dma2 semaphore(%arg10 : memref<!tpu.dma_semaphore, #tpu.memory_space<semaphore_mem>>) src(%dma_wait3A_508 : memref<128x64xf32, #tpu.memory_space<hbm>>) dst(%dma_wait3A_505 : memref<128x64xf32, #tpu.memory_space<vmem>>)
      %scan3A_509 = arith.constant 0 : i32
      %scan3A_510 = arith.constant 0 : i32
      %scan3A_511 = arith.constant 0 : i32
      %scan3A_512 = arith.constant 0 : i32
      %scan3A_513 = arith.constant 32 : i32
      %scan3A_514 = arith.addi %scan3A_512, %scan3A_513 : i32
      %scan3A_515 = arith.constant 1 : i32
      %scan3A_516 = scf.for %scan3A_699 = %scan3A_512 to %scan3A_514 step %scan3A_515 iter_args(%scan3A_700 = %scan3A_511) -> (i32)  : i32 {
        %mul3A_701 = arith.constant 4 : i32
        %mul3A_702 = arith.muli %scan3A_699, %mul3A_701 : i32
        %add3A_703 = arith.constant 0 : i32
        %add3A_704 = arith.addi %mul3A_702, %add3A_703 : i32
        %broadcast_in_dim3A = vector.broadcast %add3A_704 : i32 to vector<16xi32>
        %get3A = arith.constant 0 : i32
        %get3A_705 = arith.constant 0 : i32
        %get3A_706 = tpu.memref_slice %arg6[%scan3A_509, %get3A, %get3A_705] : memref<2x128x64xf32, #tpu.memory_space<vmem>> -> memref<1x128x64xf32, #tpu.memory_space<vmem>>
        %get3A_707 = tpu.memref_squeeze %get3A_706 : memref<1x128x64xf32, #tpu.memory_space<vmem>> -> memref<128x64xf32, #tpu.memory_space<vmem>>
        %get3A_708 = arith.index_cast %add3A_704 : i32 to index
        %get3A_709 = arith.constant 0 : index
        %get3A_710 = tpu.vector_load %get3A_707[%get3A_708, %get3A_709] {strides = array<i32>} : memref<128x64xf32, #tpu.memory_space<vmem>>, vector<16xf32>,
        %scatter3A = arith.constant 0 : i32
        %scatter3A_711 = arith.constant 0 : i32
        %scatter3A_712 = arith.constant 0 : i32
        %scatter3A_713 = tpu.memref_slice %arg7[%scan3A_510, %scatter3A, %scatter3A_711, %scatter3A_712] : memref<2x8x8x129xf32, #tpu.memory_space<vmem>> -> memref<1x8x8x129xf32, #tpu.memory_space<vmem>>
        %scatter3A_714 = tpu.memref_squeeze %scatter3A_713 : memref<1x8x8x129xf32, #tpu.memory_space<vmem>> -> memref<8x8x129xf32, #tpu.memory_space<vmem>>
        tpu.vector_store_idx %scatter3A_714[%shift_right_arithmetic3A_5, %and3A_28, %broadcast_in_dim3A], %get3A_710 : memref<8x8x129xf32, #tpu.memory_space<vmem>>[vector<16xi32>, vector<16xi32>, vector<16xi32>], vector<16xf32>,
        %get3A_715 = arith.constant 0 : i32
        %get3A_716 = arith.constant 0 : i32
        %get3A_717 = tpu.memref_slice %arg6[%scan3A_509, %get3A_715, %get3A_716] : memref<2x128x64xf32, #tpu.memory_space<vmem>> -> memref<1x128x64xf32, #tpu.memory_space<vmem>>
        %get3A_718 = tpu.memref_squeeze %get3A_717 : memref<1x128x64xf32, #tpu.memory_space<vmem>> -> memref<128x64xf32, #tpu.memory_space<vmem>>
        %get3A_719 = arith.index_cast %add3A_704 : i32 to index
        %get3A_720 = arith.constant 16 : index
        %get3A_721 = tpu.vector_load %get3A_718[%get3A_719, %get3A_720] {strides = array<i32>} : memref<128x64xf32, #tpu.memory_space<vmem>>, vector<16xf32>,
        %scatter3A_722 = arith.constant 0 : i32
        %scatter3A_723 = arith.constant 0 : i32
        %scatter3A_724 = arith.constant 0 : i32
        %scatter3A_725 = tpu.memref_slice %arg7[%scan3A_510, %scatter3A_722, %scatter3A_723, %scatter3A_724] : memref<2x8x8x129xf32, #tpu.memory_space<vmem>> -> memref<1x8x8x129xf32, #tpu.memory_space<vmem>>
        %scatter3A_726 = tpu.memref_squeeze %scatter3A_725 : memref<1x8x8x129xf32, #tpu.memory_space<vmem>> -> memref<8x8x129xf32, #tpu.memory_space<vmem>>
        tpu.vector_store_idx %scatter3A_726[%shift_right_arithmetic3A_11, %and3A_34, %broadcast_in_dim3A], %get3A_721 : memref<8x8x129xf32, #tpu.memory_space<vmem>>[vector<16xi32>, vector<16xi32>, vector<16xi32>], vector<16xf32>,
        %get3A_727 = arith.constant 0 : i32
        %get3A_728 = arith.constant 0 : i32
        %get3A_729 = tpu.memref_slice %arg6[%scan3A_509, %get3A_727, %get3A_728] : memref<2x128x64xf32, #tpu.memory_space<vmem>> -> memref<1x128x64xf32, #tpu.memory_space<vmem>>
        %get3A_730 = tpu.memref_squeeze %get3A_729 : memref<1x128x64xf32, #tpu.memory_space<vmem>> -> memref<128x64xf32, #tpu.memory_space<vmem>>
        %get3A_731 = arith.index_cast %add3A_704 : i32 to index
        %get3A_732 = arith.constant 32 : index
        %get3A_733 = tpu.vector_load %get3A_730[%get3A_731, %get3A_732] {strides = array<i32>} : memref<128x64xf32, #tpu.memory_space<vmem>>, vector<16xf32>,
        %scatter3A_734 = arith.constant 0 : i32
        %scatter3A_735 = arith.constant 0 : i32
        %scatter3A_736 = arith.constant 0 : i32
        %scatter3A_737 = tpu.memref_slice %arg7[%scan3A_510, %scatter3A_734, %scatter3A_735, %scatter3A_736] : memref<2x8x8x129xf32, #tpu.memory_space<vmem>> -> memref<1x8x8x129xf32, #tpu.memory_space<vmem>>
        %scatter3A_738 = tpu.memref_squeeze %scatter3A_737 : memref<1x8x8x129xf32, #tpu.memory_space<vmem>> -> memref<8x8x129xf32, #tpu.memory_space<vmem>>
        tpu.vector_store_idx %scatter3A_738[%shift_right_arithmetic3A_17, %and3A_40, %broadcast_in_dim3A], %get3A_733 : memref<8x8x129xf32, #tpu.memory_space<vmem>>[vector<16xi32>, vector<16xi32>, vector<16xi32>], vector<16xf32>,
        %get3A_739 = arith.constant 0 : i32
        %get3A_740 = arith.constant 0 : i32
        %get3A_741 = tpu.memref_slice %arg6[%scan3A_509, %get3A_739, %get3A_740] : memref<2x128x64xf32, #tpu.memory_space<vmem>> -> memref<1x128x64xf32, #tpu.memory_space<vmem>>
        %get3A_742 = tpu.memref_squeeze %get3A_741 : memref<1x128x64xf32, #tpu.memory_space<vmem>> -> memref<128x64xf32, #tpu.memory_space<vmem>>
        %get3A_743 = arith.index_cast %add3A_704 : i32 to index
        %get3A_744 = arith.constant 48 : index
        %get3A_745 = tpu.vector_load %get3A_742[%get3A_743, %get3A_744] {strides = array<i32>} : memref<128x64xf32, #tpu.memory_space<vmem>>, vector<16xf32>,
        %scatter3A_746 = arith.constant 0 : i32
        %scatter3A_747 = arith.constant 0 : i32
        %scatter3A_748 = arith.constant 0 : i32
        %scatter3A_749 = tpu.memref_slice %arg7[%scan3A_510, %scatter3A_746, %scatter3A_747, %scatter3A_748] : memref<2x8x8x129xf32, #tpu.memory_space<vmem>> -> memref<1x8x8x129xf32, #tpu.memory_space<vmem>>
        %scatter3A_750 = tpu.memref_squeeze %scatter3A_749 : memref<1x8x8x129xf32, #tpu.memory_space<vmem>> -> memref<8x8x129xf32, #tpu.memory_space<vmem>>
        tpu.vector_store_idx %scatter3A_750[%shift_right_arithmetic3A_23, %and3A_46, %broadcast_in_dim3A], %get3A_745 : memref<8x8x129xf32, #tpu.memory_space<vmem>>[vector<16xi32>, vector<16xi32>, vector<16xi32>], vector<16xf32>,
        %mul3A_751 = arith.constant 4 : i32
        %mul3A_752 = arith.muli %scan3A_699, %mul3A_751 : i32
        %add3A_753 = arith.constant 1 : i32
        %add3A_754 = arith.addi %mul3A_752, %add3A_753 : i32
        %broadcast_in_dim3A_755 = vector.broadcast %add3A_754 : i32 to vector<16xi32>
        %get3A_756 = arith.constant 0 : i32
        %get3A_757 = arith.constant 0 : i32
        %get3A_758 = tpu.memref_slice %arg6[%scan3A_509, %get3A_756, %get3A_757] : memref<2x128x64xf32, #tpu.memory_space<vmem>> -> memref<1x128x64xf32, #tpu.memory_space<vmem>>
        %get3A_759 = tpu.memref_squeeze %get3A_758 : memref<1x128x64xf32, #tpu.memory_space<vmem>> -> memref<128x64xf32, #tpu.memory_space<vmem>>
        %get3A_760 = arith.index_cast %add3A_754 : i32 to index
        %get3A_761 = arith.constant 0 : index
        %get3A_762 = tpu.vector_load %get3A_759[%get3A_760, %get3A_761] {strides = array<i32>} : memref<128x64xf32, #tpu.memory_space<vmem>>, vector<16xf32>,
        %scatter3A_763 = arith.constant 0 : i32
        %scatter3A_764 = arith.constant 0 : i32
        %scatter3A_765 = arith.constant 0 : i32
        %scatter3A_766 = tpu.memref_slice %arg7[%scan3A_510, %scatter3A_763, %scatter3A_764, %scatter3A_765] : memref<2x8x8x129xf32, #tpu.memory_space<vmem>> -> memref<1x8x8x129xf32, #tpu.memory_space<vmem>>
        %scatter3A_767 = tpu.memref_squeeze %scatter3A_766 : memref<1x8x8x129xf32, #tpu.memory_space<vmem>> -> memref<8x8x129xf32, #tpu.memory_space<vmem>>
        tpu.vector_store_idx %scatter3A_767[%shift_right_arithmetic3A_5, %and3A_28, %broadcast_in_dim3A_755], %get3A_762 : memref<8x8x129xf32, #tpu.memory_space<vmem>>[vector<16xi32>, vector<16xi32>, vector<16xi32>], vector<16xf32>,
        %get3A_768 = arith.constant 0 : i32
        %get3A_769 = arith.constant 0 : i32
        %get3A_770 = tpu.memref_slice %arg6[%scan3A_509, %get3A_768, %get3A_769] : memref<2x128x64xf32, #tpu.memory_space<vmem>> -> memref<1x128x64xf32, #tpu.memory_space<vmem>>
        %get3A_771 = tpu.memref_squeeze %get3A_770 : memref<1x128x64xf32, #tpu.memory_space<vmem>> -> memref<128x64xf32, #tpu.memory_space<vmem>>
        %get3A_772 = arith.index_cast %add3A_754 : i32 to index
        %get3A_773 = arith.constant 16 : index
        %get3A_774 = tpu.vector_load %get3A_771[%get3A_772, %get3A_773] {strides = array<i32>} : memref<128x64xf32, #tpu.memory_space<vmem>>, vector<16xf32>,
        %scatter3A_775 = arith.constant 0 : i32
        %scatter3A_776 = arith.constant 0 : i32
        %scatter3A_777 = arith.constant 0 : i32
        %scatter3A_778 = tpu.memref_slice %arg7[%scan3A_510, %scatter3A_775, %scatter3A_776, %scatter3A_777] : memref<2x8x8x129xf32, #tpu.memory_space<vmem>> -> memref<1x8x8x129xf32, #tpu.memory_space<vmem>>
        %scatter3A_779 = tpu.memref_squeeze %scatter3A_778 : memref<1x8x8x129xf32, #tpu.memory_space<vmem>> -> memref<8x8x129xf32, #tpu.memory_space<vmem>>
        tpu.vector_store_idx %scatter3A_779[%shift_right_arithmetic3A_11, %and3A_34, %broadcast_in_dim3A_755], %get3A_774 : memref<8x8x129xf32, #tpu.memory_space<vmem>>[vector<16xi32>, vector<16xi32>, vector<16xi32>], vector<16xf32>,
        %get3A_780 = arith.constant 0 : i32
        %get3A_781 = arith.constant 0 : i32
        %get3A_782 = tpu.memref_slice %arg6[%scan3A_509, %get3A_780, %get3A_781] : memref<2x128x64xf32, #tpu.memory_space<vmem>> -> memref<1x128x64xf32, #tpu.memory_space<vmem>>
        %get3A_783 = tpu.memref_squeeze %get3A_782 : memref<1x128x64xf32, #tpu.memory_space<vmem>> -> memref<128x64xf32, #tpu.memory_space<vmem>>
        %get3A_784 = arith.index_cast %add3A_754 : i32 to index
        %get3A_785 = arith.constant 32 : index
        %get3A_786 = tpu.vector_load %get3A_783[%get3A_784, %get3A_785] {strides = array<i32>} : memref<128x64xf32, #tpu.memory_space<vmem>>, vector<16xf32>,
        %scatter3A_787 = arith.constant 0 : i32
        %scatter3A_788 = arith.constant 0 : i32
        %scatter3A_789 = arith.constant 0 : i32
        %scatter3A_790 = tpu.memref_slice %arg7[%scan3A_510, %scatter3A_787, %scatter3A_788, %scatter3A_789] : memref<2x8x8x129xf32, #tpu.memory_space<vmem>> -> memref<1x8x8x129xf32, #tpu.memory_space<vmem>>
        %scatter3A_791 = tpu.memref_squeeze %scatter3A_790 : memref<1x8x8x129xf32, #tpu.memory_space<vmem>> -> memref<8x8x129xf32, #tpu.memory_space<vmem>>
        tpu.vector_store_idx %scatter3A_791[%shift_right_arithmetic3A_17, %and3A_40, %broadcast_in_dim3A_755], %get3A_786 : memref<8x8x129xf32, #tpu.memory_space<vmem>>[vector<16xi32>, vector<16xi32>, vector<16xi32>], vector<16xf32>,
        %get3A_792 = arith.constant 0 : i32
        %get3A_793 = arith.constant 0 : i32
        %get3A_794 = tpu.memref_slice %arg6[%scan3A_509, %get3A_792, %get3A_793] : memref<2x128x64xf32, #tpu.memory_space<vmem>> -> memref<1x128x64xf32, #tpu.memory_space<vmem>>
        %get3A_795 = tpu.memref_squeeze %get3A_794 : memref<1x128x64xf32, #tpu.memory_space<vmem>> -> memref<128x64xf32, #tpu.memory_space<vmem>>
        %get3A_796 = arith.index_cast %add3A_754 : i32 to index
        %get3A_797 = arith.constant 48 : index
        %get3A_798 = tpu.vector_load %get3A_795[%get3A_796, %get3A_797] {strides = array<i32>} : memref<128x64xf32, #tpu.memory_space<vmem>>, vector<16xf32>,
        %scatter3A_799 = arith.constant 0 : i32
        %scatter3A_800 = arith.constant 0 : i32
        %scatter3A_801 = arith.constant 0 : i32
        %scatter3A_802 = tpu.memref_slice %arg7[%scan3A_510, %scatter3A_799, %scatter3A_800, %scatter3A_801] : memref<2x8x8x129xf32, #tpu.memory_space<vmem>> -> memref<1x8x8x129xf32, #tpu.memory_space<vmem>>
        %scatter3A_803 = tpu.memref_squeeze %scatter3A_802 : memref<1x8x8x129xf32, #tpu.memory_space<vmem>> -> memref<8x8x129xf32, #tpu.memory_space<vmem>>
        tpu.vector_store_idx %scatter3A_803[%shift_right_arithmetic3A_23, %and3A_46, %broadcast_in_dim3A_755], %get3A_798 : memref<8x8x129xf32, #tpu.memory_space<vmem>>[vector<16xi32>, vector<16xi32>, vector<16xi32>], vector<16xf32>,
        %mul3A_804 = arith.constant 4 : i32
        %mul3A_805 = arith.muli %scan3A_699, %mul3A_804 : i32
        %add3A_806 = arith.constant 2 : i32
        %add3A_807 = arith.addi %mul3A_805, %add3A_806 : i32
        %broadcast_in_dim3A_808 = vector.broadcast %add3A_807 : i32 to vector<16xi32>
        %get3A_809 = arith.constant 0 : i32
        %get3A_810 = arith.constant 0 : i32
        %get3A_811 = tpu.memref_slice %arg6[%scan3A_509, %get3A_809, %get3A_810] : memref<2x128x64xf32, #tpu.memory_space<vmem>> -> memref<1x128x64xf32, #tpu.memory_space<vmem>>
        %get3A_812 = tpu.memref_squeeze %get3A_811 : memref<1x128x64xf32, #tpu.memory_space<vmem>> -> memref<128x64xf32, #tpu.memory_space<vmem>>
        %get3A_813 = arith.index_cast %add3A_807 : i32 to index
        %get3A_814 = arith.constant 0 : index
        %get3A_815 = tpu.vector_load %get3A_812[%get3A_813, %get3A_814] {strides = array<i32>} : memref<128x64xf32, #tpu.memory_space<vmem>>, vector<16xf32>,
        %scatter3A_816 = arith.constant 0 : i32
        %scatter3A_817 = arith.constant 0 : i32
        %scatter3A_818 = arith.constant 0 : i32
        %scatter3A_819 = tpu.memref_slice %arg7[%scan3A_510, %scatter3A_816, %scatter3A_817, %scatter3A_818] : memref<2x8x8x129xf32, #tpu.memory_space<vmem>> -> memref<1x8x8x129xf32, #tpu.memory_space<vmem>>
        %scatter3A_820 = tpu.memref_squeeze %scatter3A_819 : memref<1x8x8x129xf32, #tpu.memory_space<vmem>> -> memref<8x8x129xf32, #tpu.memory_space<vmem>>
        tpu.vector_store_idx %scatter3A_820[%shift_right_arithmetic3A_5, %and3A_28, %broadcast_in_dim3A_808], %get3A_815 : memref<8x8x129xf32, #tpu.memory_space<vmem>>[vector<16xi32>, vector<16xi32>, vector<16xi32>], vector<16xf32>,
        %get3A_821 = arith.constant 0 : i32
        %get3A_822 = arith.constant 0 : i32
        %get3A_823 = tpu.memref_slice %arg6[%scan3A_509, %get3A_821, %get3A_822] : memref<2x128x64xf32, #tpu.memory_space<vmem>> -> memref<1x128x64xf32, #tpu.memory_space<vmem>>
        %get3A_824 = tpu.memref_squeeze %get3A_823 : memref<1x128x64xf32, #tpu.memory_space<vmem>> -> memref<128x64xf32, #tpu.memory_space<vmem>>
        %get3A_825 = arith.index_cast %add3A_807 : i32 to index
        %get3A_826 = arith.constant 16 : index
        %get3A_827 = tpu.vector_load %get3A_824[%get3A_825, %get3A_826] {strides = array<i32>} : memref<128x64xf32, #tpu.memory_space<vmem>>, vector<16xf32>,
        %scatter3A_828 = arith.constant 0 : i32
        %scatter3A_829 = arith.constant 0 : i32
        %scatter3A_830 = arith.constant 0 : i32
        %scatter3A_831 = tpu.memref_slice %arg7[%scan3A_510, %scatter3A_828, %scatter3A_829, %scatter3A_830] : memref<2x8x8x129xf32, #tpu.memory_space<vmem>> -> memref<1x8x8x129xf32, #tpu.memory_space<vmem>>
        %scatter3A_832 = tpu.memref_squeeze %scatter3A_831 : memref<1x8x8x129xf32, #tpu.memory_space<vmem>> -> memref<8x8x129xf32, #tpu.memory_space<vmem>>
        tpu.vector_store_idx %scatter3A_832[%shift_right_arithmetic3A_11, %and3A_34, %broadcast_in_dim3A_808], %get3A_827 : memref<8x8x129xf32, #tpu.memory_space<vmem>>[vector<16xi32>, vector<16xi32>, vector<16xi32>], vector<16xf32>,
        %get3A_833 = arith.constant 0 : i32
        %get3A_834 = arith.constant 0 : i32
        %get3A_835 = tpu.memref_slice %arg6[%scan3A_509, %get3A_833, %get3A_834] : memref<2x128x64xf32, #tpu.memory_space<vmem>> -> memref<1x128x64xf32, #tpu.memory_space<vmem>>
        %get3A_836 = tpu.memref_squeeze %get3A_835 : memref<1x128x64xf32, #tpu.memory_space<vmem>> -> memref<128x64xf32, #tpu.memory_space<vmem>>
        %get3A_837 = arith.index_cast %add3A_807 : i32 to index
        %get3A_838 = arith.constant 32 : index
        %get3A_839 = tpu.vector_load %get3A_836[%get3A_837, %get3A_838] {strides = array<i32>} : memref<128x64xf32, #tpu.memory_space<vmem>>, vector<16xf32>,
        %scatter3A_840 = arith.constant 0 : i32
        %scatter3A_841 = arith.constant 0 : i32
        %scatter3A_842 = arith.constant 0 : i32
        %scatter3A_843 = tpu.memref_slice %arg7[%scan3A_510, %scatter3A_840, %scatter3A_841, %scatter3A_842] : memref<2x8x8x129xf32, #tpu.memory_space<vmem>> -> memref<1x8x8x129xf32, #tpu.memory_space<vmem>>
        %scatter3A_844 = tpu.memref_squeeze %scatter3A_843 : memref<1x8x8x129xf32, #tpu.memory_space<vmem>> -> memref<8x8x129xf32, #tpu.memory_space<vmem>>
        tpu.vector_store_idx %scatter3A_844[%shift_right_arithmetic3A_17, %and3A_40, %broadcast_in_dim3A_808], %get3A_839 : memref<8x8x129xf32, #tpu.memory_space<vmem>>[vector<16xi32>, vector<16xi32>, vector<16xi32>], vector<16xf32>,
        %get3A_845 = arith.constant 0 : i32
        %get3A_846 = arith.constant 0 : i32
        %get3A_847 = tpu.memref_slice %arg6[%scan3A_509, %get3A_845, %get3A_846] : memref<2x128x64xf32, #tpu.memory_space<vmem>> -> memref<1x128x64xf32, #tpu.memory_space<vmem>>
        %get3A_848 = tpu.memref_squeeze %get3A_847 : memref<1x128x64xf32, #tpu.memory_space<vmem>> -> memref<128x64xf32, #tpu.memory_space<vmem>>
        %get3A_849 = arith.index_cast %add3A_807 : i32 to index
        %get3A_850 = arith.constant 48 : index
        %get3A_851 = tpu.vector_load %get3A_848[%get3A_849, %get3A_850] {strides = array<i32>} : memref<128x64xf32, #tpu.memory_space<vmem>>, vector<16xf32>,
        %scatter3A_852 = arith.constant 0 : i32
        %scatter3A_853 = arith.constant 0 : i32
        %scatter3A_854 = arith.constant 0 : i32
        %scatter3A_855 = tpu.memref_slice %arg7[%scan3A_510, %scatter3A_852, %scatter3A_853, %scatter3A_854] : memref<2x8x8x129xf32, #tpu.memory_space<vmem>> -> memref<1x8x8x129xf32, #tpu.memory_space<vmem>>
        %scatter3A_856 = tpu.memref_squeeze %scatter3A_855 : memref<1x8x8x129xf32, #tpu.memory_space<vmem>> -> memref<8x8x129xf32, #tpu.memory_space<vmem>>
        tpu.vector_store_idx %scatter3A_856[%shift_right_arithmetic3A_23, %and3A_46, %broadcast_in_dim3A_808], %get3A_851 : memref<8x8x129xf32, #tpu.memory_space<vmem>>[vector<16xi32>, vector<16xi32>, vector<16xi32>], vector<16xf32>,
        %mul3A_857 = arith.constant 4 : i32
        %mul3A_858 = arith.muli %scan3A_699, %mul3A_857 : i32
        %add3A_859 = arith.constant 3 : i32
        %add3A_860 = arith.addi %mul3A_858, %add3A_859 : i32
        %broadcast_in_dim3A_861 = vector.broadcast %add3A_860 : i32 to vector<16xi32>
        %get3A_862 = arith.constant 0 : i32
        %get3A_863 = arith.constant 0 : i32
        %get3A_864 = tpu.memref_slice %arg6[%scan3A_509, %get3A_862, %get3A_863] : memref<2x128x64xf32, #tpu.memory_space<vmem>> -> memref<1x128x64xf32, #tpu.memory_space<vmem>>
        %get3A_865 = tpu.memref_squeeze %get3A_864 : memref<1x128x64xf32, #tpu.memory_space<vmem>> -> memref<128x64xf32, #tpu.memory_space<vmem>>
        %get3A_866 = arith.index_cast %add3A_860 : i32 to index
        %get3A_867 = arith.constant 0 : index
        %get3A_868 = tpu.vector_load %get3A_865[%get3A_866, %get3A_867] {strides = array<i32>} : memref<128x64xf32, #tpu.memory_space<vmem>>, vector<16xf32>,
        %scatter3A_869 = arith.constant 0 : i32
        %scatter3A_870 = arith.constant 0 : i32
        %scatter3A_871 = arith.constant 0 : i32
        %scatter3A_872 = tpu.memref_slice %arg7[%scan3A_510, %scatter3A_869, %scatter3A_870, %scatter3A_871] : memref<2x8x8x129xf32, #tpu.memory_space<vmem>> -> memref<1x8x8x129xf32, #tpu.memory_space<vmem>>
        %scatter3A_873 = tpu.memref_squeeze %scatter3A_872 : memref<1x8x8x129xf32, #tpu.memory_space<vmem>> -> memref<8x8x129xf32, #tpu.memory_space<vmem>>
        tpu.vector_store_idx %scatter3A_873[%shift_right_arithmetic3A_5, %and3A_28, %broadcast_in_dim3A_861], %get3A_868 : memref<8x8x129xf32, #tpu.memory_space<vmem>>[vector<16xi32>, vector<16xi32>, vector<16xi32>], vector<16xf32>,
        %get3A_874 = arith.constant 0 : i32
        %get3A_875 = arith.constant 0 : i32
        %get3A_876 = tpu.memref_slice %arg6[%scan3A_509, %get3A_874, %get3A_875] : memref<2x128x64xf32, #tpu.memory_space<vmem>> -> memref<1x128x64xf32, #tpu.memory_space<vmem>>
        %get3A_877 = tpu.memref_squeeze %get3A_876 : memref<1x128x64xf32, #tpu.memory_space<vmem>> -> memref<128x64xf32, #tpu.memory_space<vmem>>
        %get3A_878 = arith.index_cast %add3A_860 : i32 to index
        %get3A_879 = arith.constant 16 : index
        %get3A_880 = tpu.vector_load %get3A_877[%get3A_878, %get3A_879] {strides = array<i32>} : memref<128x64xf32, #tpu.memory_space<vmem>>, vector<16xf32>,
        %scatter3A_881 = arith.constant 0 : i32
        %scatter3A_882 = arith.constant 0 : i32
        %scatter3A_883 = arith.constant 0 : i32
        %scatter3A_884 = tpu.memref_slice %arg7[%scan3A_510, %scatter3A_881, %scatter3A_882, %scatter3A_883] : memref<2x8x8x129xf32, #tpu.memory_space<vmem>> -> memref<1x8x8x129xf32, #tpu.memory_space<vmem>>
        %scatter3A_885 = tpu.memref_squeeze %scatter3A_884 : memref<1x8x8x129xf32, #tpu.memory_space<vmem>> -> memref<8x8x129xf32, #tpu.memory_space<vmem>>
        tpu.vector_store_idx %scatter3A_885[%shift_right_arithmetic3A_11, %and3A_34, %broadcast_in_dim3A_861], %get3A_880 : memref<8x8x129xf32, #tpu.memory_space<vmem>>[vector<16xi32>, vector<16xi32>, vector<16xi32>], vector<16xf32>,
        %get3A_886 = arith.constant 0 : i32
        %get3A_887 = arith.constant 0 : i32
        %get3A_888 = tpu.memref_slice %arg6[%scan3A_509, %get3A_886, %get3A_887] : memref<2x128x64xf32, #tpu.memory_space<vmem>> -> memref<1x128x64xf32, #tpu.memory_space<vmem>>
        %get3A_889 = tpu.memref_squeeze %get3A_888 : memref<1x128x64xf32, #tpu.memory_space<vmem>> -> memref<128x64xf32, #tpu.memory_space<vmem>>
        %get3A_890 = arith.index_cast %add3A_860 : i32 to index
        %get3A_891 = arith.constant 32 : index
        %get3A_892 = tpu.vector_load %get3A_889[%get3A_890, %get3A_891] {strides = array<i32>} : memref<128x64xf32, #tpu.memory_space<vmem>>, vector<16xf32>,
        %scatter3A_893 = arith.constant 0 : i32
        %scatter3A_894 = arith.constant 0 : i32
        %scatter3A_895 = arith.constant 0 : i32
        %scatter3A_896 = tpu.memref_slice %arg7[%scan3A_510, %scatter3A_893, %scatter3A_894, %scatter3A_895] : memref<2x8x8x129xf32, #tpu.memory_space<vmem>> -> memref<1x8x8x129xf32, #tpu.memory_space<vmem>>
        %scatter3A_897 = tpu.memref_squeeze %scatter3A_896 : memref<1x8x8x129xf32, #tpu.memory_space<vmem>> -> memref<8x8x129xf32, #tpu.memory_space<vmem>>
        tpu.vector_store_idx %scatter3A_897[%shift_right_arithmetic3A_17, %and3A_40, %broadcast_in_dim3A_861], %get3A_892 : memref<8x8x129xf32, #tpu.memory_space<vmem>>[vector<16xi32>, vector<16xi32>, vector<16xi32>], vector<16xf32>,
        %get3A_898 = arith.constant 0 : i32
        %get3A_899 = arith.constant 0 : i32
        %get3A_900 = tpu.memref_slice %arg6[%scan3A_509, %get3A_898, %get3A_899] : memref<2x128x64xf32, #tpu.memory_space<vmem>> -> memref<1x128x64xf32, #tpu.memory_space<vmem>>
        %get3A_901 = tpu.memref_squeeze %get3A_900 : memref<1x128x64xf32, #tpu.memory_space<vmem>> -> memref<128x64xf32, #tpu.memory_space<vmem>>
        %get3A_902 = arith.index_cast %add3A_860 : i32 to index
        %get3A_903 = arith.constant 48 : index
        %get3A_904 = tpu.vector_load %get3A_901[%get3A_902, %get3A_903] {strides = array<i32>} : memref<128x64xf32, #tpu.memory_space<vmem>>, vector<16xf32>,
        %scatter3A_905 = arith.constant 0 : i32
        %scatter3A_906 = arith.constant 0 : i32
        %scatter3A_907 = arith.constant 0 : i32
        %scatter3A_908 = tpu.memref_slice %arg7[%scan3A_510, %scatter3A_905, %scatter3A_906, %scatter3A_907] : memref<2x8x8x129xf32, #tpu.memory_space<vmem>> -> memref<1x8x8x129xf32, #tpu.memory_space<vmem>>
        %scatter3A_909 = tpu.memref_squeeze %scatter3A_908 : memref<1x8x8x129xf32, #tpu.memory_space<vmem>> -> memref<8x8x129xf32, #tpu.memory_space<vmem>>
        tpu.vector_store_idx %scatter3A_909[%shift_right_arithmetic3A_23, %and3A_46, %broadcast_in_dim3A_861], %get3A_904 : memref<8x8x129xf32, #tpu.memory_space<vmem>>[vector<16xi32>, vector<16xi32>, vector<16xi32>], vector<16xf32>,
        %scan3A_910 = arith.constant 0 : i32
        scf.yield %scan3A_910 : i32
      }
      %scan3A_517 = arith.constant 32 : i32
      %dma_start3A_518 = arith.constant 0 : i32
      %dma_start3A_519 = arith.constant 0 : i32
      %dma_start3A_520 = arith.constant 0 : i32
      %dma_start3A_521 = arith.constant 0 : i32
      %dma_start3A_522 = tpu.memref_slice %arg7[%dma_start3A_518, %dma_start3A_519, %dma_start3A_520, %dma_start3A_521] : memref<2x8x8x129xf32, #tpu.memory_space<vmem>> -> memref<1x8x8x129xf32, #tpu.memory_space<vmem>>
      %dma_start3A_523 = tpu.memref_squeeze %dma_start3A_522 : memref<1x8x8x129xf32, #tpu.memory_space<vmem>> -> memref<8x8x129xf32, #tpu.memory_space<vmem>>
      %dma_start3A_524 = arith.constant 0 : i32
      %dma_start3A_525 = arith.constant 0 : i32
      %dma_start3A_526 = arith.constant 0 : i32
      %dma_start3A_527 = tpu.memref_slice %dma_start3A_523[%dma_start3A_524, %dma_start3A_525, %dma_start3A_526] : memref<8x8x129xf32, #tpu.memory_space<vmem>> -> memref<8x8x128xf32, #tpu.memory_space<vmem>>
      %dma_start3A_528 = arith.constant 0 : i32
      %dma_start3A_529 = arith.constant 0 : i32
      %dma_start3A_530 = arith.constant 0 : i32
      %dma_start3A_531 = arith.constant 0 : i32
      %dma_start3A_532 = tpu.memref_slice %arg4[%add3A_434, %dma_start3A_528, %dma_start3A_529, %dma_start3A_530, %dma_start3A_531] : memref<200x8x32x8x128xf32, #tpu.memory_space<hbm>> -> memref<1x8x32x8x128xf32, #tpu.memory_space<hbm>>
      %dma_start3A_533 = tpu.memref_squeeze %dma_start3A_532 : memref<1x8x32x8x128xf32, #tpu.memory_space<hbm>> -> memref<8x32x8x128xf32, #tpu.memory_space<hbm>>
      %dma_start3A_534 = arith.constant 0 : i32
      %dma_start3A_535 = arith.constant 0 : i32
      %dma_start3A_536 = arith.constant 0 : i32
      %dma_start3A_537 = tpu.memref_slice %dma_start3A_533[%dma_start3A_534, %add3A, %dma_start3A_535, %dma_start3A_536] : memref<8x32x8x128xf32, #tpu.memory_space<hbm>> -> memref<8x1x8x128xf32, #tpu.memory_space<hbm>>
      %dma_start3A_538 = tpu.memref_squeeze %dma_start3A_537 : memref<8x1x8x128xf32, #tpu.memory_space<hbm>> -> memref<8x8x128xf32, #tpu.memory_space<hbm>>
      %dma_start3A_539 = arith.constant 0 : i32
      %dma_start3A_540 = arith.constant 0 : i32
      %dma_start3A_541 = arith.constant 0 : i32
      %dma_start3A_542 = arith.constant 0 : i32
      %dma_start3A_543 = tpu.memref_slice %arg4[%add3A_434, %dma_start3A_539, %dma_start3A_540, %dma_start3A_541, %dma_start3A_542] : memref<200x8x32x8x128xf32, #tpu.memory_space<hbm>> -> memref<1x8x32x8x128xf32, #tpu.memory_space<hbm>>
      %dma_start3A_544 = tpu.memref_squeeze %dma_start3A_543 : memref<1x8x32x8x128xf32, #tpu.memory_space<hbm>> -> memref<8x32x8x128xf32, #tpu.memory_space<hbm>>
      %dma_start3A_545 = arith.constant 0 : i32
      %dma_start3A_546 = arith.constant 0 : i32
      %dma_start3A_547 = arith.constant 0 : i32
      %dma_start3A_548 = tpu.memref_slice %dma_start3A_544[%dma_start3A_545, %add3A, %dma_start3A_546, %dma_start3A_547] : memref<8x32x8x128xf32, #tpu.memory_space<hbm>> -> memref<8x1x8x128xf32, #tpu.memory_space<hbm>>
      %dma_start3A_549 = tpu.memref_squeeze %dma_start3A_548 : memref<8x1x8x128xf32, #tpu.memory_space<hbm>> -> memref<8x8x128xf32, #tpu.memory_space<hbm>>
      %dma_start3A_550 = arith.constant 0 : i32
      %dma_start3A_551 = arith.constant 0 : i32
      %dma_start3A_552 = arith.constant 0 : i32
      %dma_start3A_553 = tpu.memref_slice %arg7[%dma_start3A_518, %dma_start3A_550, %dma_start3A_551, %dma_start3A_552] : memref<2x8x8x129xf32, #tpu.memory_space<vmem>> -> memref<1x8x8x129xf32, #tpu.memory_space<vmem>>
      %dma_start3A_554 = tpu.memref_squeeze %dma_start3A_553 : memref<1x8x8x129xf32, #tpu.memory_space<vmem>> -> memref<8x8x129xf32, #tpu.memory_space<vmem>>
      %dma_start3A_555 = arith.constant 0 : i32
      %dma_start3A_556 = arith.constant 0 : i32
      %dma_start3A_557 = arith.constant 0 : i32
      %dma_start3A_558 = tpu.memref_slice %dma_start3A_554[%dma_start3A_555, %dma_start3A_556, %dma_start3A_557] : memref<8x8x129xf32, #tpu.memory_space<vmem>> -> memref<8x8x128xf32, #tpu.memory_space<vmem>>
      tpu.enqueue_dma source(%dma_start3A_558 : memref<8x8x128xf32, #tpu.memory_space<vmem>>) target(%dma_start3A_549 : memref<8x8x128xf32, #tpu.memory_space<hbm>>) target_semaphore(%arg10 : memref<!tpu.dma_semaphore, #tpu.memory_space<semaphore_mem>>)
      %mul3A_559 = arith.constant 2 : i32
      %mul3A_560 = arith.muli %mul3A_559, %scan3A_427 : i32
      %add3A_561 = arith.constant 2 : i32
      %add3A_562 = arith.addi %add3A_561, %mul3A_560 : i32
      %add3A_563 = arith.constant 1 : i32
      %add3A_564 = arith.addi %add3A_562, %add3A_563 : i32
      %add3A_565 = arith.constant 1 : i32
      %add3A_566 = arith.addi %add3A_564, %add3A_565 : i32
      %jit3A_567 = arith.constant 8 : i32
      %div3A_568 = arith.divsi %add3A_566, %jit3A_567 : i32
      %sign3A_569 = arith.constant 0 : i32
      %sign3A_570 = arith.cmpi sgt, %add3A_566, %sign3A_569 : i32
      %sign3A_571 = arith.extui %sign3A_570 : i1 to i32
      %sign3A_572 = arith.constant 0 : i32
      %sign3A_573 = arith.cmpi slt, %add3A_566, %sign3A_572 : i32
      %sign3A_574 = arith.extui %sign3A_573 : i1 to i32
      %sign3A_575 = arith.subi %sign3A_571, %sign3A_574 : i32
      %sign3A_576 = arith.constant 0 : i32
      %sign3A_577 = arith.cmpi sgt, %jit3A_567, %sign3A_576 : i32
      %sign3A_578 = arith.extui %sign3A_577 : i1 to i32
      %sign3A_579 = arith.constant 0 : i32
      %sign3A_580 = arith.cmpi slt, %jit3A_567, %sign3A_579 : i32
      %sign3A_581 = arith.extui %sign3A_580 : i1 to i32
      %sign3A_582 = arith.subi %sign3A_578, %sign3A_581 : i32
      %ne3A_583 = arith.cmpi ne, %sign3A_575, %sign3A_582 : i32
      %rem3A_584 = arith.remsi %add3A_566, %jit3A_567 : i32
      %ne3A_585 = arith.constant 0 : i32
      %ne3A_586 = arith.cmpi ne, %rem3A_584, %ne3A_585 : i32
      %and3A_587 = arith.andi %ne3A_583, %ne3A_586 : i1
      %sub3A_588 = arith.constant 1 : i32
      %sub3A_589 = arith.subi %div3A_568, %sub3A_588 : i32
      %select_n3A_590 = arith.select %and3A_587, %sub3A_589, %div3A_568 : i32
      %jit3A_591 = arith.constant 8 : i32
      %eq3A_592 = arith.constant 0 : i32
      %eq3A_593 = arith.cmpi eq, %jit3A_591, %eq3A_592 : i32
      %jit3A_594 = arith.constant 1 : i32
      %select_n3A_595 = arith.select %eq3A_593, %jit3A_594, %jit3A_591 : i32
      %rem3A_596 = arith.remsi %add3A_566, %select_n3A_595 : i32
      %ne3A_597 = arith.constant 0 : i32
      %ne3A_598 = arith.cmpi ne, %rem3A_596, %ne3A_597 : i32
      %lt3A_599 = arith.constant 0 : i32
      %lt3A_600 = arith.cmpi slt, %rem3A_596, %lt3A_599 : i32
      %lt3A_601 = arith.constant 0 : i32
      %lt3A_602 = arith.cmpi slt, %select_n3A_595, %lt3A_601 : i32
      %ne3A_603 = arith.xori %lt3A_600, %lt3A_602 : i1
      %and3A_604 = arith.andi %ne3A_603, %ne3A_598 : i1
      %add3A_605 = arith.addi %rem3A_596, %select_n3A_595 : i32
      %select_n3A_606 = arith.select %and3A_604, %add3A_605, %rem3A_596 : i32
      %dma_start3A_607 = arith.constant 0 : i32
      %dma_start3A_608 = arith.constant 0 : i32
      %dma_start3A_609 = arith.constant 0 : i32
      %dma_start3A_610 = tpu.memref_slice %arg6[%dma_start3A_607, %dma_start3A_608, %dma_start3A_609] : memref<2x128x64xf32, #tpu.memory_space<vmem>> -> memref<1x128x64xf32, #tpu.memory_space<vmem>>
      %dma_start3A_611 = tpu.memref_squeeze %dma_start3A_610 : memref<1x128x64xf32, #tpu.memory_space<vmem>> -> memref<128x64xf32, #tpu.memory_space<vmem>>
      %dma_start3A_612 = arith.constant 0 : i32
      %dma_start3A_613 = tpu.memref_slice %arg5[%select_n3A_590, %select_n3A_606, %dma_start3A_612] : memref<25x8x128xi32, #tpu.memory_space<vmem>> -> memref<1x1x128xi32, #tpu.memory_space<vmem>>
      %dma_start3A_614 = tpu.memref_squeeze %dma_start3A_613 : memref<1x1x128xi32, #tpu.memory_space<vmem>> -> memref<128xi32, #tpu.memory_space<vmem>>
      %dma_start3A_615 = arith.constant 0 : i32
      %dma_start3A_616 = arith.constant 0 : i32
      %dma_start3A_617 = tpu.memref_slice %arg2[%dma_start3A_615, %dma_start3A_616] : memref<100000x64xf32, #tpu.memory_space<hbm>> -> memref<100000x64xf32, #tpu.memory_space<hbm>>
      tpu.enqueue_indirect_dma source(%dma_start3A_617 : memref<100000x64xf32, #tpu.memory_space<hbm>>) target(%dma_start3A_611 : memref<128x64xf32, #tpu.memory_space<vmem>>) offsets(%dma_start3A_614 : memref<128xi32, #tpu.memory_space<vmem>>) semaphore(%arg8 : memref<!tpu.dma_semaphore, #tpu.memory_space<semaphore_mem>>)
      %dma_wait3A_618 = arith.constant 1 : i32
      %dma_wait3A_619 = arith.constant 0 : i32
      %dma_wait3A_620 = arith.constant 0 : i32
      %dma_wait3A_621 = tpu.memref_slice %arg6[%dma_wait3A_618, %dma_wait3A_619, %dma_wait3A_620] : memref<2x128x64xf32, #tpu.memory_space<vmem>> -> memref<1x128x64xf32, #tpu.memory_space<vmem>>
      %dma_wait3A_622 = tpu.memref_squeeze %dma_wait3A_621 : memref<1x128x64xf32, #tpu.memory_space<vmem>> -> memref<128x64xf32, #tpu.memory_space<vmem>>
      %dma_wait3A_623 = arith.constant 0 : i32
      %dma_wait3A_624 = arith.constant 0 : i32
      %dma_wait3A_625 = tpu.memref_slice %arg2[%dma_wait3A_623, %dma_wait3A_624] : memref<100000x64xf32, #tpu.memory_space<hbm>> -> memref<128x64xf32, #tpu.memory_space<hbm>>
      %dma_wait3A_626 = arith.constant 0 : i32
      %dma_wait3A_627 = arith.constant 0 : i32
      %dma_wait3A_628 = tpu.memref_slice %arg6[%dma_wait3A_618, %dma_wait3A_626, %dma_wait3A_627] : memref<2x128x64xf32, #tpu.memory_space<vmem>> -> memref<1x128x64xf32, #tpu.memory_space<vmem>>
      %dma_wait3A_629 = tpu.memref_squeeze %dma_wait3A_628 : memref<1x128x64xf32, #tpu.memory_space<vmem>> -> memref<128x64xf32, #tpu.memory_space<vmem>>
      %dma_wait3A_630 = arith.constant 0 : i32
      %dma_wait3A_631 = arith.constant 0 : i32
      %dma_wait3A_632 = tpu.memref_slice %arg2[%dma_wait3A_630, %dma_wait3A_631] : memref<100000x64xf32, #tpu.memory_space<hbm>> -> memref<128x64xf32, #tpu.memory_space<hbm>>
      tpu.wait_dma2 semaphore(%arg9 : memref<!tpu.dma_semaphore, #tpu.memory_space<semaphore_mem>>) src(%dma_wait3A_632 : memref<128x64xf32, #tpu.memory_space<hbm>>) dst(%dma_wait3A_629 : memref<128x64xf32, #tpu.memory_space<vmem>>)
      %dma_wait3A_633 = arith.constant 1 : i32
      %dma_wait3A_634 = arith.constant 0 : i32
      %dma_wait3A_635 = arith.constant 0 : i32
      %dma_wait3A_636 = tpu.memref_slice %arg6[%dma_wait3A_633, %dma_wait3A_634, %dma_wait3A_635] : memref<2x128x64xf32, #tpu.memory_space<vmem>> -> memref<1x128x64xf32, #tpu.memory_space<vmem>>
      %dma_wait3A_637 = tpu.memref_squeeze %dma_wait3A_636 : memref<1x128x64xf32, #tpu.memory_space<vmem>> -> memref<128x64xf32, #tpu.memory_space<vmem>>
      %dma_wait3A_638 = arith.constant 0 : i32
      %dma_wait3A_639 = arith.constant 0 : i32
      %dma_wait3A_640 = tpu.memref_slice %arg2[%dma_wait3A_638, %dma_wait3A_639] : memref<100000x64xf32, #tpu.memory_space<hbm>> -> memref<128x64xf32, #tpu.memory_space<hbm>>
      %dma_wait3A_641 = arith.constant 0 : i32
      %dma_wait3A_642 = arith.constant 0 : i32
      %dma_wait3A_643 = tpu.memref_slice %arg6[%dma_wait3A_633, %dma_wait3A_641, %dma_wait3A_642] : memref<2x128x64xf32, #tpu.memory_space<vmem>> -> memref<1x128x64xf32, #tpu.memory_space<vmem>>
      %dma_wait3A_644 = tpu.memref_squeeze %dma_wait3A_643 : memref<1x128x64xf32, #tpu.memory_space<vmem>> -> memref<128x64xf32, #tpu.memory_space<vmem>>
      %dma_wait3A_645 = arith.constant 0 : i32
      %dma_wait3A_646 = arith.constant 0 : i32
      %dma_wait3A_647 = tpu.memref_slice %arg2[%dma_wait3A_645, %dma_wait3A_646] : memref<100000x64xf32, #tpu.memory_space<hbm>> -> memref<128x64xf32, #tpu.memory_space<hbm>>
      tpu.wait_dma2 semaphore(%arg11 : memref<!tpu.dma_semaphore, #tpu.memory_space<semaphore_mem>>) src(%dma_wait3A_647 : memref<128x64xf32, #tpu.memory_space<hbm>>) dst(%dma_wait3A_644 : memref<128x64xf32, #tpu.memory_space<vmem>>)
      %scan3A_648 = arith.constant 1 : i32
      %scan3A_649 = arith.constant 1 : i32
      %scan3A_650 = arith.constant 0 : i32
      %scan3A_651 = arith.constant 0 : i32
      %scan3A_652 = arith.constant 32 : i32
      %scan3A_653 = arith.addi %scan3A_651, %scan3A_652 : i32
      %scan3A_654 = arith.constant 1 : i32
      %scan3A_655 = scf.for %scan3A_699 = %scan3A_651 to %scan3A_653 step %scan3A_654 iter_args(%scan3A_700 = %scan3A_650) -> (i32)  : i32 {
        %mul3A_701 = arith.constant 4 : i32
        %mul3A_702 = arith.muli %scan3A_699, %mul3A_701 : i32
        %add3A_703 = arith.constant 0 : i32
        %add3A_704 = arith.addi %mul3A_702, %add3A_703 : i32
        %broadcast_in_dim3A = vector.broadcast %add3A_704 : i32 to vector<16xi32>
        %get3A = arith.constant 0 : i32
        %get3A_705 = arith.constant 0 : i32
        %get3A_706 = tpu.memref_slice %arg6[%scan3A_648, %get3A, %get3A_705] : memref<2x128x64xf32, #tpu.memory_space<vmem>> -> memref<1x128x64xf32, #tpu.memory_space<vmem>>
        %get3A_707 = tpu.memref_squeeze %get3A_706 : memref<1x128x64xf32, #tpu.memory_space<vmem>> -> memref<128x64xf32, #tpu.memory_space<vmem>>
        %get3A_708 = arith.index_cast %add3A_704 : i32 to index
        %get3A_709 = arith.constant 0 : index
        %get3A_710 = tpu.vector_load %get3A_707[%get3A_708, %get3A_709] {strides = array<i32>} : memref<128x64xf32, #tpu.memory_space<vmem>>, vector<16xf32>,
        %scatter3A = arith.constant 0 : i32
        %scatter3A_711 = arith.constant 0 : i32
        %scatter3A_712 = arith.constant 0 : i32
        %scatter3A_713 = tpu.memref_slice %arg7[%scan3A_649, %scatter3A, %scatter3A_711, %scatter3A_712] : memref<2x8x8x129xf32, #tpu.memory_space<vmem>> -> memref<1x8x8x129xf32, #tpu.memory_space<vmem>>
        %scatter3A_714 = tpu.memref_squeeze %scatter3A_713 : memref<1x8x8x129xf32, #tpu.memory_space<vmem>> -> memref<8x8x129xf32, #tpu.memory_space<vmem>>
        tpu.vector_store_idx %scatter3A_714[%shift_right_arithmetic3A_5, %and3A_28, %broadcast_in_dim3A], %get3A_710 : memref<8x8x129xf32, #tpu.memory_space<vmem>>[vector<16xi32>, vector<16xi32>, vector<16xi32>], vector<16xf32>,
        %get3A_715 = arith.constant 0 : i32
        %get3A_716 = arith.constant 0 : i32
        %get3A_717 = tpu.memref_slice %arg6[%scan3A_648, %get3A_715, %get3A_716] : memref<2x128x64xf32, #tpu.memory_space<vmem>> -> memref<1x128x64xf32, #tpu.memory_space<vmem>>
        %get3A_718 = tpu.memref_squeeze %get3A_717 : memref<1x128x64xf32, #tpu.memory_space<vmem>> -> memref<128x64xf32, #tpu.memory_space<vmem>>
        %get3A_719 = arith.index_cast %add3A_704 : i32 to index
        %get3A_720 = arith.constant 16 : index
        %get3A_721 = tpu.vector_load %get3A_718[%get3A_719, %get3A_720] {strides = array<i32>} : memref<128x64xf32, #tpu.memory_space<vmem>>, vector<16xf32>,
        %scatter3A_722 = arith.constant 0 : i32
        %scatter3A_723 = arith.constant 0 : i32
        %scatter3A_724 = arith.constant 0 : i32
        %scatter3A_725 = tpu.memref_slice %arg7[%scan3A_649, %scatter3A_722, %scatter3A_723, %scatter3A_724] : memref<2x8x8x129xf32, #tpu.memory_space<vmem>> -> memref<1x8x8x129xf32, #tpu.memory_space<vmem>>
        %scatter3A_726 = tpu.memref_squeeze %scatter3A_725 : memref<1x8x8x129xf32, #tpu.memory_space<vmem>> -> memref<8x8x129xf32, #tpu.memory_space<vmem>>
        tpu.vector_store_idx %scatter3A_726[%shift_right_arithmetic3A_11, %and3A_34, %broadcast_in_dim3A], %get3A_721 : memref<8x8x129xf32, #tpu.memory_space<vmem>>[vector<16xi32>, vector<16xi32>, vector<16xi32>], vector<16xf32>,
        %get3A_727 = arith.constant 0 : i32
        %get3A_728 = arith.constant 0 : i32
        %get3A_729 = tpu.memref_slice %arg6[%scan3A_648, %get3A_727, %get3A_728] : memref<2x128x64xf32, #tpu.memory_space<vmem>> -> memref<1x128x64xf32, #tpu.memory_space<vmem>>
        %get3A_730 = tpu.memref_squeeze %get3A_729 : memref<1x128x64xf32, #tpu.memory_space<vmem>> -> memref<128x64xf32, #tpu.memory_space<vmem>>
        %get3A_731 = arith.index_cast %add3A_704 : i32 to index
        %get3A_732 = arith.constant 32 : index
        %get3A_733 = tpu.vector_load %get3A_730[%get3A_731, %get3A_732] {strides = array<i32>} : memref<128x64xf32, #tpu.memory_space<vmem>>, vector<16xf32>,
        %scatter3A_734 = arith.constant 0 : i32
        %scatter3A_735 = arith.constant 0 : i32
        %scatter3A_736 = arith.constant 0 : i32
        %scatter3A_737 = tpu.memref_slice %arg7[%scan3A_649, %scatter3A_734, %scatter3A_735, %scatter3A_736] : memref<2x8x8x129xf32, #tpu.memory_space<vmem>> -> memref<1x8x8x129xf32, #tpu.memory_space<vmem>>
        %scatter3A_738 = tpu.memref_squeeze %scatter3A_737 : memref<1x8x8x129xf32, #tpu.memory_space<vmem>> -> memref<8x8x129xf32, #tpu.memory_space<vmem>>
        tpu.vector_store_idx %scatter3A_738[%shift_right_arithmetic3A_17, %and3A_40, %broadcast_in_dim3A], %get3A_733 : memref<8x8x129xf32, #tpu.memory_space<vmem>>[vector<16xi32>, vector<16xi32>, vector<16xi32>], vector<16xf32>,
        %get3A_739 = arith.constant 0 : i32
        %get3A_740 = arith.constant 0 : i32
        %get3A_741 = tpu.memref_slice %arg6[%scan3A_648, %get3A_739, %get3A_740] : memref<2x128x64xf32, #tpu.memory_space<vmem>> -> memref<1x128x64xf32, #tpu.memory_space<vmem>>
        %get3A_742 = tpu.memref_squeeze %get3A_741 : memref<1x128x64xf32, #tpu.memory_space<vmem>> -> memref<128x64xf32, #tpu.memory_space<vmem>>
        %get3A_743 = arith.index_cast %add3A_704 : i32 to index
        %get3A_744 = arith.constant 48 : index
        %get3A_745 = tpu.vector_load %get3A_742[%get3A_743, %get3A_744] {strides = array<i32>} : memref<128x64xf32, #tpu.memory_space<vmem>>, vector<16xf32>,
        %scatter3A_746 = arith.constant 0 : i32
        %scatter3A_747 = arith.constant 0 : i32
        %scatter3A_748 = arith.constant 0 : i32
        %scatter3A_749 = tpu.memref_slice %arg7[%scan3A_649, %scatter3A_746, %scatter3A_747, %scatter3A_748] : memref<2x8x8x129xf32, #tpu.memory_space<vmem>> -> memref<1x8x8x129xf32, #tpu.memory_space<vmem>>
        %scatter3A_750 = tpu.memref_squeeze %scatter3A_749 : memref<1x8x8x129xf32, #tpu.memory_space<vmem>> -> memref<8x8x129xf32, #tpu.memory_space<vmem>>
        tpu.vector_store_idx %scatter3A_750[%shift_right_arithmetic3A_23, %and3A_46, %broadcast_in_dim3A], %get3A_745 : memref<8x8x129xf32, #tpu.memory_space<vmem>>[vector<16xi32>, vector<16xi32>, vector<16xi32>], vector<16xf32>,
        %mul3A_751 = arith.constant 4 : i32
        %mul3A_752 = arith.muli %scan3A_699, %mul3A_751 : i32
        %add3A_753 = arith.constant 1 : i32
        %add3A_754 = arith.addi %mul3A_752, %add3A_753 : i32
        %broadcast_in_dim3A_755 = vector.broadcast %add3A_754 : i32 to vector<16xi32>
        %get3A_756 = arith.constant 0 : i32
        %get3A_757 = arith.constant 0 : i32
        %get3A_758 = tpu.memref_slice %arg6[%scan3A_648, %get3A_756, %get3A_757] : memref<2x128x64xf32, #tpu.memory_space<vmem>> -> memref<1x128x64xf32, #tpu.memory_space<vmem>>
        %get3A_759 = tpu.memref_squeeze %get3A_758 : memref<1x128x64xf32, #tpu.memory_space<vmem>> -> memref<128x64xf32, #tpu.memory_space<vmem>>
        %get3A_760 = arith.index_cast %add3A_754 : i32 to index
        %get3A_761 = arith.constant 0 : index
        %get3A_762 = tpu.vector_load %get3A_759[%get3A_760, %get3A_761] {strides = array<i32>} : memref<128x64xf32, #tpu.memory_space<vmem>>, vector<16xf32>,
        %scatter3A_763 = arith.constant 0 : i32
        %scatter3A_764 = arith.constant 0 : i32
        %scatter3A_765 = arith.constant 0 : i32
        %scatter3A_766 = tpu.memref_slice %arg7[%scan3A_649, %scatter3A_763, %scatter3A_764, %scatter3A_765] : memref<2x8x8x129xf32, #tpu.memory_space<vmem>> -> memref<1x8x8x129xf32, #tpu.memory_space<vmem>>
        %scatter3A_767 = tpu.memref_squeeze %scatter3A_766 : memref<1x8x8x129xf32, #tpu.memory_space<vmem>> -> memref<8x8x129xf32, #tpu.memory_space<vmem>>
        tpu.vector_store_idx %scatter3A_767[%shift_right_arithmetic3A_5, %and3A_28, %broadcast_in_dim3A_755], %get3A_762 : memref<8x8x129xf32, #tpu.memory_space<vmem>>[vector<16xi32>, vector<16xi32>, vector<16xi32>], vector<16xf32>,
        %get3A_768 = arith.constant 0 : i32
        %get3A_769 = arith.constant 0 : i32
        %get3A_770 = tpu.memref_slice %arg6[%scan3A_648, %get3A_768, %get3A_769] : memref<2x128x64xf32, #tpu.memory_space<vmem>> -> memref<1x128x64xf32, #tpu.memory_space<vmem>>
        %get3A_771 = tpu.memref_squeeze %get3A_770 : memref<1x128x64xf32, #tpu.memory_space<vmem>> -> memref<128x64xf32, #tpu.memory_space<vmem>>
        %get3A_772 = arith.index_cast %add3A_754 : i32 to index
        %get3A_773 = arith.constant 16 : index
        %get3A_774 = tpu.vector_load %get3A_771[%get3A_772, %get3A_773] {strides = array<i32>} : memref<128x64xf32, #tpu.memory_space<vmem>>, vector<16xf32>,
        %scatter3A_775 = arith.constant 0 : i32
        %scatter3A_776 = arith.constant 0 : i32
        %scatter3A_777 = arith.constant 0 : i32
        %scatter3A_778 = tpu.memref_slice %arg7[%scan3A_649, %scatter3A_775, %scatter3A_776, %scatter3A_777] : memref<2x8x8x129xf32, #tpu.memory_space<vmem>> -> memref<1x8x8x129xf32, #tpu.memory_space<vmem>>
        %scatter3A_779 = tpu.memref_squeeze %scatter3A_778 : memref<1x8x8x129xf32, #tpu.memory_space<vmem>> -> memref<8x8x129xf32, #tpu.memory_space<vmem>>
        tpu.vector_store_idx %scatter3A_779[%shift_right_arithmetic3A_11, %and3A_34, %broadcast_in_dim3A_755], %get3A_774 : memref<8x8x129xf32, #tpu.memory_space<vmem>>[vector<16xi32>, vector<16xi32>, vector<16xi32>], vector<16xf32>,
        %get3A_780 = arith.constant 0 : i32
        %get3A_781 = arith.constant 0 : i32
        %get3A_782 = tpu.memref_slice %arg6[%scan3A_648, %get3A_780, %get3A_781] : memref<2x128x64xf32, #tpu.memory_space<vmem>> -> memref<1x128x64xf32, #tpu.memory_space<vmem>>
        %get3A_783 = tpu.memref_squeeze %get3A_782 : memref<1x128x64xf32, #tpu.memory_space<vmem>> -> memref<128x64xf32, #tpu.memory_space<vmem>>
        %get3A_784 = arith.index_cast %add3A_754 : i32 to index
        %get3A_785 = arith.constant 32 : index
        %get3A_786 = tpu.vector_load %get3A_783[%get3A_784, %get3A_785] {strides = array<i32>} : memref<128x64xf32, #tpu.memory_space<vmem>>, vector<16xf32>,
        %scatter3A_787 = arith.constant 0 : i32
        %scatter3A_788 = arith.constant 0 : i32
        %scatter3A_789 = arith.constant 0 : i32
        %scatter3A_790 = tpu.memref_slice %arg7[%scan3A_649, %scatter3A_787, %scatter3A_788, %scatter3A_789] : memref<2x8x8x129xf32, #tpu.memory_space<vmem>> -> memref<1x8x8x129xf32, #tpu.memory_space<vmem>>
        %scatter3A_791 = tpu.memref_squeeze %scatter3A_790 : memref<1x8x8x129xf32, #tpu.memory_space<vmem>> -> memref<8x8x129xf32, #tpu.memory_space<vmem>>
        tpu.vector_store_idx %scatter3A_791[%shift_right_arithmetic3A_17, %and3A_40, %broadcast_in_dim3A_755], %get3A_786 : memref<8x8x129xf32, #tpu.memory_space<vmem>>[vector<16xi32>, vector<16xi32>, vector<16xi32>], vector<16xf32>,
        %get3A_792 = arith.constant 0 : i32
        %get3A_793 = arith.constant 0 : i32
        %get3A_794 = tpu.memref_slice %arg6[%scan3A_648, %get3A_792, %get3A_793] : memref<2x128x64xf32, #tpu.memory_space<vmem>> -> memref<1x128x64xf32, #tpu.memory_space<vmem>>
        %get3A_795 = tpu.memref_squeeze %get3A_794 : memref<1x128x64xf32, #tpu.memory_space<vmem>> -> memref<128x64xf32, #tpu.memory_space<vmem>>
        %get3A_796 = arith.index_cast %add3A_754 : i32 to index
        %get3A_797 = arith.constant 48 : index
        %get3A_798 = tpu.vector_load %get3A_795[%get3A_796, %get3A_797] {strides = array<i32>} : memref<128x64xf32, #tpu.memory_space<vmem>>, vector<16xf32>,
        %scatter3A_799 = arith.constant 0 : i32
        %scatter3A_800 = arith.constant 0 : i32
        %scatter3A_801 = arith.constant 0 : i32
        %scatter3A_802 = tpu.memref_slice %arg7[%scan3A_649, %scatter3A_799, %scatter3A_800, %scatter3A_801] : memref<2x8x8x129xf32, #tpu.memory_space<vmem>> -> memref<1x8x8x129xf32, #tpu.memory_space<vmem>>
        %scatter3A_803 = tpu.memref_squeeze %scatter3A_802 : memref<1x8x8x129xf32, #tpu.memory_space<vmem>> -> memref<8x8x129xf32, #tpu.memory_space<vmem>>
        tpu.vector_store_idx %scatter3A_803[%shift_right_arithmetic3A_23, %and3A_46, %broadcast_in_dim3A_755], %get3A_798 : memref<8x8x129xf32, #tpu.memory_space<vmem>>[vector<16xi32>, vector<16xi32>, vector<16xi32>], vector<16xf32>,
        %mul3A_804 = arith.constant 4 : i32
        %mul3A_805 = arith.muli %scan3A_699, %mul3A_804 : i32
        %add3A_806 = arith.constant 2 : i32
        %add3A_807 = arith.addi %mul3A_805, %add3A_806 : i32
        %broadcast_in_dim3A_808 = vector.broadcast %add3A_807 : i32 to vector<16xi32>
        %get3A_809 = arith.constant 0 : i32
        %get3A_810 = arith.constant 0 : i32
        %get3A_811 = tpu.memref_slice %arg6[%scan3A_648, %get3A_809, %get3A_810] : memref<2x128x64xf32, #tpu.memory_space<vmem>> -> memref<1x128x64xf32, #tpu.memory_space<vmem>>
        %get3A_812 = tpu.memref_squeeze %get3A_811 : memref<1x128x64xf32, #tpu.memory_space<vmem>> -> memref<128x64xf32, #tpu.memory_space<vmem>>
        %get3A_813 = arith.index_cast %add3A_807 : i32 to index
        %get3A_814 = arith.constant 0 : index
        %get3A_815 = tpu.vector_load %get3A_812[%get3A_813, %get3A_814] {strides = array<i32>} : memref<128x64xf32, #tpu.memory_space<vmem>>, vector<16xf32>,
        %scatter3A_816 = arith.constant 0 : i32
        %scatter3A_817 = arith.constant 0 : i32
        %scatter3A_818 = arith.constant 0 : i32
        %scatter3A_819 = tpu.memref_slice %arg7[%scan3A_649, %scatter3A_816, %scatter3A_817, %scatter3A_818] : memref<2x8x8x129xf32, #tpu.memory_space<vmem>> -> memref<1x8x8x129xf32, #tpu.memory_space<vmem>>
        %scatter3A_820 = tpu.memref_squeeze %scatter3A_819 : memref<1x8x8x129xf32, #tpu.memory_space<vmem>> -> memref<8x8x129xf32, #tpu.memory_space<vmem>>
        tpu.vector_store_idx %scatter3A_820[%shift_right_arithmetic3A_5, %and3A_28, %broadcast_in_dim3A_808], %get3A_815 : memref<8x8x129xf32, #tpu.memory_space<vmem>>[vector<16xi32>, vector<16xi32>, vector<16xi32>], vector<16xf32>,
        %get3A_821 = arith.constant 0 : i32
        %get3A_822 = arith.constant 0 : i32
        %get3A_823 = tpu.memref_slice %arg6[%scan3A_648, %get3A_821, %get3A_822] : memref<2x128x64xf32, #tpu.memory_space<vmem>> -> memref<1x128x64xf32, #tpu.memory_space<vmem>>
        %get3A_824 = tpu.memref_squeeze %get3A_823 : memref<1x128x64xf32, #tpu.memory_space<vmem>> -> memref<128x64xf32, #tpu.memory_space<vmem>>
        %get3A_825 = arith.index_cast %add3A_807 : i32 to index
        %get3A_826 = arith.constant 16 : index
        %get3A_827 = tpu.vector_load %get3A_824[%get3A_825, %get3A_826] {strides = array<i32>} : memref<128x64xf32, #tpu.memory_space<vmem>>, vector<16xf32>,
        %scatter3A_828 = arith.constant 0 : i32
        %scatter3A_829 = arith.constant 0 : i32
        %scatter3A_830 = arith.constant 0 : i32
        %scatter3A_831 = tpu.memref_slice %arg7[%scan3A_649, %scatter3A_828, %scatter3A_829, %scatter3A_830] : memref<2x8x8x129xf32, #tpu.memory_space<vmem>> -> memref<1x8x8x129xf32, #tpu.memory_space<vmem>>
        %scatter3A_832 = tpu.memref_squeeze %scatter3A_831 : memref<1x8x8x129xf32, #tpu.memory_space<vmem>> -> memref<8x8x129xf32, #tpu.memory_space<vmem>>
        tpu.vector_store_idx %scatter3A_832[%shift_right_arithmetic3A_11, %and3A_34, %broadcast_in_dim3A_808], %get3A_827 : memref<8x8x129xf32, #tpu.memory_space<vmem>>[vector<16xi32>, vector<16xi32>, vector<16xi32>], vector<16xf32>,
        %get3A_833 = arith.constant 0 : i32
        %get3A_834 = arith.constant 0 : i32
        %get3A_835 = tpu.memref_slice %arg6[%scan3A_648, %get3A_833, %get3A_834] : memref<2x128x64xf32, #tpu.memory_space<vmem>> -> memref<1x128x64xf32, #tpu.memory_space<vmem>>
        %get3A_836 = tpu.memref_squeeze %get3A_835 : memref<1x128x64xf32, #tpu.memory_space<vmem>> -> memref<128x64xf32, #tpu.memory_space<vmem>>
        %get3A_837 = arith.index_cast %add3A_807 : i32 to index
        %get3A_838 = arith.constant 32 : index
        %get3A_839 = tpu.vector_load %get3A_836[%get3A_837, %get3A_838] {strides = array<i32>} : memref<128x64xf32, #tpu.memory_space<vmem>>, vector<16xf32>,
        %scatter3A_840 = arith.constant 0 : i32
        %scatter3A_841 = arith.constant 0 : i32
        %scatter3A_842 = arith.constant 0 : i32
        %scatter3A_843 = tpu.memref_slice %arg7[%scan3A_649, %scatter3A_840, %scatter3A_841, %scatter3A_842] : memref<2x8x8x129xf32, #tpu.memory_space<vmem>> -> memref<1x8x8x129xf32, #tpu.memory_space<vmem>>
        %scatter3A_844 = tpu.memref_squeeze %scatter3A_843 : memref<1x8x8x129xf32, #tpu.memory_space<vmem>> -> memref<8x8x129xf32, #tpu.memory_space<vmem>>
        tpu.vector_store_idx %scatter3A_844[%shift_right_arithmetic3A_17, %and3A_40, %broadcast_in_dim3A_808], %get3A_839 : memref<8x8x129xf32, #tpu.memory_space<vmem>>[vector<16xi32>, vector<16xi32>, vector<16xi32>], vector<16xf32>,
        %get3A_845 = arith.constant 0 : i32
        %get3A_846 = arith.constant 0 : i32
        %get3A_847 = tpu.memref_slice %arg6[%scan3A_648, %get3A_845, %get3A_846] : memref<2x128x64xf32, #tpu.memory_space<vmem>> -> memref<1x128x64xf32, #tpu.memory_space<vmem>>
        %get3A_848 = tpu.memref_squeeze %get3A_847 : memref<1x128x64xf32, #tpu.memory_space<vmem>> -> memref<128x64xf32, #tpu.memory_space<vmem>>
        %get3A_849 = arith.index_cast %add3A_807 : i32 to index
        %get3A_850 = arith.constant 48 : index
        %get3A_851 = tpu.vector_load %get3A_848[%get3A_849, %get3A_850] {strides = array<i32>} : memref<128x64xf32, #tpu.memory_space<vmem>>, vector<16xf32>,
        %scatter3A_852 = arith.constant 0 : i32
        %scatter3A_853 = arith.constant 0 : i32
        %scatter3A_854 = arith.constant 0 : i32
        %scatter3A_855 = tpu.memref_slice %arg7[%scan3A_649, %scatter3A_852, %scatter3A_853, %scatter3A_854] : memref<2x8x8x129xf32, #tpu.memory_space<vmem>> -> memref<1x8x8x129xf32, #tpu.memory_space<vmem>>
        %scatter3A_856 = tpu.memref_squeeze %scatter3A_855 : memref<1x8x8x129xf32, #tpu.memory_space<vmem>> -> memref<8x8x129xf32, #tpu.memory_space<vmem>>
        tpu.vector_store_idx %scatter3A_856[%shift_right_arithmetic3A_23, %and3A_46, %broadcast_in_dim3A_808], %get3A_851 : memref<8x8x129xf32, #tpu.memory_space<vmem>>[vector<16xi32>, vector<16xi32>, vector<16xi32>], vector<16xf32>,
        %mul3A_857 = arith.constant 4 : i32
        %mul3A_858 = arith.muli %scan3A_699, %mul3A_857 : i32
        %add3A_859 = arith.constant 3 : i32
        %add3A_860 = arith.addi %mul3A_858, %add3A_859 : i32
        %broadcast_in_dim3A_861 = vector.broadcast %add3A_860 : i32 to vector<16xi32>
        %get3A_862 = arith.constant 0 : i32
        %get3A_863 = arith.constant 0 : i32
        %get3A_864 = tpu.memref_slice %arg6[%scan3A_648, %get3A_862, %get3A_863] : memref<2x128x64xf32, #tpu.memory_space<vmem>> -> memref<1x128x64xf32, #tpu.memory_space<vmem>>
        %get3A_865 = tpu.memref_squeeze %get3A_864 : memref<1x128x64xf32, #tpu.memory_space<vmem>> -> memref<128x64xf32, #tpu.memory_space<vmem>>
        %get3A_866 = arith.index_cast %add3A_860 : i32 to index
        %get3A_867 = arith.constant 0 : index
        %get3A_868 = tpu.vector_load %get3A_865[%get3A_866, %get3A_867] {strides = array<i32>} : memref<128x64xf32, #tpu.memory_space<vmem>>, vector<16xf32>,
        %scatter3A_869 = arith.constant 0 : i32
        %scatter3A_870 = arith.constant 0 : i32
        %scatter3A_871 = arith.constant 0 : i32
        %scatter3A_872 = tpu.memref_slice %arg7[%scan3A_649, %scatter3A_869, %scatter3A_870, %scatter3A_871] : memref<2x8x8x129xf32, #tpu.memory_space<vmem>> -> memref<1x8x8x129xf32, #tpu.memory_space<vmem>>
        %scatter3A_873 = tpu.memref_squeeze %scatter3A_872 : memref<1x8x8x129xf32, #tpu.memory_space<vmem>> -> memref<8x8x129xf32, #tpu.memory_space<vmem>>
        tpu.vector_store_idx %scatter3A_873[%shift_right_arithmetic3A_5, %and3A_28, %broadcast_in_dim3A_861], %get3A_868 : memref<8x8x129xf32, #tpu.memory_space<vmem>>[vector<16xi32>, vector<16xi32>, vector<16xi32>], vector<16xf32>,
        %get3A_874 = arith.constant 0 : i32
        %get3A_875 = arith.constant 0 : i32
        %get3A_876 = tpu.memref_slice %arg6[%scan3A_648, %get3A_874, %get3A_875] : memref<2x128x64xf32, #tpu.memory_space<vmem>> -> memref<1x128x64xf32, #tpu.memory_space<vmem>>
        %get3A_877 = tpu.memref_squeeze %get3A_876 : memref<1x128x64xf32, #tpu.memory_space<vmem>> -> memref<128x64xf32, #tpu.memory_space<vmem>>
        %get3A_878 = arith.index_cast %add3A_860 : i32 to index
        %get3A_879 = arith.constant 16 : index
        %get3A_880 = tpu.vector_load %get3A_877[%get3A_878, %get3A_879] {strides = array<i32>} : memref<128x64xf32, #tpu.memory_space<vmem>>, vector<16xf32>,
        %scatter3A_881 = arith.constant 0 : i32
        %scatter3A_882 = arith.constant 0 : i32
        %scatter3A_883 = arith.constant 0 : i32
        %scatter3A_884 = tpu.memref_slice %arg7[%scan3A_649, %scatter3A_881, %scatter3A_882, %scatter3A_883] : memref<2x8x8x129xf32, #tpu.memory_space<vmem>> -> memref<1x8x8x129xf32, #tpu.memory_space<vmem>>
        %scatter3A_885 = tpu.memref_squeeze %scatter3A_884 : memref<1x8x8x129xf32, #tpu.memory_space<vmem>> -> memref<8x8x129xf32, #tpu.memory_space<vmem>>
        tpu.vector_store_idx %scatter3A_885[%shift_right_arithmetic3A_11, %and3A_34, %broadcast_in_dim3A_861], %get3A_880 : memref<8x8x129xf32, #tpu.memory_space<vmem>>[vector<16xi32>, vector<16xi32>, vector<16xi32>], vector<16xf32>,
        %get3A_886 = arith.constant 0 : i32
        %get3A_887 = arith.constant 0 : i32
        %get3A_888 = tpu.memref_slice %arg6[%scan3A_648, %get3A_886, %get3A_887] : memref<2x128x64xf32, #tpu.memory_space<vmem>> -> memref<1x128x64xf32, #tpu.memory_space<vmem>>
        %get3A_889 = tpu.memref_squeeze %get3A_888 : memref<1x128x64xf32, #tpu.memory_space<vmem>> -> memref<128x64xf32, #tpu.memory_space<vmem>>
        %get3A_890 = arith.index_cast %add3A_860 : i32 to index
        %get3A_891 = arith.constant 32 : index
        %get3A_892 = tpu.vector_load %get3A_889[%get3A_890, %get3A_891] {strides = array<i32>} : memref<128x64xf32, #tpu.memory_space<vmem>>, vector<16xf32>,
        %scatter3A_893 = arith.constant 0 : i32
        %scatter3A_894 = arith.constant 0 : i32
        %scatter3A_895 = arith.constant 0 : i32
        %scatter3A_896 = tpu.memref_slice %arg7[%scan3A_649, %scatter3A_893, %scatter3A_894, %scatter3A_895] : memref<2x8x8x129xf32, #tpu.memory_space<vmem>> -> memref<1x8x8x129xf32, #tpu.memory_space<vmem>>
        %scatter3A_897 = tpu.memref_squeeze %scatter3A_896 : memref<1x8x8x129xf32, #tpu.memory_space<vmem>> -> memref<8x8x129xf32, #tpu.memory_space<vmem>>
        tpu.vector_store_idx %scatter3A_897[%shift_right_arithmetic3A_17, %and3A_40, %broadcast_in_dim3A_861], %get3A_892 : memref<8x8x129xf32, #tpu.memory_space<vmem>>[vector<16xi32>, vector<16xi32>, vector<16xi32>], vector<16xf32>,
        %get3A_898 = arith.constant 0 : i32
        %get3A_899 = arith.constant 0 : i32
        %get3A_900 = tpu.memref_slice %arg6[%scan3A_648, %get3A_898, %get3A_899] : memref<2x128x64xf32, #tpu.memory_space<vmem>> -> memref<1x128x64xf32, #tpu.memory_space<vmem>>
        %get3A_901 = tpu.memref_squeeze %get3A_900 : memref<1x128x64xf32, #tpu.memory_space<vmem>> -> memref<128x64xf32, #tpu.memory_space<vmem>>
        %get3A_902 = arith.index_cast %add3A_860 : i32 to index
        %get3A_903 = arith.constant 48 : index
        %get3A_904 = tpu.vector_load %get3A_901[%get3A_902, %get3A_903] {strides = array<i32>} : memref<128x64xf32, #tpu.memory_space<vmem>>, vector<16xf32>,
        %scatter3A_905 = arith.constant 0 : i32
        %scatter3A_906 = arith.constant 0 : i32
        %scatter3A_907 = arith.constant 0 : i32
        %scatter3A_908 = tpu.memref_slice %arg7[%scan3A_649, %scatter3A_905, %scatter3A_906, %scatter3A_907] : memref<2x8x8x129xf32, #tpu.memory_space<vmem>> -> memref<1x8x8x129xf32, #tpu.memory_space<vmem>>
        %scatter3A_909 = tpu.memref_squeeze %scatter3A_908 : memref<1x8x8x129xf32, #tpu.memory_space<vmem>> -> memref<8x8x129xf32, #tpu.memory_space<vmem>>
        tpu.vector_store_idx %scatter3A_909[%shift_right_arithmetic3A_23, %and3A_46, %broadcast_in_dim3A_861], %get3A_904 : memref<8x8x129xf32, #tpu.memory_space<vmem>>[vector<16xi32>, vector<16xi32>, vector<16xi32>], vector<16xf32>,
        %scan3A_910 = arith.constant 0 : i32
        scf.yield %scan3A_910 : i32
      }
      %scan3A_656 = arith.constant 32 : i32
      %dma_start3A_657 = arith.constant 1 : i32
      %dma_start3A_658 = arith.constant 0 : i32
      %dma_start3A_659 = arith.constant 0 : i32
      %dma_start3A_660 = arith.constant 0 : i32
      %dma_start3A_661 = tpu.memref_slice %arg7[%dma_start3A_657, %dma_start3A_658, %dma_start3A_659, %dma_start3A_660] : memref<2x8x8x129xf32, #tpu.memory_space<vmem>> -> memref<1x8x8x129xf32, #tpu.memory_space<vmem>>
      %dma_start3A_662 = tpu.memref_squeeze %dma_start3A_661 : memref<1x8x8x129xf32, #tpu.memory_space<vmem>> -> memref<8x8x129xf32, #tpu.memory_space<vmem>>
      %dma_start3A_663 = arith.constant 0 : i32
      %dma_start3A_664 = arith.constant 0 : i32
      %dma_start3A_665 = arith.constant 0 : i32
      %dma_start3A_666 = tpu.memref_slice %dma_start3A_662[%dma_start3A_663, %dma_start3A_664, %dma_start3A_665] : memref<8x8x129xf32, #tpu.memory_space<vmem>> -> memref<8x8x128xf32, #tpu.memory_space<vmem>>
      %dma_start3A_667 = arith.constant 0 : i32
      %dma_start3A_668 = arith.constant 0 : i32
      %dma_start3A_669 = arith.constant 0 : i32
      %dma_start3A_670 = arith.constant 0 : i32
      %dma_start3A_671 = tpu.memref_slice %arg4[%add3A_564, %dma_start3A_667, %dma_start3A_668, %dma_start3A_669, %dma_start3A_670] : memref<200x8x32x8x128xf32, #tpu.memory_space<hbm>> -> memref<1x8x32x8x128xf32, #tpu.memory_space<hbm>>
      %dma_start3A_672 = tpu.memref_squeeze %dma_start3A_671 : memref<1x8x32x8x128xf32, #tpu.memory_space<hbm>> -> memref<8x32x8x128xf32, #tpu.memory_space<hbm>>
      %dma_start3A_673 = arith.constant 0 : i32
      %dma_start3A_674 = arith.constant 0 : i32
      %dma_start3A_675 = arith.constant 0 : i32
      %dma_start3A_676 = tpu.memref_slice %dma_start3A_672[%dma_start3A_673, %add3A, %dma_start3A_674, %dma_start3A_675] : memref<8x32x8x128xf32, #tpu.memory_space<hbm>> -> memref<8x1x8x128xf32, #tpu.memory_space<hbm>>
      %dma_start3A_677 = tpu.memref_squeeze %dma_start3A_676 : memref<8x1x8x128xf32, #tpu.memory_space<hbm>> -> memref<8x8x128xf32, #tpu.memory_space<hbm>>
      %dma_start3A_678 = arith.constant 0 : i32
      %dma_start3A_679 = arith.constant 0 : i32
      %dma_start3A_680 = arith.constant 0 : i32
      %dma_start3A_681 = arith.constant 0 : i32
      %dma_start3A_682 = tpu.memref_slice %arg4[%add3A_564, %dma_start3A_678, %dma_start3A_679, %dma_start3A_680, %dma_start3A_681] : memref<200x8x32x8x128xf32, #tpu.memory_space<hbm>> -> memref<1x8x32x8x128xf32, #tpu.memory_space<hbm>>
      %dma_start3A_683 = tpu.memref_squeeze %dma_start3A_682 : memref<1x8x32x8x128xf32, #tpu.memory_space<hbm>> -> memref<8x32x8x128xf32, #tpu.memory_space<hbm>>
      %dma_start3A_684 = arith.constant 0 : i32
      %dma_start3A_685 = arith.constant 0 : i32
      %dma_start3A_686 = arith.constant 0 : i32
      %dma_start3A_687 = tpu.memref_slice %dma_start3A_683[%dma_start3A_684, %add3A, %dma_start3A_685, %dma_start3A_686] : memref<8x32x8x128xf32, #tpu.memory_space<hbm>> -> memref<8x1x8x128xf32, #tpu.memory_space<hbm>>
      %dma_start3A_688 = tpu.memref_squeeze %dma_start3A_687 : memref<8x1x8x128xf32, #tpu.memory_space<hbm>> -> memref<8x8x128xf32, #tpu.memory_space<hbm>>
      %dma_start3A_689 = arith.constant 0 : i32
      %dma_start3A_690 = arith.constant 0 : i32
      %dma_start3A_691 = arith.constant 0 : i32
      %dma_start3A_692 = tpu.memref_slice %arg7[%dma_start3A_657, %dma_start3A_689, %dma_start3A_690, %dma_start3A_691] : memref<2x8x8x129xf32, #tpu.memory_space<vmem>> -> memref<1x8x8x129xf32, #tpu.memory_space<vmem>>
      %dma_start3A_693 = tpu.memref_squeeze %dma_start3A_692 : memref<1x8x8x129xf32, #tpu.memory_space<vmem>> -> memref<8x8x129xf32, #tpu.memory_space<vmem>>
      %dma_start3A_694 = arith.constant 0 : i32
      %dma_start3A_695 = arith.constant 0 : i32
      %dma_start3A_696 = arith.constant 0 : i32
      %dma_start3A_697 = tpu.memref_slice %dma_start3A_693[%dma_start3A_694, %dma_start3A_695, %dma_start3A_696] : memref<8x8x129xf32, #tpu.memory_space<vmem>> -> memref<8x8x128xf32, #tpu.memory_space<vmem>>
      tpu.enqueue_dma source(%dma_start3A_697 : memref<8x8x128xf32, #tpu.memory_space<vmem>>) target(%dma_start3A_688 : memref<8x8x128xf32, #tpu.memory_space<hbm>>) target_semaphore(%arg11 : memref<!tpu.dma_semaphore, #tpu.memory_space<semaphore_mem>>)
      %scan3A_698 = arith.constant 0 : i32
      scf.yield %scan3A_698 : i32
    }
    %scan3A_221 = arith.constant 98 : i32
    %dma_start3A_222 = arith.constant 24 : i32
    %dma_start3A_223 = arith.constant 7 : i32
    %dma_start3A_224 = arith.constant 1 : i32
    %dma_start3A_225 = arith.constant 0 : i32
    %dma_start3A_226 = arith.constant 0 : i32
    %dma_start3A_227 = tpu.memref_slice %arg6[%dma_start3A_224, %dma_start3A_225, %dma_start3A_226] : memref<2x128x64xf32, #tpu.memory_space<vmem>> -> memref<1x128x64xf32, #tpu.memory_space<vmem>>
    %dma_start3A_228 = tpu.memref_squeeze %dma_start3A_227 : memref<1x128x64xf32, #tpu.memory_space<vmem>> -> memref<128x64xf32, #tpu.memory_space<vmem>>
    %dma_start3A_229 = arith.constant 0 : i32
    %dma_start3A_230 = tpu.memref_slice %arg5[%dma_start3A_222, %dma_start3A_223, %dma_start3A_229] : memref<25x8x128xi32, #tpu.memory_space<vmem>> -> memref<1x1x128xi32, #tpu.memory_space<vmem>>
    %dma_start3A_231 = tpu.memref_squeeze %dma_start3A_230 : memref<1x1x128xi32, #tpu.memory_space<vmem>> -> memref<128xi32, #tpu.memory_space<vmem>>
    %dma_start3A_232 = arith.constant 0 : i32
    %dma_start3A_233 = arith.constant 0 : i32
    %dma_start3A_234 = tpu.memref_slice %arg2[%dma_start3A_232, %dma_start3A_233] : memref<100000x64xf32, #tpu.memory_space<hbm>> -> memref<100000x64xf32, #tpu.memory_space<hbm>>
    tpu.enqueue_indirect_dma source(%dma_start3A_234 : memref<100000x64xf32, #tpu.memory_space<hbm>>) target(%dma_start3A_228 : memref<128x64xf32, #tpu.memory_space<vmem>>) offsets(%dma_start3A_231 : memref<128xi32, #tpu.memory_space<vmem>>) semaphore(%arg9 : memref<!tpu.dma_semaphore, #tpu.memory_space<semaphore_mem>>)
    %dma_wait3A_235 = arith.constant 0 : i32
    %dma_wait3A_236 = arith.constant 0 : i32
    %dma_wait3A_237 = arith.constant 0 : i32
    %dma_wait3A_238 = tpu.memref_slice %arg6[%dma_wait3A_235, %dma_wait3A_236, %dma_wait3A_237] : memref<2x128x64xf32, #tpu.memory_space<vmem>> -> memref<1x128x64xf32, #tpu.memory_space<vmem>>
    %dma_wait3A_239 = tpu.memref_squeeze %dma_wait3A_238 : memref<1x128x64xf32, #tpu.memory_space<vmem>> -> memref<128x64xf32, #tpu.memory_space<vmem>>
    %dma_wait3A_240 = arith.constant 0 : i32
    %dma_wait3A_241 = arith.constant 0 : i32
    %dma_wait3A_242 = tpu.memref_slice %arg2[%dma_wait3A_240, %dma_wait3A_241] : memref<100000x64xf32, #tpu.memory_space<hbm>> -> memref<128x64xf32, #tpu.memory_space<hbm>>
    %dma_wait3A_243 = arith.constant 0 : i32
    %dma_wait3A_244 = arith.constant 0 : i32
    %dma_wait3A_245 = tpu.memref_slice %arg6[%dma_wait3A_235, %dma_wait3A_243, %dma_wait3A_244] : memref<2x128x64xf32, #tpu.memory_space<vmem>> -> memref<1x128x64xf32, #tpu.memory_space<vmem>>
    %dma_wait3A_246 = tpu.memref_squeeze %dma_wait3A_245 : memref<1x128x64xf32, #tpu.memory_space<vmem>> -> memref<128x64xf32, #tpu.memory_space<vmem>>
    %dma_wait3A_247 = arith.constant 0 : i32
    %dma_wait3A_248 = arith.constant 0 : i32
    %dma_wait3A_249 = tpu.memref_slice %arg2[%dma_wait3A_247, %dma_wait3A_248] : memref<100000x64xf32, #tpu.memory_space<hbm>> -> memref<128x64xf32, #tpu.memory_space<hbm>>
    tpu.wait_dma2 semaphore(%arg8 : memref<!tpu.dma_semaphore, #tpu.memory_space<semaphore_mem>>) src(%dma_wait3A_249 : memref<128x64xf32, #tpu.memory_space<hbm>>) dst(%dma_wait3A_246 : memref<128x64xf32, #tpu.memory_space<vmem>>)
    %dma_wait3A_250 = arith.constant 0 : i32
    %dma_wait3A_251 = arith.constant 0 : i32
    %dma_wait3A_252 = arith.constant 0 : i32
    %dma_wait3A_253 = tpu.memref_slice %arg6[%dma_wait3A_250, %dma_wait3A_251, %dma_wait3A_252] : memref<2x128x64xf32, #tpu.memory_space<vmem>> -> memref<1x128x64xf32, #tpu.memory_space<vmem>>
    %dma_wait3A_254 = tpu.memref_squeeze %dma_wait3A_253 : memref<1x128x64xf32, #tpu.memory_space<vmem>> -> memref<128x64xf32, #tpu.memory_space<vmem>>
    %dma_wait3A_255 = arith.constant 0 : i32
    %dma_wait3A_256 = arith.constant 0 : i32
    %dma_wait3A_257 = tpu.memref_slice %arg2[%dma_wait3A_255, %dma_wait3A_256] : memref<100000x64xf32, #tpu.memory_space<hbm>> -> memref<128x64xf32, #tpu.memory_space<hbm>>
    %dma_wait3A_258 = arith.constant 0 : i32
    %dma_wait3A_259 = arith.constant 0 : i32
    %dma_wait3A_260 = tpu.memref_slice %arg6[%dma_wait3A_250, %dma_wait3A_258, %dma_wait3A_259] : memref<2x128x64xf32, #tpu.memory_space<vmem>> -> memref<1x128x64xf32, #tpu.memory_space<vmem>>
    %dma_wait3A_261 = tpu.memref_squeeze %dma_wait3A_260 : memref<1x128x64xf32, #tpu.memory_space<vmem>> -> memref<128x64xf32, #tpu.memory_space<vmem>>
    %dma_wait3A_262 = arith.constant 0 : i32
    %dma_wait3A_263 = arith.constant 0 : i32
    %dma_wait3A_264 = tpu.memref_slice %arg2[%dma_wait3A_262, %dma_wait3A_263] : memref<100000x64xf32, #tpu.memory_space<hbm>> -> memref<128x64xf32, #tpu.memory_space<hbm>>
    tpu.wait_dma2 semaphore(%arg10 : memref<!tpu.dma_semaphore, #tpu.memory_space<semaphore_mem>>) src(%dma_wait3A_264 : memref<128x64xf32, #tpu.memory_space<hbm>>) dst(%dma_wait3A_261 : memref<128x64xf32, #tpu.memory_space<vmem>>)
    %scan3A_265 = arith.constant 0 : i32
    %scan3A_266 = arith.constant 0 : i32
    %scan3A_267 = arith.constant 0 : i32
    %scan3A_268 = arith.constant 0 : i32
    %scan3A_269 = arith.constant 32 : i32
    %scan3A_270 = arith.addi %scan3A_268, %scan3A_269 : i32
    %scan3A_271 = arith.constant 1 : i32
    %scan3A_272 = scf.for %scan3A_427 = %scan3A_268 to %scan3A_270 step %scan3A_271 iter_args(%scan3A_428 = %scan3A_267) -> (i32)  : i32 {
      %mul3A_429 = arith.constant 4 : i32
      %mul3A_430 = arith.muli %scan3A_427, %mul3A_429 : i32
      %add3A_431 = arith.constant 0 : i32
      %add3A_432 = arith.addi %mul3A_430, %add3A_431 : i32
      %broadcast_in_dim3A = vector.broadcast %add3A_432 : i32 to vector<16xi32>
      %get3A = arith.constant 0 : i32
      %get3A_433 = arith.constant 0 : i32
      %get3A_434 = tpu.memref_slice %arg6[%scan3A_265, %get3A, %get3A_433] : memref<2x128x64xf32, #tpu.memory_space<vmem>> -> memref<1x128x64xf32, #tpu.memory_space<vmem>>
      %get3A_435 = tpu.memref_squeeze %get3A_434 : memref<1x128x64xf32, #tpu.memory_space<vmem>> -> memref<128x64xf32, #tpu.memory_space<vmem>>
      %get3A_436 = arith.index_cast %add3A_432 : i32 to index
      %get3A_437 = arith.constant 0 : index
      %get3A_438 = tpu.vector_load %get3A_435[%get3A_436, %get3A_437] {strides = array<i32>} : memref<128x64xf32, #tpu.memory_space<vmem>>, vector<16xf32>,
      %scatter3A = arith.constant 0 : i32
      %scatter3A_439 = arith.constant 0 : i32
      %scatter3A_440 = arith.constant 0 : i32
      %scatter3A_441 = tpu.memref_slice %arg7[%scan3A_266, %scatter3A, %scatter3A_439, %scatter3A_440] : memref<2x8x8x129xf32, #tpu.memory_space<vmem>> -> memref<1x8x8x129xf32, #tpu.memory_space<vmem>>
      %scatter3A_442 = tpu.memref_squeeze %scatter3A_441 : memref<1x8x8x129xf32, #tpu.memory_space<vmem>> -> memref<8x8x129xf32, #tpu.memory_space<vmem>>
      tpu.vector_store_idx %scatter3A_442[%shift_right_arithmetic3A_5, %and3A_28, %broadcast_in_dim3A], %get3A_438 : memref<8x8x129xf32, #tpu.memory_space<vmem>>[vector<16xi32>, vector<16xi32>, vector<16xi32>], vector<16xf32>,
      %get3A_443 = arith.constant 0 : i32
      %get3A_444 = arith.constant 0 : i32
      %get3A_445 = tpu.memref_slice %arg6[%scan3A_265, %get3A_443, %get3A_444] : memref<2x128x64xf32, #tpu.memory_space<vmem>> -> memref<1x128x64xf32, #tpu.memory_space<vmem>>
      %get3A_446 = tpu.memref_squeeze %get3A_445 : memref<1x128x64xf32, #tpu.memory_space<vmem>> -> memref<128x64xf32, #tpu.memory_space<vmem>>
      %get3A_447 = arith.index_cast %add3A_432 : i32 to index
      %get3A_448 = arith.constant 16 : index
      %get3A_449 = tpu.vector_load %get3A_446[%get3A_447, %get3A_448] {strides = array<i32>} : memref<128x64xf32, #tpu.memory_space<vmem>>, vector<16xf32>,
      %scatter3A_450 = arith.constant 0 : i32
      %scatter3A_451 = arith.constant 0 : i32
      %scatter3A_452 = arith.constant 0 : i32
      %scatter3A_453 = tpu.memref_slice %arg7[%scan3A_266, %scatter3A_450, %scatter3A_451, %scatter3A_452] : memref<2x8x8x129xf32, #tpu.memory_space<vmem>> -> memref<1x8x8x129xf32, #tpu.memory_space<vmem>>
      %scatter3A_454 = tpu.memref_squeeze %scatter3A_453 : memref<1x8x8x129xf32, #tpu.memory_space<vmem>> -> memref<8x8x129xf32, #tpu.memory_space<vmem>>
      tpu.vector_store_idx %scatter3A_454[%shift_right_arithmetic3A_11, %and3A_34, %broadcast_in_dim3A], %get3A_449 : memref<8x8x129xf32, #tpu.memory_space<vmem>>[vector<16xi32>, vector<16xi32>, vector<16xi32>], vector<16xf32>,
      %get3A_455 = arith.constant 0 : i32
      %get3A_456 = arith.constant 0 : i32
      %get3A_457 = tpu.memref_slice %arg6[%scan3A_265, %get3A_455, %get3A_456] : memref<2x128x64xf32, #tpu.memory_space<vmem>> -> memref<1x128x64xf32, #tpu.memory_space<vmem>>
      %get3A_458 = tpu.memref_squeeze %get3A_457 : memref<1x128x64xf32, #tpu.memory_space<vmem>> -> memref<128x64xf32, #tpu.memory_space<vmem>>
      %get3A_459 = arith.index_cast %add3A_432 : i32 to index
      %get3A_460 = arith.constant 32 : index
      %get3A_461 = tpu.vector_load %get3A_458[%get3A_459, %get3A_460] {strides = array<i32>} : memref<128x64xf32, #tpu.memory_space<vmem>>, vector<16xf32>,
      %scatter3A_462 = arith.constant 0 : i32
      %scatter3A_463 = arith.constant 0 : i32
      %scatter3A_464 = arith.constant 0 : i32
      %scatter3A_465 = tpu.memref_slice %arg7[%scan3A_266, %scatter3A_462, %scatter3A_463, %scatter3A_464] : memref<2x8x8x129xf32, #tpu.memory_space<vmem>> -> memref<1x8x8x129xf32, #tpu.memory_space<vmem>>
      %scatter3A_466 = tpu.memref_squeeze %scatter3A_465 : memref<1x8x8x129xf32, #tpu.memory_space<vmem>> -> memref<8x8x129xf32, #tpu.memory_space<vmem>>
      tpu.vector_store_idx %scatter3A_466[%shift_right_arithmetic3A_17, %and3A_40, %broadcast_in_dim3A], %get3A_461 : memref<8x8x129xf32, #tpu.memory_space<vmem>>[vector<16xi32>, vector<16xi32>, vector<16xi32>], vector<16xf32>,
      %get3A_467 = arith.constant 0 : i32
      %get3A_468 = arith.constant 0 : i32
      %get3A_469 = tpu.memref_slice %arg6[%scan3A_265, %get3A_467, %get3A_468] : memref<2x128x64xf32, #tpu.memory_space<vmem>> -> memref<1x128x64xf32, #tpu.memory_space<vmem>>
      %get3A_470 = tpu.memref_squeeze %get3A_469 : memref<1x128x64xf32, #tpu.memory_space<vmem>> -> memref<128x64xf32, #tpu.memory_space<vmem>>
      %get3A_471 = arith.index_cast %add3A_432 : i32 to index
      %get3A_472 = arith.constant 48 : index
      %get3A_473 = tpu.vector_load %get3A_470[%get3A_471, %get3A_472] {strides = array<i32>} : memref<128x64xf32, #tpu.memory_space<vmem>>, vector<16xf32>,
      %scatter3A_474 = arith.constant 0 : i32
      %scatter3A_475 = arith.constant 0 : i32
      %scatter3A_476 = arith.constant 0 : i32
      %scatter3A_477 = tpu.memref_slice %arg7[%scan3A_266, %scatter3A_474, %scatter3A_475, %scatter3A_476] : memref<2x8x8x129xf32, #tpu.memory_space<vmem>> -> memref<1x8x8x129xf32, #tpu.memory_space<vmem>>
      %scatter3A_478 = tpu.memref_squeeze %scatter3A_477 : memref<1x8x8x129xf32, #tpu.memory_space<vmem>> -> memref<8x8x129xf32, #tpu.memory_space<vmem>>
      tpu.vector_store_idx %scatter3A_478[%shift_right_arithmetic3A_23, %and3A_46, %broadcast_in_dim3A], %get3A_473 : memref<8x8x129xf32, #tpu.memory_space<vmem>>[vector<16xi32>, vector<16xi32>, vector<16xi32>], vector<16xf32>,
      %mul3A_479 = arith.constant 4 : i32
      %mul3A_480 = arith.muli %scan3A_427, %mul3A_479 : i32
      %add3A_481 = arith.constant 1 : i32
      %add3A_482 = arith.addi %mul3A_480, %add3A_481 : i32
      %broadcast_in_dim3A_483 = vector.broadcast %add3A_482 : i32 to vector<16xi32>
      %get3A_484 = arith.constant 0 : i32
      %get3A_485 = arith.constant 0 : i32
      %get3A_486 = tpu.memref_slice %arg6[%scan3A_265, %get3A_484, %get3A_485] : memref<2x128x64xf32, #tpu.memory_space<vmem>> -> memref<1x128x64xf32, #tpu.memory_space<vmem>>
      %get3A_487 = tpu.memref_squeeze %get3A_486 : memref<1x128x64xf32, #tpu.memory_space<vmem>> -> memref<128x64xf32, #tpu.memory_space<vmem>>
      %get3A_488 = arith.index_cast %add3A_482 : i32 to index
      %get3A_489 = arith.constant 0 : index
      %get3A_490 = tpu.vector_load %get3A_487[%get3A_488, %get3A_489] {strides = array<i32>} : memref<128x64xf32, #tpu.memory_space<vmem>>, vector<16xf32>,
      %scatter3A_491 = arith.constant 0 : i32
      %scatter3A_492 = arith.constant 0 : i32
      %scatter3A_493 = arith.constant 0 : i32
      %scatter3A_494 = tpu.memref_slice %arg7[%scan3A_266, %scatter3A_491, %scatter3A_492, %scatter3A_493] : memref<2x8x8x129xf32, #tpu.memory_space<vmem>> -> memref<1x8x8x129xf32, #tpu.memory_space<vmem>>
      %scatter3A_495 = tpu.memref_squeeze %scatter3A_494 : memref<1x8x8x129xf32, #tpu.memory_space<vmem>> -> memref<8x8x129xf32, #tpu.memory_space<vmem>>
      tpu.vector_store_idx %scatter3A_495[%shift_right_arithmetic3A_5, %and3A_28, %broadcast_in_dim3A_483], %get3A_490 : memref<8x8x129xf32, #tpu.memory_space<vmem>>[vector<16xi32>, vector<16xi32>, vector<16xi32>], vector<16xf32>,
      %get3A_496 = arith.constant 0 : i32
      %get3A_497 = arith.constant 0 : i32
      %get3A_498 = tpu.memref_slice %arg6[%scan3A_265, %get3A_496, %get3A_497] : memref<2x128x64xf32, #tpu.memory_space<vmem>> -> memref<1x128x64xf32, #tpu.memory_space<vmem>>
      %get3A_499 = tpu.memref_squeeze %get3A_498 : memref<1x128x64xf32, #tpu.memory_space<vmem>> -> memref<128x64xf32, #tpu.memory_space<vmem>>
      %get3A_500 = arith.index_cast %add3A_482 : i32 to index
      %get3A_501 = arith.constant 16 : index
      %get3A_502 = tpu.vector_load %get3A_499[%get3A_500, %get3A_501] {strides = array<i32>} : memref<128x64xf32, #tpu.memory_space<vmem>>, vector<16xf32>,
      %scatter3A_503 = arith.constant 0 : i32
      %scatter3A_504 = arith.constant 0 : i32
      %scatter3A_505 = arith.constant 0 : i32
      %scatter3A_506 = tpu.memref_slice %arg7[%scan3A_266, %scatter3A_503, %scatter3A_504, %scatter3A_505] : memref<2x8x8x129xf32, #tpu.memory_space<vmem>> -> memref<1x8x8x129xf32, #tpu.memory_space<vmem>>
      %scatter3A_507 = tpu.memref_squeeze %scatter3A_506 : memref<1x8x8x129xf32, #tpu.memory_space<vmem>> -> memref<8x8x129xf32, #tpu.memory_space<vmem>>
      tpu.vector_store_idx %scatter3A_507[%shift_right_arithmetic3A_11, %and3A_34, %broadcast_in_dim3A_483], %get3A_502 : memref<8x8x129xf32, #tpu.memory_space<vmem>>[vector<16xi32>, vector<16xi32>, vector<16xi32>], vector<16xf32>,
      %get3A_508 = arith.constant 0 : i32
      %get3A_509 = arith.constant 0 : i32
      %get3A_510 = tpu.memref_slice %arg6[%scan3A_265, %get3A_508, %get3A_509] : memref<2x128x64xf32, #tpu.memory_space<vmem>> -> memref<1x128x64xf32, #tpu.memory_space<vmem>>
      %get3A_511 = tpu.memref_squeeze %get3A_510 : memref<1x128x64xf32, #tpu.memory_space<vmem>> -> memref<128x64xf32, #tpu.memory_space<vmem>>
      %get3A_512 = arith.index_cast %add3A_482 : i32 to index
      %get3A_513 = arith.constant 32 : index
      %get3A_514 = tpu.vector_load %get3A_511[%get3A_512, %get3A_513] {strides = array<i32>} : memref<128x64xf32, #tpu.memory_space<vmem>>, vector<16xf32>,
      %scatter3A_515 = arith.constant 0 : i32
      %scatter3A_516 = arith.constant 0 : i32
      %scatter3A_517 = arith.constant 0 : i32
      %scatter3A_518 = tpu.memref_slice %arg7[%scan3A_266, %scatter3A_515, %scatter3A_516, %scatter3A_517] : memref<2x8x8x129xf32, #tpu.memory_space<vmem>> -> memref<1x8x8x129xf32, #tpu.memory_space<vmem>>
      %scatter3A_519 = tpu.memref_squeeze %scatter3A_518 : memref<1x8x8x129xf32, #tpu.memory_space<vmem>> -> memref<8x8x129xf32, #tpu.memory_space<vmem>>
      tpu.vector_store_idx %scatter3A_519[%shift_right_arithmetic3A_17, %and3A_40, %broadcast_in_dim3A_483], %get3A_514 : memref<8x8x129xf32, #tpu.memory_space<vmem>>[vector<16xi32>, vector<16xi32>, vector<16xi32>], vector<16xf32>,
      %get3A_520 = arith.constant 0 : i32
      %get3A_521 = arith.constant 0 : i32
      %get3A_522 = tpu.memref_slice %arg6[%scan3A_265, %get3A_520, %get3A_521] : memref<2x128x64xf32, #tpu.memory_space<vmem>> -> memref<1x128x64xf32, #tpu.memory_space<vmem>>
      %get3A_523 = tpu.memref_squeeze %get3A_522 : memref<1x128x64xf32, #tpu.memory_space<vmem>> -> memref<128x64xf32, #tpu.memory_space<vmem>>
      %get3A_524 = arith.index_cast %add3A_482 : i32 to index
      %get3A_525 = arith.constant 48 : index
      %get3A_526 = tpu.vector_load %get3A_523[%get3A_524, %get3A_525] {strides = array<i32>} : memref<128x64xf32, #tpu.memory_space<vmem>>, vector<16xf32>,
      %scatter3A_527 = arith.constant 0 : i32
      %scatter3A_528 = arith.constant 0 : i32
      %scatter3A_529 = arith.constant 0 : i32
      %scatter3A_530 = tpu.memref_slice %arg7[%scan3A_266, %scatter3A_527, %scatter3A_528, %scatter3A_529] : memref<2x8x8x129xf32, #tpu.memory_space<vmem>> -> memref<1x8x8x129xf32, #tpu.memory_space<vmem>>
      %scatter3A_531 = tpu.memref_squeeze %scatter3A_530 : memref<1x8x8x129xf32, #tpu.memory_space<vmem>> -> memref<8x8x129xf32, #tpu.memory_space<vmem>>
      tpu.vector_store_idx %scatter3A_531[%shift_right_arithmetic3A_23, %and3A_46, %broadcast_in_dim3A_483], %get3A_526 : memref<8x8x129xf32, #tpu.memory_space<vmem>>[vector<16xi32>, vector<16xi32>, vector<16xi32>], vector<16xf32>,
      %mul3A_532 = arith.constant 4 : i32
      %mul3A_533 = arith.muli %scan3A_427, %mul3A_532 : i32
      %add3A_534 = arith.constant 2 : i32
      %add3A_535 = arith.addi %mul3A_533, %add3A_534 : i32
      %broadcast_in_dim3A_536 = vector.broadcast %add3A_535 : i32 to vector<16xi32>
      %get3A_537 = arith.constant 0 : i32
      %get3A_538 = arith.constant 0 : i32
      %get3A_539 = tpu.memref_slice %arg6[%scan3A_265, %get3A_537, %get3A_538] : memref<2x128x64xf32, #tpu.memory_space<vmem>> -> memref<1x128x64xf32, #tpu.memory_space<vmem>>
      %get3A_540 = tpu.memref_squeeze %get3A_539 : memref<1x128x64xf32, #tpu.memory_space<vmem>> -> memref<128x64xf32, #tpu.memory_space<vmem>>
      %get3A_541 = arith.index_cast %add3A_535 : i32 to index
      %get3A_542 = arith.constant 0 : index
      %get3A_543 = tpu.vector_load %get3A_540[%get3A_541, %get3A_542] {strides = array<i32>} : memref<128x64xf32, #tpu.memory_space<vmem>>, vector<16xf32>,
      %scatter3A_544 = arith.constant 0 : i32
      %scatter3A_545 = arith.constant 0 : i32
      %scatter3A_546 = arith.constant 0 : i32
      %scatter3A_547 = tpu.memref_slice %arg7[%scan3A_266, %scatter3A_544, %scatter3A_545, %scatter3A_546] : memref<2x8x8x129xf32, #tpu.memory_space<vmem>> -> memref<1x8x8x129xf32, #tpu.memory_space<vmem>>
      %scatter3A_548 = tpu.memref_squeeze %scatter3A_547 : memref<1x8x8x129xf32, #tpu.memory_space<vmem>> -> memref<8x8x129xf32, #tpu.memory_space<vmem>>
      tpu.vector_store_idx %scatter3A_548[%shift_right_arithmetic3A_5, %and3A_28, %broadcast_in_dim3A_536], %get3A_543 : memref<8x8x129xf32, #tpu.memory_space<vmem>>[vector<16xi32>, vector<16xi32>, vector<16xi32>], vector<16xf32>,
      %get3A_549 = arith.constant 0 : i32
      %get3A_550 = arith.constant 0 : i32
      %get3A_551 = tpu.memref_slice %arg6[%scan3A_265, %get3A_549, %get3A_550] : memref<2x128x64xf32, #tpu.memory_space<vmem>> -> memref<1x128x64xf32, #tpu.memory_space<vmem>>
      %get3A_552 = tpu.memref_squeeze %get3A_551 : memref<1x128x64xf32, #tpu.memory_space<vmem>> -> memref<128x64xf32, #tpu.memory_space<vmem>>
      %get3A_553 = arith.index_cast %add3A_535 : i32 to index
      %get3A_554 = arith.constant 16 : index
      %get3A_555 = tpu.vector_load %get3A_552[%get3A_553, %get3A_554] {strides = array<i32>} : memref<128x64xf32, #tpu.memory_space<vmem>>, vector<16xf32>,
      %scatter3A_556 = arith.constant 0 : i32
      %scatter3A_557 = arith.constant 0 : i32
      %scatter3A_558 = arith.constant 0 : i32
      %scatter3A_559 = tpu.memref_slice %arg7[%scan3A_266, %scatter3A_556, %scatter3A_557, %scatter3A_558] : memref<2x8x8x129xf32, #tpu.memory_space<vmem>> -> memref<1x8x8x129xf32, #tpu.memory_space<vmem>>
      %scatter3A_560 = tpu.memref_squeeze %scatter3A_559 : memref<1x8x8x129xf32, #tpu.memory_space<vmem>> -> memref<8x8x129xf32, #tpu.memory_space<vmem>>
      tpu.vector_store_idx %scatter3A_560[%shift_right_arithmetic3A_11, %and3A_34, %broadcast_in_dim3A_536], %get3A_555 : memref<8x8x129xf32, #tpu.memory_space<vmem>>[vector<16xi32>, vector<16xi32>, vector<16xi32>], vector<16xf32>,
      %get3A_561 = arith.constant 0 : i32
      %get3A_562 = arith.constant 0 : i32
      %get3A_563 = tpu.memref_slice %arg6[%scan3A_265, %get3A_561, %get3A_562] : memref<2x128x64xf32, #tpu.memory_space<vmem>> -> memref<1x128x64xf32, #tpu.memory_space<vmem>>
      %get3A_564 = tpu.memref_squeeze %get3A_563 : memref<1x128x64xf32, #tpu.memory_space<vmem>> -> memref<128x64xf32, #tpu.memory_space<vmem>>
      %get3A_565 = arith.index_cast %add3A_535 : i32 to index
      %get3A_566 = arith.constant 32 : index
      %get3A_567 = tpu.vector_load %get3A_564[%get3A_565, %get3A_566] {strides = array<i32>} : memref<128x64xf32, #tpu.memory_space<vmem>>, vector<16xf32>,
      %scatter3A_568 = arith.constant 0 : i32
      %scatter3A_569 = arith.constant 0 : i32
      %scatter3A_570 = arith.constant 0 : i32
      %scatter3A_571 = tpu.memref_slice %arg7[%scan3A_266, %scatter3A_568, %scatter3A_569, %scatter3A_570] : memref<2x8x8x129xf32, #tpu.memory_space<vmem>> -> memref<1x8x8x129xf32, #tpu.memory_space<vmem>>
      %scatter3A_572 = tpu.memref_squeeze %scatter3A_571 : memref<1x8x8x129xf32, #tpu.memory_space<vmem>> -> memref<8x8x129xf32, #tpu.memory_space<vmem>>
      tpu.vector_store_idx %scatter3A_572[%shift_right_arithmetic3A_17, %and3A_40, %broadcast_in_dim3A_536], %get3A_567 : memref<8x8x129xf32, #tpu.memory_space<vmem>>[vector<16xi32>, vector<16xi32>, vector<16xi32>], vector<16xf32>,
      %get3A_573 = arith.constant 0 : i32
      %get3A_574 = arith.constant 0 : i32
      %get3A_575 = tpu.memref_slice %arg6[%scan3A_265, %get3A_573, %get3A_574] : memref<2x128x64xf32, #tpu.memory_space<vmem>> -> memref<1x128x64xf32, #tpu.memory_space<vmem>>
      %get3A_576 = tpu.memref_squeeze %get3A_575 : memref<1x128x64xf32, #tpu.memory_space<vmem>> -> memref<128x64xf32, #tpu.memory_space<vmem>>
      %get3A_577 = arith.index_cast %add3A_535 : i32 to index
      %get3A_578 = arith.constant 48 : index
      %get3A_579 = tpu.vector_load %get3A_576[%get3A_577, %get3A_578] {strides = array<i32>} : memref<128x64xf32, #tpu.memory_space<vmem>>, vector<16xf32>,
      %scatter3A_580 = arith.constant 0 : i32
      %scatter3A_581 = arith.constant 0 : i32
      %scatter3A_582 = arith.constant 0 : i32
      %scatter3A_583 = tpu.memref_slice %arg7[%scan3A_266, %scatter3A_580, %scatter3A_581, %scatter3A_582] : memref<2x8x8x129xf32, #tpu.memory_space<vmem>> -> memref<1x8x8x129xf32, #tpu.memory_space<vmem>>
      %scatter3A_584 = tpu.memref_squeeze %scatter3A_583 : memref<1x8x8x129xf32, #tpu.memory_space<vmem>> -> memref<8x8x129xf32, #tpu.memory_space<vmem>>
      tpu.vector_store_idx %scatter3A_584[%shift_right_arithmetic3A_23, %and3A_46, %broadcast_in_dim3A_536], %get3A_579 : memref<8x8x129xf32, #tpu.memory_space<vmem>>[vector<16xi32>, vector<16xi32>, vector<16xi32>], vector<16xf32>,
      %mul3A_585 = arith.constant 4 : i32
      %mul3A_586 = arith.muli %scan3A_427, %mul3A_585 : i32
      %add3A_587 = arith.constant 3 : i32
      %add3A_588 = arith.addi %mul3A_586, %add3A_587 : i32
      %broadcast_in_dim3A_589 = vector.broadcast %add3A_588 : i32 to vector<16xi32>
      %get3A_590 = arith.constant 0 : i32
      %get3A_591 = arith.constant 0 : i32
      %get3A_592 = tpu.memref_slice %arg6[%scan3A_265, %get3A_590, %get3A_591] : memref<2x128x64xf32, #tpu.memory_space<vmem>> -> memref<1x128x64xf32, #tpu.memory_space<vmem>>
      %get3A_593 = tpu.memref_squeeze %get3A_592 : memref<1x128x64xf32, #tpu.memory_space<vmem>> -> memref<128x64xf32, #tpu.memory_space<vmem>>
      %get3A_594 = arith.index_cast %add3A_588 : i32 to index
      %get3A_595 = arith.constant 0 : index
      %get3A_596 = tpu.vector_load %get3A_593[%get3A_594, %get3A_595] {strides = array<i32>} : memref<128x64xf32, #tpu.memory_space<vmem>>, vector<16xf32>,
      %scatter3A_597 = arith.constant 0 : i32
      %scatter3A_598 = arith.constant 0 : i32
      %scatter3A_599 = arith.constant 0 : i32
      %scatter3A_600 = tpu.memref_slice %arg7[%scan3A_266, %scatter3A_597, %scatter3A_598, %scatter3A_599] : memref<2x8x8x129xf32, #tpu.memory_space<vmem>> -> memref<1x8x8x129xf32, #tpu.memory_space<vmem>>
      %scatter3A_601 = tpu.memref_squeeze %scatter3A_600 : memref<1x8x8x129xf32, #tpu.memory_space<vmem>> -> memref<8x8x129xf32, #tpu.memory_space<vmem>>
      tpu.vector_store_idx %scatter3A_601[%shift_right_arithmetic3A_5, %and3A_28, %broadcast_in_dim3A_589], %get3A_596 : memref<8x8x129xf32, #tpu.memory_space<vmem>>[vector<16xi32>, vector<16xi32>, vector<16xi32>], vector<16xf32>,
      %get3A_602 = arith.constant 0 : i32
      %get3A_603 = arith.constant 0 : i32
      %get3A_604 = tpu.memref_slice %arg6[%scan3A_265, %get3A_602, %get3A_603] : memref<2x128x64xf32, #tpu.memory_space<vmem>> -> memref<1x128x64xf32, #tpu.memory_space<vmem>>
      %get3A_605 = tpu.memref_squeeze %get3A_604 : memref<1x128x64xf32, #tpu.memory_space<vmem>> -> memref<128x64xf32, #tpu.memory_space<vmem>>
      %get3A_606 = arith.index_cast %add3A_588 : i32 to index
      %get3A_607 = arith.constant 16 : index
      %get3A_608 = tpu.vector_load %get3A_605[%get3A_606, %get3A_607] {strides = array<i32>} : memref<128x64xf32, #tpu.memory_space<vmem>>, vector<16xf32>,
      %scatter3A_609 = arith.constant 0 : i32
      %scatter3A_610 = arith.constant 0 : i32
      %scatter3A_611 = arith.constant 0 : i32
      %scatter3A_612 = tpu.memref_slice %arg7[%scan3A_266, %scatter3A_609, %scatter3A_610, %scatter3A_611] : memref<2x8x8x129xf32, #tpu.memory_space<vmem>> -> memref<1x8x8x129xf32, #tpu.memory_space<vmem>>
      %scatter3A_613 = tpu.memref_squeeze %scatter3A_612 : memref<1x8x8x129xf32, #tpu.memory_space<vmem>> -> memref<8x8x129xf32, #tpu.memory_space<vmem>>
      tpu.vector_store_idx %scatter3A_613[%shift_right_arithmetic3A_11, %and3A_34, %broadcast_in_dim3A_589], %get3A_608 : memref<8x8x129xf32, #tpu.memory_space<vmem>>[vector<16xi32>, vector<16xi32>, vector<16xi32>], vector<16xf32>,
      %get3A_614 = arith.constant 0 : i32
      %get3A_615 = arith.constant 0 : i32
      %get3A_616 = tpu.memref_slice %arg6[%scan3A_265, %get3A_614, %get3A_615] : memref<2x128x64xf32, #tpu.memory_space<vmem>> -> memref<1x128x64xf32, #tpu.memory_space<vmem>>
      %get3A_617 = tpu.memref_squeeze %get3A_616 : memref<1x128x64xf32, #tpu.memory_space<vmem>> -> memref<128x64xf32, #tpu.memory_space<vmem>>
      %get3A_618 = arith.index_cast %add3A_588 : i32 to index
      %get3A_619 = arith.constant 32 : index
      %get3A_620 = tpu.vector_load %get3A_617[%get3A_618, %get3A_619] {strides = array<i32>} : memref<128x64xf32, #tpu.memory_space<vmem>>, vector<16xf32>,
      %scatter3A_621 = arith.constant 0 : i32
      %scatter3A_622 = arith.constant 0 : i32
      %scatter3A_623 = arith.constant 0 : i32
      %scatter3A_624 = tpu.memref_slice %arg7[%scan3A_266, %scatter3A_621, %scatter3A_622, %scatter3A_623] : memref<2x8x8x129xf32, #tpu.memory_space<vmem>> -> memref<1x8x8x129xf32, #tpu.memory_space<vmem>>
      %scatter3A_625 = tpu.memref_squeeze %scatter3A_624 : memref<1x8x8x129xf32, #tpu.memory_space<vmem>> -> memref<8x8x129xf32, #tpu.memory_space<vmem>>
      tpu.vector_store_idx %scatter3A_625[%shift_right_arithmetic3A_17, %and3A_40, %broadcast_in_dim3A_589], %get3A_620 : memref<8x8x129xf32, #tpu.memory_space<vmem>>[vector<16xi32>, vector<16xi32>, vector<16xi32>], vector<16xf32>,
      %get3A_626 = arith.constant 0 : i32
      %get3A_627 = arith.constant 0 : i32
      %get3A_628 = tpu.memref_slice %arg6[%scan3A_265, %get3A_626, %get3A_627] : memref<2x128x64xf32, #tpu.memory_space<vmem>> -> memref<1x128x64xf32, #tpu.memory_space<vmem>>
      %get3A_629 = tpu.memref_squeeze %get3A_628 : memref<1x128x64xf32, #tpu.memory_space<vmem>> -> memref<128x64xf32, #tpu.memory_space<vmem>>
      %get3A_630 = arith.index_cast %add3A_588 : i32 to index
      %get3A_631 = arith.constant 48 : index
      %get3A_632 = tpu.vector_load %get3A_629[%get3A_630, %get3A_631] {strides = array<i32>} : memref<128x64xf32, #tpu.memory_space<vmem>>, vector<16xf32>,
      %scatter3A_633 = arith.constant 0 : i32
      %scatter3A_634 = arith.constant 0 : i32
      %scatter3A_635 = arith.constant 0 : i32
      %scatter3A_636 = tpu.memref_slice %arg7[%scan3A_266, %scatter3A_633, %scatter3A_634, %scatter3A_635] : memref<2x8x8x129xf32, #tpu.memory_space<vmem>> -> memref<1x8x8x129xf32, #tpu.memory_space<vmem>>
      %scatter3A_637 = tpu.memref_squeeze %scatter3A_636 : memref<1x8x8x129xf32, #tpu.memory_space<vmem>> -> memref<8x8x129xf32, #tpu.memory_space<vmem>>
      tpu.vector_store_idx %scatter3A_637[%shift_right_arithmetic3A_23, %and3A_46, %broadcast_in_dim3A_589], %get3A_632 : memref<8x8x129xf32, #tpu.memory_space<vmem>>[vector<16xi32>, vector<16xi32>, vector<16xi32>], vector<16xf32>,
      %scan3A_638 = arith.constant 0 : i32
      scf.yield %scan3A_638 : i32
    }
    %scan3A_273 = arith.constant 32 : i32
    %dma_start3A_274 = arith.constant 0 : i32
    %dma_start3A_275 = arith.constant 198 : i32
    %dma_start3A_276 = arith.constant 0 : i32
    %dma_start3A_277 = arith.constant 0 : i32
    %dma_start3A_278 = arith.constant 0 : i32
    %dma_start3A_279 = tpu.memref_slice %arg7[%dma_start3A_274, %dma_start3A_276, %dma_start3A_277, %dma_start3A_278] : memref<2x8x8x129xf32, #tpu.memory_space<vmem>> -> memref<1x8x8x129xf32, #tpu.memory_space<vmem>>
    %dma_start3A_280 = tpu.memref_squeeze %dma_start3A_279 : memref<1x8x8x129xf32, #tpu.memory_space<vmem>> -> memref<8x8x129xf32, #tpu.memory_space<vmem>>
    %dma_start3A_281 = arith.constant 0 : i32
    %dma_start3A_282 = arith.constant 0 : i32
    %dma_start3A_283 = arith.constant 0 : i32
    %dma_start3A_284 = tpu.memref_slice %dma_start3A_280[%dma_start3A_281, %dma_start3A_282, %dma_start3A_283] : memref<8x8x129xf32, #tpu.memory_space<vmem>> -> memref<8x8x128xf32, #tpu.memory_space<vmem>>
    %dma_start3A_285 = arith.constant 0 : i32
    %dma_start3A_286 = arith.constant 0 : i32
    %dma_start3A_287 = arith.constant 0 : i32
    %dma_start3A_288 = arith.constant 0 : i32
    %dma_start3A_289 = tpu.memref_slice %arg4[%dma_start3A_275, %dma_start3A_285, %dma_start3A_286, %dma_start3A_287, %dma_start3A_288] : memref<200x8x32x8x128xf32, #tpu.memory_space<hbm>> -> memref<1x8x32x8x128xf32, #tpu.memory_space<hbm>>
    %dma_start3A_290 = tpu.memref_squeeze %dma_start3A_289 : memref<1x8x32x8x128xf32, #tpu.memory_space<hbm>> -> memref<8x32x8x128xf32, #tpu.memory_space<hbm>>
    %dma_start3A_291 = arith.constant 0 : i32
    %dma_start3A_292 = arith.constant 0 : i32
    %dma_start3A_293 = arith.constant 0 : i32
    %dma_start3A_294 = tpu.memref_slice %dma_start3A_290[%dma_start3A_291, %add3A, %dma_start3A_292, %dma_start3A_293] : memref<8x32x8x128xf32, #tpu.memory_space<hbm>> -> memref<8x1x8x128xf32, #tpu.memory_space<hbm>>
    %dma_start3A_295 = tpu.memref_squeeze %dma_start3A_294 : memref<8x1x8x128xf32, #tpu.memory_space<hbm>> -> memref<8x8x128xf32, #tpu.memory_space<hbm>>
    %dma_start3A_296 = arith.constant 0 : i32
    %dma_start3A_297 = arith.constant 0 : i32
    %dma_start3A_298 = arith.constant 0 : i32
    %dma_start3A_299 = arith.constant 0 : i32
    %dma_start3A_300 = tpu.memref_slice %arg4[%dma_start3A_275, %dma_start3A_296, %dma_start3A_297, %dma_start3A_298, %dma_start3A_299] : memref<200x8x32x8x128xf32, #tpu.memory_space<hbm>> -> memref<1x8x32x8x128xf32, #tpu.memory_space<hbm>>
    %dma_start3A_301 = tpu.memref_squeeze %dma_start3A_300 : memref<1x8x32x8x128xf32, #tpu.memory_space<hbm>> -> memref<8x32x8x128xf32, #tpu.memory_space<hbm>>
    %dma_start3A_302 = arith.constant 0 : i32
    %dma_start3A_303 = arith.constant 0 : i32
    %dma_start3A_304 = arith.constant 0 : i32
    %dma_start3A_305 = tpu.memref_slice %dma_start3A_301[%dma_start3A_302, %add3A, %dma_start3A_303, %dma_start3A_304] : memref<8x32x8x128xf32, #tpu.memory_space<hbm>> -> memref<8x1x8x128xf32, #tpu.memory_space<hbm>>
    %dma_start3A_306 = tpu.memref_squeeze %dma_start3A_305 : memref<8x1x8x128xf32, #tpu.memory_space<hbm>> -> memref<8x8x128xf32, #tpu.memory_space<hbm>>
    %dma_start3A_307 = arith.constant 0 : i32
    %dma_start3A_308 = arith.constant 0 : i32
    %dma_start3A_309 = arith.constant 0 : i32
    %dma_start3A_310 = tpu.memref_slice %arg7[%dma_start3A_274, %dma_start3A_307, %dma_start3A_308, %dma_start3A_309] : memref<2x8x8x129xf32, #tpu.memory_space<vmem>> -> memref<1x8x8x129xf32, #tpu.memory_space<vmem>>
    %dma_start3A_311 = tpu.memref_squeeze %dma_start3A_310 : memref<1x8x8x129xf32, #tpu.memory_space<vmem>> -> memref<8x8x129xf32, #tpu.memory_space<vmem>>
    %dma_start3A_312 = arith.constant 0 : i32
    %dma_start3A_313 = arith.constant 0 : i32
    %dma_start3A_314 = arith.constant 0 : i32
    %dma_start3A_315 = tpu.memref_slice %dma_start3A_311[%dma_start3A_312, %dma_start3A_313, %dma_start3A_314] : memref<8x8x129xf32, #tpu.memory_space<vmem>> -> memref<8x8x128xf32, #tpu.memory_space<vmem>>
    tpu.enqueue_dma source(%dma_start3A_315 : memref<8x8x128xf32, #tpu.memory_space<vmem>>) target(%dma_start3A_306 : memref<8x8x128xf32, #tpu.memory_space<hbm>>) target_semaphore(%arg10 : memref<!tpu.dma_semaphore, #tpu.memory_space<semaphore_mem>>)
    %dma_wait3A_316 = arith.constant 1 : i32
    %dma_wait3A_317 = arith.constant 0 : i32
    %dma_wait3A_318 = arith.constant 0 : i32
    %dma_wait3A_319 = tpu.memref_slice %arg6[%dma_wait3A_316, %dma_wait3A_317, %dma_wait3A_318] : memref<2x128x64xf32, #tpu.memory_space<vmem>> -> memref<1x128x64xf32, #tpu.memory_space<vmem>>
    %dma_wait3A_320 = tpu.memref_squeeze %dma_wait3A_319 : memref<1x128x64xf32, #tpu.memory_space<vmem>> -> memref<128x64xf32, #tpu.memory_space<vmem>>
    %dma_wait3A_321 = arith.constant 0 : i32
    %dma_wait3A_322 = arith.constant 0 : i32
    %dma_wait3A_323 = tpu.memref_slice %arg2[%dma_wait3A_321, %dma_wait3A_322] : memref<100000x64xf32, #tpu.memory_space<hbm>> -> memref<128x64xf32, #tpu.memory_space<hbm>>
    %dma_wait3A_324 = arith.constant 0 : i32
    %dma_wait3A_325 = arith.constant 0 : i32
    %dma_wait3A_326 = tpu.memref_slice %arg6[%dma_wait3A_316, %dma_wait3A_324, %dma_wait3A_325] : memref<2x128x64xf32, #tpu.memory_space<vmem>> -> memref<1x128x64xf32, #tpu.memory_space<vmem>>
    %dma_wait3A_327 = tpu.memref_squeeze %dma_wait3A_326 : memref<1x128x64xf32, #tpu.memory_space<vmem>> -> memref<128x64xf32, #tpu.memory_space<vmem>>
    %dma_wait3A_328 = arith.constant 0 : i32
    %dma_wait3A_329 = arith.constant 0 : i32
    %dma_wait3A_330 = tpu.memref_slice %arg2[%dma_wait3A_328, %dma_wait3A_329] : memref<100000x64xf32, #tpu.memory_space<hbm>> -> memref<128x64xf32, #tpu.memory_space<hbm>>
    tpu.wait_dma2 semaphore(%arg9 : memref<!tpu.dma_semaphore, #tpu.memory_space<semaphore_mem>>) src(%dma_wait3A_330 : memref<128x64xf32, #tpu.memory_space<hbm>>) dst(%dma_wait3A_327 : memref<128x64xf32, #tpu.memory_space<vmem>>)
    %dma_wait3A_331 = arith.constant 1 : i32
    %dma_wait3A_332 = arith.constant 0 : i32
    %dma_wait3A_333 = arith.constant 0 : i32
    %dma_wait3A_334 = tpu.memref_slice %arg6[%dma_wait3A_331, %dma_wait3A_332, %dma_wait3A_333] : memref<2x128x64xf32, #tpu.memory_space<vmem>> -> memref<1x128x64xf32, #tpu.memory_space<vmem>>
    %dma_wait3A_335 = tpu.memref_squeeze %dma_wait3A_334 : memref<1x128x64xf32, #tpu.memory_space<vmem>> -> memref<128x64xf32, #tpu.memory_space<vmem>>
    %dma_wait3A_336 = arith.constant 0 : i32
    %dma_wait3A_337 = arith.constant 0 : i32
    %dma_wait3A_338 = tpu.memref_slice %arg2[%dma_wait3A_336, %dma_wait3A_337] : memref<100000x64xf32, #tpu.memory_space<hbm>> -> memref<128x64xf32, #tpu.memory_space<hbm>>
    %dma_wait3A_339 = arith.constant 0 : i32
    %dma_wait3A_340 = arith.constant 0 : i32
    %dma_wait3A_341 = tpu.memref_slice %arg6[%dma_wait3A_331, %dma_wait3A_339, %dma_wait3A_340] : memref<2x128x64xf32, #tpu.memory_space<vmem>> -> memref<1x128x64xf32, #tpu.memory_space<vmem>>
    %dma_wait3A_342 = tpu.memref_squeeze %dma_wait3A_341 : memref<1x128x64xf32, #tpu.memory_space<vmem>> -> memref<128x64xf32, #tpu.memory_space<vmem>>
    %dma_wait3A_343 = arith.constant 0 : i32
    %dma_wait3A_344 = arith.constant 0 : i32
    %dma_wait3A_345 = tpu.memref_slice %arg2[%dma_wait3A_343, %dma_wait3A_344] : memref<100000x64xf32, #tpu.memory_space<hbm>> -> memref<128x64xf32, #tpu.memory_space<hbm>>
    tpu.wait_dma2 semaphore(%arg11 : memref<!tpu.dma_semaphore, #tpu.memory_space<semaphore_mem>>) src(%dma_wait3A_345 : memref<128x64xf32, #tpu.memory_space<hbm>>) dst(%dma_wait3A_342 : memref<128x64xf32, #tpu.memory_space<vmem>>)
    %scan3A_346 = arith.constant 1 : i32
    %scan3A_347 = arith.constant 1 : i32
    %scan3A_348 = arith.constant 0 : i32
    %scan3A_349 = arith.constant 0 : i32
    %scan3A_350 = arith.constant 32 : i32
    %scan3A_351 = arith.addi %scan3A_349, %scan3A_350 : i32
    %scan3A_352 = arith.constant 1 : i32
    %scan3A_353 = scf.for %scan3A_427 = %scan3A_349 to %scan3A_351 step %scan3A_352 iter_args(%scan3A_428 = %scan3A_348) -> (i32)  : i32 {
      %mul3A_429 = arith.constant 4 : i32
      %mul3A_430 = arith.muli %scan3A_427, %mul3A_429 : i32
      %add3A_431 = arith.constant 0 : i32
      %add3A_432 = arith.addi %mul3A_430, %add3A_431 : i32
      %broadcast_in_dim3A = vector.broadcast %add3A_432 : i32 to vector<16xi32>
      %get3A = arith.constant 0 : i32
      %get3A_433 = arith.constant 0 : i32
      %get3A_434 = tpu.memref_slice %arg6[%scan3A_346, %get3A, %get3A_433] : memref<2x128x64xf32, #tpu.memory_space<vmem>> -> memref<1x128x64xf32, #tpu.memory_space<vmem>>
      %get3A_435 = tpu.memref_squeeze %get3A_434 : memref<1x128x64xf32, #tpu.memory_space<vmem>> -> memref<128x64xf32, #tpu.memory_space<vmem>>
      %get3A_436 = arith.index_cast %add3A_432 : i32 to index
      %get3A_437 = arith.constant 0 : index
      %get3A_438 = tpu.vector_load %get3A_435[%get3A_436, %get3A_437] {strides = array<i32>} : memref<128x64xf32, #tpu.memory_space<vmem>>, vector<16xf32>,
      %scatter3A = arith.constant 0 : i32
      %scatter3A_439 = arith.constant 0 : i32
      %scatter3A_440 = arith.constant 0 : i32
      %scatter3A_441 = tpu.memref_slice %arg7[%scan3A_347, %scatter3A, %scatter3A_439, %scatter3A_440] : memref<2x8x8x129xf32, #tpu.memory_space<vmem>> -> memref<1x8x8x129xf32, #tpu.memory_space<vmem>>
      %scatter3A_442 = tpu.memref_squeeze %scatter3A_441 : memref<1x8x8x129xf32, #tpu.memory_space<vmem>> -> memref<8x8x129xf32, #tpu.memory_space<vmem>>
      tpu.vector_store_idx %scatter3A_442[%shift_right_arithmetic3A_5, %and3A_28, %broadcast_in_dim3A], %get3A_438 : memref<8x8x129xf32, #tpu.memory_space<vmem>>[vector<16xi32>, vector<16xi32>, vector<16xi32>], vector<16xf32>,
      %get3A_443 = arith.constant 0 : i32
      %get3A_444 = arith.constant 0 : i32
      %get3A_445 = tpu.memref_slice %arg6[%scan3A_346, %get3A_443, %get3A_444] : memref<2x128x64xf32, #tpu.memory_space<vmem>> -> memref<1x128x64xf32, #tpu.memory_space<vmem>>
      %get3A_446 = tpu.memref_squeeze %get3A_445 : memref<1x128x64xf32, #tpu.memory_space<vmem>> -> memref<128x64xf32, #tpu.memory_space<vmem>>
      %get3A_447 = arith.index_cast %add3A_432 : i32 to index
      %get3A_448 = arith.constant 16 : index
      %get3A_449 = tpu.vector_load %get3A_446[%get3A_447, %get3A_448] {strides = array<i32>} : memref<128x64xf32, #tpu.memory_space<vmem>>, vector<16xf32>,
      %scatter3A_450 = arith.constant 0 : i32
      %scatter3A_451 = arith.constant 0 : i32
      %scatter3A_452 = arith.constant 0 : i32
      %scatter3A_453 = tpu.memref_slice %arg7[%scan3A_347, %scatter3A_450, %scatter3A_451, %scatter3A_452] : memref<2x8x8x129xf32, #tpu.memory_space<vmem>> -> memref<1x8x8x129xf32, #tpu.memory_space<vmem>>
      %scatter3A_454 = tpu.memref_squeeze %scatter3A_453 : memref<1x8x8x129xf32, #tpu.memory_space<vmem>> -> memref<8x8x129xf32, #tpu.memory_space<vmem>>
      tpu.vector_store_idx %scatter3A_454[%shift_right_arithmetic3A_11, %and3A_34, %broadcast_in_dim3A], %get3A_449 : memref<8x8x129xf32, #tpu.memory_space<vmem>>[vector<16xi32>, vector<16xi32>, vector<16xi32>], vector<16xf32>,
      %get3A_455 = arith.constant 0 : i32
      %get3A_456 = arith.constant 0 : i32
      %get3A_457 = tpu.memref_slice %arg6[%scan3A_346, %get3A_455, %get3A_456] : memref<2x128x64xf32, #tpu.memory_space<vmem>> -> memref<1x128x64xf32, #tpu.memory_space<vmem>>
      %get3A_458 = tpu.memref_squeeze %get3A_457 : memref<1x128x64xf32, #tpu.memory_space<vmem>> -> memref<128x64xf32, #tpu.memory_space<vmem>>
      %get3A_459 = arith.index_cast %add3A_432 : i32 to index
      %get3A_460 = arith.constant 32 : index
      %get3A_461 = tpu.vector_load %get3A_458[%get3A_459, %get3A_460] {strides = array<i32>} : memref<128x64xf32, #tpu.memory_space<vmem>>, vector<16xf32>,
      %scatter3A_462 = arith.constant 0 : i32
      %scatter3A_463 = arith.constant 0 : i32
      %scatter3A_464 = arith.constant 0 : i32
      %scatter3A_465 = tpu.memref_slice %arg7[%scan3A_347, %scatter3A_462, %scatter3A_463, %scatter3A_464] : memref<2x8x8x129xf32, #tpu.memory_space<vmem>> -> memref<1x8x8x129xf32, #tpu.memory_space<vmem>>
      %scatter3A_466 = tpu.memref_squeeze %scatter3A_465 : memref<1x8x8x129xf32, #tpu.memory_space<vmem>> -> memref<8x8x129xf32, #tpu.memory_space<vmem>>
      tpu.vector_store_idx %scatter3A_466[%shift_right_arithmetic3A_17, %and3A_40, %broadcast_in_dim3A], %get3A_461 : memref<8x8x129xf32, #tpu.memory_space<vmem>>[vector<16xi32>, vector<16xi32>, vector<16xi32>], vector<16xf32>,
      %get3A_467 = arith.constant 0 : i32
      %get3A_468 = arith.constant 0 : i32
      %get3A_469 = tpu.memref_slice %arg6[%scan3A_346, %get3A_467, %get3A_468] : memref<2x128x64xf32, #tpu.memory_space<vmem>> -> memref<1x128x64xf32, #tpu.memory_space<vmem>>
      %get3A_470 = tpu.memref_squeeze %get3A_469 : memref<1x128x64xf32, #tpu.memory_space<vmem>> -> memref<128x64xf32, #tpu.memory_space<vmem>>
      %get3A_471 = arith.index_cast %add3A_432 : i32 to index
      %get3A_472 = arith.constant 48 : index
      %get3A_473 = tpu.vector_load %get3A_470[%get3A_471, %get3A_472] {strides = array<i32>} : memref<128x64xf32, #tpu.memory_space<vmem>>, vector<16xf32>,
      %scatter3A_474 = arith.constant 0 : i32
      %scatter3A_475 = arith.constant 0 : i32
      %scatter3A_476 = arith.constant 0 : i32
      %scatter3A_477 = tpu.memref_slice %arg7[%scan3A_347, %scatter3A_474, %scatter3A_475, %scatter3A_476] : memref<2x8x8x129xf32, #tpu.memory_space<vmem>> -> memref<1x8x8x129xf32, #tpu.memory_space<vmem>>
      %scatter3A_478 = tpu.memref_squeeze %scatter3A_477 : memref<1x8x8x129xf32, #tpu.memory_space<vmem>> -> memref<8x8x129xf32, #tpu.memory_space<vmem>>
      tpu.vector_store_idx %scatter3A_478[%shift_right_arithmetic3A_23, %and3A_46, %broadcast_in_dim3A], %get3A_473 : memref<8x8x129xf32, #tpu.memory_space<vmem>>[vector<16xi32>, vector<16xi32>, vector<16xi32>], vector<16xf32>,
      %mul3A_479 = arith.constant 4 : i32
      %mul3A_480 = arith.muli %scan3A_427, %mul3A_479 : i32
      %add3A_481 = arith.constant 1 : i32
      %add3A_482 = arith.addi %mul3A_480, %add3A_481 : i32
      %broadcast_in_dim3A_483 = vector.broadcast %add3A_482 : i32 to vector<16xi32>
      %get3A_484 = arith.constant 0 : i32
      %get3A_485 = arith.constant 0 : i32
      %get3A_486 = tpu.memref_slice %arg6[%scan3A_346, %get3A_484, %get3A_485] : memref<2x128x64xf32, #tpu.memory_space<vmem>> -> memref<1x128x64xf32, #tpu.memory_space<vmem>>
      %get3A_487 = tpu.memref_squeeze %get3A_486 : memref<1x128x64xf32, #tpu.memory_space<vmem>> -> memref<128x64xf32, #tpu.memory_space<vmem>>
      %get3A_488 = arith.index_cast %add3A_482 : i32 to index
      %get3A_489 = arith.constant 0 : index
      %get3A_490 = tpu.vector_load %get3A_487[%get3A_488, %get3A_489] {strides = array<i32>} : memref<128x64xf32, #tpu.memory_space<vmem>>, vector<16xf32>,
      %scatter3A_491 = arith.constant 0 : i32
      %scatter3A_492 = arith.constant 0 : i32
      %scatter3A_493 = arith.constant 0 : i32
      %scatter3A_494 = tpu.memref_slice %arg7[%scan3A_347, %scatter3A_491, %scatter3A_492, %scatter3A_493] : memref<2x8x8x129xf32, #tpu.memory_space<vmem>> -> memref<1x8x8x129xf32, #tpu.memory_space<vmem>>
      %scatter3A_495 = tpu.memref_squeeze %scatter3A_494 : memref<1x8x8x129xf32, #tpu.memory_space<vmem>> -> memref<8x8x129xf32, #tpu.memory_space<vmem>>
      tpu.vector_store_idx %scatter3A_495[%shift_right_arithmetic3A_5, %and3A_28, %broadcast_in_dim3A_483], %get3A_490 : memref<8x8x129xf32, #tpu.memory_space<vmem>>[vector<16xi32>, vector<16xi32>, vector<16xi32>], vector<16xf32>,
      %get3A_496 = arith.constant 0 : i32
      %get3A_497 = arith.constant 0 : i32
      %get3A_498 = tpu.memref_slice %arg6[%scan3A_346, %get3A_496, %get3A_497] : memref<2x128x64xf32, #tpu.memory_space<vmem>> -> memref<1x128x64xf32, #tpu.memory_space<vmem>>
      %get3A_499 = tpu.memref_squeeze %get3A_498 : memref<1x128x64xf32, #tpu.memory_space<vmem>> -> memref<128x64xf32, #tpu.memory_space<vmem>>
      %get3A_500 = arith.index_cast %add3A_482 : i32 to index
      %get3A_501 = arith.constant 16 : index
      %get3A_502 = tpu.vector_load %get3A_499[%get3A_500, %get3A_501] {strides = array<i32>} : memref<128x64xf32, #tpu.memory_space<vmem>>, vector<16xf32>,
      %scatter3A_503 = arith.constant 0 : i32
      %scatter3A_504 = arith.constant 0 : i32
      %scatter3A_505 = arith.constant 0 : i32
      %scatter3A_506 = tpu.memref_slice %arg7[%scan3A_347, %scatter3A_503, %scatter3A_504, %scatter3A_505] : memref<2x8x8x129xf32, #tpu.memory_space<vmem>> -> memref<1x8x8x129xf32, #tpu.memory_space<vmem>>
      %scatter3A_507 = tpu.memref_squeeze %scatter3A_506 : memref<1x8x8x129xf32, #tpu.memory_space<vmem>> -> memref<8x8x129xf32, #tpu.memory_space<vmem>>
      tpu.vector_store_idx %scatter3A_507[%shift_right_arithmetic3A_11, %and3A_34, %broadcast_in_dim3A_483], %get3A_502 : memref<8x8x129xf32, #tpu.memory_space<vmem>>[vector<16xi32>, vector<16xi32>, vector<16xi32>], vector<16xf32>,
      %get3A_508 = arith.constant 0 : i32
      %get3A_509 = arith.constant 0 : i32
      %get3A_510 = tpu.memref_slice %arg6[%scan3A_346, %get3A_508, %get3A_509] : memref<2x128x64xf32, #tpu.memory_space<vmem>> -> memref<1x128x64xf32, #tpu.memory_space<vmem>>
      %get3A_511 = tpu.memref_squeeze %get3A_510 : memref<1x128x64xf32, #tpu.memory_space<vmem>> -> memref<128x64xf32, #tpu.memory_space<vmem>>
      %get3A_512 = arith.index_cast %add3A_482 : i32 to index
      %get3A_513 = arith.constant 32 : index
      %get3A_514 = tpu.vector_load %get3A_511[%get3A_512, %get3A_513] {strides = array<i32>} : memref<128x64xf32, #tpu.memory_space<vmem>>, vector<16xf32>,
      %scatter3A_515 = arith.constant 0 : i32
      %scatter3A_516 = arith.constant 0 : i32
      %scatter3A_517 = arith.constant 0 : i32
      %scatter3A_518 = tpu.memref_slice %arg7[%scan3A_347, %scatter3A_515, %scatter3A_516, %scatter3A_517] : memref<2x8x8x129xf32, #tpu.memory_space<vmem>> -> memref<1x8x8x129xf32, #tpu.memory_space<vmem>>
      %scatter3A_519 = tpu.memref_squeeze %scatter3A_518 : memref<1x8x8x129xf32, #tpu.memory_space<vmem>> -> memref<8x8x129xf32, #tpu.memory_space<vmem>>
      tpu.vector_store_idx %scatter3A_519[%shift_right_arithmetic3A_17, %and3A_40, %broadcast_in_dim3A_483], %get3A_514 : memref<8x8x129xf32, #tpu.memory_space<vmem>>[vector<16xi32>, vector<16xi32>, vector<16xi32>], vector<16xf32>,
      %get3A_520 = arith.constant 0 : i32
      %get3A_521 = arith.constant 0 : i32
      %get3A_522 = tpu.memref_slice %arg6[%scan3A_346, %get3A_520, %get3A_521] : memref<2x128x64xf32, #tpu.memory_space<vmem>> -> memref<1x128x64xf32, #tpu.memory_space<vmem>>
      %get3A_523 = tpu.memref_squeeze %get3A_522 : memref<1x128x64xf32, #tpu.memory_space<vmem>> -> memref<128x64xf32, #tpu.memory_space<vmem>>
      %get3A_524 = arith.index_cast %add3A_482 : i32 to index
      %get3A_525 = arith.constant 48 : index
      %get3A_526 = tpu.vector_load %get3A_523[%get3A_524, %get3A_525] {strides = array<i32>} : memref<128x64xf32, #tpu.memory_space<vmem>>, vector<16xf32>,
      %scatter3A_527 = arith.constant 0 : i32
      %scatter3A_528 = arith.constant 0 : i32
      %scatter3A_529 = arith.constant 0 : i32
      %scatter3A_530 = tpu.memref_slice %arg7[%scan3A_347, %scatter3A_527, %scatter3A_528, %scatter3A_529] : memref<2x8x8x129xf32, #tpu.memory_space<vmem>> -> memref<1x8x8x129xf32, #tpu.memory_space<vmem>>
      %scatter3A_531 = tpu.memref_squeeze %scatter3A_530 : memref<1x8x8x129xf32, #tpu.memory_space<vmem>> -> memref<8x8x129xf32, #tpu.memory_space<vmem>>
      tpu.vector_store_idx %scatter3A_531[%shift_right_arithmetic3A_23, %and3A_46, %broadcast_in_dim3A_483], %get3A_526 : memref<8x8x129xf32, #tpu.memory_space<vmem>>[vector<16xi32>, vector<16xi32>, vector<16xi32>], vector<16xf32>,
      %mul3A_532 = arith.constant 4 : i32
      %mul3A_533 = arith.muli %scan3A_427, %mul3A_532 : i32
      %add3A_534 = arith.constant 2 : i32
      %add3A_535 = arith.addi %mul3A_533, %add3A_534 : i32
      %broadcast_in_dim3A_536 = vector.broadcast %add3A_535 : i32 to vector<16xi32>
      %get3A_537 = arith.constant 0 : i32
      %get3A_538 = arith.constant 0 : i32
      %get3A_539 = tpu.memref_slice %arg6[%scan3A_346, %get3A_537, %get3A_538] : memref<2x128x64xf32, #tpu.memory_space<vmem>> -> memref<1x128x64xf32, #tpu.memory_space<vmem>>
      %get3A_540 = tpu.memref_squeeze %get3A_539 : memref<1x128x64xf32, #tpu.memory_space<vmem>> -> memref<128x64xf32, #tpu.memory_space<vmem>>
      %get3A_541 = arith.index_cast %add3A_535 : i32 to index
      %get3A_542 = arith.constant 0 : index
      %get3A_543 = tpu.vector_load %get3A_540[%get3A_541, %get3A_542] {strides = array<i32>} : memref<128x64xf32, #tpu.memory_space<vmem>>, vector<16xf32>,
      %scatter3A_544 = arith.constant 0 : i32
      %scatter3A_545 = arith.constant 0 : i32
      %scatter3A_546 = arith.constant 0 : i32
      %scatter3A_547 = tpu.memref_slice %arg7[%scan3A_347, %scatter3A_544, %scatter3A_545, %scatter3A_546] : memref<2x8x8x129xf32, #tpu.memory_space<vmem>> -> memref<1x8x8x129xf32, #tpu.memory_space<vmem>>
      %scatter3A_548 = tpu.memref_squeeze %scatter3A_547 : memref<1x8x8x129xf32, #tpu.memory_space<vmem>> -> memref<8x8x129xf32, #tpu.memory_space<vmem>>
      tpu.vector_store_idx %scatter3A_548[%shift_right_arithmetic3A_5, %and3A_28, %broadcast_in_dim3A_536], %get3A_543 : memref<8x8x129xf32, #tpu.memory_space<vmem>>[vector<16xi32>, vector<16xi32>, vector<16xi32>], vector<16xf32>,
      %get3A_549 = arith.constant 0 : i32
      %get3A_550 = arith.constant 0 : i32
      %get3A_551 = tpu.memref_slice %arg6[%scan3A_346, %get3A_549, %get3A_550] : memref<2x128x64xf32, #tpu.memory_space<vmem>> -> memref<1x128x64xf32, #tpu.memory_space<vmem>>
      %get3A_552 = tpu.memref_squeeze %get3A_551 : memref<1x128x64xf32, #tpu.memory_space<vmem>> -> memref<128x64xf32, #tpu.memory_space<vmem>>
      %get3A_553 = arith.index_cast %add3A_535 : i32 to index
      %get3A_554 = arith.constant 16 : index
      %get3A_555 = tpu.vector_load %get3A_552[%get3A_553, %get3A_554] {strides = array<i32>} : memref<128x64xf32, #tpu.memory_space<vmem>>, vector<16xf32>,
      %scatter3A_556 = arith.constant 0 : i32
      %scatter3A_557 = arith.constant 0 : i32
      %scatter3A_558 = arith.constant 0 : i32
      %scatter3A_559 = tpu.memref_slice %arg7[%scan3A_347, %scatter3A_556, %scatter3A_557, %scatter3A_558] : memref<2x8x8x129xf32, #tpu.memory_space<vmem>> -> memref<1x8x8x129xf32, #tpu.memory_space<vmem>>
      %scatter3A_560 = tpu.memref_squeeze %scatter3A_559 : memref<1x8x8x129xf32, #tpu.memory_space<vmem>> -> memref<8x8x129xf32, #tpu.memory_space<vmem>>
      tpu.vector_store_idx %scatter3A_560[%shift_right_arithmetic3A_11, %and3A_34, %broadcast_in_dim3A_536], %get3A_555 : memref<8x8x129xf32, #tpu.memory_space<vmem>>[vector<16xi32>, vector<16xi32>, vector<16xi32>], vector<16xf32>,
      %get3A_561 = arith.constant 0 : i32
      %get3A_562 = arith.constant 0 : i32
      %get3A_563 = tpu.memref_slice %arg6[%scan3A_346, %get3A_561, %get3A_562] : memref<2x128x64xf32, #tpu.memory_space<vmem>> -> memref<1x128x64xf32, #tpu.memory_space<vmem>>
      %get3A_564 = tpu.memref_squeeze %get3A_563 : memref<1x128x64xf32, #tpu.memory_space<vmem>> -> memref<128x64xf32, #tpu.memory_space<vmem>>
      %get3A_565 = arith.index_cast %add3A_535 : i32 to index
      %get3A_566 = arith.constant 32 : index
      %get3A_567 = tpu.vector_load %get3A_564[%get3A_565, %get3A_566] {strides = array<i32>} : memref<128x64xf32, #tpu.memory_space<vmem>>, vector<16xf32>,
      %scatter3A_568 = arith.constant 0 : i32
      %scatter3A_569 = arith.constant 0 : i32
      %scatter3A_570 = arith.constant 0 : i32
      %scatter3A_571 = tpu.memref_slice %arg7[%scan3A_347, %scatter3A_568, %scatter3A_569, %scatter3A_570] : memref<2x8x8x129xf32, #tpu.memory_space<vmem>> -> memref<1x8x8x129xf32, #tpu.memory_space<vmem>>
      %scatter3A_572 = tpu.memref_squeeze %scatter3A_571 : memref<1x8x8x129xf32, #tpu.memory_space<vmem>> -> memref<8x8x129xf32, #tpu.memory_space<vmem>>
      tpu.vector_store_idx %scatter3A_572[%shift_right_arithmetic3A_17, %and3A_40, %broadcast_in_dim3A_536], %get3A_567 : memref<8x8x129xf32, #tpu.memory_space<vmem>>[vector<16xi32>, vector<16xi32>, vector<16xi32>], vector<16xf32>,
      %get3A_573 = arith.constant 0 : i32
      %get3A_574 = arith.constant 0 : i32
      %get3A_575 = tpu.memref_slice %arg6[%scan3A_346, %get3A_573, %get3A_574] : memref<2x128x64xf32, #tpu.memory_space<vmem>> -> memref<1x128x64xf32, #tpu.memory_space<vmem>>
      %get3A_576 = tpu.memref_squeeze %get3A_575 : memref<1x128x64xf32, #tpu.memory_space<vmem>> -> memref<128x64xf32, #tpu.memory_space<vmem>>
      %get3A_577 = arith.index_cast %add3A_535 : i32 to index
      %get3A_578 = arith.constant 48 : index
      %get3A_579 = tpu.vector_load %get3A_576[%get3A_577, %get3A_578] {strides = array<i32>} : memref<128x64xf32, #tpu.memory_space<vmem>>, vector<16xf32>,
      %scatter3A_580 = arith.constant 0 : i32
      %scatter3A_581 = arith.constant 0 : i32
      %scatter3A_582 = arith.constant 0 : i32
      %scatter3A_583 = tpu.memref_slice %arg7[%scan3A_347, %scatter3A_580, %scatter3A_581, %scatter3A_582] : memref<2x8x8x129xf32, #tpu.memory_space<vmem>> -> memref<1x8x8x129xf32, #tpu.memory_space<vmem>>
      %scatter3A_584 = tpu.memref_squeeze %scatter3A_583 : memref<1x8x8x129xf32, #tpu.memory_space<vmem>> -> memref<8x8x129xf32, #tpu.memory_space<vmem>>
      tpu.vector_store_idx %scatter3A_584[%shift_right_arithmetic3A_23, %and3A_46, %broadcast_in_dim3A_536], %get3A_579 : memref<8x8x129xf32, #tpu.memory_space<vmem>>[vector<16xi32>, vector<16xi32>, vector<16xi32>], vector<16xf32>,
      %mul3A_585 = arith.constant 4 : i32
      %mul3A_586 = arith.muli %scan3A_427, %mul3A_585 : i32
      %add3A_587 = arith.constant 3 : i32
      %add3A_588 = arith.addi %mul3A_586, %add3A_587 : i32
      %broadcast_in_dim3A_589 = vector.broadcast %add3A_588 : i32 to vector<16xi32>
      %get3A_590 = arith.constant 0 : i32
      %get3A_591 = arith.constant 0 : i32
      %get3A_592 = tpu.memref_slice %arg6[%scan3A_346, %get3A_590, %get3A_591] : memref<2x128x64xf32, #tpu.memory_space<vmem>> -> memref<1x128x64xf32, #tpu.memory_space<vmem>>
      %get3A_593 = tpu.memref_squeeze %get3A_592 : memref<1x128x64xf32, #tpu.memory_space<vmem>> -> memref<128x64xf32, #tpu.memory_space<vmem>>
      %get3A_594 = arith.index_cast %add3A_588 : i32 to index
      %get3A_595 = arith.constant 0 : index
      %get3A_596 = tpu.vector_load %get3A_593[%get3A_594, %get3A_595] {strides = array<i32>} : memref<128x64xf32, #tpu.memory_space<vmem>>, vector<16xf32>,
      %scatter3A_597 = arith.constant 0 : i32
      %scatter3A_598 = arith.constant 0 : i32
      %scatter3A_599 = arith.constant 0 : i32
      %scatter3A_600 = tpu.memref_slice %arg7[%scan3A_347, %scatter3A_597, %scatter3A_598, %scatter3A_599] : memref<2x8x8x129xf32, #tpu.memory_space<vmem>> -> memref<1x8x8x129xf32, #tpu.memory_space<vmem>>
      %scatter3A_601 = tpu.memref_squeeze %scatter3A_600 : memref<1x8x8x129xf32, #tpu.memory_space<vmem>> -> memref<8x8x129xf32, #tpu.memory_space<vmem>>
      tpu.vector_store_idx %scatter3A_601[%shift_right_arithmetic3A_5, %and3A_28, %broadcast_in_dim3A_589], %get3A_596 : memref<8x8x129xf32, #tpu.memory_space<vmem>>[vector<16xi32>, vector<16xi32>, vector<16xi32>], vector<16xf32>,
      %get3A_602 = arith.constant 0 : i32
      %get3A_603 = arith.constant 0 : i32
      %get3A_604 = tpu.memref_slice %arg6[%scan3A_346, %get3A_602, %get3A_603] : memref<2x128x64xf32, #tpu.memory_space<vmem>> -> memref<1x128x64xf32, #tpu.memory_space<vmem>>
      %get3A_605 = tpu.memref_squeeze %get3A_604 : memref<1x128x64xf32, #tpu.memory_space<vmem>> -> memref<128x64xf32, #tpu.memory_space<vmem>>
      %get3A_606 = arith.index_cast %add3A_588 : i32 to index
      %get3A_607 = arith.constant 16 : index
      %get3A_608 = tpu.vector_load %get3A_605[%get3A_606, %get3A_607] {strides = array<i32>} : memref<128x64xf32, #tpu.memory_space<vmem>>, vector<16xf32>,
      %scatter3A_609 = arith.constant 0 : i32
      %scatter3A_610 = arith.constant 0 : i32
      %scatter3A_611 = arith.constant 0 : i32
      %scatter3A_612 = tpu.memref_slice %arg7[%scan3A_347, %scatter3A_609, %scatter3A_610, %scatter3A_611] : memref<2x8x8x129xf32, #tpu.memory_space<vmem>> -> memref<1x8x8x129xf32, #tpu.memory_space<vmem>>
      %scatter3A_613 = tpu.memref_squeeze %scatter3A_612 : memref<1x8x8x129xf32, #tpu.memory_space<vmem>> -> memref<8x8x129xf32, #tpu.memory_space<vmem>>
      tpu.vector_store_idx %scatter3A_613[%shift_right_arithmetic3A_11, %and3A_34, %broadcast_in_dim3A_589], %get3A_608 : memref<8x8x129xf32, #tpu.memory_space<vmem>>[vector<16xi32>, vector<16xi32>, vector<16xi32>], vector<16xf32>,
      %get3A_614 = arith.constant 0 : i32
      %get3A_615 = arith.constant 0 : i32
      %get3A_616 = tpu.memref_slice %arg6[%scan3A_346, %get3A_614, %get3A_615] : memref<2x128x64xf32, #tpu.memory_space<vmem>> -> memref<1x128x64xf32, #tpu.memory_space<vmem>>
      %get3A_617 = tpu.memref_squeeze %get3A_616 : memref<1x128x64xf32, #tpu.memory_space<vmem>> -> memref<128x64xf32, #tpu.memory_space<vmem>>
      %get3A_618 = arith.index_cast %add3A_588 : i32 to index
      %get3A_619 = arith.constant 32 : index
      %get3A_620 = tpu.vector_load %get3A_617[%get3A_618, %get3A_619] {strides = array<i32>} : memref<128x64xf32, #tpu.memory_space<vmem>>, vector<16xf32>,
      %scatter3A_621 = arith.constant 0 : i32
      %scatter3A_622 = arith.constant 0 : i32
      %scatter3A_623 = arith.constant 0 : i32
      %scatter3A_624 = tpu.memref_slice %arg7[%scan3A_347, %scatter3A_621, %scatter3A_622, %scatter3A_623] : memref<2x8x8x129xf32, #tpu.memory_space<vmem>> -> memref<1x8x8x129xf32, #tpu.memory_space<vmem>>
      %scatter3A_625 = tpu.memref_squeeze %scatter3A_624 : memref<1x8x8x129xf32, #tpu.memory_space<vmem>> -> memref<8x8x129xf32, #tpu.memory_space<vmem>>
      tpu.vector_store_idx %scatter3A_625[%shift_right_arithmetic3A_17, %and3A_40, %broadcast_in_dim3A_589], %get3A_620 : memref<8x8x129xf32, #tpu.memory_space<vmem>>[vector<16xi32>, vector<16xi32>, vector<16xi32>], vector<16xf32>,
      %get3A_626 = arith.constant 0 : i32
      %get3A_627 = arith.constant 0 : i32
      %get3A_628 = tpu.memref_slice %arg6[%scan3A_346, %get3A_626, %get3A_627] : memref<2x128x64xf32, #tpu.memory_space<vmem>> -> memref<1x128x64xf32, #tpu.memory_space<vmem>>
      %get3A_629 = tpu.memref_squeeze %get3A_628 : memref<1x128x64xf32, #tpu.memory_space<vmem>> -> memref<128x64xf32, #tpu.memory_space<vmem>>
      %get3A_630 = arith.index_cast %add3A_588 : i32 to index
      %get3A_631 = arith.constant 48 : index
      %get3A_632 = tpu.vector_load %get3A_629[%get3A_630, %get3A_631] {strides = array<i32>} : memref<128x64xf32, #tpu.memory_space<vmem>>, vector<16xf32>,
      %scatter3A_633 = arith.constant 0 : i32
      %scatter3A_634 = arith.constant 0 : i32
      %scatter3A_635 = arith.constant 0 : i32
      %scatter3A_636 = tpu.memref_slice %arg7[%scan3A_347, %scatter3A_633, %scatter3A_634, %scatter3A_635] : memref<2x8x8x129xf32, #tpu.memory_space<vmem>> -> memref<1x8x8x129xf32, #tpu.memory_space<vmem>>
      %scatter3A_637 = tpu.memref_squeeze %scatter3A_636 : memref<1x8x8x129xf32, #tpu.memory_space<vmem>> -> memref<8x8x129xf32, #tpu.memory_space<vmem>>
      tpu.vector_store_idx %scatter3A_637[%shift_right_arithmetic3A_23, %and3A_46, %broadcast_in_dim3A_589], %get3A_632 : memref<8x8x129xf32, #tpu.memory_space<vmem>>[vector<16xi32>, vector<16xi32>, vector<16xi32>], vector<16xf32>,
      %scan3A_638 = arith.constant 0 : i32
      scf.yield %scan3A_638 : i32
    }
    %scan3A_354 = arith.constant 32 : i32
    %dma_start3A_355 = arith.constant 1 : i32
    %dma_start3A_356 = arith.constant 199 : i32
    %dma_start3A_357 = arith.constant 0 : i32
    %dma_start3A_358 = arith.constant 0 : i32
    %dma_start3A_359 = arith.constant 0 : i32
    %dma_start3A_360 = tpu.memref_slice %arg7[%dma_start3A_355, %dma_start3A_357, %dma_start3A_358, %dma_start3A_359] : memref<2x8x8x129xf32, #tpu.memory_space<vmem>> -> memref<1x8x8x129xf32, #tpu.memory_space<vmem>>
    %dma_start3A_361 = tpu.memref_squeeze %dma_start3A_360 : memref<1x8x8x129xf32, #tpu.memory_space<vmem>> -> memref<8x8x129xf32, #tpu.memory_space<vmem>>
    %dma_start3A_362 = arith.constant 0 : i32
    %dma_start3A_363 = arith.constant 0 : i32
    %dma_start3A_364 = arith.constant 0 : i32
    %dma_start3A_365 = tpu.memref_slice %dma_start3A_361[%dma_start3A_362, %dma_start3A_363, %dma_start3A_364] : memref<8x8x129xf32, #tpu.memory_space<vmem>> -> memref<8x8x128xf32, #tpu.memory_space<vmem>>
    %dma_start3A_366 = arith.constant 0 : i32
    %dma_start3A_367 = arith.constant 0 : i32
    %dma_start3A_368 = arith.constant 0 : i32
    %dma_start3A_369 = arith.constant 0 : i32
    %dma_start3A_370 = tpu.memref_slice %arg4[%dma_start3A_356, %dma_start3A_366, %dma_start3A_367, %dma_start3A_368, %dma_start3A_369] : memref<200x8x32x8x128xf32, #tpu.memory_space<hbm>> -> memref<1x8x32x8x128xf32, #tpu.memory_space<hbm>>
    %dma_start3A_371 = tpu.memref_squeeze %dma_start3A_370 : memref<1x8x32x8x128xf32, #tpu.memory_space<hbm>> -> memref<8x32x8x128xf32, #tpu.memory_space<hbm>>
    %dma_start3A_372 = arith.constant 0 : i32
    %dma_start3A_373 = arith.constant 0 : i32
    %dma_start3A_374 = arith.constant 0 : i32
    %dma_start3A_375 = tpu.memref_slice %dma_start3A_371[%dma_start3A_372, %add3A, %dma_start3A_373, %dma_start3A_374] : memref<8x32x8x128xf32, #tpu.memory_space<hbm>> -> memref<8x1x8x128xf32, #tpu.memory_space<hbm>>
    %dma_start3A_376 = tpu.memref_squeeze %dma_start3A_375 : memref<8x1x8x128xf32, #tpu.memory_space<hbm>> -> memref<8x8x128xf32, #tpu.memory_space<hbm>>
    %dma_start3A_377 = arith.constant 0 : i32
    %dma_start3A_378 = arith.constant 0 : i32
    %dma_start3A_379 = arith.constant 0 : i32
    %dma_start3A_380 = arith.constant 0 : i32
    %dma_start3A_381 = tpu.memref_slice %arg4[%dma_start3A_356, %dma_start3A_377, %dma_start3A_378, %dma_start3A_379, %dma_start3A_380] : memref<200x8x32x8x128xf32, #tpu.memory_space<hbm>> -> memref<1x8x32x8x128xf32, #tpu.memory_space<hbm>>
    %dma_start3A_382 = tpu.memref_squeeze %dma_start3A_381 : memref<1x8x32x8x128xf32, #tpu.memory_space<hbm>> -> memref<8x32x8x128xf32, #tpu.memory_space<hbm>>
    %dma_start3A_383 = arith.constant 0 : i32
    %dma_start3A_384 = arith.constant 0 : i32
    %dma_start3A_385 = arith.constant 0 : i32
    %dma_start3A_386 = tpu.memref_slice %dma_start3A_382[%dma_start3A_383, %add3A, %dma_start3A_384, %dma_start3A_385] : memref<8x32x8x128xf32, #tpu.memory_space<hbm>> -> memref<8x1x8x128xf32, #tpu.memory_space<hbm>>
    %dma_start3A_387 = tpu.memref_squeeze %dma_start3A_386 : memref<8x1x8x128xf32, #tpu.memory_space<hbm>> -> memref<8x8x128xf32, #tpu.memory_space<hbm>>
    %dma_start3A_388 = arith.constant 0 : i32
    %dma_start3A_389 = arith.constant 0 : i32
    %dma_start3A_390 = arith.constant 0 : i32
    %dma_start3A_391 = tpu.memref_slice %arg7[%dma_start3A_355, %dma_start3A_388, %dma_start3A_389, %dma_start3A_390] : memref<2x8x8x129xf32, #tpu.memory_space<vmem>> -> memref<1x8x8x129xf32, #tpu.memory_space<vmem>>
    %dma_start3A_392 = tpu.memref_squeeze %dma_start3A_391 : memref<1x8x8x129xf32, #tpu.memory_space<vmem>> -> memref<8x8x129xf32, #tpu.memory_space<vmem>>
    %dma_start3A_393 = arith.constant 0 : i32
    %dma_start3A_394 = arith.constant 0 : i32
    %dma_start3A_395 = arith.constant 0 : i32
    %dma_start3A_396 = tpu.memref_slice %dma_start3A_392[%dma_start3A_393, %dma_start3A_394, %dma_start3A_395] : memref<8x8x129xf32, #tpu.memory_space<vmem>> -> memref<8x8x128xf32, #tpu.memory_space<vmem>>
    tpu.enqueue_dma source(%dma_start3A_396 : memref<8x8x128xf32, #tpu.memory_space<vmem>>) target(%dma_start3A_387 : memref<8x8x128xf32, #tpu.memory_space<hbm>>) target_semaphore(%arg11 : memref<!tpu.dma_semaphore, #tpu.memory_space<semaphore_mem>>)
    %dma_wait3A_397 = arith.constant 0 : i32
    %dma_wait3A_398 = arith.constant 0 : i32
    %dma_wait3A_399 = arith.constant 0 : i32
    %dma_wait3A_400 = tpu.memref_slice %arg6[%dma_wait3A_397, %dma_wait3A_398, %dma_wait3A_399] : memref<2x128x64xf32, #tpu.memory_space<vmem>> -> memref<1x128x64xf32, #tpu.memory_space<vmem>>
    %dma_wait3A_401 = tpu.memref_squeeze %dma_wait3A_400 : memref<1x128x64xf32, #tpu.memory_space<vmem>> -> memref<128x64xf32, #tpu.memory_space<vmem>>
    %dma_wait3A_402 = arith.constant 0 : i32
    %dma_wait3A_403 = arith.constant 0 : i32
    %dma_wait3A_404 = tpu.memref_slice %arg2[%dma_wait3A_402, %dma_wait3A_403] : memref<100000x64xf32, #tpu.memory_space<hbm>> -> memref<128x64xf32, #tpu.memory_space<hbm>>
    %dma_wait3A_405 = arith.constant 0 : i32
    %dma_wait3A_406 = arith.constant 0 : i32
    %dma_wait3A_407 = tpu.memref_slice %arg6[%dma_wait3A_397, %dma_wait3A_405, %dma_wait3A_406] : memref<2x128x64xf32, #tpu.memory_space<vmem>> -> memref<1x128x64xf32, #tpu.memory_space<vmem>>
    %dma_wait3A_408 = tpu.memref_squeeze %dma_wait3A_407 : memref<1x128x64xf32, #tpu.memory_space<vmem>> -> memref<128x64xf32, #tpu.memory_space<vmem>>
    %dma_wait3A_409 = arith.constant 0 : i32
    %dma_wait3A_410 = arith.constant 0 : i32
    %dma_wait3A_411 = tpu.memref_slice %arg2[%dma_wait3A_409, %dma_wait3A_410] : memref<100000x64xf32, #tpu.memory_space<hbm>> -> memref<128x64xf32, #tpu.memory_space<hbm>>
    tpu.wait_dma2 semaphore(%arg10 : memref<!tpu.dma_semaphore, #tpu.memory_space<semaphore_mem>>) src(%dma_wait3A_411 : memref<128x64xf32, #tpu.memory_space<hbm>>) dst(%dma_wait3A_408 : memref<128x64xf32, #tpu.memory_space<vmem>>)
    %dma_wait3A_412 = arith.constant 1 : i32
    %dma_wait3A_413 = arith.constant 0 : i32
    %dma_wait3A_414 = arith.constant 0 : i32
    %dma_wait3A_415 = tpu.memref_slice %arg6[%dma_wait3A_412, %dma_wait3A_413, %dma_wait3A_414] : memref<2x128x64xf32, #tpu.memory_space<vmem>> -> memref<1x128x64xf32, #tpu.memory_space<vmem>>
    %dma_wait3A_416 = tpu.memref_squeeze %dma_wait3A_415 : memref<1x128x64xf32, #tpu.memory_space<vmem>> -> memref<128x64xf32, #tpu.memory_space<vmem>>
    %dma_wait3A_417 = arith.constant 0 : i32
    %dma_wait3A_418 = arith.constant 0 : i32
    %dma_wait3A_419 = tpu.memref_slice %arg2[%dma_wait3A_417, %dma_wait3A_418] : memref<100000x64xf32, #tpu.memory_space<hbm>> -> memref<128x64xf32, #tpu.memory_space<hbm>>
    %dma_wait3A_420 = arith.constant 0 : i32
    %dma_wait3A_421 = arith.constant 0 : i32
    %dma_wait3A_422 = tpu.memref_slice %arg6[%dma_wait3A_412, %dma_wait3A_420, %dma_wait3A_421] : memref<2x128x64xf32, #tpu.memory_space<vmem>> -> memref<1x128x64xf32, #tpu.memory_space<vmem>>
    %dma_wait3A_423 = tpu.memref_squeeze %dma_wait3A_422 : memref<1x128x64xf32, #tpu.memory_space<vmem>> -> memref<128x64xf32, #tpu.memory_space<vmem>>
    %dma_wait3A_424 = arith.constant 0 : i32
    %dma_wait3A_425 = arith.constant 0 : i32
    %dma_wait3A_426 = tpu.memref_slice %arg2[%dma_wait3A_424, %dma_wait3A_425] : memref<100000x64xf32, #tpu.memory_space<hbm>> -> memref<128x64xf32, #tpu.memory_space<hbm>>
    tpu.wait_dma2 semaphore(%arg11 : memref<!tpu.dma_semaphore, #tpu.memory_space<semaphore_mem>>) src(%dma_wait3A_426 : memref<128x64xf32, #tpu.memory_space<hbm>>) dst(%dma_wait3A_423 : memref<128x64xf32, #tpu.memory_space<vmem>>)
    return
  }
}

module attributes {stable_mosaic.version = 14 : i64} {
  func.func @_add_t_body(%arg0: i32, %arg1: memref<64x4096xf32, #tpu.memory_space<vmem>>, %arg2: memref<64x4096xf32, #tpu.memory_space<vmem>>, %arg3: memref<4096x64xf32, #tpu.memory_space<vmem>>) attributes {dimension_semantics = [#tpu.dimension_semantics<arbitrary>], iteration_bounds = array<i64: 25>, scalar_prefetch = 0 : i64, scratch_operands = 0 : i64, tpu.core_type = #tpu.core_type<tc>, window_params = [{transform_indices = @transform_0, window_bounds = array<i64: 64, 4096>}, {transform_indices = @transform_1, window_bounds = array<i64: 64, 4096>}, {transform_indices = @transform_2, window_bounds = array<i64: 4096, 64>}]} {
    %get3A = arith.constant 0 : index
    %get3A_0 = arith.constant 0 : index
    %get3A_1 = vector.load %arg1[%get3A, %get3A_0] : memref<64x4096xf32, #tpu.memory_space<vmem>>, vector<64x4096xf32>
    %get3A_2 = arith.constant 0 : index
    %get3A_3 = arith.constant 0 : index
    %get3A_4 = vector.load %arg2[%get3A_2, %get3A_3] : memref<64x4096xf32, #tpu.memory_space<vmem>>, vector<64x4096xf32>
    %add3A = arith.addf %get3A_1, %get3A_4 : vector<64x4096xf32>
    %transpose3A = tpu.transpose %add3A, [1, 0] : vector<64x4096xf32> -> vector<4096x64xf32>
    %swap3A = arith.constant 0 : index
    %swap3A_5 = arith.constant 0 : index
    %swap3A_6 = vector.load %arg3[%swap3A, %swap3A_5] : memref<4096x64xf32, #tpu.memory_space<vmem>>, vector<4096x64xf32>
    tpu.vector_store %arg3[%swap3A, %swap3A_5], %transpose3A {strides = array<i32>} : memref<4096x64xf32, #tpu.memory_space<vmem>>, vector<4096x64xf32>,
    return
  }
  func.func @transform_0(%arg0: i32) -> (i32, i32) {
    %c0_i32 = arith.constant 0 : i32
    %c0_i32_0 = arith.constant 0 : i32
    return %c0_i32, %arg0 : i32, i32
  }
  func.func @transform_1(%arg0: i32) -> (i32, i32) {
    %c0_i32 = arith.constant 0 : i32
    %c0_i32_0 = arith.constant 0 : i32
    return %c0_i32, %arg0 : i32, i32
  }
  func.func @transform_2(%arg0: i32) -> (i32, i32) {
    %c0_i32 = arith.constant 0 : i32
    %c0_i32_0 = arith.constant 0 : i32
    return %arg0, %c0_i32 : i32, i32
  }
}

</mosaic_0001>

<sc_bundles>
// kernel: kernel.4.cloned.1.call-start
scs
__scs_entry_jumppad:
0x0: {  	(pc) =	sbr.rel $0x88, $3  }
0x1: {  	(tag) =	ssettag $0x0;
	lr =	simm.s32 $0x1  }
0x2: {  	[smem:$0x3F9E] =	sst lr;
	_ =	strace $0xD0000000  }
0x3: {  	_ = 	snop  }
0x4: {  	_ = 	snop  }
0x5: {  	_ = 	snop  }
0x6: {  	_ = 	snop  }
0x7: {  	_ = 	snop  }
__scs_overlays_trampoline_lowered:
0x8: {  	[smem:$0x3FAD] =	sst s0  }
0x9: {  	[smem:$0x3FAE] =	sst s1  }
0xa: {  	[smem:$0x3FAF] =	sst s2  }
0xb: {  	[smem:$0x3FB0] =	sst s3  }
0xc: {  	[smem:$0x3FB1] =	sst s4  }
0xd: {  	[smem:$0x3FB2] =	sst s5  }
0xe: {  	[smem:$0x3FB3] =	sst s6  }
0xf: {  	[smem:$0x3FB4] =	sst s7  }
0x10: {  	[smem:$0x3FB5] =	sst s8  }
0x11: {  	[smem:$0x3FB6] =	sst s9;
	s0 =	simm.s32 @!p0 $0x0  }
0x12: {  	s1 =	sld [smem:$0x3F9C];
	s0 =	simm.s32 @p0 $0x1  }
0x13: {  	[smem:$0x3FB7] =	sst s0;
	s0 =	simm.s32 @!p1 $0x0  }
0x14: {  	s2 =	sld [smem:$0x3F9B];
	s0 =	simm.s32 @p1 $0x1  }
0x15: {  	[smem:$0x3FB8] =	sst s0;
	s0 =	simm.s32 @!p2 $0x0  }
0x16: {  	s3 =	sld [smem:$0x3FDB];
	s0 =	simm.s32 @p2 $0x1  }
0x17: {  	s4 =	simm.s32 $0x1BF5;
	[smem:$0x3FBA] =	sst s0  }
0x18: {  	s0 =	sld [smem:$0x3F9D];
	_ =	swait.ge [sflag:s4], $0x0  }
0x19: {  	s7 =	sld [smem:$0x3F9E]  }
0x1a: {  	s8 =	sadd.s32 $0xFFFFE003, lr  }
0x1b: {  	s9 =	sadd.s32 $0xFFFFFEF7, lr;
	s5 =	simm.s32 $0xFFFFFFFF;
	p2 =	slt.u32 s8, $0xFFFFF086  }
0x1c: {  	p1 =	slt.u32 s9, $0xF7A;
	s5 =	simm.s32 @!p2 $0x0  }
0x1d: {  	s5 =	simm.s32 @p1 $0x1;
	p0 =	seq.s32 s7, s2  }
0x1e: {  	s7 =	smul.u32 @!p0 $0xF7A, s2;
	p2 =	seq.s32 @!p0 s5, $0x0  }
0x1f: {  	s9 =	smul.u32 $0xF7A, s1;
	s8 =	simm.s32 @!p0 $0x1BF5;
	p2 =	por !p2, p0  }
0x20: {  	[sflag:s8] =	ssyncset.s32 @!p0 $0xFFFFF086;
	s6 =	sadd.s32 @!p0 s3, s7;
	s7 =	simm.s32 @!p0 $0x108  }
0x21: {  	s3 =	sadd.s32 s3, s9;
	s6 =	sadd.s32 @!p0 $0x88, s6;
	s7 =	simm.s32 @p2 $0x1082  }
0x22: {  	[simem:s7], [sflag:s8] =	dma.local @!p0 [hbm:s6], $0xF7A  }
0x23: {  	s9 =	sor.u32 $0xD0000000, s2;
	s6 =	simm.s32 $0x108;
	_ =	swait.ge @!p0 [sflag:s8], $0x0  }
0x24: {  	s3 =	sadd.s32 $0x88, s3;
	s6 =	simm.s32 @!p1 $0x1082;
	[sflag:s4] =	ssyncset.s32 $0xFFFFF086  }
0x25: {  	[simem:s6], [sflag:s4] =	dma.local [hbm:s3], $0xF7A  }
0x26: {  	[smem:$0x3F9E] =	sst s1;
	(tag) =	ssettag s2;
	_ =	strace s9  }
0x27: {  	s1 =	sld [smem:$0x3FAE]  }
0x28: {  	s2 =	sld [smem:$0x3FAF]  }
0x29: {  	s4 =	sld [smem:$0x3FB1]  }
0x2a: {  	p0 =	seq.s32 s5, $0x0;
	s5 =	sld [smem:$0x3FB2]  }
0x2b: {  	s6 =	sld [smem:$0x3FB3]  }
0x2c: {  	s7 =	sld [smem:$0x3FB4]  }
0x2d: {  	s3 =	simm.s32 $0x108;
	s8 =	sld [smem:$0x3FB5]  }
0x2e: {  	s3 =	simm.s32 @!p0 $0x1082;
	s9 =	sld [smem:$0x3FB6]  }
0x2f: {  	lr =	sadd.s32 s0, s3;
	s0 =	sld [smem:$0x3FAD]  }
0x30: {  	s3 =	sld [smem:$0x3FB0]  }
0x31: {  	[smem:$0x3FB9] =	sst s10  }
0x32: {  	s10 =	sld [smem:$0x3FB7];
	_ =	sdelay $0x3  }
0x33: {  	p0 =	seq.s32 s10, $0x1;
	s10 =	sld [smem:$0x3FB9];
	_ =	sdelay $0x3  }
0x34: {  	[smem:$0x3FB9] =	sst s10  }
0x35: {  	s10 =	sld [smem:$0x3FB8];
	_ =	sdelay $0x3  }
0x36: {  	p1 =	seq.s32 s10, $0x1;
	s10 =	sld [smem:$0x3FB9];
	_ =	sdelay $0x3  }
0x37: {  	[smem:$0x3FB9] =	sst s10  }
0x38: {  	s10 =	sld [smem:$0x3FBA]  }
0x39: {  	_ = 	snop;
	(pc) =	sbr.ind lr, $3  }
0x3a: {  	_ = 	snop  }
0x3b: {  	_ = 	snop  }
0x3c: {  	p2 =	seq.s32 s10, $0x1;
	s10 =	sld [smem:$0x3FB9]  }
0x3d: {  	_ =	shalt  }
0x3e: {  	_ =	shalt  }
0x3f: {  	_ =	shalt  }
0x40: {  	_ =	shalt  }
0x41: {  	_ =	shalt  }
0x42: {  	_ =	shalt  }
0x43: {  	_ =	shalt  }
0x44: {  	_ =	shalt  }
0x45: {  	_ =	shalt  }
0x46: {  	_ =	shalt  }
0x47: {  	_ =	shalt  }
0x48: {  	_ =	shalt  }
0x49: {  	_ =	shalt  }
0x4a: {  	_ =	shalt  }
0x4b: {  	_ =	shalt  }
0x4c: {  	_ =	shalt  }
0x4d: {  	_ =	shalt  }
0x4e: {  	_ =	shalt  }
0x4f: {  	_ =	shalt  }
0x50: {  	_ =	shalt  }
0x51: {  	_ =	shalt  }
0x52: {  	_ =	shalt  }
0x53: {  	_ =	shalt  }
0x54: {  	_ =	shalt  }
0x55: {  	_ =	shalt  }
0x56: {  	_ =	shalt  }
0x57: {  	_ =	shalt  }
0x58: {  	_ =	shalt  }
0x59: {  	_ =	shalt  }
0x5a: {  	_ =	shalt  }
0x5b: {  	_ =	shalt  }
0x5c: {  	_ =	shalt  }
0x5d: {  	_ =	shalt  }
0x5e: {  	_ =	shalt  }
0x5f: {  	_ =	shalt  }
0x60: {  	_ =	shalt  }
0x61: {  	_ =	shalt  }
0x62: {  	_ =	shalt  }
0x63: {  	_ =	shalt  }
0x64: {  	_ =	shalt  }
0x65: {  	_ =	shalt  }
0x66: {  	_ =	shalt  }
0x67: {  	_ =	shalt  }
0x68: {  	_ =	shalt  }
0x69: {  	_ =	shalt  }
0x6a: {  	_ =	shalt  }
0x6b: {  	_ =	shalt  }
0x6c: {  	_ =	shalt  }
0x6d: {  	_ =	shalt  }
0x6e: {  	_ =	shalt  }
0x6f: {  	_ =	shalt  }
0x70: {  	_ =	shalt  }
0x71: {  	_ =	shalt  }
0x72: {  	_ =	shalt  }
0x73: {  	_ =	shalt  }
0x74: {  	_ =	shalt  }
0x75: {  	_ =	shalt  }
0x76: {  	_ =	shalt  }
0x77: {  	_ =	shalt  }
0x78: {  	_ =	shalt  }
0x79: {  	_ =	shalt  }
0x7a: {  	_ =	shalt  }
0x7b: {  	_ =	shalt  }
0x7c: {  	_ =	shalt  }
0x7d: {  	_ =	shalt  }
0x7e: {  	_ =	shalt  }
0x7f: {  	_ =	shalt  }
0x80: {  	_ =	shalt  }
0x81: {  	_ =	shalt  }
0x82: {  	_ =	shalt  }
0x83: {  	_ =	shalt  }
0x84: {  	_ =	shalt  }
0x85: {  	_ =	shalt  }
0x86: {  	_ =	shalt  }
0x87: {  	_ =	shalt  }
.Lfunc_end0:
.L_simem_size_0:
called_computation_lowered:
.L_overlay_start_0:
0x88: {  	s2 =	sld [smem:$0x3FD9]  }
0x89: {  	s3 =	sld [smem:$0x3FFE];
	_ =	sdelay $0x1  }
0x8a: {  	s1 =	srdreg.scid  }
0x8b: {  	s0 =	sand.u32 $0x1, s1  }
0x8c: {  	s17 =	sshll.u32 s0, $0xA;
	s2 =	sadd.s32 s3, s2  }
0x8d: {  	s2 =	sadd.s32 s2, s17  }
0x8e: {  	[smem:$0x3FC5] =	sst s2  }
0x8f: {  	_ = 	snop  }
0x90: {  	s2 =	sld [smem:$0x3FC9]  }
0x91: {  	s18 =	sld [smem:$0x3FD0];
	(tm) =	ssettm $0x1  }
0x92: {  	s4 =	sld [smem:$0x3FFB];
	_ =	sdelay $0x3  }
0x93: {  	_ =	strace s4  }
0x94: {  	s4 =	sld [smem:$0x3FFC];
	_ =	sdelay $0x3  }
0x95: {  	_ =	strace s4  }
0x96: {  	s4 =	sld [smem:$0x3FFD];
	_ =	sdelay $0x3  }
0x97: {  	_ =	strace s4  }
0x98: {  	_ =	strace $0x8FFFFFFF  }
0x99: {  	s19 =	sld [smem:$0x3FDB];
	_ =	sdelay $0x1  }
0x9a: {  	s5 =	simm.s32 $_scs_section_size  }
0x9b: {  	s6 =	simm.s32 $_size__tile_overlayer_lowered;
	s7 =	simm.s32 $_tile_overlayer_lowered  }
0x9c: {  	s22 =	simm.s32 $0x1BFF;
	s21 =	sshll.u32 s7, $0x1;
	s4 =	sadd.s32 s5, s19  }
0x9d: {  	s8 =	simm.s32 $0x0;
	s20 =	sshll.u32 s6, $0x1;
	s6 =	sadd.s32 s21, s4  }
0x9e: {  	[timem:s8], [sflag:s22] =	dma.local [hbm:s6], s20  }
0x9f: {  	_ =	swait.ge [sflag:s22], s20  }
0xa0: {  	s5 =	ssub.s32 $0x0, s20;
	[sflag:s22] =	ssyncset.done $0x0  }
0xa1: {  	[sflag:s22] =	ssyncadd.s32 s5;
	_ =	sdelay $0x1  }
0xa2: {  	s23 =	simm.s32 $0x1B8B  }
0xa3: {  	_ =	swait.ge [sflag:s23], $0x1  }
0xa4: {  	[sflag:s23] =	ssyncset.done $0x0  }
0xa5: {  	s25 =	simm.s32 $0x1B8E;
	s24 =	sld [smem:$0x3FFE];
	[sflag:s23] =	ssyncadd.s32 $0xFFFFFFFF  }
0xa6: {  	s26 =	simm.s32 $execute0_lowered;
	[smem:$0x3FD2] =	sst s25  }
0xa7: {  	s6 =	sshll.u32 s26, $0x1;
	_ =	strace $0x80000046;
	[dreg:$0x1] =	wrdreg $0xFFFFFFFF  }
0xa8: {  	s28 =	simm.s32 $_size_execute0_lowered;
	s4 =	sadd.s32 s4, s6;
	[dreg:$0x0] =	wrdreg $0x0  }
0xa9: {  	s6 =	sshll.u32 s28, $0x1;
	[dreg:$0x2] =	wrdreg s4  }
0xaa: {  	[dreg:$0x3] =	wrdreg s6  }
0xab: {  	[dreg:$0x4] =	wrdreg $0xC0  }
0xac: {  	_ =	task [dreg:s8], $0x5FFFF  }
0xad: {  	[dreg:$0x1] =	wrdreg $0xFFFFFFFF  }
0xae: {  	[dreg:$0x0] =	wrdreg $0x60  }
0xaf: {  	[dreg:$0x2] =	wrdreg s24  }
0xb0: {  	[dreg:$0x3] =	wrdreg s2  }
0xb1: {  	[dreg:$0x4] =	wrdreg s18  }
0xb2: {  	[dreg:$0x5] =	wrdreg $0x9  }
0xb3: {  	_ =	task.clear_ibuf [dreg:s8], $0x6FFFF;
	_ =	strace $0x90000046  }
0xb4: {  	s29 =	simm.s32 $0x9;
	_ =	strace $0x80000048  }
0xb5: {  	_ =	swait.ge [sflag:s29], $0x1  }
0xb6: {  	[sflag:s29] =	ssyncadd.s32 $0xFFFFFFFF  }
0xb7: {  	_ =	strace $0x90000048  }
0xb8: {  	_ =	sfence  }
0xb9: {  	s30 =	sld [smem:$0x0];
	_ =	sdelay $0x2  }
0xba: {  	s31 =	sshll.u32 s1, $0xD;
	s1 =	sshrl.u32 s1, $0x2  }
0xbb: {  	s3 =	sand.u32 $0x4000, s31;
	s1 =	sadd.s32 s1, s30  }
0xbc: {  	s0 =	sor.u32 s3, s0;
	s1 =	sshll.u32 s1, $0x11  }
0xbd: {  	s0 =	sor.u32 s1, s0  }
0xbe: {  	s0 =	sadd.s32 $0x8F2B, s0  }
0xbf: {  	[sflag:s0] =	ssyncadd.remote.s32 $0x1  }
0xc0: {  	_ =	sfence.sel $0xFFFF  }
0xc1: {  	[dreg:$0x0] =	wrdreg $0xFFFFFFFF;
	(pc) =	sbr.abs _section_cstart, $3  }
0xc2: {  	[dreg:$0x1] =	wrdreg $0xFFFFFFFF  }
0xc3: {  	_ =	task.clear_ibuf [dreg:s8], $0x2FFFF;
	_ =	strace $0x9FFFFFFF  }
0xc4: {  	(tm) =	ssettm $0x7FFFFFFF  }
0xc5: {  	_ =	shalt  }
tec
execute0_lowered:
.L_overlay_start_1:
0x0: {  	(tag) =	ssettag $0x1  }
0x1: {  	s0 =	rddreg [dreg:$0x0]  }
0x2: {  	s2 =	rddreg [dreg:$0x1]  }
0x3: {  	s1 =	rddreg [dreg:$0x2];
	s3 =	simm.s32 $0x0  }
0x4: {  	s4 =	srdreg.scid;
	s5 =	stileid.u32;
	s12 =	simm.s32 $0x5  }
0x5: {  	s13 =	simm.s32 $0x80;
	s14 =	simm.s32 $0x6400;
	s15 =	simm.s32 $0x8400  }
0x6: {  	s16 =	simm.s32 $0x1;
	s17 =	simm.s32 $0xA400;
	s19 =	simm.s32 $0x2  }
0x7: {  	s20 =	simm.s32 $0xC600;
	s22 =	simm.s32 $0x3;
	s23 =	simm.s32 $0x4  }
0x8: {  	s28 =	simm.s32 $0x0;
	[smem:$0x7FF] =	sst s3;
	s4 =	sand.u32 $0x1, s4  }
0x9: {  	s5 =	sshll.u32 s5, $0x8;
	s31 =	sadd.s32 $0x8000, s1;
	s8 =	sadd.s32 $0x10000, s1  }
0xa: {  	s10 =	sadd.s32 $0x630000, s1;
	s11 =	sadd.s32 $0x638000, s1;
	s6 =	ssub.s32 $0x2, s4  }
0xb: {  	v0 =	vlaneseq.u32;
	s4 =	sshll.u32 s4, $0x7;
	_ =	strace $0x80000047;
	s7 =	sshrl.u32 s6, $0x1  }
0xc: {  	v0 =	vmul.u32 $0x88, v0;
	s4 =	sor.u32 s4, s5;
	s5 =	sadd.s32 $0x400, s0;
	s30 =	ssub.s32 s6, s7  }
0xd: {  	s6 =	sadd.s32 s2, s4;
	s7 =	sadd.s32 s1, s4;
	s21 =	sadd.s32 s4, s31  }
0xe: {  	v1 =	vadd.s32 $0x880, v0;
	v2 =	vadd.s32 $0x1100, v0;
	v3 =	vadd.s32 $0x1980, v0;
	s24 =	sadd.s32 s4, s10;
	s25 =	sadd.s32 s4, s11;
	s9 =	smax.u32 s30, $0x1  }
.LBB2_1:
0xf: {  	s0 =	simm.s32 $0x400;
	s2 =	simm.s32 $0x8000  }
0x10: {  	[tilespmem:s3], [sflag:$0x5] =	stream.strided.gather [hbm4b:s6+s0], $0x6400, s2, s0, $0x38;
	[tilespmem:$0xE800] =	vst v63  }
0x11: {  	_ =	swait.ge [sflag:s12], $0x6400  }
0x12: {  	[sflag:s12] =	ssyncset.done $0x0  }
0x13: {  	[sflag:s12] =	ssyncadd.s32 $0xFFFF9C00  }
0x14: {  	[tilespmem:s14], [sflag:$0x1] =	stream.indirect.gather [hbm4b:s5+s13], $0x40, s3, s13, $0xb8;
	[tilespmem:$0xE800] =	vst v63  }
0x15: {  	_ = 	snop  }
0x16: {  	[tilespmem:s15], [sflag:$0x2] =	stream.indirect.gather [hbm4b:s5+s13], $0x40, s13, s13, $0xb8;
	[tilespmem:$0xE800] =	vst v63  }
0x17: {  	_ =	swait.ge [sflag:s16], $0x2000  }
0x18: {  	v4 =	vmov s3;
	[sflag:s16] =	ssyncset.done $0x0  }
0x19: {  	s29 =	simm.s32 $0x6480;
	v4 =	vand.u32 $0x7C, v4;
	[sflag:s16] =	ssyncadd.s32 $0xFFFFE000  }
0x1a: {  	v6 =	vadd.s32 v0, v4;
	v5 =	vld [tilespmem:s29+$0xFFFFFF80];
	_ =	sdelay $0x4  }
0x1b: {  	[tilespmem:v6+s17+$0x0] =	vst.idx.msk $0xffff, v5  }
0x1c: {  	v6 =	vadd.s32 v1, v4;
	v5 =	vld [tilespmem:s29+$0xFFFFFF90];
	_ =	sdelay $0x4  }
0x1d: {  	[tilespmem:v6+s17+$0x0] =	vst.idx.msk $0xffff, v5  }
0x1e: {  	v6 =	vadd.s32 v2, v4;
	v5 =	vld [tilespmem:s29+$0xFFFFFFA0];
	_ =	sdelay $0x4  }
0x1f: {  	[tilespmem:v6+s17+$0x0] =	vst.idx.msk $0xffff, v5  }
0x20: {  	v4 =	vadd.s32 v3, v4;
	v5 =	vld [tilespmem:s29+$0xFFFFFFB0];
	_ =	sdelay $0x2  }
0x21: {  	s26 =	simm.s32 $0x1  }
0x22: {  	v6 =	vmov s26  }
0x23: {  	[tilespmem:v4+s17+$0x0] =	vst.idx.msk $0xffff, v5;
	v4 =	vand.u32 $0x7D, v6  }
0x24: {  	v5 =	vld [tilespmem:s29+$0xFFFFFFC0];
	v6 =	vadd.s32 v0, v4;
	_ =	sdelay $0x4  }
0x25: {  	[tilespmem:v6+s17+$0x0] =	vst.idx.msk $0xffff, v5  }
0x26: {  	v6 =	vadd.s32 v1, v4;
	v5 =	vld [tilespmem:s29+$0xFFFFFFD0];
	_ =	sdelay $0x4  }
0x27: {  	[tilespmem:v6+s17+$0x0] =	vst.idx.msk $0xffff, v5  }
0x28: {  	v6 =	vadd.s32 v2, v4;
	v5 =	vld [tilespmem:s29+$0xFFFFFFE0];
	_ =	sdelay $0x4  }
0x29: {  	[tilespmem:v6+s17+$0x0] =	vst.idx.msk $0xffff, v5  }
0x2a: {  	v4 =	vadd.s32 v3, v4;
	v5 =	vld [tilespmem:s29+$0xFFFFFFF0];
	_ =	sdelay $0x2  }
0x2b: {  	s30 =	simm.s32 $0x2  }
0x2c: {  	v6 =	vmov s30  }
0x2d: {  	[tilespmem:v4+s17+$0x0] =	vst.idx.msk $0xffff, v5;
	v4 =	vand.u32 $0x7E, v6  }
0x2e: {  	v5 =	vld [tilespmem:s29+$0x0];
	v6 =	vadd.s32 v0, v4;
	_ =	sdelay $0x4  }
0x2f: {  	[tilespmem:v6+s17+$0x0] =	vst.idx.msk $0xffff, v5  }
0x30: {  	v6 =	vadd.s32 v1, v4;
	v5 =	vld [tilespmem:s29+$0x10];
	_ =	sdelay $0x4  }
0x31: {  	[tilespmem:v6+s17+$0x0] =	vst.idx.msk $0xffff, v5  }
0x32: {  	v6 =	vadd.s32 v2, v4;
	v5 =	vld [tilespmem:s29+$0x20];
	_ =	sdelay $0x4  }
0x33: {  	[tilespmem:v6+s17+$0x0] =	vst.idx.msk $0xffff, v5  }
0x34: {  	v4 =	vadd.s32 v3, v4;
	v5 =	vld [tilespmem:s29+$0x30];
	_ =	sdelay $0x2  }
0x35: {  	s31 =	simm.s32 $0x3  }
0x36: {  	v6 =	vmov s31  }
0x37: {  	[tilespmem:v4+s17+$0x0] =	vst.idx.msk $0xffff, v5;
	v5 =	vand.u32 $0x7F, v6  }
0x38: {  	v4 =	vld [tilespmem:s29+$0x40];
	v6 =	vadd.s32 v0, v5;
	_ =	sdelay $0x4  }
0x39: {  	[tilespmem:v6+s17+$0x0] =	vst.idx.msk $0xffff, v4  }
0x3a: {  	v6 =	vadd.s32 v1, v5;
	v4 =	vld [tilespmem:s29+$0x50];
	_ =	sdelay $0x4  }
0x3b: {  	[tilespmem:v6+s17+$0x0] =	vst.idx.msk $0xffff, v4  }
0x3c: {  	v6 =	vadd.s32 v2, v5;
	v4 =	vld [tilespmem:s29+$0x60];
	_ =	sdelay $0x4  }
0x3d: {  	[tilespmem:v6+s17+$0x0] =	vst.idx.msk $0xffff, v4  }
0x3e: {  	v5 =	vadd.s32 v3, v5;
	v4 =	vld [tilespmem:s29+$0x70];
	_ =	sdelay $0x2  }
0x3f: {  	s0 =	simm.s32 $0x4  }
0x40: {  	s2 =	simm.s32 $0x8;
	v6 =	vmov s0  }
.LBB2_2:
0x41: {  	p0 =	sne.s32 s2, $0x7C;
	v6 =	vand.u32 $0x7C, v6;
	[tilespmem:v5+s17+$0x0] =	vst.idx.msk $0xffff, v4;
	s29 =	sadd.s32 $0x100, s29  }
0x42: {  	v4 =	vld [tilespmem:s29+$0xFFFFFF80];
	v5 =	vadd.s32 v0, v6;
	_ =	sdelay $0x4  }
0x43: {  	[tilespmem:v5+s17+$0x0] =	vst.idx.msk $0xffff, v4  }
0x44: {  	v5 =	vadd.s32 v1, v6;
	v4 =	vld [tilespmem:s29+$0xFFFFFF90];
	_ =	sdelay $0x4  }
0x45: {  	[tilespmem:v5+s17+$0x0] =	vst.idx.msk $0xffff, v4  }
0x46: {  	v5 =	vadd.s32 v2, v6;
	v4 =	vld [tilespmem:s29+$0xFFFFFFA0];
	_ =	sdelay $0x4  }
0x47: {  	[tilespmem:v5+s17+$0x0] =	vst.idx.msk $0xffff, v4  }
0x48: {  	v5 =	vadd.s32 v3, v6;
	v4 =	vld [tilespmem:s29+$0xFFFFFFB0];
	_ =	sdelay $0x2  }
0x49: {  	s10 =	sadd.s32 $0x1, s0  }
0x4a: {  	v6 =	vmov s10  }
0x4b: {  	[tilespmem:v5+s17+$0x0] =	vst.idx.msk $0xffff, v4;
	v4 =	vand.u32 $0x7D, v6  }
0x4c: {  	v5 =	vld [tilespmem:s29+$0xFFFFFFC0];
	v6 =	vadd.s32 v0, v4;
	_ =	sdelay $0x4  }
0x4d: {  	[tilespmem:v6+s17+$0x0] =	vst.idx.msk $0xffff, v5  }
0x4e: {  	v6 =	vadd.s32 v1, v4;
	v5 =	vld [tilespmem:s29+$0xFFFFFFD0];
	_ =	sdelay $0x4  }
0x4f: {  	[tilespmem:v6+s17+$0x0] =	vst.idx.msk $0xffff, v5  }
0x50: {  	v6 =	vadd.s32 v2, v4;
	v5 =	vld [tilespmem:s29+$0xFFFFFFE0];
	_ =	sdelay $0x4  }
0x51: {  	[tilespmem:v6+s17+$0x0] =	vst.idx.msk $0xffff, v5  }
0x52: {  	v4 =	vadd.s32 v3, v4;
	v5 =	vld [tilespmem:s29+$0xFFFFFFF0];
	_ =	sdelay $0x2  }
0x53: {  	s10 =	sadd.s32 $0x2, s0  }
0x54: {  	v6 =	vmov s10  }
0x55: {  	[tilespmem:v4+s17+$0x0] =	vst.idx.msk $0xffff, v5;
	v4 =	vand.u32 $0x7E, v6  }
0x56: {  	v5 =	vld [tilespmem:s29+$0x0];
	v6 =	vadd.s32 v0, v4;
	_ =	sdelay $0x4  }
0x57: {  	[tilespmem:v6+s17+$0x0] =	vst.idx.msk $0xffff, v5  }
0x58: {  	v6 =	vadd.s32 v1, v4;
	v5 =	vld [tilespmem:s29+$0x10];
	_ =	sdelay $0x4  }
0x59: {  	[tilespmem:v6+s17+$0x0] =	vst.idx.msk $0xffff, v5  }
0x5a: {  	v6 =	vadd.s32 v2, v4;
	v5 =	vld [tilespmem:s29+$0x20];
	_ =	sdelay $0x4  }
0x5b: {  	[tilespmem:v6+s17+$0x0] =	vst.idx.msk $0xffff, v5  }
0x5c: {  	v4 =	vadd.s32 v3, v4;
	v5 =	vld [tilespmem:s29+$0x30];
	_ =	sdelay $0x2  }
0x5d: {  	s10 =	sadd.s32 $0x3, s0;
	s0 =	smov.u32 s2  }
0x5e: {  	v6 =	vmov s10  }
0x5f: {  	[tilespmem:v4+s17+$0x0] =	vst.idx.msk $0xffff, v5;
	v5 =	vand.u32 $0x7F, v6  }
0x60: {  	v4 =	vld [tilespmem:s29+$0x40];
	v6 =	vadd.s32 v0, v5;
	_ =	sdelay $0x4  }
0x61: {  	[tilespmem:v6+s17+$0x0] =	vst.idx.msk $0xffff, v4  }
0x62: {  	v6 =	vadd.s32 v1, v5;
	v4 =	vld [tilespmem:s29+$0x50];
	_ =	sdelay $0x4  }
0x63: {  	[tilespmem:v6+s17+$0x0] =	vst.idx.msk $0xffff, v4  }
0x64: {  	v6 =	vadd.s32 v2, v5;
	v4 =	vld [tilespmem:s29+$0x60];
	_ =	sdelay $0x4  }
0x65: {  	[tilespmem:v6+s17+$0x0] =	vst.idx.msk $0xffff, v4  }
.Ltmp0:
0x66: {  	v5 =	vadd.s32 v3, v5;
	v4 =	vld [tilespmem:s29+$0x70];
	(pc) =	sbr.rel @p0 .LBB2_2-.Ltmp0, $2  }
0x67: {  	_ =	sdelay $0x2  }
0x68: {  	s2 =	sadd.s32 $0x4, s2;
	v6 =	vmov s0  }
0x69: {  	_ =	sdelay $0x3  }
0x6a: {  	v6 =	vand.u32 $0x7C, v6;
	[tilespmem:v5+s17+$0x0] =	vst.idx.msk $0xffff, v4;
	s2 =	sadd.s32 $0x100, s29  }
0x6b: {  	v4 =	vld [tilespmem:s2+$0xFFFFFF80];
	v5 =	vadd.s32 v0, v6;
	_ =	sdelay $0x4  }
0x6c: {  	[tilespmem:v5+s17+$0x0] =	vst.idx.msk $0xffff, v4  }
0x6d: {  	v5 =	vadd.s32 v1, v6;
	v4 =	vld [tilespmem:s2+$0xFFFFFF90];
	_ =	sdelay $0x4  }
0x6e: {  	[tilespmem:v5+s17+$0x0] =	vst.idx.msk $0xffff, v4  }
0x6f: {  	v5 =	vadd.s32 v2, v6;
	v4 =	vld [tilespmem:s2+$0xFFFFFFA0];
	_ =	sdelay $0x4  }
0x70: {  	[tilespmem:v5+s17+$0x0] =	vst.idx.msk $0xffff, v4  }
0x71: {  	v5 =	vadd.s32 v3, v6;
	v4 =	vld [tilespmem:s2+$0xFFFFFFB0];
	_ =	sdelay $0x2  }
0x72: {  	s10 =	sadd.s32 $0x1, s0  }
0x73: {  	v55 =	vmov s10  }
0x74: {  	[tilespmem:v5+s17+$0x0] =	vst.idx.msk $0xffff, v4;
	v4 =	vand.u32 $0x7D, v55  }
0x75: {  	v5 =	vld [tilespmem:s2+$0xFFFFFFC0];
	v6 =	vadd.s32 v0, v4;
	_ =	sdelay $0x4  }
0x76: {  	[tilespmem:v6+s17+$0x0] =	vst.idx.msk $0xffff, v5  }
0x77: {  	v56 =	vadd.s32 v1, v4;
	v5 =	vld [tilespmem:s2+$0xFFFFFFD0];
	_ =	sdelay $0x4  }
0x78: {  	[tilespmem:v56+s17+$0x0] =	vst.idx.msk $0xffff, v5  }
0x79: {  	v57 =	vadd.s32 v2, v4;
	v5 =	vld [tilespmem:s2+$0xFFFFFFE0];
	_ =	sdelay $0x4  }
0x7a: {  	[tilespmem:v57+s17+$0x0] =	vst.idx.msk $0xffff, v5  }
0x7b: {  	v4 =	vadd.s32 v3, v4;
	v5 =	vld [tilespmem:s2+$0xFFFFFFF0];
	_ =	sdelay $0x2  }
0x7c: {  	s30 =	sadd.s32 $0x2, s0  }
0x7d: {  	v58 =	vmov s30  }
0x7e: {  	[tilespmem:v4+s17+$0x0] =	vst.idx.msk $0xffff, v5;
	v4 =	vand.u32 $0x7E, v58  }
0x7f: {  	v5 =	vld [tilespmem:s2+$0x0];
	v6 =	vadd.s32 v0, v4;
	_ =	sdelay $0x4  }
0x80: {  	[tilespmem:v6+s17+$0x0] =	vst.idx.msk $0xffff, v5  }
0x81: {  	v59 =	vadd.s32 v1, v4;
	v5 =	vld [tilespmem:s2+$0x10];
	_ =	sdelay $0x4  }
0x82: {  	[tilespmem:v59+s17+$0x0] =	vst.idx.msk $0xffff, v5  }
0x83: {  	v60 =	vadd.s32 v2, v4;
	v5 =	vld [tilespmem:s2+$0x20];
	_ =	sdelay $0x4  }
0x84: {  	[tilespmem:v60+s17+$0x0] =	vst.idx.msk $0xffff, v5  }
0x85: {  	v4 =	vadd.s32 v3, v4;
	v5 =	vld [tilespmem:s2+$0x30];
	_ =	sdelay $0x2  }
0x86: {  	s31 =	sadd.s32 $0x3, s0  }
0x87: {  	v61 =	vmov s31  }
0x88: {  	[tilespmem:v4+s17+$0x0] =	vst.idx.msk $0xffff, v5;
	v4 =	vand.u32 $0x7F, v61  }
0x89: {  	v5 =	vld [tilespmem:s2+$0x40];
	v6 =	vadd.s32 v0, v4;
	_ =	sdelay $0x4  }
0x8a: {  	[tilespmem:v6+s17+$0x0] =	vst.idx.msk $0xffff, v5  }
0x8b: {  	v62 =	vadd.s32 v1, v4;
	v5 =	vld [tilespmem:s2+$0x50];
	_ =	sdelay $0x4  }
0x8c: {  	[tilespmem:v62+s17+$0x0] =	vst.idx.msk $0xffff, v5  }
0x8d: {  	v63 =	vadd.s32 v2, v4;
	v5 =	vld [tilespmem:s2+$0x60];
	_ =	sdelay $0x4  }
0x8e: {  	[tilespmem:v63+s17+$0x0] =	vst.idx.msk $0xffff, v5  }
0x8f: {  	v4 =	vadd.s32 v3, v4;
	v5 =	vld [tilespmem:s2+$0x70];
	_ =	sdelay $0x4  }
0x90: {  	s2 =	simm.s32 $0xA400;
	[tilespmem:v4+s17+$0x0] =	vst.idx.msk $0xffff, v5  }
0x91: {  	[hbm4b:s7+s3] =	stream.linear.scatter [tilespmem:s2], [sflag:$0x3], $0x80, $0x38;
	[tilespmem:$0xE800] =	vst v63  }
0x92: {  	s11 =	sadd.s32 $0x10, s7;
	s10 =	simm.s32 $0xA488  }
0x93: {  	[hbm4b:s11+s3] =	stream.linear.scatter [tilespmem:s10], [sflag:$0x3], $0x80, $0x38;
	[tilespmem:$0xE800] =	vst v63  }
0x94: {  	s18 =	simm.s32 $0xA510;
	s26 =	sadd.s32 $0x20, s7;
	s0 =	simm.s32 $0x440  }
0x95: {  	[hbm4b:s26+s3] =	stream.linear.scatter [tilespmem:s18], [sflag:$0x3], $0x80, $0x38;
	[tilespmem:$0xE800] =	vst v63  }
0x96: {  	s29 =	simm.s32 $0xA7B8;
	s30 =	simm.s32 $0xA598;
	s31 =	sadd.s32 $0x30, s7  }
0x97: {  	[hbm4b:s31+s3] =	stream.linear.scatter [tilespmem:s30], [sflag:$0x3], $0x80, $0x38;
	[tilespmem:$0xE800] =	vst v63  }
0x98: {  	s2 =	sadd.s32 $0x1000, s7;
	s10 =	simm.s32 $0xA620;
	s11 =	sadd.s32 $0x40, s7  }
0x99: {  	[hbm4b:s11+s3] =	stream.linear.scatter [tilespmem:s10], [sflag:$0x3], $0x80, $0x38;
	[tilespmem:$0xE800] =	vst v63  }
0x9a: {  	s18 =	simm.s32 $0xA6A8;
	s26 =	sadd.s32 $0x50, s7;
	s30 =	simm.s32 $0xA730  }
0x9b: {  	[hbm4b:s26+s3] =	stream.linear.scatter [tilespmem:s18], [sflag:$0x3], $0x80, $0x38;
	[tilespmem:$0xE800] =	vst v63  }
0x9c: {  	s31 =	sadd.s32 $0x60, s7;
	s10 =	simm.s32 $0x2200;
	s11 =	sadd.s32 $0x70, s7  }
0x9d: {  	[hbm4b:s31+s3] =	stream.linear.scatter [tilespmem:s30], [sflag:$0x3], $0x80, $0x38;
	[tilespmem:$0xE800] =	vst v63  }
.LBB2_4:
0x9e: {  	[hbm4b:s11+s3] =	stream.linear.scatter [tilespmem:s29], [sflag:$0x3], $0x80, $0x38;
	[tilespmem:$0xE800] =	vst v63  }
0x9f: {  	s11 =	smov.u32 s0;
	s0 =	smov.u32 s10  }
0xa0: {  	s18 =	sadd.s32 $0x1100, s10;
	s0 =	sshra.s32 s0, $0x2;
	s29 =	sadd.s32 $0xA400, s11  }
0xa1: {  	[hbm4b:s2+s3] =	stream.linear.scatter [tilespmem:s29], [sflag:$0x3], $0x80, $0x38;
	[tilespmem:$0xE800] =	vst v63  }
0xa2: {  	p0 =	sne.s32 s10, $0x7700;
	s10 =	sadd.s32 $0xA488, s11;
	s29 =	sadd.s32 $0x10, s2  }
0xa3: {  	[hbm4b:s29+s3] =	stream.linear.scatter [tilespmem:s10], [sflag:$0x3], $0x80, $0x38;
	[tilespmem:$0xE800] =	vst v63  }
0xa4: {  	s10 =	sadd.s32 $0xA510, s11;
	s29 =	sadd.s32 $0x20, s2  }
0xa5: {  	[hbm4b:s29+s3] =	stream.linear.scatter [tilespmem:s10], [sflag:$0x3], $0x80, $0x38;
	[tilespmem:$0xE800] =	vst v63  }
0xa6: {  	s10 =	sadd.s32 $0xA598, s11;
	s29 =	sadd.s32 $0x30, s2  }
0xa7: {  	[hbm4b:s29+s3] =	stream.linear.scatter [tilespmem:s10], [sflag:$0x3], $0x80, $0x38;
	[tilespmem:$0xE800] =	vst v63  }
0xa8: {  	s10 =	sadd.s32 $0xA620, s11;
	s29 =	sadd.s32 $0x40, s2  }
0xa9: {  	[hbm4b:s29+s3] =	stream.linear.scatter [tilespmem:s10], [sflag:$0x3], $0x80, $0x38;
	[tilespmem:$0xE800] =	vst v63  }
0xaa: {  	s10 =	sadd.s32 $0xA6A8, s11;
	s29 =	sadd.s32 $0x50, s2  }
0xab: {  	[hbm4b:s29+s3] =	stream.linear.scatter [tilespmem:s10], [sflag:$0x3], $0x80, $0x38;
	[tilespmem:$0xE800] =	vst v63  }
.Ltmp1:
0xac: {  	_ = 	snop;
	(pc) =	sbr.rel @p0 .LBB2_4-.Ltmp1, $4  }
0xad: {  	s10 =	sadd.s32 $0xA730, s11;
	s29 =	sadd.s32 $0x60, s2  }
0xae: {  	[hbm4b:s29+s3] =	stream.linear.scatter [tilespmem:s10], [sflag:$0x3], $0x80, $0x38;
	[tilespmem:$0xE800] =	vst v63  }
0xaf: {  	s29 =	sadd.s32 $0xA7B8, s11  }
0xb0: {  	s11 =	sadd.s32 $0x70, s2;
	s2 =	sadd.s32 $0x1000, s2;
	s10 =	smov.u32 s18  }
0xb1: {  	[hbm4b:s11+s3] =	stream.linear.scatter [tilespmem:s29], [sflag:$0x3], $0x80, $0x38;
	[tilespmem:$0xE800] =	vst v63  }
0xb2: {  	s10 =	sadd.s32 $0xA400, s0  }
0xb3: {  	[hbm4b:s2+s3] =	stream.linear.scatter [tilespmem:s10], [sflag:$0x3], $0x80, $0x38;
	[tilespmem:$0xE800] =	vst v63  }
0xb4: {  	s18 =	sadd.s32 $0xA488, s0;
	s26 =	sadd.s32 $0x10, s2  }
0xb5: {  	[hbm4b:s26+s3] =	stream.linear.scatter [tilespmem:s18], [sflag:$0x3], $0x80, $0x38;
	[tilespmem:$0xE800] =	vst v63  }
0xb6: {  	s30 =	sadd.s32 $0xA510, s0;
	s31 =	sadd.s32 $0x20, s2  }
0xb7: {  	[hbm4b:s31+s3] =	stream.linear.scatter [tilespmem:s30], [sflag:$0x3], $0x80, $0x38;
	[tilespmem:$0xE800] =	vst v63  }
0xb8: {  	s18 =	sadd.s32 $0xA598, s0;
	s26 =	sadd.s32 $0x30, s2  }
0xb9: {  	[hbm4b:s26+s3] =	stream.linear.scatter [tilespmem:s18], [sflag:$0x3], $0x80, $0x38;
	[tilespmem:$0xE800] =	vst v63  }
0xba: {  	s30 =	sadd.s32 $0xA620, s0;
	s31 =	sadd.s32 $0x40, s2  }
0xbb: {  	[hbm4b:s31+s3] =	stream.linear.scatter [tilespmem:s30], [sflag:$0x3], $0x80, $0x38;
	[tilespmem:$0xE800] =	vst v63  }
0xbc: {  	s11 =	sadd.s32 $0xA6A8, s0;
	s18 =	sadd.s32 $0x50, s2  }
0xbd: {  	[hbm4b:s18+s3] =	stream.linear.scatter [tilespmem:s11], [sflag:$0x3], $0x80, $0x38;
	[tilespmem:$0xE800] =	vst v63  }
0xbe: {  	s26 =	sadd.s32 $0xA730, s0;
	s30 =	sadd.s32 $0x60, s2  }
0xbf: {  	[hbm4b:s30+s3] =	stream.linear.scatter [tilespmem:s26], [sflag:$0x3], $0x80, $0x38;
	[tilespmem:$0xE800] =	vst v63  }
0xc0: {  	s10 =	sadd.s32 $0x70, s2;
	s31 =	sadd.s32 $0xA7B8, s0  }
0xc1: {  	[hbm4b:s10+s3] =	stream.linear.scatter [tilespmem:s31], [sflag:$0x3], $0x80, $0x38;
	[tilespmem:$0xE800] =	vst v63  }
0xc2: {  	s11 =	simm.s32 $0x100  }
0xc3: {  	[tilespmem:s14], [sflag:$0x1] =	stream.indirect.gather [hbm4b:s5+s13], $0x40, s11, s13, $0xb8;
	[tilespmem:$0xE800] =	vst v63  }
0xc4: {  	s18 =	simm.s32 $0x0;
	_ =	swait.ge [sflag:s19], $0x2000  }
0xc5: {  	v4 =	vmov s18;
	[sflag:s19] =	ssyncset.done $0x0  }
0xc6: {  	s29 =	simm.s32 $0x84F0;
	v4 =	vand.u32 $0x7C, v4;
	[sflag:s19] =	ssyncadd.s32 $0xFFFFE000  }
0xc7: {  	v6 =	vadd.s32 v0, v4;
	v5 =	vld [tilespmem:s29+$0xFFFFFF10];
	_ =	sdelay $0x4  }
0xc8: {  	[tilespmem:v6+s20+$0x0] =	vst.idx.msk $0xffff, v5  }
0xc9: {  	v6 =	vadd.s32 v1, v4;
	v5 =	vld [tilespmem:s29+$0xFFFFFF20];
	_ =	sdelay $0x4  }
0xca: {  	[tilespmem:v6+s20+$0x0] =	vst.idx.msk $0xffff, v5  }
0xcb: {  	v6 =	vadd.s32 v2, v4;
	v5 =	vld [tilespmem:s29+$0xFFFFFF30];
	_ =	sdelay $0x4  }
0xcc: {  	[tilespmem:v6+s20+$0x0] =	vst.idx.msk $0xffff, v5  }
0xcd: {  	v4 =	vadd.s32 v3, v4;
	v5 =	vld [tilespmem:s29+$0xFFFFFF40];
	_ =	sdelay $0x2  }
0xce: {  	s26 =	simm.s32 $0x1  }
0xcf: {  	v6 =	vmov s26  }
0xd0: {  	[tilespmem:v4+s20+$0x0] =	vst.idx.msk $0xffff, v5;
	v4 =	vand.u32 $0x7D, v6  }
0xd1: {  	v5 =	vld [tilespmem:s29+$0xFFFFFF50];
	v6 =	vadd.s32 v0, v4;
	_ =	sdelay $0x4  }
0xd2: {  	[tilespmem:v6+s20+$0x0] =	vst.idx.msk $0xffff, v5  }
0xd3: {  	v6 =	vadd.s32 v1, v4;
	v5 =	vld [tilespmem:s29+$0xFFFFFF60];
	_ =	sdelay $0x4  }
0xd4: {  	[tilespmem:v6+s20+$0x0] =	vst.idx.msk $0xffff, v5  }
0xd5: {  	v6 =	vadd.s32 v2, v4;
	v5 =	vld [tilespmem:s29+$0xFFFFFF70];
	_ =	sdelay $0x4  }
0xd6: {  	[tilespmem:v6+s20+$0x0] =	vst.idx.msk $0xffff, v5  }
0xd7: {  	v4 =	vadd.s32 v3, v4;
	v5 =	vld [tilespmem:s29+$0xFFFFFF80];
	_ =	sdelay $0x2  }
0xd8: {  	s30 =	simm.s32 $0x2  }
0xd9: {  	v6 =	vmov s30  }
0xda: {  	[tilespmem:v4+s20+$0x0] =	vst.idx.msk $0xffff, v5;
	v4 =	vand.u32 $0x7E, v6  }
0xdb: {  	v5 =	vld [tilespmem:s29+$0xFFFFFF90];
	v6 =	vadd.s32 v0, v4;
	_ =	sdelay $0x4  }
0xdc: {  	[tilespmem:v6+s20+$0x0] =	vst.idx.msk $0xffff, v5  }
0xdd: {  	v6 =	vadd.s32 v1, v4;
	v5 =	vld [tilespmem:s29+$0xFFFFFFA0];
	_ =	sdelay $0x4  }
0xde: {  	[tilespmem:v6+s20+$0x0] =	vst.idx.msk $0xffff, v5  }
0xdf: {  	v6 =	vadd.s32 v2, v4;
	v5 =	vld [tilespmem:s29+$0xFFFFFFB0];
	_ =	sdelay $0x4  }
0xe0: {  	[tilespmem:v6+s20+$0x0] =	vst.idx.msk $0xffff, v5  }
0xe1: {  	v4 =	vadd.s32 v3, v4;
	v5 =	vld [tilespmem:s29+$0xFFFFFFC0];
	_ =	sdelay $0x2  }
0xe2: {  	s31 =	simm.s32 $0x3  }
0xe3: {  	v6 =	vmov s31  }
0xe4: {  	[tilespmem:v4+s20+$0x0] =	vst.idx.msk $0xffff, v5;
	v5 =	vand.u32 $0x7F, v6  }
0xe5: {  	v4 =	vld [tilespmem:s29+$0xFFFFFFD0];
	v6 =	vadd.s32 v0, v5;
	_ =	sdelay $0x4  }
0xe6: {  	[tilespmem:v6+s20+$0x0] =	vst.idx.msk $0xffff, v4  }
0xe7: {  	v6 =	vadd.s32 v1, v5;
	v4 =	vld [tilespmem:s29+$0xFFFFFFE0];
	_ =	sdelay $0x4  }
0xe8: {  	[tilespmem:v6+s20+$0x0] =	vst.idx.msk $0xffff, v4  }
0xe9: {  	v6 =	vadd.s32 v2, v5;
	v4 =	vld [tilespmem:s29+$0xFFFFFFF0];
	_ =	sdelay $0x4  }
0xea: {  	[tilespmem:v6+s20+$0x0] =	vst.idx.msk $0xffff, v4  }
0xeb: {  	v5 =	vadd.s32 v3, v5;
	v4 =	vld [tilespmem:s29+$0x0];
	_ =	sdelay $0x2  }
0xec: {  	s0 =	simm.s32 $0x4  }
0xed: {  	s2 =	simm.s32 $0x8;
	v6 =	vmov s0  }
.LBB2_6:
0xee: {  	p0 =	sne.s32 s2, $0x7C;
	v6 =	vand.u32 $0x7C, v6;
	[tilespmem:v5+s20+$0x0] =	vst.idx.msk $0xffff, v4;
	s29 =	sadd.s32 $0x100, s29  }
0xef: {  	v4 =	vld [tilespmem:s29+$0xFFFFFF10];
	v5 =	vadd.s32 v0, v6;
	_ =	sdelay $0x4  }
0xf0: {  	[tilespmem:v5+s20+$0x0] =	vst.idx.msk $0xffff, v4  }
0xf1: {  	v5 =	vadd.s32 v1, v6;
	v4 =	vld [tilespmem:s29+$0xFFFFFF20];
	_ =	sdelay $0x4  }
0xf2: {  	[tilespmem:v5+s20+$0x0] =	vst.idx.msk $0xffff, v4  }
0xf3: {  	v5 =	vadd.s32 v2, v6;
	v4 =	vld [tilespmem:s29+$0xFFFFFF30];
	_ =	sdelay $0x4  }
0xf4: {  	[tilespmem:v5+s20+$0x0] =	vst.idx.msk $0xffff, v4  }
0xf5: {  	v5 =	vadd.s32 v3, v6;
	v4 =	vld [tilespmem:s29+$0xFFFFFF40];
	_ =	sdelay $0x2  }
0xf6: {  	s10 =	sadd.s32 $0x1, s0  }
0xf7: {  	v6 =	vmov s10  }
0xf8: {  	[tilespmem:v5+s20+$0x0] =	vst.idx.msk $0xffff, v4;
	v4 =	vand.u32 $0x7D, v6  }
0xf9: {  	v5 =	vld [tilespmem:s29+$0xFFFFFF50];
	v6 =	vadd.s32 v0, v4;
	_ =	sdelay $0x4  }
0xfa: {  	[tilespmem:v6+s20+$0x0] =	vst.idx.msk $0xffff, v5  }
0xfb: {  	v6 =	vadd.s32 v1, v4;
	v5 =	vld [tilespmem:s29+$0xFFFFFF60];
	_ =	sdelay $0x4  }
0xfc: {  	[tilespmem:v6+s20+$0x0] =	vst.idx.msk $0xffff, v5  }
0xfd: {  	v6 =	vadd.s32 v2, v4;
	v5 =	vld [tilespmem:s29+$0xFFFFFF70];
	_ =	sdelay $0x4  }
0xfe: {  	[tilespmem:v6+s20+$0x0] =	vst.idx.msk $0xffff, v5  }
0xff: {  	v4 =	vadd.s32 v3, v4;
	v5 =	vld [tilespmem:s29+$0xFFFFFF80];
	_ =	sdelay $0x2  }
0x100: {  	s10 =	sadd.s32 $0x2, s0  }
0x101: {  	v6 =	vmov s10  }
0x102: {  	[tilespmem:v4+s20+$0x0] =	vst.idx.msk $0xffff, v5;
	v4 =	vand.u32 $0x7E, v6  }
0x103: {  	v5 =	vld [tilespmem:s29+$0xFFFFFF90];
	v6 =	vadd.s32 v0, v4;
	_ =	sdelay $0x4  }
0x104: {  	[tilespmem:v6+s20+$0x0] =	vst.idx.msk $0xffff, v5  }
0x105: {  	v6 =	vadd.s32 v1, v4;
	v5 =	vld [tilespmem:s29+$0xFFFFFFA0];
	_ =	sdelay $0x4  }
0x106: {  	[tilespmem:v6+s20+$0x0] =	vst.idx.msk $0xffff, v5  }
0x107: {  	v6 =	vadd.s32 v2, v4;
	v5 =	vld [tilespmem:s29+$0xFFFFFFB0];
	_ =	sdelay $0x4  }
0x108: {  	[tilespmem:v6+s20+$0x0] =	vst.idx.msk $0xffff, v5  }
0x109: {  	v4 =	vadd.s32 v3, v4;
	v5 =	vld [tilespmem:s29+$0xFFFFFFC0];
	_ =	sdelay $0x2  }
0x10a: {  	s10 =	sadd.s32 $0x3, s0;
	s0 =	smov.u32 s2  }
0x10b: {  	v6 =	vmov s10  }
0x10c: {  	[tilespmem:v4+s20+$0x0] =	vst.idx.msk $0xffff, v5;
	v5 =	vand.u32 $0x7F, v6  }
0x10d: {  	v4 =	vld [tilespmem:s29+$0xFFFFFFD0];
	v6 =	vadd.s32 v0, v5;
	_ =	sdelay $0x4  }
0x10e: {  	[tilespmem:v6+s20+$0x0] =	vst.idx.msk $0xffff, v4  }
0x10f: {  	v6 =	vadd.s32 v1, v5;
	v4 =	vld [tilespmem:s29+$0xFFFFFFE0];
	_ =	sdelay $0x4  }
0x110: {  	[tilespmem:v6+s20+$0x0] =	vst.idx.msk $0xffff, v4  }
0x111: {  	v6 =	vadd.s32 v2, v5;
	v4 =	vld [tilespmem:s29+$0xFFFFFFF0];
	_ =	sdelay $0x4  }
0x112: {  	[tilespmem:v6+s20+$0x0] =	vst.idx.msk $0xffff, v4  }
.Ltmp2:
0x113: {  	v5 =	vadd.s32 v3, v5;
	v4 =	vld [tilespmem:s29+$0x0];
	(pc) =	sbr.rel @p0 .LBB2_6-.Ltmp2, $2  }
0x114: {  	_ =	sdelay $0x2  }
0x115: {  	s2 =	sadd.s32 $0x4, s2;
	v6 =	vmov s0  }
0x116: {  	_ =	sdelay $0x3  }
0x117: {  	v6 =	vand.u32 $0x7C, v6;
	[tilespmem:v5+s20+$0x0] =	vst.idx.msk $0xffff, v4;
	s2 =	sadd.s32 $0x100, s29  }
0x118: {  	v4 =	vld [tilespmem:s2+$0xFFFFFF10];
	v5 =	vadd.s32 v0, v6;
	_ =	sdelay $0x4  }
0x119: {  	[tilespmem:v5+s20+$0x0] =	vst.idx.msk $0xffff, v4  }
0x11a: {  	v5 =	vadd.s32 v1, v6;
	v4 =	vld [tilespmem:s2+$0xFFFFFF20];
	_ =	sdelay $0x4  }
0x11b: {  	[tilespmem:v5+s20+$0x0] =	vst.idx.msk $0xffff, v4  }
0x11c: {  	v5 =	vadd.s32 v2, v6;
	v4 =	vld [tilespmem:s2+$0xFFFFFF30];
	_ =	sdelay $0x4  }
0x11d: {  	[tilespmem:v5+s20+$0x0] =	vst.idx.msk $0xffff, v4  }
0x11e: {  	v5 =	vadd.s32 v3, v6;
	v4 =	vld [tilespmem:s2+$0xFFFFFF40];
	_ =	sdelay $0x2  }
0x11f: {  	s10 =	sadd.s32 $0x1, s0  }
0x120: {  	v55 =	vmov s10  }
0x121: {  	[tilespmem:v5+s20+$0x0] =	vst.idx.msk $0xffff, v4;
	v4 =	vand.u32 $0x7D, v55  }
0x122: {  	v5 =	vld [tilespmem:s2+$0xFFFFFF50];
	v6 =	vadd.s32 v0, v4;
	_ =	sdelay $0x4  }
0x123: {  	[tilespmem:v6+s20+$0x0] =	vst.idx.msk $0xffff, v5  }
0x124: {  	v56 =	vadd.s32 v1, v4;
	v5 =	vld [tilespmem:s2+$0xFFFFFF60];
	_ =	sdelay $0x4  }
0x125: {  	[tilespmem:v56+s20+$0x0] =	vst.idx.msk $0xffff, v5  }
0x126: {  	v57 =	vadd.s32 v2, v4;
	v5 =	vld [tilespmem:s2+$0xFFFFFF70];
	_ =	sdelay $0x4  }
0x127: {  	[tilespmem:v57+s20+$0x0] =	vst.idx.msk $0xffff, v5  }
0x128: {  	v4 =	vadd.s32 v3, v4;
	v5 =	vld [tilespmem:s2+$0xFFFFFF80];
	_ =	sdelay $0x2  }
0x129: {  	s18 =	sadd.s32 $0x2, s0  }
0x12a: {  	v58 =	vmov s18  }
0x12b: {  	[tilespmem:v4+s20+$0x0] =	vst.idx.msk $0xffff, v5;
	v4 =	vand.u32 $0x7E, v58  }
0x12c: {  	v5 =	vld [tilespmem:s2+$0xFFFFFF90];
	v6 =	vadd.s32 v0, v4;
	_ =	sdelay $0x4  }
0x12d: {  	[tilespmem:v6+s20+$0x0] =	vst.idx.msk $0xffff, v5  }
0x12e: {  	v59 =	vadd.s32 v1, v4;
	v5 =	vld [tilespmem:s2+$0xFFFFFFA0];
	_ =	sdelay $0x4  }
0x12f: {  	[tilespmem:v59+s20+$0x0] =	vst.idx.msk $0xffff, v5  }
0x130: {  	v60 =	vadd.s32 v2, v4;
	v5 =	vld [tilespmem:s2+$0xFFFFFFB0];
	_ =	sdelay $0x4  }
0x131: {  	[tilespmem:v60+s20+$0x0] =	vst.idx.msk $0xffff, v5  }
0x132: {  	v4 =	vadd.s32 v3, v4;
	v5 =	vld [tilespmem:s2+$0xFFFFFFC0];
	_ =	sdelay $0x2  }
0x133: {  	s26 =	sadd.s32 $0x3, s0  }
0x134: {  	v61 =	vmov s26  }
0x135: {  	[tilespmem:v4+s20+$0x0] =	vst.idx.msk $0xffff, v5;
	v4 =	vand.u32 $0x7F, v61  }
0x136: {  	v5 =	vld [tilespmem:s2+$0xFFFFFFD0];
	v6 =	vadd.s32 v0, v4;
	_ =	sdelay $0x4  }
0x137: {  	[tilespmem:v6+s20+$0x0] =	vst.idx.msk $0xffff, v5  }
0x138: {  	v62 =	vadd.s32 v1, v4;
	v5 =	vld [tilespmem:s2+$0xFFFFFFE0];
	_ =	sdelay $0x4  }
0x139: {  	[tilespmem:v62+s20+$0x0] =	vst.idx.msk $0xffff, v5  }
0x13a: {  	v63 =	vadd.s32 v2, v4;
	v5 =	vld [tilespmem:s2+$0xFFFFFFF0];
	_ =	sdelay $0x4  }
0x13b: {  	[tilespmem:v63+s20+$0x0] =	vst.idx.msk $0xffff, v5  }
0x13c: {  	v4 =	vadd.s32 v3, v4;
	v5 =	vld [tilespmem:s2+$0x0];
	_ =	sdelay $0x4  }
0x13d: {  	s29 =	simm.s32 $0x0;
	s31 =	simm.s32 $0xC600;
	[tilespmem:v4+s20+$0x0] =	vst.idx.msk $0xffff, v5  }
0x13e: {  	[hbm4b:s21+s29] =	stream.linear.scatter [tilespmem:s31], [sflag:$0x4], $0x80, $0x38;
	[tilespmem:$0xE800] =	vst v63  }
0x13f: {  	s10 =	sadd.s32 $0x10, s21;
	s2 =	simm.s32 $0xC688  }
0x140: {  	[hbm4b:s10+s29] =	stream.linear.scatter [tilespmem:s2], [sflag:$0x4], $0x80, $0x38;
	[tilespmem:$0xE800] =	vst v63  }
0x141: {  	s11 =	simm.s32 $0xC710;
	s0 =	simm.s32 $0x440;
	s18 =	sadd.s32 $0x20, s21  }
0x142: {  	[hbm4b:s18+s29] =	stream.linear.scatter [tilespmem:s11], [sflag:$0x4], $0x80, $0x38;
	[tilespmem:$0xE800] =	vst v63  }
0x143: {  	s30 =	simm.s32 $0xC9B8;
	s26 =	simm.s32 $0xC798;
	s31 =	sadd.s32 $0x30, s21  }
0x144: {  	[hbm4b:s31+s29] =	stream.linear.scatter [tilespmem:s26], [sflag:$0x4], $0x80, $0x38;
	[tilespmem:$0xE800] =	vst v63  }
0x145: {  	s2 =	simm.s32 $0xC820;
	s10 =	sadd.s32 $0x40, s21;
	s11 =	simm.s32 $0xC8A8  }
0x146: {  	[hbm4b:s10+s29] =	stream.linear.scatter [tilespmem:s2], [sflag:$0x4], $0x80, $0x38;
	[tilespmem:$0xE800] =	vst v63  }
0x147: {  	s18 =	sadd.s32 $0x50, s21;
	s26 =	simm.s32 $0xC930;
	s31 =	sadd.s32 $0x60, s21  }
0x148: {  	[hbm4b:s18+s29] =	stream.linear.scatter [tilespmem:s11], [sflag:$0x4], $0x80, $0x38;
	[tilespmem:$0xE800] =	vst v63  }
0x149: {  	s10 =	simm.s32 $0x2200;
	s2 =	sadd.s32 $0x1000, s21;
	s11 =	sadd.s32 $0x70, s21  }
0x14a: {  	[hbm4b:s31+s29] =	stream.linear.scatter [tilespmem:s26], [sflag:$0x4], $0x80, $0x38;
	[tilespmem:$0xE800] =	vst v63  }
.LBB2_8:
0x14b: {  	[hbm4b:s11+s29] =	stream.linear.scatter [tilespmem:s30], [sflag:$0x4], $0x80, $0x38;
	[tilespmem:$0xE800] =	vst v63  }
0x14c: {  	s11 =	smov.u32 s0;
	s0 =	smov.u32 s10  }
0x14d: {  	s18 =	sadd.s32 $0x1100, s10;
	s0 =	sshra.s32 s0, $0x2;
	s30 =	sadd.s32 $0xC600, s11  }
0x14e: {  	[hbm4b:s2+s29] =	stream.linear.scatter [tilespmem:s30], [sflag:$0x4], $0x80, $0x38;
	[tilespmem:$0xE800] =	vst v63  }
0x14f: {  	p0 =	sne.s32 s10, $0x7700;
	s10 =	sadd.s32 $0xC688, s11;
	s30 =	sadd.s32 $0x10, s2  }
0x150: {  	[hbm4b:s30+s29] =	stream.linear.scatter [tilespmem:s10], [sflag:$0x4], $0x80, $0x38;
	[tilespmem:$0xE800] =	vst v63  }
0x151: {  	s10 =	sadd.s32 $0xC710, s11;
	s30 =	sadd.s32 $0x20, s2  }
0x152: {  	[hbm4b:s30+s29] =	stream.linear.scatter [tilespmem:s10], [sflag:$0x4], $0x80, $0x38;
	[tilespmem:$0xE800] =	vst v63  }
0x153: {  	s10 =	sadd.s32 $0xC798, s11;
	s30 =	sadd.s32 $0x30, s2  }
0x154: {  	[hbm4b:s30+s29] =	stream.linear.scatter [tilespmem:s10], [sflag:$0x4], $0x80, $0x38;
	[tilespmem:$0xE800] =	vst v63  }
0x155: {  	s10 =	sadd.s32 $0xC820, s11;
	s30 =	sadd.s32 $0x40, s2  }
0x156: {  	[hbm4b:s30+s29] =	stream.linear.scatter [tilespmem:s10], [sflag:$0x4], $0x80, $0x38;
	[tilespmem:$0xE800] =	vst v63  }
0x157: {  	s10 =	sadd.s32 $0xC8A8, s11;
	s30 =	sadd.s32 $0x50, s2  }
0x158: {  	[hbm4b:s30+s29] =	stream.linear.scatter [tilespmem:s10], [sflag:$0x4], $0x80, $0x38;
	[tilespmem:$0xE800] =	vst v63  }
.Ltmp3:
0x159: {  	_ = 	snop;
	(pc) =	sbr.rel @p0 .LBB2_8-.Ltmp3, $4  }
0x15a: {  	s10 =	sadd.s32 $0xC930, s11;
	s30 =	sadd.s32 $0x60, s2  }
0x15b: {  	[hbm4b:s30+s29] =	stream.linear.scatter [tilespmem:s10], [sflag:$0x4], $0x80, $0x38;
	[tilespmem:$0xE800] =	vst v63  }
0x15c: {  	s30 =	sadd.s32 $0xC9B8, s11  }
0x15d: {  	s11 =	sadd.s32 $0x70, s2;
	s2 =	sadd.s32 $0x1000, s2;
	s10 =	smov.u32 s18  }
0x15e: {  	[hbm4b:s11+s29] =	stream.linear.scatter [tilespmem:s30], [sflag:$0x4], $0x80, $0x38;
	[tilespmem:$0xE800] =	vst v63  }
0x15f: {  	s10 =	sadd.s32 $0xC600, s0  }
0x160: {  	[hbm4b:s2+s29] =	stream.linear.scatter [tilespmem:s10], [sflag:$0x4], $0x80, $0x38;
	[tilespmem:$0xE800] =	vst v63  }
0x161: {  	s30 =	sadd.s32 $0xC688, s0;
	s31 =	sadd.s32 $0x10, s2  }
0x162: {  	[hbm4b:s31+s29] =	stream.linear.scatter [tilespmem:s30], [sflag:$0x4], $0x80, $0x38;
	[tilespmem:$0xE800] =	vst v63  }
0x163: {  	s18 =	sadd.s32 $0xC710, s0;
	s26 =	sadd.s32 $0x20, s2  }
0x164: {  	[hbm4b:s26+s29] =	stream.linear.scatter [tilespmem:s18], [sflag:$0x4], $0x80, $0x38;
	[tilespmem:$0xE800] =	vst v63  }
0x165: {  	s30 =	sadd.s32 $0xC798, s0;
	s31 =	sadd.s32 $0x30, s2  }
0x166: {  	[hbm4b:s31+s29] =	stream.linear.scatter [tilespmem:s30], [sflag:$0x4], $0x80, $0x38;
	[tilespmem:$0xE800] =	vst v63  }
0x167: {  	s18 =	sadd.s32 $0xC820, s0;
	s26 =	sadd.s32 $0x40, s2  }
0x168: {  	[hbm4b:s26+s29] =	stream.linear.scatter [tilespmem:s18], [sflag:$0x4], $0x80, $0x38;
	[tilespmem:$0xE800] =	vst v63  }
0x169: {  	s30 =	sadd.s32 $0xC8A8, s0;
	s31 =	sadd.s32 $0x50, s2  }
0x16a: {  	[hbm4b:s31+s29] =	stream.linear.scatter [tilespmem:s30], [sflag:$0x4], $0x80, $0x38;
	[tilespmem:$0xE800] =	vst v63  }
0x16b: {  	s18 =	sadd.s32 $0xC930, s0;
	s26 =	sadd.s32 $0x60, s2  }
0x16c: {  	[hbm4b:s26+s29] =	stream.linear.scatter [tilespmem:s18], [sflag:$0x4], $0x80, $0x38;
	[tilespmem:$0xE800] =	vst v63  }
0x16d: {  	s30 =	sadd.s32 $0xC9B8, s0;
	s31 =	sadd.s32 $0x70, s2  }
0x16e: {  	[hbm4b:s31+s29] =	stream.linear.scatter [tilespmem:s30], [sflag:$0x4], $0x80, $0x38;
	[tilespmem:$0xE800] =	vst v63  }
.LBB2_10:
0x16f: {  	s31 =	sshll.u32 s29, $0x1  }
0x170: {  	s30 =	sadd.s32 $0x3, s31  }
0x171: {  	s0 =	sshll.u32 s30, $0x7  }
0x172: {  	s0 =	sand.u32 $0xFF80, s0  }
0x173: {  	[tilespmem:s15], [sflag:$0x2] =	stream.indirect.gather [hbm4b:s5+s13], $0x40, s0, s13, $0xb8;
	[tilespmem:$0xE800] =	vst v63  }
0x174: {  	_ =	swait.ge [sflag:s16], $0x2000  }
0x175: {  	[sflag:s16] =	ssyncset.done $0x0  }
0x176: {  	[sflag:s16] =	ssyncadd.s32 $0xFFFFE000  }
0x177: {  	s11 =	simm.s32 $0x0;
	_ =	swait.ge [sflag:s22], $0x2000  }
0x178: {  	v4 =	vmov s11;
	[sflag:s22] =	ssyncset.done $0x0  }
0x179: {  	v4 =	vand.u32 $0x7C, v4;
	s0 =	simm.s32 $0x6480;
	[sflag:s22] =	ssyncadd.s32 $0xFFFFE000  }
0x17a: {  	v6 =	vadd.s32 v0, v4;
	v5 =	vld [tilespmem:s0+$0xFFFFFF80];
	_ =	sdelay $0x4  }
0x17b: {  	[tilespmem:v6+s17+$0x0] =	vst.idx.msk $0xffff, v5  }
0x17c: {  	v6 =	vadd.s32 v1, v4;
	v5 =	vld [tilespmem:s0+$0xFFFFFF90];
	_ =	sdelay $0x4  }
0x17d: {  	[tilespmem:v6+s17+$0x0] =	vst.idx.msk $0xffff, v5  }
0x17e: {  	v6 =	vadd.s32 v2, v4;
	v5 =	vld [tilespmem:s0+$0xFFFFFFA0];
	_ =	sdelay $0x4  }
0x17f: {  	[tilespmem:v6+s17+$0x0] =	vst.idx.msk $0xffff, v5  }
0x180: {  	v4 =	vadd.s32 v3, v4;
	v5 =	vld [tilespmem:s0+$0xFFFFFFB0];
	_ =	sdelay $0x2  }
0x181: {  	s2 =	simm.s32 $0x1  }
0x182: {  	v6 =	vmov s2  }
0x183: {  	[tilespmem:v4+s17+$0x0] =	vst.idx.msk $0xffff, v5;
	v4 =	vand.u32 $0x7D, v6  }
0x184: {  	v5 =	vld [tilespmem:s0+$0xFFFFFFC0];
	v6 =	vadd.s32 v0, v4;
	_ =	sdelay $0x4  }
0x185: {  	[tilespmem:v6+s17+$0x0] =	vst.idx.msk $0xffff, v5  }
0x186: {  	v6 =	vadd.s32 v1, v4;
	v5 =	vld [tilespmem:s0+$0xFFFFFFD0];
	_ =	sdelay $0x4  }
0x187: {  	[tilespmem:v6+s17+$0x0] =	vst.idx.msk $0xffff, v5  }
0x188: {  	v6 =	vadd.s32 v2, v4;
	v5 =	vld [tilespmem:s0+$0xFFFFFFE0];
	_ =	sdelay $0x4  }
0x189: {  	[tilespmem:v6+s17+$0x0] =	vst.idx.msk $0xffff, v5  }
0x18a: {  	v4 =	vadd.s32 v3, v4;
	v5 =	vld [tilespmem:s0+$0xFFFFFFF0];
	_ =	sdelay $0x2  }
0x18b: {  	s18 =	simm.s32 $0x2  }
0x18c: {  	v6 =	vmov s18  }
0x18d: {  	[tilespmem:v4+s17+$0x0] =	vst.idx.msk $0xffff, v5;
	v4 =	vand.u32 $0x7E, v6  }
0x18e: {  	v5 =	vld [tilespmem:s0+$0x0];
	v6 =	vadd.s32 v0, v4;
	_ =	sdelay $0x4  }
0x18f: {  	[tilespmem:v6+s17+$0x0] =	vst.idx.msk $0xffff, v5  }
0x190: {  	v6 =	vadd.s32 v1, v4;
	v5 =	vld [tilespmem:s0+$0x10];
	_ =	sdelay $0x4  }
0x191: {  	[tilespmem:v6+s17+$0x0] =	vst.idx.msk $0xffff, v5  }
0x192: {  	v6 =	vadd.s32 v2, v4;
	v5 =	vld [tilespmem:s0+$0x20];
	_ =	sdelay $0x4  }
0x193: {  	[tilespmem:v6+s17+$0x0] =	vst.idx.msk $0xffff, v5  }
0x194: {  	v4 =	vadd.s32 v3, v4;
	v5 =	vld [tilespmem:s0+$0x30];
	_ =	sdelay $0x2  }
0x195: {  	s26 =	simm.s32 $0x3  }
0x196: {  	v6 =	vmov s26  }
0x197: {  	[tilespmem:v4+s17+$0x0] =	vst.idx.msk $0xffff, v5;
	v5 =	vand.u32 $0x7F, v6  }
0x198: {  	v4 =	vld [tilespmem:s0+$0x40];
	v6 =	vadd.s32 v0, v5;
	_ =	sdelay $0x4  }
0x199: {  	[tilespmem:v6+s17+$0x0] =	vst.idx.msk $0xffff, v4  }
0x19a: {  	v6 =	vadd.s32 v1, v5;
	v4 =	vld [tilespmem:s0+$0x50];
	_ =	sdelay $0x4  }
0x19b: {  	[tilespmem:v6+s17+$0x0] =	vst.idx.msk $0xffff, v4  }
0x19c: {  	v6 =	vadd.s32 v2, v5;
	v4 =	vld [tilespmem:s0+$0x60];
	_ =	sdelay $0x4  }
0x19d: {  	[tilespmem:v6+s17+$0x0] =	vst.idx.msk $0xffff, v4  }
0x19e: {  	v5 =	vadd.s32 v3, v5;
	v4 =	vld [tilespmem:s0+$0x70];
	_ =	sdelay $0x2  }
0x19f: {  	s2 =	simm.s32 $0x4  }
0x1a0: {  	s10 =	simm.s32 $0x8;
	v6 =	vmov s2  }
.LBB2_11:
0x1a1: {  	p0 =	sne.s32 s10, $0x7C;
	v6 =	vand.u32 $0x7C, v6;
	[tilespmem:v5+s17+$0x0] =	vst.idx.msk $0xffff, v4;
	s0 =	sadd.s32 $0x100, s0  }
0x1a2: {  	v4 =	vld [tilespmem:s0+$0xFFFFFF80];
	v5 =	vadd.s32 v0, v6;
	_ =	sdelay $0x4  }
0x1a3: {  	[tilespmem:v5+s17+$0x0] =	vst.idx.msk $0xffff, v4  }
0x1a4: {  	v5 =	vadd.s32 v1, v6;
	v4 =	vld [tilespmem:s0+$0xFFFFFF90];
	_ =	sdelay $0x4  }
0x1a5: {  	[tilespmem:v5+s17+$0x0] =	vst.idx.msk $0xffff, v4  }
0x1a6: {  	v5 =	vadd.s32 v2, v6;
	v4 =	vld [tilespmem:s0+$0xFFFFFFA0];
	_ =	sdelay $0x4  }
0x1a7: {  	[tilespmem:v5+s17+$0x0] =	vst.idx.msk $0xffff, v4  }
0x1a8: {  	v5 =	vadd.s32 v3, v6;
	v4 =	vld [tilespmem:s0+$0xFFFFFFB0];
	_ =	sdelay $0x2  }
0x1a9: {  	s11 =	sadd.s32 $0x1, s2  }
0x1aa: {  	v6 =	vmov s11  }
0x1ab: {  	[tilespmem:v5+s17+$0x0] =	vst.idx.msk $0xffff, v4;
	v4 =	vand.u32 $0x7D, v6  }
0x1ac: {  	v5 =	vld [tilespmem:s0+$0xFFFFFFC0];
	v6 =	vadd.s32 v0, v4;
	_ =	sdelay $0x4  }
0x1ad: {  	[tilespmem:v6+s17+$0x0] =	vst.idx.msk $0xffff, v5  }
0x1ae: {  	v6 =	vadd.s32 v1, v4;
	v5 =	vld [tilespmem:s0+$0xFFFFFFD0];
	_ =	sdelay $0x4  }
0x1af: {  	[tilespmem:v6+s17+$0x0] =	vst.idx.msk $0xffff, v5  }
0x1b0: {  	v6 =	vadd.s32 v2, v4;
	v5 =	vld [tilespmem:s0+$0xFFFFFFE0];
	_ =	sdelay $0x4  }
0x1b1: {  	[tilespmem:v6+s17+$0x0] =	vst.idx.msk $0xffff, v5  }
0x1b2: {  	v4 =	vadd.s32 v3, v4;
	v5 =	vld [tilespmem:s0+$0xFFFFFFF0];
	_ =	sdelay $0x2  }
0x1b3: {  	s11 =	sadd.s32 $0x2, s2  }
0x1b4: {  	v6 =	vmov s11  }
0x1b5: {  	[tilespmem:v4+s17+$0x0] =	vst.idx.msk $0xffff, v5;
	v4 =	vand.u32 $0x7E, v6  }
0x1b6: {  	v5 =	vld [tilespmem:s0+$0x0];
	v6 =	vadd.s32 v0, v4;
	_ =	sdelay $0x4  }
0x1b7: {  	[tilespmem:v6+s17+$0x0] =	vst.idx.msk $0xffff, v5  }
0x1b8: {  	v6 =	vadd.s32 v1, v4;
	v5 =	vld [tilespmem:s0+$0x10];
	_ =	sdelay $0x4  }
0x1b9: {  	[tilespmem:v6+s17+$0x0] =	vst.idx.msk $0xffff, v5  }
0x1ba: {  	v6 =	vadd.s32 v2, v4;
	v5 =	vld [tilespmem:s0+$0x20];
	_ =	sdelay $0x4  }
0x1bb: {  	[tilespmem:v6+s17+$0x0] =	vst.idx.msk $0xffff, v5  }
0x1bc: {  	v4 =	vadd.s32 v3, v4;
	v5 =	vld [tilespmem:s0+$0x30];
	_ =	sdelay $0x2  }
0x1bd: {  	s11 =	sadd.s32 $0x3, s2;
	s2 =	smov.u32 s10  }
0x1be: {  	v6 =	vmov s11  }
0x1bf: {  	[tilespmem:v4+s17+$0x0] =	vst.idx.msk $0xffff, v5;
	v5 =	vand.u32 $0x7F, v6  }
0x1c0: {  	v4 =	vld [tilespmem:s0+$0x40];
	v6 =	vadd.s32 v0, v5;
	_ =	sdelay $0x4  }
0x1c1: {  	[tilespmem:v6+s17+$0x0] =	vst.idx.msk $0xffff, v4  }
0x1c2: {  	v6 =	vadd.s32 v1, v5;
	v4 =	vld [tilespmem:s0+$0x50];
	_ =	sdelay $0x4  }
0x1c3: {  	[tilespmem:v6+s17+$0x0] =	vst.idx.msk $0xffff, v4  }
0x1c4: {  	v6 =	vadd.s32 v2, v5;
	v4 =	vld [tilespmem:s0+$0x60];
	_ =	sdelay $0x4  }
0x1c5: {  	[tilespmem:v6+s17+$0x0] =	vst.idx.msk $0xffff, v4  }
.Ltmp4:
0x1c6: {  	v5 =	vadd.s32 v3, v5;
	v4 =	vld [tilespmem:s0+$0x70];
	(pc) =	sbr.rel @p0 .LBB2_11-.Ltmp4, $2  }
0x1c7: {  	_ =	sdelay $0x2  }
0x1c8: {  	s10 =	sadd.s32 $0x4, s10;
	v6 =	vmov s2  }
0x1c9: {  	_ =	sdelay $0x3  }
0x1ca: {  	v6 =	vand.u32 $0x7C, v6;
	[tilespmem:v5+s17+$0x0] =	vst.idx.msk $0xffff, v4;
	s0 =	sadd.s32 $0x100, s0  }
0x1cb: {  	v4 =	vld [tilespmem:s0+$0xFFFFFF80];
	v5 =	vadd.s32 v0, v6;
	_ =	sdelay $0x4  }
0x1cc: {  	[tilespmem:v5+s17+$0x0] =	vst.idx.msk $0xffff, v4  }
0x1cd: {  	v5 =	vadd.s32 v1, v6;
	v4 =	vld [tilespmem:s0+$0xFFFFFF90];
	_ =	sdelay $0x4  }
0x1ce: {  	[tilespmem:v5+s17+$0x0] =	vst.idx.msk $0xffff, v4  }
0x1cf: {  	v5 =	vadd.s32 v2, v6;
	v4 =	vld [tilespmem:s0+$0xFFFFFFA0];
	_ =	sdelay $0x4  }
0x1d0: {  	[tilespmem:v5+s17+$0x0] =	vst.idx.msk $0xffff, v4  }
0x1d1: {  	v5 =	vadd.s32 v3, v6;
	v4 =	vld [tilespmem:s0+$0xFFFFFFB0];
	_ =	sdelay $0x2  }
0x1d2: {  	s10 =	sadd.s32 $0x1, s2  }
0x1d3: {  	v55 =	vmov s10  }
0x1d4: {  	[tilespmem:v5+s17+$0x0] =	vst.idx.msk $0xffff, v4;
	v4 =	vand.u32 $0x7D, v55  }
0x1d5: {  	v5 =	vld [tilespmem:s0+$0xFFFFFFC0];
	v6 =	vadd.s32 v0, v4;
	_ =	sdelay $0x4  }
0x1d6: {  	[tilespmem:v6+s17+$0x0] =	vst.idx.msk $0xffff, v5  }
0x1d7: {  	v56 =	vadd.s32 v1, v4;
	v5 =	vld [tilespmem:s0+$0xFFFFFFD0];
	_ =	sdelay $0x4  }
0x1d8: {  	[tilespmem:v56+s17+$0x0] =	vst.idx.msk $0xffff, v5  }
0x1d9: {  	v57 =	vadd.s32 v2, v4;
	v5 =	vld [tilespmem:s0+$0xFFFFFFE0];
	_ =	sdelay $0x4  }
0x1da: {  	[tilespmem:v57+s17+$0x0] =	vst.idx.msk $0xffff, v5  }
0x1db: {  	v4 =	vadd.s32 v3, v4;
	v5 =	vld [tilespmem:s0+$0xFFFFFFF0];
	_ =	sdelay $0x2  }
0x1dc: {  	s26 =	sadd.s32 $0x2, s2  }
0x1dd: {  	v58 =	vmov s26  }
0x1de: {  	[tilespmem:v4+s17+$0x0] =	vst.idx.msk $0xffff, v5;
	v4 =	vand.u32 $0x7E, v58  }
0x1df: {  	v5 =	vld [tilespmem:s0+$0x0];
	v6 =	vadd.s32 v0, v4;
	_ =	sdelay $0x4  }
0x1e0: {  	[tilespmem:v6+s17+$0x0] =	vst.idx.msk $0xffff, v5  }
0x1e1: {  	v59 =	vadd.s32 v1, v4;
	v5 =	vld [tilespmem:s0+$0x10];
	_ =	sdelay $0x4  }
0x1e2: {  	[tilespmem:v59+s17+$0x0] =	vst.idx.msk $0xffff, v5  }
0x1e3: {  	v60 =	vadd.s32 v2, v4;
	v5 =	vld [tilespmem:s0+$0x20];
	_ =	sdelay $0x4  }
0x1e4: {  	[tilespmem:v60+s17+$0x0] =	vst.idx.msk $0xffff, v5  }
0x1e5: {  	v4 =	vadd.s32 v3, v4;
	v5 =	vld [tilespmem:s0+$0x30];
	_ =	sdelay $0x2  }
0x1e6: {  	s11 =	sadd.s32 $0x3, s2  }
0x1e7: {  	v61 =	vmov s11  }
0x1e8: {  	[tilespmem:v4+s17+$0x0] =	vst.idx.msk $0xffff, v5;
	v4 =	vand.u32 $0x7F, v61  }
0x1e9: {  	v5 =	vld [tilespmem:s0+$0x40];
	v6 =	vadd.s32 v0, v4;
	_ =	sdelay $0x4  }
0x1ea: {  	[tilespmem:v6+s17+$0x0] =	vst.idx.msk $0xffff, v5  }
0x1eb: {  	v62 =	vadd.s32 v1, v4;
	v5 =	vld [tilespmem:s0+$0x50];
	_ =	sdelay $0x4  }
0x1ec: {  	[tilespmem:v62+s17+$0x0] =	vst.idx.msk $0xffff, v5  }
0x1ed: {  	v63 =	vadd.s32 v2, v4;
	v5 =	vld [tilespmem:s0+$0x60];
	_ =	sdelay $0x4  }
0x1ee: {  	[tilespmem:v63+s17+$0x0] =	vst.idx.msk $0xffff, v5  }
0x1ef: {  	v4 =	vadd.s32 v3, v4;
	v5 =	vld [tilespmem:s0+$0x70];
	_ =	sdelay $0x2  }
0x1f0: {  	s18 =	sshll.u32 s29, $0x10  }
0x1f1: {  	s0 =	sadd.s32 s18, s8  }
0x1f2: {  	s26 =	simm.s32 $0xA400;
	s2 =	sadd.s32 s4, s0;
	[tilespmem:v4+s17+$0x0] =	vst.idx.msk $0xffff, v5  }
0x1f3: {  	[hbm4b:s2+s3] =	stream.linear.scatter [tilespmem:s26], [sflag:$0x3], $0x80, $0x38;
	[tilespmem:$0xE800] =	vst v63  }
0x1f4: {  	s10 =	simm.s32 $0xA488;
	s11 =	sadd.s32 $0x10, s2  }
0x1f5: {  	[hbm4b:s11+s3] =	stream.linear.scatter [tilespmem:s10], [sflag:$0x3], $0x80, $0x38;
	[tilespmem:$0xE800] =	vst v63  }
0x1f6: {  	s18 =	simm.s32 $0xA510;
	s26 =	sadd.s32 $0x20, s2  }
0x1f7: {  	[hbm4b:s26+s3] =	stream.linear.scatter [tilespmem:s18], [sflag:$0x3], $0x80, $0x38;
	[tilespmem:$0xE800] =	vst v63  }
0x1f8: {  	s10 =	simm.s32 $0xA598;
	s11 =	sadd.s32 $0x30, s2  }
0x1f9: {  	[hbm4b:s11+s3] =	stream.linear.scatter [tilespmem:s10], [sflag:$0x3], $0x80, $0x38;
	[tilespmem:$0xE800] =	vst v63  }
0x1fa: {  	s18 =	simm.s32 $0xA620;
	s26 =	sadd.s32 $0x40, s2  }
0x1fb: {  	[hbm4b:s26+s3] =	stream.linear.scatter [tilespmem:s18], [sflag:$0x3], $0x80, $0x38;
	[tilespmem:$0xE800] =	vst v63  }
0x1fc: {  	s0 =	simm.s32 $0x440;
	s10 =	simm.s32 $0xA6A8;
	s11 =	sadd.s32 $0x50, s2  }
0x1fd: {  	[hbm4b:s11+s3] =	stream.linear.scatter [tilespmem:s10], [sflag:$0x3], $0x80, $0x38;
	[tilespmem:$0xE800] =	vst v63  }
0x1fe: {  	s18 =	simm.s32 $0xA730;
	s26 =	sadd.s32 $0x60, s2;
	s10 =	simm.s32 $0x2200  }
0x1ff: {  	[hbm4b:s26+s3] =	stream.linear.scatter [tilespmem:s18], [sflag:$0x3], $0x80, $0x38;
	[tilespmem:$0xE800] =	vst v63  }
0x200: {  	s11 =	simm.s32 $0xA7B8;
	s18 =	sadd.s32 $0x70, s2;
	s2 =	sadd.s32 $0x1000, s2  }
.LBB2_13:
0x201: {  	[hbm4b:s18+s3] =	stream.linear.scatter [tilespmem:s11], [sflag:$0x3], $0x80, $0x38;
	[tilespmem:$0xE800] =	vst v63  }
0x202: {  	s11 =	smov.u32 s0;
	s0 =	smov.u32 s10  }
0x203: {  	s26 =	sadd.s32 $0x1100, s10;
	s0 =	sshra.s32 s0, $0x2;
	s18 =	sadd.s32 $0xA400, s11  }
0x204: {  	[hbm4b:s2+s3] =	stream.linear.scatter [tilespmem:s18], [sflag:$0x3], $0x80, $0x38;
	[tilespmem:$0xE800] =	vst v63  }
0x205: {  	p0 =	sne.s32 s10, $0x7700;
	s10 =	sadd.s32 $0xA488, s11;
	s18 =	sadd.s32 $0x10, s2  }
0x206: {  	[hbm4b:s18+s3] =	stream.linear.scatter [tilespmem:s10], [sflag:$0x3], $0x80, $0x38;
	[tilespmem:$0xE800] =	vst v63  }
0x207: {  	s10 =	sadd.s32 $0xA510, s11;
	s18 =	sadd.s32 $0x20, s2  }
0x208: {  	[hbm4b:s18+s3] =	stream.linear.scatter [tilespmem:s10], [sflag:$0x3], $0x80, $0x38;
	[tilespmem:$0xE800] =	vst v63  }
0x209: {  	s10 =	sadd.s32 $0xA598, s11;
	s18 =	sadd.s32 $0x30, s2  }
0x20a: {  	[hbm4b:s18+s3] =	stream.linear.scatter [tilespmem:s10], [sflag:$0x3], $0x80, $0x38;
	[tilespmem:$0xE800] =	vst v63  }
0x20b: {  	s10 =	sadd.s32 $0xA620, s11;
	s18 =	sadd.s32 $0x40, s2  }
0x20c: {  	[hbm4b:s18+s3] =	stream.linear.scatter [tilespmem:s10], [sflag:$0x3], $0x80, $0x38;
	[tilespmem:$0xE800] =	vst v63  }
.Ltmp5:
0x20d: {  	s10 =	sadd.s32 $0xA6A8, s11;
	s18 =	sadd.s32 $0x50, s2;
	(pc) =	sbr.rel @p0 .LBB2_13-.Ltmp5, $4  }
0x20e: {  	[hbm4b:s18+s3] =	stream.linear.scatter [tilespmem:s10], [sflag:$0x3], $0x80, $0x38;
	[tilespmem:$0xE800] =	vst v63  }
0x20f: {  	s10 =	sadd.s32 $0xA730, s11;
	s18 =	sadd.s32 $0x60, s2;
	s11 =	sadd.s32 $0xA7B8, s11  }
0x210: {  	[hbm4b:s18+s3] =	stream.linear.scatter [tilespmem:s10], [sflag:$0x3], $0x80, $0x38;
	[tilespmem:$0xE800] =	vst v63  }
0x211: {  	s18 =	sadd.s32 $0x70, s2;
	s2 =	sadd.s32 $0x1000, s2;
	s10 =	smov.u32 s26  }
0x212: {  	[hbm4b:s18+s3] =	stream.linear.scatter [tilespmem:s11], [sflag:$0x3], $0x80, $0x38;
	[tilespmem:$0xE800] =	vst v63  }
0x213: {  	s10 =	sadd.s32 $0xA400, s0  }
0x214: {  	[hbm4b:s2+s3] =	stream.linear.scatter [tilespmem:s10], [sflag:$0x3], $0x80, $0x38;
	[tilespmem:$0xE800] =	vst v63  }
0x215: {  	s18 =	sadd.s32 $0xA488, s0;
	s26 =	sadd.s32 $0x10, s2  }
0x216: {  	[hbm4b:s26+s3] =	stream.linear.scatter [tilespmem:s18], [sflag:$0x3], $0x80, $0x38;
	[tilespmem:$0xE800] =	vst v63  }
0x217: {  	s18 =	sadd.s32 $0xA510, s0;
	s26 =	sadd.s32 $0x20, s2  }
0x218: {  	[hbm4b:s26+s3] =	stream.linear.scatter [tilespmem:s18], [sflag:$0x3], $0x80, $0x38;
	[tilespmem:$0xE800] =	vst v63  }
0x219: {  	s18 =	sadd.s32 $0xA598, s0;
	s26 =	sadd.s32 $0x30, s2  }
0x21a: {  	[hbm4b:s26+s3] =	stream.linear.scatter [tilespmem:s18], [sflag:$0x3], $0x80, $0x38;
	[tilespmem:$0xE800] =	vst v63  }
0x21b: {  	s18 =	sadd.s32 $0xA620, s0;
	s26 =	sadd.s32 $0x40, s2  }
0x21c: {  	[hbm4b:s26+s3] =	stream.linear.scatter [tilespmem:s18], [sflag:$0x3], $0x80, $0x38;
	[tilespmem:$0xE800] =	vst v63  }
0x21d: {  	s18 =	sadd.s32 $0xA6A8, s0;
	s26 =	sadd.s32 $0x50, s2  }
0x21e: {  	[hbm4b:s26+s3] =	stream.linear.scatter [tilespmem:s18], [sflag:$0x3], $0x80, $0x38;
	[tilespmem:$0xE800] =	vst v63  }
0x21f: {  	s10 =	sshll.u32 s31, $0x7;
	s18 =	sadd.s32 $0xA730, s0;
	s26 =	sadd.s32 $0x60, s2  }
0x220: {  	[hbm4b:s26+s3] =	stream.linear.scatter [tilespmem:s18], [sflag:$0x3], $0x80, $0x38;
	[tilespmem:$0xE800] =	vst v63  }
0x221: {  	s18 =	sadd.s32 $0xA7B8, s0;
	s26 =	sadd.s32 $0x70, s2;
	s0 =	sadd.s32 $0x200, s10  }
0x222: {  	[hbm4b:s26+s3] =	stream.linear.scatter [tilespmem:s18], [sflag:$0x3], $0x80, $0x38;
	[tilespmem:$0xE800] =	vst v63  }
0x223: {  	s0 =	sand.u32 $0xFF00, s0  }
0x224: {  	[tilespmem:s14], [sflag:$0x1] =	stream.indirect.gather [hbm4b:s5+s13], $0x40, s0, s13, $0xb8;
	[tilespmem:$0xE800] =	vst v63  }
0x225: {  	_ =	swait.ge [sflag:s19], $0x2000  }
0x226: {  	[sflag:s19] =	ssyncset.done $0x0  }
0x227: {  	[sflag:s19] =	ssyncadd.s32 $0xFFFFE000  }
0x228: {  	s11 =	simm.s32 $0x0;
	_ =	swait.ge [sflag:s23], $0x2000  }
0x229: {  	v4 =	vmov s11;
	[sflag:s23] =	ssyncset.done $0x0  }
0x22a: {  	v4 =	vand.u32 $0x7C, v4;
	s0 =	simm.s32 $0x84F0;
	[sflag:s23] =	ssyncadd.s32 $0xFFFFE000  }
0x22b: {  	v6 =	vadd.s32 v0, v4;
	v5 =	vld [tilespmem:s0+$0xFFFFFF10];
	_ =	sdelay $0x4  }
0x22c: {  	[tilespmem:v6+s20+$0x0] =	vst.idx.msk $0xffff, v5  }
0x22d: {  	v6 =	vadd.s32 v1, v4;
	v5 =	vld [tilespmem:s0+$0xFFFFFF20];
	_ =	sdelay $0x4  }
0x22e: {  	[tilespmem:v6+s20+$0x0] =	vst.idx.msk $0xffff, v5  }
0x22f: {  	v6 =	vadd.s32 v2, v4;
	v5 =	vld [tilespmem:s0+$0xFFFFFF30];
	_ =	sdelay $0x4  }
0x230: {  	[tilespmem:v6+s20+$0x0] =	vst.idx.msk $0xffff, v5  }
0x231: {  	v4 =	vadd.s32 v3, v4;
	v5 =	vld [tilespmem:s0+$0xFFFFFF40];
	_ =	sdelay $0x2  }
0x232: {  	s18 =	simm.s32 $0x1  }
0x233: {  	v6 =	vmov s18  }
0x234: {  	[tilespmem:v4+s20+$0x0] =	vst.idx.msk $0xffff, v5;
	v4 =	vand.u32 $0x7D, v6  }
0x235: {  	v5 =	vld [tilespmem:s0+$0xFFFFFF50];
	v6 =	vadd.s32 v0, v4;
	_ =	sdelay $0x4  }
0x236: {  	[tilespmem:v6+s20+$0x0] =	vst.idx.msk $0xffff, v5  }
0x237: {  	v6 =	vadd.s32 v1, v4;
	v5 =	vld [tilespmem:s0+$0xFFFFFF60];
	_ =	sdelay $0x4  }
0x238: {  	[tilespmem:v6+s20+$0x0] =	vst.idx.msk $0xffff, v5  }
0x239: {  	v6 =	vadd.s32 v2, v4;
	v5 =	vld [tilespmem:s0+$0xFFFFFF70];
	_ =	sdelay $0x4  }
0x23a: {  	[tilespmem:v6+s20+$0x0] =	vst.idx.msk $0xffff, v5  }
0x23b: {  	v4 =	vadd.s32 v3, v4;
	v5 =	vld [tilespmem:s0+$0xFFFFFF80];
	_ =	sdelay $0x2  }
0x23c: {  	s26 =	simm.s32 $0x2  }
0x23d: {  	v6 =	vmov s26  }
0x23e: {  	[tilespmem:v4+s20+$0x0] =	vst.idx.msk $0xffff, v5;
	v4 =	vand.u32 $0x7E, v6  }
0x23f: {  	v5 =	vld [tilespmem:s0+$0xFFFFFF90];
	v6 =	vadd.s32 v0, v4;
	_ =	sdelay $0x4  }
0x240: {  	[tilespmem:v6+s20+$0x0] =	vst.idx.msk $0xffff, v5  }
0x241: {  	v6 =	vadd.s32 v1, v4;
	v5 =	vld [tilespmem:s0+$0xFFFFFFA0];
	_ =	sdelay $0x4  }
0x242: {  	[tilespmem:v6+s20+$0x0] =	vst.idx.msk $0xffff, v5  }
0x243: {  	v6 =	vadd.s32 v2, v4;
	v5 =	vld [tilespmem:s0+$0xFFFFFFB0];
	_ =	sdelay $0x4  }
0x244: {  	[tilespmem:v6+s20+$0x0] =	vst.idx.msk $0xffff, v5  }
0x245: {  	v4 =	vadd.s32 v3, v4;
	v5 =	vld [tilespmem:s0+$0xFFFFFFC0];
	_ =	sdelay $0x2  }
0x246: {  	s31 =	simm.s32 $0x3  }
0x247: {  	v6 =	vmov s31  }
0x248: {  	[tilespmem:v4+s20+$0x0] =	vst.idx.msk $0xffff, v5;
	v5 =	vand.u32 $0x7F, v6  }
0x249: {  	v4 =	vld [tilespmem:s0+$0xFFFFFFD0];
	v6 =	vadd.s32 v0, v5;
	_ =	sdelay $0x4  }
0x24a: {  	[tilespmem:v6+s20+$0x0] =	vst.idx.msk $0xffff, v4  }
0x24b: {  	v6 =	vadd.s32 v1, v5;
	v4 =	vld [tilespmem:s0+$0xFFFFFFE0];
	_ =	sdelay $0x4  }
0x24c: {  	[tilespmem:v6+s20+$0x0] =	vst.idx.msk $0xffff, v4  }
0x24d: {  	v6 =	vadd.s32 v2, v5;
	v4 =	vld [tilespmem:s0+$0xFFFFFFF0];
	_ =	sdelay $0x4  }
0x24e: {  	[tilespmem:v6+s20+$0x0] =	vst.idx.msk $0xffff, v4  }
0x24f: {  	v5 =	vadd.s32 v3, v5;
	v4 =	vld [tilespmem:s0+$0x0];
	_ =	sdelay $0x2  }
0x250: {  	s2 =	simm.s32 $0x4  }
0x251: {  	s10 =	simm.s32 $0x8;
	v6 =	vmov s2  }
.LBB2_15:
0x252: {  	p0 =	sne.s32 s10, $0x7C;
	v6 =	vand.u32 $0x7C, v6;
	[tilespmem:v5+s20+$0x0] =	vst.idx.msk $0xffff, v4;
	s0 =	sadd.s32 $0x100, s0  }
0x253: {  	v4 =	vld [tilespmem:s0+$0xFFFFFF10];
	v5 =	vadd.s32 v0, v6;
	_ =	sdelay $0x4  }
0x254: {  	[tilespmem:v5+s20+$0x0] =	vst.idx.msk $0xffff, v4  }
0x255: {  	v5 =	vadd.s32 v1, v6;
	v4 =	vld [tilespmem:s0+$0xFFFFFF20];
	_ =	sdelay $0x4  }
0x256: {  	[tilespmem:v5+s20+$0x0] =	vst.idx.msk $0xffff, v4  }
0x257: {  	v5 =	vadd.s32 v2, v6;
	v4 =	vld [tilespmem:s0+$0xFFFFFF30];
	_ =	sdelay $0x4  }
0x258: {  	[tilespmem:v5+s20+$0x0] =	vst.idx.msk $0xffff, v4  }
0x259: {  	v5 =	vadd.s32 v3, v6;
	v4 =	vld [tilespmem:s0+$0xFFFFFF40];
	_ =	sdelay $0x2  }
0x25a: {  	s11 =	sadd.s32 $0x1, s2  }
0x25b: {  	v6 =	vmov s11  }
0x25c: {  	[tilespmem:v5+s20+$0x0] =	vst.idx.msk $0xffff, v4;
	v4 =	vand.u32 $0x7D, v6  }
0x25d: {  	v5 =	vld [tilespmem:s0+$0xFFFFFF50];
	v6 =	vadd.s32 v0, v4;
	_ =	sdelay $0x4  }
0x25e: {  	[tilespmem:v6+s20+$0x0] =	vst.idx.msk $0xffff, v5  }
0x25f: {  	v6 =	vadd.s32 v1, v4;
	v5 =	vld [tilespmem:s0+$0xFFFFFF60];
	_ =	sdelay $0x4  }
0x260: {  	[tilespmem:v6+s20+$0x0] =	vst.idx.msk $0xffff, v5  }
0x261: {  	v6 =	vadd.s32 v2, v4;
	v5 =	vld [tilespmem:s0+$0xFFFFFF70];
	_ =	sdelay $0x4  }
0x262: {  	[tilespmem:v6+s20+$0x0] =	vst.idx.msk $0xffff, v5  }
0x263: {  	v4 =	vadd.s32 v3, v4;
	v5 =	vld [tilespmem:s0+$0xFFFFFF80];
	_ =	sdelay $0x2  }
0x264: {  	s11 =	sadd.s32 $0x2, s2  }
0x265: {  	v6 =	vmov s11  }
0x266: {  	[tilespmem:v4+s20+$0x0] =	vst.idx.msk $0xffff, v5;
	v4 =	vand.u32 $0x7E, v6  }
0x267: {  	v5 =	vld [tilespmem:s0+$0xFFFFFF90];
	v6 =	vadd.s32 v0, v4;
	_ =	sdelay $0x4  }
0x268: {  	[tilespmem:v6+s20+$0x0] =	vst.idx.msk $0xffff, v5  }
0x269: {  	v6 =	vadd.s32 v1, v4;
	v5 =	vld [tilespmem:s0+$0xFFFFFFA0];
	_ =	sdelay $0x4  }
0x26a: {  	[tilespmem:v6+s20+$0x0] =	vst.idx.msk $0xffff, v5  }
0x26b: {  	v6 =	vadd.s32 v2, v4;
	v5 =	vld [tilespmem:s0+$0xFFFFFFB0];
	_ =	sdelay $0x4  }
0x26c: {  	[tilespmem:v6+s20+$0x0] =	vst.idx.msk $0xffff, v5  }
0x26d: {  	v4 =	vadd.s32 v3, v4;
	v5 =	vld [tilespmem:s0+$0xFFFFFFC0];
	_ =	sdelay $0x2  }
0x26e: {  	s11 =	sadd.s32 $0x3, s2;
	s2 =	smov.u32 s10  }
0x26f: {  	v6 =	vmov s11  }
0x270: {  	[tilespmem:v4+s20+$0x0] =	vst.idx.msk $0xffff, v5;
	v5 =	vand.u32 $0x7F, v6  }
0x271: {  	v4 =	vld [tilespmem:s0+$0xFFFFFFD0];
	v6 =	vadd.s32 v0, v5;
	_ =	sdelay $0x4  }
0x272: {  	[tilespmem:v6+s20+$0x0] =	vst.idx.msk $0xffff, v4  }
0x273: {  	v6 =	vadd.s32 v1, v5;
	v4 =	vld [tilespmem:s0+$0xFFFFFFE0];
	_ =	sdelay $0x4  }
0x274: {  	[tilespmem:v6+s20+$0x0] =	vst.idx.msk $0xffff, v4  }
0x275: {  	v6 =	vadd.s32 v2, v5;
	v4 =	vld [tilespmem:s0+$0xFFFFFFF0];
	_ =	sdelay $0x4  }
0x276: {  	[tilespmem:v6+s20+$0x0] =	vst.idx.msk $0xffff, v4  }
.Ltmp6:
0x277: {  	v5 =	vadd.s32 v3, v5;
	v4 =	vld [tilespmem:s0+$0x0];
	(pc) =	sbr.rel @p0 .LBB2_15-.Ltmp6, $2  }
0x278: {  	_ =	sdelay $0x2  }
0x279: {  	s10 =	sadd.s32 $0x4, s10;
	v6 =	vmov s2  }
0x27a: {  	_ =	sdelay $0x3  }
0x27b: {  	v6 =	vand.u32 $0x7C, v6;
	[tilespmem:v5+s20+$0x0] =	vst.idx.msk $0xffff, v4;
	s0 =	sadd.s32 $0x100, s0  }
0x27c: {  	v4 =	vld [tilespmem:s0+$0xFFFFFF10];
	v5 =	vadd.s32 v0, v6;
	_ =	sdelay $0x4  }
0x27d: {  	[tilespmem:v5+s20+$0x0] =	vst.idx.msk $0xffff, v4  }
0x27e: {  	v5 =	vadd.s32 v1, v6;
	v4 =	vld [tilespmem:s0+$0xFFFFFF20];
	_ =	sdelay $0x4  }
0x27f: {  	[tilespmem:v5+s20+$0x0] =	vst.idx.msk $0xffff, v4  }
0x280: {  	v5 =	vadd.s32 v2, v6;
	v4 =	vld [tilespmem:s0+$0xFFFFFF30];
	_ =	sdelay $0x4  }
0x281: {  	[tilespmem:v5+s20+$0x0] =	vst.idx.msk $0xffff, v4  }
0x282: {  	v5 =	vadd.s32 v3, v6;
	v4 =	vld [tilespmem:s0+$0xFFFFFF40];
	_ =	sdelay $0x2  }
0x283: {  	s10 =	sadd.s32 $0x1, s2  }
0x284: {  	v55 =	vmov s10  }
0x285: {  	[tilespmem:v5+s20+$0x0] =	vst.idx.msk $0xffff, v4;
	v4 =	vand.u32 $0x7D, v55  }
0x286: {  	v5 =	vld [tilespmem:s0+$0xFFFFFF50];
	v6 =	vadd.s32 v0, v4;
	_ =	sdelay $0x4  }
0x287: {  	[tilespmem:v6+s20+$0x0] =	vst.idx.msk $0xffff, v5  }
0x288: {  	v56 =	vadd.s32 v1, v4;
	v5 =	vld [tilespmem:s0+$0xFFFFFF60];
	_ =	sdelay $0x4  }
0x289: {  	[tilespmem:v56+s20+$0x0] =	vst.idx.msk $0xffff, v5  }
0x28a: {  	v57 =	vadd.s32 v2, v4;
	v5 =	vld [tilespmem:s0+$0xFFFFFF70];
	_ =	sdelay $0x4  }
0x28b: {  	[tilespmem:v57+s20+$0x0] =	vst.idx.msk $0xffff, v5  }
0x28c: {  	v4 =	vadd.s32 v3, v4;
	v5 =	vld [tilespmem:s0+$0xFFFFFF80];
	_ =	sdelay $0x2  }
0x28d: {  	s18 =	sadd.s32 $0x2, s2  }
0x28e: {  	v58 =	vmov s18  }
0x28f: {  	[tilespmem:v4+s20+$0x0] =	vst.idx.msk $0xffff, v5;
	v4 =	vand.u32 $0x7E, v58  }
0x290: {  	v5 =	vld [tilespmem:s0+$0xFFFFFF90];
	v6 =	vadd.s32 v0, v4;
	_ =	sdelay $0x4  }
0x291: {  	[tilespmem:v6+s20+$0x0] =	vst.idx.msk $0xffff, v5  }
0x292: {  	v59 =	vadd.s32 v1, v4;
	v5 =	vld [tilespmem:s0+$0xFFFFFFA0];
	_ =	sdelay $0x4  }
0x293: {  	[tilespmem:v59+s20+$0x0] =	vst.idx.msk $0xffff, v5  }
0x294: {  	v60 =	vadd.s32 v2, v4;
	v5 =	vld [tilespmem:s0+$0xFFFFFFB0];
	_ =	sdelay $0x4  }
0x295: {  	[tilespmem:v60+s20+$0x0] =	vst.idx.msk $0xffff, v5  }
0x296: {  	v4 =	vadd.s32 v3, v4;
	v5 =	vld [tilespmem:s0+$0xFFFFFFC0];
	_ =	sdelay $0x2  }
0x297: {  	s26 =	sadd.s32 $0x3, s2  }
0x298: {  	v61 =	vmov s26  }
0x299: {  	[tilespmem:v4+s20+$0x0] =	vst.idx.msk $0xffff, v5;
	v4 =	vand.u32 $0x7F, v61  }
0x29a: {  	v5 =	vld [tilespmem:s0+$0xFFFFFFD0];
	v6 =	vadd.s32 v0, v4;
	_ =	sdelay $0x4  }
0x29b: {  	[tilespmem:v6+s20+$0x0] =	vst.idx.msk $0xffff, v5  }
0x29c: {  	v62 =	vadd.s32 v1, v4;
	v5 =	vld [tilespmem:s0+$0xFFFFFFE0];
	_ =	sdelay $0x4  }
0x29d: {  	[tilespmem:v62+s20+$0x0] =	vst.idx.msk $0xffff, v5  }
0x29e: {  	v63 =	vadd.s32 v2, v4;
	v5 =	vld [tilespmem:s0+$0xFFFFFFF0];
	_ =	sdelay $0x4  }
0x29f: {  	[tilespmem:v63+s20+$0x0] =	vst.idx.msk $0xffff, v5  }
0x2a0: {  	v4 =	vadd.s32 v3, v4;
	v5 =	vld [tilespmem:s0+$0x0];
	_ =	sdelay $0x2  }
0x2a1: {  	s30 =	sshll.u32 s30, $0xF  }
0x2a2: {  	s0 =	sadd.s32 s1, s30  }
0x2a3: {  	s31 =	simm.s32 $0xC600;
	s2 =	sadd.s32 s4, s0;
	[tilespmem:v4+s20+$0x0] =	vst.idx.msk $0xffff, v5  }
0x2a4: {  	[hbm4b:s2+s3] =	stream.linear.scatter [tilespmem:s31], [sflag:$0x4], $0x80, $0x38;
	[tilespmem:$0xE800] =	vst v63  }
0x2a5: {  	s10 =	simm.s32 $0xC688;
	s11 =	sadd.s32 $0x10, s2  }
0x2a6: {  	[hbm4b:s11+s3] =	stream.linear.scatter [tilespmem:s10], [sflag:$0x4], $0x80, $0x38;
	[tilespmem:$0xE800] =	vst v63  }
0x2a7: {  	s18 =	simm.s32 $0xC710;
	s30 =	simm.s32 $0xC798;
	s26 =	sadd.s32 $0x20, s2  }
0x2a8: {  	[hbm4b:s26+s3] =	stream.linear.scatter [tilespmem:s18], [sflag:$0x4], $0x80, $0x38;
	[tilespmem:$0xE800] =	vst v63  }
0x2a9: {  	s0 =	simm.s32 $0x440;
	s31 =	sadd.s32 $0x30, s2;
	s10 =	simm.s32 $0xC820  }
0x2aa: {  	[hbm4b:s31+s3] =	stream.linear.scatter [tilespmem:s30], [sflag:$0x4], $0x80, $0x38;
	[tilespmem:$0xE800] =	vst v63  }
0x2ab: {  	s11 =	sadd.s32 $0x40, s2;
	s18 =	simm.s32 $0xC8A8;
	s26 =	sadd.s32 $0x50, s2  }
0x2ac: {  	[hbm4b:s11+s3] =	stream.linear.scatter [tilespmem:s10], [sflag:$0x4], $0x80, $0x38;
	[tilespmem:$0xE800] =	vst v63  }
0x2ad: {  	s30 =	simm.s32 $0xC930;
	s31 =	sadd.s32 $0x60, s2;
	s10 =	simm.s32 $0x2200  }
0x2ae: {  	[hbm4b:s26+s3] =	stream.linear.scatter [tilespmem:s18], [sflag:$0x4], $0x80, $0x38;
	[tilespmem:$0xE800] =	vst v63  }
0x2af: {  	s11 =	simm.s32 $0xC9B8;
	s18 =	sadd.s32 $0x70, s2;
	s2 =	sadd.s32 $0x1000, s2  }
0x2b0: {  	[hbm4b:s31+s3] =	stream.linear.scatter [tilespmem:s30], [sflag:$0x4], $0x80, $0x38;
	[tilespmem:$0xE800] =	vst v63  }
.LBB2_17:
0x2b1: {  	[hbm4b:s18+s3] =	stream.linear.scatter [tilespmem:s11], [sflag:$0x4], $0x80, $0x38;
	[tilespmem:$0xE800] =	vst v63  }
0x2b2: {  	s11 =	smov.u32 s0;
	s0 =	smov.u32 s10  }
0x2b3: {  	s26 =	sadd.s32 $0x1100, s10;
	s0 =	sshra.s32 s0, $0x2;
	s18 =	sadd.s32 $0xC600, s11  }
0x2b4: {  	[hbm4b:s2+s3] =	stream.linear.scatter [tilespmem:s18], [sflag:$0x4], $0x80, $0x38;
	[tilespmem:$0xE800] =	vst v63  }
0x2b5: {  	p0 =	sne.s32 s10, $0x7700;
	s10 =	sadd.s32 $0xC688, s11;
	s18 =	sadd.s32 $0x10, s2  }
0x2b6: {  	[hbm4b:s18+s3] =	stream.linear.scatter [tilespmem:s10], [sflag:$0x4], $0x80, $0x38;
	[tilespmem:$0xE800] =	vst v63  }
0x2b7: {  	s10 =	sadd.s32 $0xC710, s11;
	s18 =	sadd.s32 $0x20, s2  }
0x2b8: {  	[hbm4b:s18+s3] =	stream.linear.scatter [tilespmem:s10], [sflag:$0x4], $0x80, $0x38;
	[tilespmem:$0xE800] =	vst v63  }
0x2b9: {  	s10 =	sadd.s32 $0xC798, s11;
	s18 =	sadd.s32 $0x30, s2  }
0x2ba: {  	[hbm4b:s18+s3] =	stream.linear.scatter [tilespmem:s10], [sflag:$0x4], $0x80, $0x38;
	[tilespmem:$0xE800] =	vst v63  }
0x2bb: {  	s10 =	sadd.s32 $0xC820, s11;
	s18 =	sadd.s32 $0x40, s2  }
0x2bc: {  	[hbm4b:s18+s3] =	stream.linear.scatter [tilespmem:s10], [sflag:$0x4], $0x80, $0x38;
	[tilespmem:$0xE800] =	vst v63  }
.Ltmp7:
0x2bd: {  	s10 =	sadd.s32 $0xC8A8, s11;
	s18 =	sadd.s32 $0x50, s2;
	(pc) =	sbr.rel @p0 .LBB2_17-.Ltmp7, $4  }
0x2be: {  	[hbm4b:s18+s3] =	stream.linear.scatter [tilespmem:s10], [sflag:$0x4], $0x80, $0x38;
	[tilespmem:$0xE800] =	vst v63  }
0x2bf: {  	s10 =	sadd.s32 $0xC930, s11;
	s18 =	sadd.s32 $0x60, s2;
	s11 =	sadd.s32 $0xC9B8, s11  }
0x2c0: {  	[hbm4b:s18+s3] =	stream.linear.scatter [tilespmem:s10], [sflag:$0x4], $0x80, $0x38;
	[tilespmem:$0xE800] =	vst v63  }
0x2c1: {  	s18 =	sadd.s32 $0x70, s2;
	s2 =	sadd.s32 $0x1000, s2;
	s10 =	smov.u32 s26  }
0x2c2: {  	[hbm4b:s18+s3] =	stream.linear.scatter [tilespmem:s11], [sflag:$0x4], $0x80, $0x38;
	[tilespmem:$0xE800] =	vst v63  }
0x2c3: {  	s10 =	sadd.s32 $0xC600, s0  }
0x2c4: {  	[hbm4b:s2+s3] =	stream.linear.scatter [tilespmem:s10], [sflag:$0x4], $0x80, $0x38;
	[tilespmem:$0xE800] =	vst v63  }
0x2c5: {  	s30 =	sadd.s32 $0xC688, s0;
	s31 =	sadd.s32 $0x10, s2  }
0x2c6: {  	[hbm4b:s31+s3] =	stream.linear.scatter [tilespmem:s30], [sflag:$0x4], $0x80, $0x38;
	[tilespmem:$0xE800] =	vst v63  }
0x2c7: {  	s18 =	sadd.s32 $0xC710, s0;
	s26 =	sadd.s32 $0x20, s2  }
0x2c8: {  	[hbm4b:s26+s3] =	stream.linear.scatter [tilespmem:s18], [sflag:$0x4], $0x80, $0x38;
	[tilespmem:$0xE800] =	vst v63  }
0x2c9: {  	s30 =	sadd.s32 $0xC798, s0;
	s31 =	sadd.s32 $0x30, s2  }
0x2ca: {  	[hbm4b:s31+s3] =	stream.linear.scatter [tilespmem:s30], [sflag:$0x4], $0x80, $0x38;
	[tilespmem:$0xE800] =	vst v63  }
0x2cb: {  	s29 =	sadd.s32 $0x1, s29;
	s18 =	sadd.s32 $0xC820, s0;
	s26 =	sadd.s32 $0x40, s2  }
0x2cc: {  	[hbm4b:s26+s3] =	stream.linear.scatter [tilespmem:s18], [sflag:$0x4], $0x80, $0x38;
	[tilespmem:$0xE800] =	vst v63  }
0x2cd: {  	p0 =	sne.s32 s29, $0x62;
	s30 =	sadd.s32 $0xC8A8, s0;
	s31 =	sadd.s32 $0x50, s2  }
0x2ce: {  	[hbm4b:s31+s3] =	stream.linear.scatter [tilespmem:s30], [sflag:$0x4], $0x80, $0x38;
	[tilespmem:$0xE800] =	vst v63  }
.Ltmp8:
0x2cf: {  	_ = 	snop;
	(pc) =	sbr.rel @p0 .LBB2_10-.Ltmp8, $4  }
0x2d0: {  	s18 =	sadd.s32 $0xC930, s0;
	s26 =	sadd.s32 $0x60, s2  }
0x2d1: {  	[hbm4b:s26+s3] =	stream.linear.scatter [tilespmem:s18], [sflag:$0x4], $0x80, $0x38;
	[tilespmem:$0xE800] =	vst v63  }
0x2d2: {  	s30 =	sadd.s32 $0xC9B8, s0;
	s31 =	sadd.s32 $0x70, s2  }
0x2d3: {  	[hbm4b:s31+s3] =	stream.linear.scatter [tilespmem:s30], [sflag:$0x4], $0x80, $0x38;
	[tilespmem:$0xE800] =	vst v63  }
0x2d4: {  	s0 =	simm.s32 $0x6380  }
0x2d5: {  	[tilespmem:s15], [sflag:$0x2] =	stream.indirect.gather [hbm4b:s5+s13], $0x40, s0, s13, $0xb8;
	[tilespmem:$0xE800] =	vst v63  }
0x2d6: {  	_ =	swait.ge [sflag:s16], $0x2000  }
0x2d7: {  	[sflag:s16] =	ssyncset.done $0x0  }
0x2d8: {  	[sflag:s16] =	ssyncadd.s32 $0xFFFFE000  }
0x2d9: {  	s29 =	simm.s32 $0x0;
	_ =	swait.ge [sflag:s22], $0x2000  }
0x2da: {  	v4 =	vmov s29;
	[sflag:s22] =	ssyncset.done $0x0  }
0x2db: {  	s0 =	simm.s32 $0x6480;
	v4 =	vand.u32 $0x7C, v4;
	[sflag:s22] =	ssyncadd.s32 $0xFFFFE000  }
0x2dc: {  	v6 =	vadd.s32 v0, v4;
	v5 =	vld [tilespmem:s0+$0xFFFFFF80];
	_ =	sdelay $0x4  }
0x2dd: {  	[tilespmem:v6+s17+$0x0] =	vst.idx.msk $0xffff, v5  }
0x2de: {  	v6 =	vadd.s32 v1, v4;
	v5 =	vld [tilespmem:s0+$0xFFFFFF90];
	_ =	sdelay $0x4  }
0x2df: {  	[tilespmem:v6+s17+$0x0] =	vst.idx.msk $0xffff, v5  }
0x2e0: {  	v6 =	vadd.s32 v2, v4;
	v5 =	vld [tilespmem:s0+$0xFFFFFFA0];
	_ =	sdelay $0x4  }
0x2e1: {  	[tilespmem:v6+s17+$0x0] =	vst.idx.msk $0xffff, v5  }
0x2e2: {  	v4 =	vadd.s32 v3, v4;
	v5 =	vld [tilespmem:s0+$0xFFFFFFB0];
	_ =	sdelay $0x2  }
0x2e3: {  	s2 =	simm.s32 $0x1  }
0x2e4: {  	v6 =	vmov s2  }
0x2e5: {  	[tilespmem:v4+s17+$0x0] =	vst.idx.msk $0xffff, v5;
	v4 =	vand.u32 $0x7D, v6  }
0x2e6: {  	v5 =	vld [tilespmem:s0+$0xFFFFFFC0];
	v6 =	vadd.s32 v0, v4;
	_ =	sdelay $0x4  }
0x2e7: {  	[tilespmem:v6+s17+$0x0] =	vst.idx.msk $0xffff, v5  }
0x2e8: {  	v6 =	vadd.s32 v1, v4;
	v5 =	vld [tilespmem:s0+$0xFFFFFFD0];
	_ =	sdelay $0x4  }
0x2e9: {  	[tilespmem:v6+s17+$0x0] =	vst.idx.msk $0xffff, v5  }
0x2ea: {  	v6 =	vadd.s32 v2, v4;
	v5 =	vld [tilespmem:s0+$0xFFFFFFE0];
	_ =	sdelay $0x4  }
0x2eb: {  	[tilespmem:v6+s17+$0x0] =	vst.idx.msk $0xffff, v5  }
0x2ec: {  	v4 =	vadd.s32 v3, v4;
	v5 =	vld [tilespmem:s0+$0xFFFFFFF0];
	_ =	sdelay $0x2  }
0x2ed: {  	s30 =	simm.s32 $0x2  }
0x2ee: {  	v6 =	vmov s30  }
0x2ef: {  	[tilespmem:v4+s17+$0x0] =	vst.idx.msk $0xffff, v5;
	v4 =	vand.u32 $0x7E, v6  }
0x2f0: {  	v5 =	vld [tilespmem:s0+$0x0];
	v6 =	vadd.s32 v0, v4;
	_ =	sdelay $0x4  }
0x2f1: {  	[tilespmem:v6+s17+$0x0] =	vst.idx.msk $0xffff, v5  }
0x2f2: {  	v6 =	vadd.s32 v1, v4;
	v5 =	vld [tilespmem:s0+$0x10];
	_ =	sdelay $0x4  }
0x2f3: {  	[tilespmem:v6+s17+$0x0] =	vst.idx.msk $0xffff, v5  }
0x2f4: {  	v6 =	vadd.s32 v2, v4;
	v5 =	vld [tilespmem:s0+$0x20];
	_ =	sdelay $0x4  }
0x2f5: {  	[tilespmem:v6+s17+$0x0] =	vst.idx.msk $0xffff, v5  }
0x2f6: {  	v4 =	vadd.s32 v3, v4;
	v5 =	vld [tilespmem:s0+$0x30];
	_ =	sdelay $0x2  }
0x2f7: {  	s31 =	simm.s32 $0x3  }
0x2f8: {  	v6 =	vmov s31  }
0x2f9: {  	[tilespmem:v4+s17+$0x0] =	vst.idx.msk $0xffff, v5;
	v5 =	vand.u32 $0x7F, v6  }
0x2fa: {  	v4 =	vld [tilespmem:s0+$0x40];
	v6 =	vadd.s32 v0, v5;
	_ =	sdelay $0x4  }
0x2fb: {  	[tilespmem:v6+s17+$0x0] =	vst.idx.msk $0xffff, v4  }
0x2fc: {  	v6 =	vadd.s32 v1, v5;
	v4 =	vld [tilespmem:s0+$0x50];
	_ =	sdelay $0x4  }
0x2fd: {  	[tilespmem:v6+s17+$0x0] =	vst.idx.msk $0xffff, v4  }
0x2fe: {  	v6 =	vadd.s32 v2, v5;
	v4 =	vld [tilespmem:s0+$0x60];
	_ =	sdelay $0x4  }
0x2ff: {  	[tilespmem:v6+s17+$0x0] =	vst.idx.msk $0xffff, v4  }
0x300: {  	v5 =	vadd.s32 v3, v5;
	v4 =	vld [tilespmem:s0+$0x70];
	_ =	sdelay $0x2  }
0x301: {  	s2 =	simm.s32 $0x4  }
0x302: {  	s10 =	simm.s32 $0x8;
	v6 =	vmov s2  }
.LBB2_20:
0x303: {  	p0 =	sne.s32 s10, $0x7C;
	v6 =	vand.u32 $0x7C, v6;
	[tilespmem:v5+s17+$0x0] =	vst.idx.msk $0xffff, v4;
	s0 =	sadd.s32 $0x100, s0  }
0x304: {  	v4 =	vld [tilespmem:s0+$0xFFFFFF80];
	v5 =	vadd.s32 v0, v6;
	_ =	sdelay $0x4  }
0x305: {  	[tilespmem:v5+s17+$0x0] =	vst.idx.msk $0xffff, v4  }
0x306: {  	v5 =	vadd.s32 v1, v6;
	v4 =	vld [tilespmem:s0+$0xFFFFFF90];
	_ =	sdelay $0x4  }
0x307: {  	[tilespmem:v5+s17+$0x0] =	vst.idx.msk $0xffff, v4  }
0x308: {  	v5 =	vadd.s32 v2, v6;
	v4 =	vld [tilespmem:s0+$0xFFFFFFA0];
	_ =	sdelay $0x4  }
0x309: {  	[tilespmem:v5+s17+$0x0] =	vst.idx.msk $0xffff, v4  }
0x30a: {  	v5 =	vadd.s32 v3, v6;
	v4 =	vld [tilespmem:s0+$0xFFFFFFB0];
	_ =	sdelay $0x2  }
0x30b: {  	s11 =	sadd.s32 $0x1, s2  }
0x30c: {  	v6 =	vmov s11  }
0x30d: {  	[tilespmem:v5+s17+$0x0] =	vst.idx.msk $0xffff, v4;
	v4 =	vand.u32 $0x7D, v6  }
0x30e: {  	v5 =	vld [tilespmem:s0+$0xFFFFFFC0];
	v6 =	vadd.s32 v0, v4;
	_ =	sdelay $0x4  }
0x30f: {  	[tilespmem:v6+s17+$0x0] =	vst.idx.msk $0xffff, v5  }
0x310: {  	v6 =	vadd.s32 v1, v4;
	v5 =	vld [tilespmem:s0+$0xFFFFFFD0];
	_ =	sdelay $0x4  }
0x311: {  	[tilespmem:v6+s17+$0x0] =	vst.idx.msk $0xffff, v5  }
0x312: {  	v6 =	vadd.s32 v2, v4;
	v5 =	vld [tilespmem:s0+$0xFFFFFFE0];
	_ =	sdelay $0x4  }
0x313: {  	[tilespmem:v6+s17+$0x0] =	vst.idx.msk $0xffff, v5  }
0x314: {  	v4 =	vadd.s32 v3, v4;
	v5 =	vld [tilespmem:s0+$0xFFFFFFF0];
	_ =	sdelay $0x2  }
0x315: {  	s11 =	sadd.s32 $0x2, s2  }
0x316: {  	v6 =	vmov s11  }
0x317: {  	[tilespmem:v4+s17+$0x0] =	vst.idx.msk $0xffff, v5;
	v4 =	vand.u32 $0x7E, v6  }
0x318: {  	v5 =	vld [tilespmem:s0+$0x0];
	v6 =	vadd.s32 v0, v4;
	_ =	sdelay $0x4  }
0x319: {  	[tilespmem:v6+s17+$0x0] =	vst.idx.msk $0xffff, v5  }
0x31a: {  	v6 =	vadd.s32 v1, v4;
	v5 =	vld [tilespmem:s0+$0x10];
	_ =	sdelay $0x4  }
0x31b: {  	[tilespmem:v6+s17+$0x0] =	vst.idx.msk $0xffff, v5  }
0x31c: {  	v6 =	vadd.s32 v2, v4;
	v5 =	vld [tilespmem:s0+$0x20];
	_ =	sdelay $0x4  }
0x31d: {  	[tilespmem:v6+s17+$0x0] =	vst.idx.msk $0xffff, v5  }
0x31e: {  	v4 =	vadd.s32 v3, v4;
	v5 =	vld [tilespmem:s0+$0x30];
	_ =	sdelay $0x2  }
0x31f: {  	s11 =	sadd.s32 $0x3, s2;
	s2 =	smov.u32 s10  }
0x320: {  	v6 =	vmov s11  }
0x321: {  	[tilespmem:v4+s17+$0x0] =	vst.idx.msk $0xffff, v5;
	v5 =	vand.u32 $0x7F, v6  }
0x322: {  	v4 =	vld [tilespmem:s0+$0x40];
	v6 =	vadd.s32 v0, v5;
	_ =	sdelay $0x4  }
0x323: {  	[tilespmem:v6+s17+$0x0] =	vst.idx.msk $0xffff, v4  }
0x324: {  	v6 =	vadd.s32 v1, v5;
	v4 =	vld [tilespmem:s0+$0x50];
	_ =	sdelay $0x4  }
0x325: {  	[tilespmem:v6+s17+$0x0] =	vst.idx.msk $0xffff, v4  }
0x326: {  	v6 =	vadd.s32 v2, v5;
	v4 =	vld [tilespmem:s0+$0x60];
	_ =	sdelay $0x4  }
0x327: {  	[tilespmem:v6+s17+$0x0] =	vst.idx.msk $0xffff, v4  }
.Ltmp9:
0x328: {  	v5 =	vadd.s32 v3, v5;
	v4 =	vld [tilespmem:s0+$0x70];
	(pc) =	sbr.rel @p0 .LBB2_20-.Ltmp9, $2  }
0x329: {  	_ =	sdelay $0x2  }
0x32a: {  	s10 =	sadd.s32 $0x4, s10;
	v6 =	vmov s2  }
0x32b: {  	_ =	sdelay $0x3  }
0x32c: {  	v6 =	vand.u32 $0x7C, v6;
	[tilespmem:v5+s17+$0x0] =	vst.idx.msk $0xffff, v4;
	s0 =	sadd.s32 $0x100, s0  }
0x32d: {  	v4 =	vld [tilespmem:s0+$0xFFFFFF80];
	v5 =	vadd.s32 v0, v6;
	_ =	sdelay $0x4  }
0x32e: {  	[tilespmem:v5+s17+$0x0] =	vst.idx.msk $0xffff, v4  }
0x32f: {  	v5 =	vadd.s32 v1, v6;
	v4 =	vld [tilespmem:s0+$0xFFFFFF90];
	_ =	sdelay $0x4  }
0x330: {  	[tilespmem:v5+s17+$0x0] =	vst.idx.msk $0xffff, v4  }
0x331: {  	v5 =	vadd.s32 v2, v6;
	v4 =	vld [tilespmem:s0+$0xFFFFFFA0];
	_ =	sdelay $0x4  }
0x332: {  	[tilespmem:v5+s17+$0x0] =	vst.idx.msk $0xffff, v4  }
0x333: {  	v5 =	vadd.s32 v3, v6;
	v4 =	vld [tilespmem:s0+$0xFFFFFFB0];
	_ =	sdelay $0x2  }
0x334: {  	s10 =	sadd.s32 $0x1, s2  }
0x335: {  	v55 =	vmov s10  }
0x336: {  	[tilespmem:v5+s17+$0x0] =	vst.idx.msk $0xffff, v4;
	v4 =	vand.u32 $0x7D, v55  }
0x337: {  	v5 =	vld [tilespmem:s0+$0xFFFFFFC0];
	v6 =	vadd.s32 v0, v4;
	_ =	sdelay $0x4  }
0x338: {  	[tilespmem:v6+s17+$0x0] =	vst.idx.msk $0xffff, v5  }
0x339: {  	v56 =	vadd.s32 v1, v4;
	v5 =	vld [tilespmem:s0+$0xFFFFFFD0];
	_ =	sdelay $0x4  }
0x33a: {  	[tilespmem:v56+s17+$0x0] =	vst.idx.msk $0xffff, v5  }
0x33b: {  	v57 =	vadd.s32 v2, v4;
	v5 =	vld [tilespmem:s0+$0xFFFFFFE0];
	_ =	sdelay $0x4  }
0x33c: {  	[tilespmem:v57+s17+$0x0] =	vst.idx.msk $0xffff, v5  }
0x33d: {  	v4 =	vadd.s32 v3, v4;
	v5 =	vld [tilespmem:s0+$0xFFFFFFF0];
	_ =	sdelay $0x2  }
0x33e: {  	s31 =	sadd.s32 $0x2, s2  }
0x33f: {  	v58 =	vmov s31  }
0x340: {  	[tilespmem:v4+s17+$0x0] =	vst.idx.msk $0xffff, v5;
	v4 =	vand.u32 $0x7E, v58  }
0x341: {  	v5 =	vld [tilespmem:s0+$0x0];
	v6 =	vadd.s32 v0, v4;
	_ =	sdelay $0x4  }
0x342: {  	[tilespmem:v6+s17+$0x0] =	vst.idx.msk $0xffff, v5  }
0x343: {  	v59 =	vadd.s32 v1, v4;
	v5 =	vld [tilespmem:s0+$0x10];
	_ =	sdelay $0x4  }
0x344: {  	[tilespmem:v59+s17+$0x0] =	vst.idx.msk $0xffff, v5  }
0x345: {  	v60 =	vadd.s32 v2, v4;
	v5 =	vld [tilespmem:s0+$0x20];
	_ =	sdelay $0x4  }
0x346: {  	[tilespmem:v60+s17+$0x0] =	vst.idx.msk $0xffff, v5  }
0x347: {  	v4 =	vadd.s32 v3, v4;
	v5 =	vld [tilespmem:s0+$0x30];
	_ =	sdelay $0x2  }
0x348: {  	s11 =	sadd.s32 $0x3, s2  }
0x349: {  	v61 =	vmov s11  }
0x34a: {  	[tilespmem:v4+s17+$0x0] =	vst.idx.msk $0xffff, v5;
	v4 =	vand.u32 $0x7F, v61  }
0x34b: {  	v5 =	vld [tilespmem:s0+$0x40];
	v6 =	vadd.s32 v0, v4;
	_ =	sdelay $0x4  }
0x34c: {  	[tilespmem:v6+s17+$0x0] =	vst.idx.msk $0xffff, v5  }
0x34d: {  	v62 =	vadd.s32 v1, v4;
	v5 =	vld [tilespmem:s0+$0x50];
	_ =	sdelay $0x4  }
0x34e: {  	[tilespmem:v62+s17+$0x0] =	vst.idx.msk $0xffff, v5  }
0x34f: {  	v63 =	vadd.s32 v2, v4;
	v5 =	vld [tilespmem:s0+$0x60];
	_ =	sdelay $0x4  }
0x350: {  	[tilespmem:v63+s17+$0x0] =	vst.idx.msk $0xffff, v5  }
0x351: {  	v4 =	vadd.s32 v3, v4;
	v5 =	vld [tilespmem:s0+$0x70];
	_ =	sdelay $0x4  }
0x352: {  	s18 =	simm.s32 $0xA400;
	[tilespmem:v4+s17+$0x0] =	vst.idx.msk $0xffff, v5  }
0x353: {  	[hbm4b:s24+s3] =	stream.linear.scatter [tilespmem:s18], [sflag:$0x3], $0x80, $0x38;
	[tilespmem:$0xE800] =	vst v63  }
0x354: {  	s26 =	simm.s32 $0xA488;
	s29 =	sadd.s32 $0x10, s24  }
0x355: {  	[hbm4b:s29+s3] =	stream.linear.scatter [tilespmem:s26], [sflag:$0x3], $0x80, $0x38;
	[tilespmem:$0xE800] =	vst v63  }
0x356: {  	s30 =	simm.s32 $0xA510;
	s2 =	simm.s32 $0xA598;
	s31 =	sadd.s32 $0x20, s24  }
0x357: {  	[hbm4b:s31+s3] =	stream.linear.scatter [tilespmem:s30], [sflag:$0x3], $0x80, $0x38;
	[tilespmem:$0xE800] =	vst v63  }
0x358: {  	s10 =	sadd.s32 $0x30, s24;
	s11 =	simm.s32 $0xA620;
	s0 =	simm.s32 $0x440  }
0x359: {  	[hbm4b:s10+s3] =	stream.linear.scatter [tilespmem:s2], [sflag:$0x3], $0x80, $0x38;
	[tilespmem:$0xE800] =	vst v63  }
0x35a: {  	s18 =	sadd.s32 $0x40, s24;
	s26 =	simm.s32 $0xA6A8;
	s29 =	sadd.s32 $0x50, s24  }
0x35b: {  	[hbm4b:s18+s3] =	stream.linear.scatter [tilespmem:s11], [sflag:$0x3], $0x80, $0x38;
	[tilespmem:$0xE800] =	vst v63  }
0x35c: {  	s30 =	simm.s32 $0xA730;
	s31 =	sadd.s32 $0x60, s24;
	s10 =	simm.s32 $0x2200  }
0x35d: {  	[hbm4b:s29+s3] =	stream.linear.scatter [tilespmem:s26], [sflag:$0x3], $0x80, $0x38;
	[tilespmem:$0xE800] =	vst v63  }
0x35e: {  	s2 =	sadd.s32 $0x1000, s24;
	s11 =	simm.s32 $0xA7B8;
	s18 =	sadd.s32 $0x70, s24  }
0x35f: {  	[hbm4b:s31+s3] =	stream.linear.scatter [tilespmem:s30], [sflag:$0x3], $0x80, $0x38;
	[tilespmem:$0xE800] =	vst v63  }
.LBB2_22:
0x360: {  	[hbm4b:s18+s3] =	stream.linear.scatter [tilespmem:s11], [sflag:$0x3], $0x80, $0x38;
	[tilespmem:$0xE800] =	vst v63  }
0x361: {  	s11 =	smov.u32 s0;
	s0 =	smov.u32 s10  }
0x362: {  	s26 =	sadd.s32 $0x1100, s10;
	s0 =	sshra.s32 s0, $0x2;
	s18 =	sadd.s32 $0xA400, s11  }
0x363: {  	[hbm4b:s2+s3] =	stream.linear.scatter [tilespmem:s18], [sflag:$0x3], $0x80, $0x38;
	[tilespmem:$0xE800] =	vst v63  }
0x364: {  	p0 =	sne.s32 s10, $0x7700;
	s10 =	sadd.s32 $0xA488, s11;
	s18 =	sadd.s32 $0x10, s2  }
0x365: {  	[hbm4b:s18+s3] =	stream.linear.scatter [tilespmem:s10], [sflag:$0x3], $0x80, $0x38;
	[tilespmem:$0xE800] =	vst v63  }
0x366: {  	s10 =	sadd.s32 $0xA510, s11;
	s18 =	sadd.s32 $0x20, s2  }
0x367: {  	[hbm4b:s18+s3] =	stream.linear.scatter [tilespmem:s10], [sflag:$0x3], $0x80, $0x38;
	[tilespmem:$0xE800] =	vst v63  }
0x368: {  	s10 =	sadd.s32 $0xA598, s11;
	s18 =	sadd.s32 $0x30, s2  }
0x369: {  	[hbm4b:s18+s3] =	stream.linear.scatter [tilespmem:s10], [sflag:$0x3], $0x80, $0x38;
	[tilespmem:$0xE800] =	vst v63  }
0x36a: {  	s10 =	sadd.s32 $0xA620, s11;
	s18 =	sadd.s32 $0x40, s2  }
0x36b: {  	[hbm4b:s18+s3] =	stream.linear.scatter [tilespmem:s10], [sflag:$0x3], $0x80, $0x38;
	[tilespmem:$0xE800] =	vst v63  }
.Ltmp10:
0x36c: {  	s10 =	sadd.s32 $0xA6A8, s11;
	s18 =	sadd.s32 $0x50, s2;
	(pc) =	sbr.rel @p0 .LBB2_22-.Ltmp10, $4  }
0x36d: {  	[hbm4b:s18+s3] =	stream.linear.scatter [tilespmem:s10], [sflag:$0x3], $0x80, $0x38;
	[tilespmem:$0xE800] =	vst v63  }
0x36e: {  	s10 =	sadd.s32 $0xA730, s11;
	s18 =	sadd.s32 $0x60, s2;
	s11 =	sadd.s32 $0xA7B8, s11  }
0x36f: {  	[hbm4b:s18+s3] =	stream.linear.scatter [tilespmem:s10], [sflag:$0x3], $0x80, $0x38;
	[tilespmem:$0xE800] =	vst v63  }
0x370: {  	s18 =	sadd.s32 $0x70, s2;
	s2 =	sadd.s32 $0x1000, s2;
	s10 =	smov.u32 s26  }
0x371: {  	[hbm4b:s18+s3] =	stream.linear.scatter [tilespmem:s11], [sflag:$0x3], $0x80, $0x38;
	[tilespmem:$0xE800] =	vst v63  }
0x372: {  	s10 =	sadd.s32 $0xA400, s0  }
0x373: {  	[hbm4b:s2+s3] =	stream.linear.scatter [tilespmem:s10], [sflag:$0x3], $0x80, $0x38;
	[tilespmem:$0xE800] =	vst v63  }
0x374: {  	s11 =	sadd.s32 $0xA488, s0;
	s18 =	sadd.s32 $0x10, s2  }
0x375: {  	[hbm4b:s18+s3] =	stream.linear.scatter [tilespmem:s11], [sflag:$0x3], $0x80, $0x38;
	[tilespmem:$0xE800] =	vst v63  }
0x376: {  	s26 =	sadd.s32 $0xA510, s0;
	s29 =	sadd.s32 $0x20, s2  }
0x377: {  	[hbm4b:s29+s3] =	stream.linear.scatter [tilespmem:s26], [sflag:$0x3], $0x80, $0x38;
	[tilespmem:$0xE800] =	vst v63  }
0x378: {  	s30 =	sadd.s32 $0xA598, s0;
	s31 =	sadd.s32 $0x30, s2  }
0x379: {  	[hbm4b:s31+s3] =	stream.linear.scatter [tilespmem:s30], [sflag:$0x3], $0x80, $0x38;
	[tilespmem:$0xE800] =	vst v63  }
0x37a: {  	s11 =	sadd.s32 $0xA620, s0;
	s18 =	sadd.s32 $0x40, s2  }
0x37b: {  	[hbm4b:s18+s3] =	stream.linear.scatter [tilespmem:s11], [sflag:$0x3], $0x80, $0x38;
	[tilespmem:$0xE800] =	vst v63  }
0x37c: {  	s26 =	sadd.s32 $0xA6A8, s0;
	s29 =	sadd.s32 $0x50, s2  }
0x37d: {  	[hbm4b:s29+s3] =	stream.linear.scatter [tilespmem:s26], [sflag:$0x3], $0x80, $0x38;
	[tilespmem:$0xE800] =	vst v63  }
0x37e: {  	s30 =	sadd.s32 $0xA730, s0;
	s31 =	sadd.s32 $0x60, s2  }
0x37f: {  	[hbm4b:s31+s3] =	stream.linear.scatter [tilespmem:s30], [sflag:$0x3], $0x80, $0x38;
	[tilespmem:$0xE800] =	vst v63  }
0x380: {  	s11 =	sadd.s32 $0xA7B8, s0;
	s18 =	sadd.s32 $0x70, s2  }
0x381: {  	[hbm4b:s18+s3] =	stream.linear.scatter [tilespmem:s11], [sflag:$0x3], $0x80, $0x38;
	[tilespmem:$0xE800] =	vst v63  }
0x382: {  	_ =	swait.ge [sflag:s19], $0x2000  }
0x383: {  	[sflag:s19] =	ssyncset.done $0x0  }
0x384: {  	[sflag:s19] =	ssyncadd.s32 $0xFFFFE000  }
0x385: {  	s26 =	simm.s32 $0x0;
	_ =	swait.ge [sflag:s23], $0x2000  }
0x386: {  	v4 =	vmov s26;
	[sflag:s23] =	ssyncset.done $0x0  }
0x387: {  	s0 =	simm.s32 $0x84F0;
	v4 =	vand.u32 $0x7C, v4;
	[sflag:s23] =	ssyncadd.s32 $0xFFFFE000  }
0x388: {  	v6 =	vadd.s32 v0, v4;
	v5 =	vld [tilespmem:s0+$0xFFFFFF10];
	_ =	sdelay $0x4  }
0x389: {  	[tilespmem:v6+s20+$0x0] =	vst.idx.msk $0xffff, v5  }
0x38a: {  	v6 =	vadd.s32 v1, v4;
	v5 =	vld [tilespmem:s0+$0xFFFFFF20];
	_ =	sdelay $0x4  }
0x38b: {  	[tilespmem:v6+s20+$0x0] =	vst.idx.msk $0xffff, v5  }
0x38c: {  	v6 =	vadd.s32 v2, v4;
	v5 =	vld [tilespmem:s0+$0xFFFFFF30];
	_ =	sdelay $0x4  }
0x38d: {  	[tilespmem:v6+s20+$0x0] =	vst.idx.msk $0xffff, v5  }
0x38e: {  	v4 =	vadd.s32 v3, v4;
	v5 =	vld [tilespmem:s0+$0xFFFFFF40];
	_ =	sdelay $0x2  }
0x38f: {  	s29 =	simm.s32 $0x1  }
0x390: {  	v6 =	vmov s29  }
0x391: {  	[tilespmem:v4+s20+$0x0] =	vst.idx.msk $0xffff, v5;
	v4 =	vand.u32 $0x7D, v6  }
0x392: {  	v5 =	vld [tilespmem:s0+$0xFFFFFF50];
	v6 =	vadd.s32 v0, v4;
	_ =	sdelay $0x4  }
0x393: {  	[tilespmem:v6+s20+$0x0] =	vst.idx.msk $0xffff, v5  }
0x394: {  	v6 =	vadd.s32 v1, v4;
	v5 =	vld [tilespmem:s0+$0xFFFFFF60];
	_ =	sdelay $0x4  }
0x395: {  	[tilespmem:v6+s20+$0x0] =	vst.idx.msk $0xffff, v5  }
0x396: {  	v6 =	vadd.s32 v2, v4;
	v5 =	vld [tilespmem:s0+$0xFFFFFF70];
	_ =	sdelay $0x4  }
0x397: {  	[tilespmem:v6+s20+$0x0] =	vst.idx.msk $0xffff, v5  }
0x398: {  	v4 =	vadd.s32 v3, v4;
	v5 =	vld [tilespmem:s0+$0xFFFFFF80];
	_ =	sdelay $0x2  }
0x399: {  	s30 =	simm.s32 $0x2  }
0x39a: {  	v6 =	vmov s30  }
0x39b: {  	[tilespmem:v4+s20+$0x0] =	vst.idx.msk $0xffff, v5;
	v4 =	vand.u32 $0x7E, v6  }
0x39c: {  	v5 =	vld [tilespmem:s0+$0xFFFFFF90];
	v6 =	vadd.s32 v0, v4;
	_ =	sdelay $0x4  }
0x39d: {  	[tilespmem:v6+s20+$0x0] =	vst.idx.msk $0xffff, v5  }
0x39e: {  	v6 =	vadd.s32 v1, v4;
	v5 =	vld [tilespmem:s0+$0xFFFFFFA0];
	_ =	sdelay $0x4  }
0x39f: {  	[tilespmem:v6+s20+$0x0] =	vst.idx.msk $0xffff, v5  }
0x3a0: {  	v6 =	vadd.s32 v2, v4;
	v5 =	vld [tilespmem:s0+$0xFFFFFFB0];
	_ =	sdelay $0x4  }
0x3a1: {  	[tilespmem:v6+s20+$0x0] =	vst.idx.msk $0xffff, v5  }
0x3a2: {  	v4 =	vadd.s32 v3, v4;
	v5 =	vld [tilespmem:s0+$0xFFFFFFC0];
	_ =	sdelay $0x2  }
0x3a3: {  	s31 =	simm.s32 $0x3  }
0x3a4: {  	v6 =	vmov s31  }
0x3a5: {  	[tilespmem:v4+s20+$0x0] =	vst.idx.msk $0xffff, v5;
	v5 =	vand.u32 $0x7F, v6  }
0x3a6: {  	v4 =	vld [tilespmem:s0+$0xFFFFFFD0];
	v6 =	vadd.s32 v0, v5;
	_ =	sdelay $0x4  }
0x3a7: {  	[tilespmem:v6+s20+$0x0] =	vst.idx.msk $0xffff, v4  }
0x3a8: {  	v6 =	vadd.s32 v1, v5;
	v4 =	vld [tilespmem:s0+$0xFFFFFFE0];
	_ =	sdelay $0x4  }
0x3a9: {  	[tilespmem:v6+s20+$0x0] =	vst.idx.msk $0xffff, v4  }
0x3aa: {  	v6 =	vadd.s32 v2, v5;
	v4 =	vld [tilespmem:s0+$0xFFFFFFF0];
	_ =	sdelay $0x4  }
0x3ab: {  	[tilespmem:v6+s20+$0x0] =	vst.idx.msk $0xffff, v4  }
0x3ac: {  	v5 =	vadd.s32 v3, v5;
	v4 =	vld [tilespmem:s0+$0x0];
	_ =	sdelay $0x2  }
0x3ad: {  	s2 =	simm.s32 $0x4  }
0x3ae: {  	s10 =	simm.s32 $0x8;
	v6 =	vmov s2  }
.LBB2_24:
0x3af: {  	p0 =	sne.s32 s10, $0x7C;
	v6 =	vand.u32 $0x7C, v6;
	[tilespmem:v5+s20+$0x0] =	vst.idx.msk $0xffff, v4;
	s0 =	sadd.s32 $0x100, s0  }
0x3b0: {  	v4 =	vld [tilespmem:s0+$0xFFFFFF10];
	v5 =	vadd.s32 v0, v6;
	_ =	sdelay $0x4  }
0x3b1: {  	[tilespmem:v5+s20+$0x0] =	vst.idx.msk $0xffff, v4  }
0x3b2: {  	v5 =	vadd.s32 v1, v6;
	v4 =	vld [tilespmem:s0+$0xFFFFFF20];
	_ =	sdelay $0x4  }
0x3b3: {  	[tilespmem:v5+s20+$0x0] =	vst.idx.msk $0xffff, v4  }
0x3b4: {  	v5 =	vadd.s32 v2, v6;
	v4 =	vld [tilespmem:s0+$0xFFFFFF30];
	_ =	sdelay $0x4  }
0x3b5: {  	[tilespmem:v5+s20+$0x0] =	vst.idx.msk $0xffff, v4  }
0x3b6: {  	v5 =	vadd.s32 v3, v6;
	v4 =	vld [tilespmem:s0+$0xFFFFFF40];
	_ =	sdelay $0x2  }
0x3b7: {  	s11 =	sadd.s32 $0x1, s2  }
0x3b8: {  	v6 =	vmov s11  }
0x3b9: {  	[tilespmem:v5+s20+$0x0] =	vst.idx.msk $0xffff, v4;
	v4 =	vand.u32 $0x7D, v6  }
0x3ba: {  	v5 =	vld [tilespmem:s0+$0xFFFFFF50];
	v6 =	vadd.s32 v0, v4;
	_ =	sdelay $0x4  }
0x3bb: {  	[tilespmem:v6+s20+$0x0] =	vst.idx.msk $0xffff, v5  }
0x3bc: {  	v6 =	vadd.s32 v1, v4;
	v5 =	vld [tilespmem:s0+$0xFFFFFF60];
	_ =	sdelay $0x4  }
0x3bd: {  	[tilespmem:v6+s20+$0x0] =	vst.idx.msk $0xffff, v5  }
0x3be: {  	v6 =	vadd.s32 v2, v4;
	v5 =	vld [tilespmem:s0+$0xFFFFFF70];
	_ =	sdelay $0x4  }
0x3bf: {  	[tilespmem:v6+s20+$0x0] =	vst.idx.msk $0xffff, v5  }
0x3c0: {  	v4 =	vadd.s32 v3, v4;
	v5 =	vld [tilespmem:s0+$0xFFFFFF80];
	_ =	sdelay $0x2  }
0x3c1: {  	s11 =	sadd.s32 $0x2, s2  }
0x3c2: {  	v6 =	vmov s11  }
0x3c3: {  	[tilespmem:v4+s20+$0x0] =	vst.idx.msk $0xffff, v5;
	v4 =	vand.u32 $0x7E, v6  }
0x3c4: {  	v5 =	vld [tilespmem:s0+$0xFFFFFF90];
	v6 =	vadd.s32 v0, v4;
	_ =	sdelay $0x4  }
0x3c5: {  	[tilespmem:v6+s20+$0x0] =	vst.idx.msk $0xffff, v5  }
0x3c6: {  	v6 =	vadd.s32 v1, v4;
	v5 =	vld [tilespmem:s0+$0xFFFFFFA0];
	_ =	sdelay $0x4  }
0x3c7: {  	[tilespmem:v6+s20+$0x0] =	vst.idx.msk $0xffff, v5  }
0x3c8: {  	v6 =	vadd.s32 v2, v4;
	v5 =	vld [tilespmem:s0+$0xFFFFFFB0];
	_ =	sdelay $0x4  }
0x3c9: {  	[tilespmem:v6+s20+$0x0] =	vst.idx.msk $0xffff, v5  }
0x3ca: {  	v4 =	vadd.s32 v3, v4;
	v5 =	vld [tilespmem:s0+$0xFFFFFFC0];
	_ =	sdelay $0x2  }
0x3cb: {  	s11 =	sadd.s32 $0x3, s2;
	s2 =	smov.u32 s10  }
0x3cc: {  	v6 =	vmov s11  }
0x3cd: {  	[tilespmem:v4+s20+$0x0] =	vst.idx.msk $0xffff, v5;
	v5 =	vand.u32 $0x7F, v6  }
0x3ce: {  	v4 =	vld [tilespmem:s0+$0xFFFFFFD0];
	v6 =	vadd.s32 v0, v5;
	_ =	sdelay $0x4  }
0x3cf: {  	[tilespmem:v6+s20+$0x0] =	vst.idx.msk $0xffff, v4  }
0x3d0: {  	v6 =	vadd.s32 v1, v5;
	v4 =	vld [tilespmem:s0+$0xFFFFFFE0];
	_ =	sdelay $0x4  }
0x3d1: {  	[tilespmem:v6+s20+$0x0] =	vst.idx.msk $0xffff, v4  }
0x3d2: {  	v6 =	vadd.s32 v2, v5;
	v4 =	vld [tilespmem:s0+$0xFFFFFFF0];
	_ =	sdelay $0x4  }
0x3d3: {  	[tilespmem:v6+s20+$0x0] =	vst.idx.msk $0xffff, v4  }
.Ltmp11:
0x3d4: {  	v5 =	vadd.s32 v3, v5;
	v4 =	vld [tilespmem:s0+$0x0];
	(pc) =	sbr.rel @p0 .LBB2_24-.Ltmp11, $2  }
0x3d5: {  	_ =	sdelay $0x2  }
0x3d6: {  	s10 =	sadd.s32 $0x4, s10;
	v6 =	vmov s2  }
0x3d7: {  	_ =	sdelay $0x3  }
0x3d8: {  	v6 =	vand.u32 $0x7C, v6;
	[tilespmem:v5+s20+$0x0] =	vst.idx.msk $0xffff, v4;
	s0 =	sadd.s32 $0x100, s0  }
0x3d9: {  	v4 =	vld [tilespmem:s0+$0xFFFFFF10];
	v5 =	vadd.s32 v0, v6;
	_ =	sdelay $0x4  }
0x3da: {  	[tilespmem:v5+s20+$0x0] =	vst.idx.msk $0xffff, v4  }
0x3db: {  	v5 =	vadd.s32 v1, v6;
	v4 =	vld [tilespmem:s0+$0xFFFFFF20];
	_ =	sdelay $0x4  }
0x3dc: {  	[tilespmem:v5+s20+$0x0] =	vst.idx.msk $0xffff, v4  }
0x3dd: {  	v5 =	vadd.s32 v2, v6;
	v4 =	vld [tilespmem:s0+$0xFFFFFF30];
	_ =	sdelay $0x4  }
0x3de: {  	[tilespmem:v5+s20+$0x0] =	vst.idx.msk $0xffff, v4  }
0x3df: {  	v5 =	vadd.s32 v3, v6;
	v4 =	vld [tilespmem:s0+$0xFFFFFF40];
	_ =	sdelay $0x2  }
0x3e0: {  	s10 =	sadd.s32 $0x1, s2  }
0x3e1: {  	v55 =	vmov s10  }
0x3e2: {  	[tilespmem:v5+s20+$0x0] =	vst.idx.msk $0xffff, v4;
	v4 =	vand.u32 $0x7D, v55  }
0x3e3: {  	v5 =	vld [tilespmem:s0+$0xFFFFFF50];
	v6 =	vadd.s32 v0, v4;
	_ =	sdelay $0x4  }
0x3e4: {  	[tilespmem:v6+s20+$0x0] =	vst.idx.msk $0xffff, v5  }
0x3e5: {  	v56 =	vadd.s32 v1, v4;
	v5 =	vld [tilespmem:s0+$0xFFFFFF60];
	_ =	sdelay $0x4  }
0x3e6: {  	[tilespmem:v56+s20+$0x0] =	vst.idx.msk $0xffff, v5  }
0x3e7: {  	v57 =	vadd.s32 v2, v4;
	v5 =	vld [tilespmem:s0+$0xFFFFFF70];
	_ =	sdelay $0x4  }
0x3e8: {  	[tilespmem:v57+s20+$0x0] =	vst.idx.msk $0xffff, v5  }
0x3e9: {  	v4 =	vadd.s32 v3, v4;
	v5 =	vld [tilespmem:s0+$0xFFFFFF80];
	_ =	sdelay $0x2  }
0x3ea: {  	s31 =	sadd.s32 $0x2, s2  }
0x3eb: {  	v58 =	vmov s31  }
0x3ec: {  	[tilespmem:v4+s20+$0x0] =	vst.idx.msk $0xffff, v5;
	v4 =	vand.u32 $0x7E, v58  }
0x3ed: {  	v5 =	vld [tilespmem:s0+$0xFFFFFF90];
	v6 =	vadd.s32 v0, v4;
	_ =	sdelay $0x4  }
0x3ee: {  	[tilespmem:v6+s20+$0x0] =	vst.idx.msk $0xffff, v5  }
0x3ef: {  	v59 =	vadd.s32 v1, v4;
	v5 =	vld [tilespmem:s0+$0xFFFFFFA0];
	_ =	sdelay $0x4  }
0x3f0: {  	[tilespmem:v59+s20+$0x0] =	vst.idx.msk $0xffff, v5  }
0x3f1: {  	v60 =	vadd.s32 v2, v4;
	v5 =	vld [tilespmem:s0+$0xFFFFFFB0];
	_ =	sdelay $0x4  }
0x3f2: {  	[tilespmem:v60+s20+$0x0] =	vst.idx.msk $0xffff, v5  }
0x3f3: {  	v4 =	vadd.s32 v3, v4;
	v5 =	vld [tilespmem:s0+$0xFFFFFFC0];
	_ =	sdelay $0x2  }
0x3f4: {  	s11 =	sadd.s32 $0x3, s2  }
0x3f5: {  	v61 =	vmov s11  }
0x3f6: {  	[tilespmem:v4+s20+$0x0] =	vst.idx.msk $0xffff, v5;
	v4 =	vand.u32 $0x7F, v61  }
0x3f7: {  	v5 =	vld [tilespmem:s0+$0xFFFFFFD0];
	v6 =	vadd.s32 v0, v4;
	_ =	sdelay $0x4  }
0x3f8: {  	[tilespmem:v6+s20+$0x0] =	vst.idx.msk $0xffff, v5  }
0x3f9: {  	v62 =	vadd.s32 v1, v4;
	v5 =	vld [tilespmem:s0+$0xFFFFFFE0];
	_ =	sdelay $0x4  }
0x3fa: {  	[tilespmem:v62+s20+$0x0] =	vst.idx.msk $0xffff, v5  }
0x3fb: {  	v63 =	vadd.s32 v2, v4;
	v5 =	vld [tilespmem:s0+$0xFFFFFFF0];
	_ =	sdelay $0x4  }
0x3fc: {  	[tilespmem:v63+s20+$0x0] =	vst.idx.msk $0xffff, v5  }
0x3fd: {  	v4 =	vadd.s32 v3, v4;
	v5 =	vld [tilespmem:s0+$0x0];
	_ =	sdelay $0x4  }
0x3fe: {  	s18 =	simm.s32 $0xC600;
	[tilespmem:v4+s20+$0x0] =	vst.idx.msk $0xffff, v5  }
0x3ff: {  	[hbm4b:s25+s3] =	stream.linear.scatter [tilespmem:s18], [sflag:$0x4], $0x80, $0x38;
	[tilespmem:$0xE800] =	vst v63  }
0x400: {  	s26 =	simm.s32 $0xC688;
	s29 =	sadd.s32 $0x10, s25  }
0x401: {  	[hbm4b:s29+s3] =	stream.linear.scatter [tilespmem:s26], [sflag:$0x4], $0x80, $0x38;
	[tilespmem:$0xE800] =	vst v63  }
0x402: {  	s30 =	simm.s32 $0xC710;
	s2 =	simm.s32 $0xC798;
	s31 =	sadd.s32 $0x20, s25  }
0x403: {  	[hbm4b:s31+s3] =	stream.linear.scatter [tilespmem:s30], [sflag:$0x4], $0x80, $0x38;
	[tilespmem:$0xE800] =	vst v63  }
0x404: {  	s10 =	sadd.s32 $0x30, s25;
	s11 =	simm.s32 $0xC820;
	s0 =	simm.s32 $0x440  }
0x405: {  	[hbm4b:s10+s3] =	stream.linear.scatter [tilespmem:s2], [sflag:$0x4], $0x80, $0x38;
	[tilespmem:$0xE800] =	vst v63  }
0x406: {  	s18 =	sadd.s32 $0x40, s25;
	s26 =	simm.s32 $0xC8A8;
	s29 =	sadd.s32 $0x50, s25  }
0x407: {  	[hbm4b:s18+s3] =	stream.linear.scatter [tilespmem:s11], [sflag:$0x4], $0x80, $0x38;
	[tilespmem:$0xE800] =	vst v63  }
0x408: {  	s30 =	simm.s32 $0xC930;
	s31 =	sadd.s32 $0x60, s25;
	s10 =	simm.s32 $0x2200  }
0x409: {  	[hbm4b:s29+s3] =	stream.linear.scatter [tilespmem:s26], [sflag:$0x4], $0x80, $0x38;
	[tilespmem:$0xE800] =	vst v63  }
0x40a: {  	s2 =	sadd.s32 $0x1000, s25;
	s11 =	simm.s32 $0xC9B8;
	s18 =	sadd.s32 $0x70, s25  }
0x40b: {  	[hbm4b:s31+s3] =	stream.linear.scatter [tilespmem:s30], [sflag:$0x4], $0x80, $0x38;
	[tilespmem:$0xE800] =	vst v63  }
.LBB2_26:
0x40c: {  	[hbm4b:s18+s3] =	stream.linear.scatter [tilespmem:s11], [sflag:$0x4], $0x80, $0x38;
	[tilespmem:$0xE800] =	vst v63  }
0x40d: {  	s11 =	smov.u32 s0;
	s0 =	smov.u32 s10  }
0x40e: {  	s26 =	sadd.s32 $0x1100, s10;
	s0 =	sshra.s32 s0, $0x2;
	s18 =	sadd.s32 $0xC600, s11  }
0x40f: {  	[hbm4b:s2+s3] =	stream.linear.scatter [tilespmem:s18], [sflag:$0x4], $0x80, $0x38;
	[tilespmem:$0xE800] =	vst v63  }
0x410: {  	p0 =	sne.s32 s10, $0x7700;
	s10 =	sadd.s32 $0xC688, s11;
	s18 =	sadd.s32 $0x10, s2  }
0x411: {  	[hbm4b:s18+s3] =	stream.linear.scatter [tilespmem:s10], [sflag:$0x4], $0x80, $0x38;
	[tilespmem:$0xE800] =	vst v63  }
0x412: {  	s10 =	sadd.s32 $0xC710, s11;
	s18 =	sadd.s32 $0x20, s2  }
0x413: {  	[hbm4b:s18+s3] =	stream.linear.scatter [tilespmem:s10], [sflag:$0x4], $0x80, $0x38;
	[tilespmem:$0xE800] =	vst v63  }
0x414: {  	s10 =	sadd.s32 $0xC798, s11;
	s18 =	sadd.s32 $0x30, s2  }
0x415: {  	[hbm4b:s18+s3] =	stream.linear.scatter [tilespmem:s10], [sflag:$0x4], $0x80, $0x38;
	[tilespmem:$0xE800] =	vst v63  }
0x416: {  	s10 =	sadd.s32 $0xC820, s11;
	s18 =	sadd.s32 $0x40, s2  }
0x417: {  	[hbm4b:s18+s3] =	stream.linear.scatter [tilespmem:s10], [sflag:$0x4], $0x80, $0x38;
	[tilespmem:$0xE800] =	vst v63  }
.Ltmp12:
0x418: {  	s10 =	sadd.s32 $0xC8A8, s11;
	s18 =	sadd.s32 $0x50, s2;
	(pc) =	sbr.rel @p0 .LBB2_26-.Ltmp12, $4  }
0x419: {  	[hbm4b:s18+s3] =	stream.linear.scatter [tilespmem:s10], [sflag:$0x4], $0x80, $0x38;
	[tilespmem:$0xE800] =	vst v63  }
0x41a: {  	s10 =	sadd.s32 $0xC930, s11;
	s18 =	sadd.s32 $0x60, s2;
	s11 =	sadd.s32 $0xC9B8, s11  }
0x41b: {  	[hbm4b:s18+s3] =	stream.linear.scatter [tilespmem:s10], [sflag:$0x4], $0x80, $0x38;
	[tilespmem:$0xE800] =	vst v63  }
0x41c: {  	s18 =	sadd.s32 $0x70, s2;
	s2 =	sadd.s32 $0x1000, s2;
	s10 =	smov.u32 s26  }
0x41d: {  	[hbm4b:s18+s3] =	stream.linear.scatter [tilespmem:s11], [sflag:$0x4], $0x80, $0x38;
	[tilespmem:$0xE800] =	vst v63  }
0x41e: {  	s10 =	sadd.s32 $0xC600, s0  }
0x41f: {  	[hbm4b:s2+s3] =	stream.linear.scatter [tilespmem:s10], [sflag:$0x4], $0x80, $0x38;
	[tilespmem:$0xE800] =	vst v63  }
0x420: {  	s30 =	sadd.s32 $0xC688, s0;
	s31 =	sadd.s32 $0x10, s2  }
0x421: {  	[hbm4b:s31+s3] =	stream.linear.scatter [tilespmem:s30], [sflag:$0x4], $0x80, $0x38;
	[tilespmem:$0xE800] =	vst v63  }
0x422: {  	s11 =	sadd.s32 $0xC710, s0;
	s18 =	sadd.s32 $0x20, s2  }
0x423: {  	[hbm4b:s18+s3] =	stream.linear.scatter [tilespmem:s11], [sflag:$0x4], $0x80, $0x38;
	[tilespmem:$0xE800] =	vst v63  }
0x424: {  	s26 =	sadd.s32 $0xC798, s0;
	s29 =	sadd.s32 $0x30, s2  }
0x425: {  	[hbm4b:s29+s3] =	stream.linear.scatter [tilespmem:s26], [sflag:$0x4], $0x80, $0x38;
	[tilespmem:$0xE800] =	vst v63  }
0x426: {  	s30 =	sadd.s32 $0xC820, s0;
	s31 =	sadd.s32 $0x40, s2  }
0x427: {  	[hbm4b:s31+s3] =	stream.linear.scatter [tilespmem:s30], [sflag:$0x4], $0x80, $0x38;
	[tilespmem:$0xE800] =	vst v63  }
0x428: {  	s11 =	sadd.s32 $0xC8A8, s0;
	s18 =	sadd.s32 $0x50, s2  }
0x429: {  	[hbm4b:s18+s3] =	stream.linear.scatter [tilespmem:s11], [sflag:$0x4], $0x80, $0x38;
	[tilespmem:$0xE800] =	vst v63  }
0x42a: {  	s26 =	sadd.s32 $0xC930, s0;
	s29 =	sadd.s32 $0x60, s2  }
0x42b: {  	[hbm4b:s29+s3] =	stream.linear.scatter [tilespmem:s26], [sflag:$0x4], $0x80, $0x38;
	[tilespmem:$0xE800] =	vst v63  }
0x42c: {  	s28 =	sadd.s32 $0x1, s28;
	s30 =	sadd.s32 $0xC9B8, s0;
	s31 =	sadd.s32 $0x70, s2  }
0x42d: {  	[hbm4b:s31+s3] =	stream.linear.scatter [tilespmem:s30], [sflag:$0x4], $0x80, $0x38;
	[tilespmem:$0xE800] =	vst v63  }
0x42e: {  	p0 =	sne.s32 s28, s9;
	_ =	swait.ge [sflag:s22], $0x2000  }
.Ltmp13:
0x42f: {  	[sflag:s22] =	ssyncset.done $0x0;
	(pc) =	sbr.rel @p0 .LBB2_1-.Ltmp13, $4  }
0x430: {  	[sflag:s22] =	ssyncadd.s32 $0xFFFFE000  }
0x431: {  	_ =	swait.ge [sflag:s23], $0x2000  }
0x432: {  	[sflag:s23] =	ssyncset.done $0x0  }
0x433: {  	[sflag:s23] =	ssyncadd.s32 $0xFFFFE000  }
0x434: {  	_ =	sfence.sel $0x180000  }
0x435: {  	[bflag:$0x0] =	sbarrier.arrive $0xFFFF  }
0x436: {  	_ =	strace $0x90000047  }
0x437: {  	s0 =	stileid.u32;
	[bflag:$0x2] =	sbarrier.arrive $0xFFFF  }
0x438: {  	p0 =	sne.s32 s0, $0x0;
	s0 =	rddreg [dreg:$0x3]  }
0x439: {  	s0 =	sadd.s32 @!p0 $0x100000, s0  }
0x43a: {  	[sflag:s0] =	ssyncadd.tile.s32 @!p0 $0x1;
	_ =	shalt  }
.Lfunc_end2:
_tile_overlayer_lowered:
.L_overlay_start_2:
0x43b: {  	(tag) =	ssettag $0x2  }
0x43c: {  	s0 =	rddreg [dreg:$0x0];
	s2 =	stileid.u32  }
0x43d: {  	s1 =	rddreg [dreg:$0x1];
	p0 =	sne.s32 s2, $0x0  }
0x43e: {  	s3 =	rddreg [dreg:$0x2];
	[bflag:$0x3] =	sbarrier.arrive $0xFFFF;
	s2 =	simm.s32 @!p0 $0x1C05  }
0x43f: {  	[timem:s3], [sflag:s2] =	dma.local @!p0 [hbm:s0], s1  }
0x440: {  	s0 =	simm.s32 @!p0 $0x5  }
0x441: {  	_ =	swait.ge @!p0 [sflag:s0], s1  }
0x442: {  	s1 =	ssub.s32 @!p0 $0x0, s1;
	[sflag:s0] =	ssyncset.done @!p0 $0x0  }
0x443: {  	[sflag:s0] =	ssyncadd.s32 @!p0 s1  }
0x444: {  	[bflag:$0x3] =	sbarrier.arrive $0xFFFF  }
0x445: {  	_ =	shalt  }

</sc_bundles>
